<compile_context>
chip_gen: v7x
topology: tpu7x:2x2x1
jax: 0.10.2.dev20260603
libtpu: 0.0.44.dev20260713+nightly
codegen_flags: <defaults>
</compile_context>

<pallas_src>
import functools

import jax
import jax.numpy as jnp
from jax import lax
from jax.experimental import pallas as pl
from jax.experimental.pallas import tpu as pltpu, tpu_sc as plsc

B = 4096
K = 64
G = 20
NROWS = 100000
RB = 784
RPAD = RB * 128
GTAB = 1008

_SC_COMPILER_PARAMS = pltpu.CompilerParams(
    needs_layout_passes=False, use_tc_tiling_on_sc=False
)


def _detile_tc(tbl_t):

    CRB = 784

    def body(x_ref, o_ref):
        def rb_body(rb8, _):
            for c in range(8):
                o_ref[:, rb8 * 8 + c, :] = x_ref[:, pl.ds(rb8 * 1024 + c * 128, 128)]
            return 0

        lax.fori_loop(0, CRB // 8, rb_body, 0)

    return pl.pallas_call(
        body,
        grid=(8, RB // CRB),
        in_specs=[pl.BlockSpec((8, CRB * 128), lambda i, j: (i, j))],
        out_specs=pl.BlockSpec((8, CRB, 128), lambda i, j: (i, j, 0)),
        out_shape=jax.ShapeDtypeStruct((K, RB, 128), jnp.float32),
    )(tbl_t)


def _meshinfo():
    info = plsc.get_sparse_core_info()
    nc, ns = info.num_cores, info.num_subcores
    return nc, ns, nc * ns


def _mesh():
    return plsc.VectorSubcoreMesh(core_axis_name="c", subcore_axis_name="s")


def _genre_call(gens3, gtab_rm):
    nc, ns, nw = _meshinfo()
    bpw = B // nw
    nlb = bpw // 16

    @functools.partial(
        pl.kernel,
        mesh=_mesh(),
        out_type=(
            jax.ShapeDtypeStruct((nw, K, bpw), jnp.float32),
            jax.ShapeDtypeStruct((B,), jnp.float32),
        ),
        compiler_params=_SC_COMPILER_PARAMS,
        scratch_types=[
            pltpu.VMEM((G, bpw), jnp.int32),
            pltpu.VMEM((K, bpw), jnp.float32),
            pltpu.VMEM((GTAB, K), jnp.float32),
            pltpu.VMEM((bpw,), jnp.float32),
            pltpu.SemaphoreType.DMA,
        ],
    )
    def k0(gens_h, gtab_h, gs_h, qg_h, gens_v, gsum_v, gtab_v, q_v, sem_t):
        wid = lax.axis_index("s") * nc + lax.axis_index("c")
        base = wid * bpw
        pltpu.sync_copy(gens_h.at[wid], gens_v)
        pltpu.async_copy(gtab_h, gtab_v, sem_t).wait()
        iota16 = lax.iota(jnp.int32, 16)

        for sb in range(nlb):
            gidx = [gens_v[g, pl.ds(sb * 16, 16)] for g in range(G)]

            def gbody(kk, qg, gidx=gidx, sb=sb):
                colk = (jnp.full((16,), kk, jnp.int32) + iota16) & (K - 1)
                gs = plsc.load_gather(gtab_v, [gidx[0], colk])
                qk = gs * gs
                for g in range(1, G):
                    gv = plsc.load_gather(gtab_v, [gidx[g], colk])
                    gs = gs + gv
                    qk = qk + gv * gv
                plsc.store_scatter(gsum_v, [colk, sb * 16 + iota16], gs)
                return qg + qk

            qg = lax.fori_loop(0, K, gbody, jnp.zeros((16,), jnp.float32))
            q_v[pl.ds(sb * 16, 16)] = qg

        pltpu.sync_copy(gsum_v, gs_h.at[wid])
        pltpu.sync_copy(q_v, qg_h.at[pl.ds(base, bpw)])

    return k0(gens3, gtab_rm)


def _gather_call(rows, tbl_flat):
    nc, ns, nw = _meshinfo()
    bpw = B // nw
    nlb = bpw // 16

    @functools.partial(
        pl.kernel,
        mesh=_mesh(),
        out_type=(
            jax.ShapeDtypeStruct((nw, K, bpw), jnp.float32),
            jax.ShapeDtypeStruct((B,), jnp.float32),
        ),
        compiler_params=_SC_COMPILER_PARAMS,
        scratch_types=[
            pltpu.VMEM((bpw,), jnp.int32),
            pltpu.VMEM((K, bpw), jnp.int32),
            pltpu.VMEM((K, bpw), jnp.float32),
            pltpu.VMEM((bpw,), jnp.float32),
            pltpu.SemaphoreType.DMA,
        ],
    )
    def kg(rows_h, tbl_h, val_h, q_h, rows_v, idx_v, val_v, q_v, sem):
        wid = lax.axis_index("s") * nc + lax.axis_index("c")
        base = wid * bpw
        pltpu.sync_copy(rows_h.at[pl.ds(base, bpw)], rows_v)

        for jb in range(nlb):
            rv = rows_v[pl.ds(jb * 16, 16)]

            def ibody(kk, _, rv=rv, jb=jb):
                idx_v[kk, pl.ds(jb * 16, 16)] = rv + kk * RPAD
                return 0

            lax.fori_loop(0, K, ibody, 0)

        def fire(kk, _):
            pltpu.async_copy(tbl_h.at[idx_v.at[kk]], val_v.at[kk], sem)
            return 0

        lax.fori_loop(0, K, fire, 0)

        def drain(kk, _):
            pltpu.make_async_copy(
                tbl_h.at[idx_v.at[kk]], val_v.at[kk], sem).wait()
            return 0

        lax.fori_loop(0, K, drain, 0)

        for sb in range(nlb):
            def qbody(kk, qa, sb=sb):
                v = val_v[kk, pl.ds(sb * 16, 16)]
                return qa + v * v

            qa = lax.fori_loop(0, K, qbody, jnp.zeros((16,), jnp.float32))
            q_v[pl.ds(sb * 16, 16)] = qa

        pltpu.sync_copy(val_v, val_h.at[wid])
        pltpu.sync_copy(q_v, q_h.at[pl.ds(base, bpw)])

    return kg(rows, tbl_flat)


def _final_call(users, eu_flat, gs_arr, mval_arr, qg, qm):
    nc, ns, nw = _meshinfo()
    bpw = B // nw
    nlb = bpw // 16

    @functools.partial(
        pl.kernel,
        mesh=_mesh(),
        out_type=jax.ShapeDtypeStruct((B,), jnp.float32),
        compiler_params=_SC_COMPILER_PARAMS,
        scratch_types=[
            pltpu.VMEM((bpw,), jnp.int32),
            pltpu.VMEM((K, bpw), jnp.int32),
            pltpu.VMEM((K, bpw), jnp.float32),
            pltpu.VMEM((K, bpw), jnp.float32),
            pltpu.VMEM((K, bpw), jnp.float32),
            pltpu.VMEM((bpw,), jnp.float32),
            pltpu.VMEM((bpw,), jnp.float32),
            pltpu.VMEM((bpw,), jnp.float32),
            pltpu.SemaphoreType.DMA,
            pltpu.SemaphoreType.DMA,
            pltpu.SemaphoreType.DMA,
        ],
    )
    def kf(users_h, eu_h, gs_h, mv_h, qg_h, qm_h, out_h,
           users_v, idx_v, uval_v, gs_v, mv_v, q_v, q2_v, out_v,
           sem_u, sem_a, sem_b):
        wid = lax.axis_index("s") * nc + lax.axis_index("c")
        base = wid * bpw
        pltpu.sync_copy(users_h.at[pl.ds(base, bpw)], users_v)

        for jb in range(nlb):
            rv = users_v[pl.ds(jb * 16, 16)]

            def ibody(kk, _, rv=rv, jb=jb):
                idx_v[kk, pl.ds(jb * 16, 16)] = rv + kk * RPAD
                return 0

            lax.fori_loop(0, K, ibody, 0)

        def fire(kk, _):
            pltpu.async_copy(eu_h.at[idx_v.at[kk]], uval_v.at[kk], sem_u)
            return 0

        lax.fori_loop(0, K, fire, 0)

        cp_a = pltpu.async_copy(gs_h.at[wid], gs_v, sem_a)
        cp_b = pltpu.async_copy(mv_h.at[wid], mv_v, sem_b)
        pltpu.sync_copy(qg_h.at[pl.ds(base, bpw)], q_v)
        pltpu.sync_copy(qm_h.at[pl.ds(base, bpw)], q2_v)
        cp_a.wait()
        cp_b.wait()

        def drain(kk, _):
            pltpu.make_async_copy(
                eu_h.at[idx_v.at[kk]], uval_v.at[kk], sem_u).wait()
            return 0

        lax.fori_loop(0, K, drain, 0)

        for sb in range(nlb):
            def cbody(kk, acc, sb=sb):
                u = uval_v[kk, pl.ds(sb * 16, 16)]
                gs = gs_v[kk, pl.ds(sb * 16, 16)]
                m = mv_v[kk, pl.ds(sb * 16, 16)]
                s = u + gs + m
                return acc + (s * s - u * u)

            acc = lax.fori_loop(0, K, cbody, jnp.zeros((16,), jnp.float32))
            q = q_v[pl.ds(sb * 16, 16)] + q2_v[pl.ds(sb * 16, 16)]
            out_v[pl.ds(sb * 16, 16)] = 0.5 * (acc - q)

        pltpu.sync_copy(out_v, out_h.at[pl.ds(base, bpw)])

    return kf(users, eu_flat, gs_arr, mval_arr, qg, qm)


def kernel(users, movies, gens, emb_user, emb_movie):
    nw = 32
    bpw = B // nw
    gens3 = (
        gens.astype(jnp.int32)
        .reshape(nw, bpw, G)
        .transpose(0, 2, 1)
        .reshape(nw * G, bpw)
        .reshape(nw, G, bpw)
    )
    gtab_rm = jnp.zeros((GTAB, K), jnp.float32).at[:1001].set(emb_user[:1001])
    em_flat = _detile_tc(emb_movie.T).reshape(-1)
    eu_flat = _detile_tc(emb_user.T).reshape(-1)
    gs_arr, qg = _genre_call(gens3, gtab_rm)
    mval, qm = _gather_call(movies.astype(jnp.int32), em_flat)
    return _final_call(users.astype(jnp.int32), eu_flat, gs_arr, mval, qg, qm)

# --- scband reference (transcript-rebuilt; emitter-appended) ---
"""Pipeline reference for scband-second-order-70720931496685 (READ-ONLY COPY).

The authoritative reference and input builder live on the scoring server;
editing this copy changes nothing except your own understanding.
"""

import jax, jax.numpy as jnp
import numpy as np

NUM_USERS = 100000
NUM_MOVIES = 100000
NUM_GENRES = 1000
K = 64
B = 4096
G = 20


def setup_inputs(seed: int = 0) -> dict:
    key = jax.random.key(seed)
    k1, k2, k3, k4, k5 = jax.random.split(key, 5)
    users = jax.random.randint(k1, (B,), 0, NUM_USERS, dtype=jnp.int64 if jax.config.jax_enable_x64 else jnp.int32)
    movies = jax.random.randint(k2, (B,), 0, NUM_MOVIES, dtype=jnp.int64 if jax.config.jax_enable_x64 else jnp.int32)
    gens = jax.random.randint(k3, (B, G), 0, NUM_GENRES + 1, dtype=jnp.int64 if jax.config.jax_enable_x64 else jnp.int32)
    emb_user = jax.random.normal(k4, (NUM_USERS, K), dtype=jnp.float32)
    emb_movie = jax.random.normal(k5, (NUM_MOVIES, K), dtype=jnp.float32)
    return {"users": users, "movies": movies, "gens": gens, "emb_user": emb_user, "emb_movie": emb_movie}


def reference(users, movies, gens, emb_user, emb_movie):
    # _get_stacked_embedded (note: original code embeds gens with emb_user, faithfully reproduced)
    v_u = jnp.take(emb_user, users, axis=0)[:, None, :]   # [B, 1, K]
    v_i = jnp.take(emb_movie, movies, axis=0)[:, None, :]  # [B, 1, K]
    v_g = jnp.take(emb_user, gens, axis=0)                 # [B, G, K]
    v = jnp.concatenate([v_u, v_i, v_g], axis=1)           # [B, 2+G, K]
    F = v.shape[1]
    ret = jnp.zeros((v.shape[0],), dtype=v.dtype)
    for i in range(F):
        for j in range(i + 1, F):
            ret = ret + (v[:, i] * v[:, j]).sum(-1)
    return ret

if __name__ == "__main__":
    import jax
    _d = setup_inputs()
    print(jax.jit(kernel)(*tuple(_d.values())))

</pallas_src>

<mosaic_0001>
#map = affine_map<(d0, d1) -> (0)>
#map1 = affine_map<(d0, d1) -> (0, 0, 0)>
module attributes {stable_mosaic.version = 14 : i64} {
  func.func @kg(%arg0: i32, %arg1: i32, %arg2: memref<4096xi32, #tpu.memory_space<hbm>>, %arg3: memref<6422528xf32, #tpu.memory_space<hbm>>, %arg4: memref<32x64x128xf32, #tpu.memory_space<hbm>>, %arg5: memref<4096xf32, #tpu.memory_space<hbm>>, %arg6: memref<128xi32, #tpu.memory_space<vmem>>, %arg7: memref<64x128xi32, #tpu.memory_space<vmem>>, %arg8: memref<64x128xf32, #tpu.memory_space<vmem>>, %arg9: memref<128xf32, #tpu.memory_space<vmem>>, %arg10: memref<!tpu.dma_semaphore, #tpu.memory_space<semaphore_mem>>) attributes {dimension_semantics = [#tpu.dimension_semantics<core_parallel>, #tpu.dimension_semantics<subcore_parallel>], iteration_bounds = array<i64: 2, 16>, scalar_prefetch = 0 : i64, scratch_operands = 5 : i64, tpu.core_type = #tpu.core_type<sc_vector_subcore>, window_params = [{transform_indices = #map}, {transform_indices = #map}, {transform_indices = #map1}, {transform_indices = #map}]} {
    %mul3A = arith.constant 2 : i32
    %mul3A_0 = arith.muli %arg1, %mul3A : i32
    %add3A = arith.addi %mul3A_0, %arg0 : i32
    %mul3A_1 = arith.constant 128 : i32
    %mul3A_2 = arith.muli %add3A, %mul3A_1 : i32
    "tpu.region"() ({
      %run_scoped3A = tpu.sem_alloc : memref<!tpu.dma_semaphore, #tpu.memory_space<semaphore_mem>>
      %dma_start3A = tpu.memref_slice %arg2[%mul3A_2] : memref<4096xi32, #tpu.memory_space<hbm>> -> memref<128xi32, #tpu.memory_space<hbm>>
      %dma_start3A_165 = tpu.memref_slice %arg2[%mul3A_2] : memref<4096xi32, #tpu.memory_space<hbm>> -> memref<128xi32, #tpu.memory_space<hbm>>
      tpu.enqueue_dma source(%dma_start3A_165 : memref<128xi32, #tpu.memory_space<hbm>>) target(%arg6 : memref<128xi32, #tpu.memory_space<vmem>>) target_semaphore(%run_scoped3A : memref<!tpu.dma_semaphore, #tpu.memory_space<semaphore_mem>>)
      %dma_wait3A = tpu.memref_slice %arg2[%mul3A_2] : memref<4096xi32, #tpu.memory_space<hbm>> -> memref<128xi32, #tpu.memory_space<hbm>>
      %dma_wait3A_166 = tpu.memref_slice %arg2[%mul3A_2] : memref<4096xi32, #tpu.memory_space<hbm>> -> memref<128xi32, #tpu.memory_space<hbm>>
      tpu.wait_dma2 semaphore(%run_scoped3A : memref<!tpu.dma_semaphore, #tpu.memory_space<semaphore_mem>>) src(%dma_wait3A_166 : memref<128xi32, #tpu.memory_space<hbm>>) dst(%arg6 : memref<128xi32, #tpu.memory_space<vmem>>)
      tpu.yield
    }) : () -> ()
    %get3A = arith.constant 0 : index
    %get3A_3 = tpu.vector_load %arg6[%get3A] {strides = array<i32>} : memref<128xi32, #tpu.memory_space<vmem>>, vector<16xi32>,
    %scan3A = arith.constant 0 : i32
    %scan3A_4 = arith.constant 0 : i32
    %scan3A_5 = arith.constant 64 : i32
    %scan3A_6 = arith.addi %scan3A_4, %scan3A_5 : i32
    %scan3A_7 = arith.constant 1 : i32
    %scan3A_8 = scf.for %scan3A_165 = %scan3A_4 to %scan3A_6 step %scan3A_7 iter_args(%scan3A_166 = %scan3A) -> (i32)  : i32 {
      %mul3A_167 = arith.constant 100352 : i32
      %mul3A_168 = arith.muli %scan3A_165, %mul3A_167 : i32
      %add3A_169 = vector.broadcast %mul3A_168 : i32 to vector<16xi32>
      %add3A_170 = arith.addi %get3A_3, %add3A_169 : vector<16xi32>
      %swap3A_171 = arith.index_cast %scan3A_165 : i32 to index
      %swap3A_172 = arith.constant 0 : index
      %swap3A_173 = tpu.vector_load %arg7[%swap3A_171, %swap3A_172] {strides = array<i32>} : memref<64x128xi32, #tpu.memory_space<vmem>>, vector<16xi32>,
      tpu.vector_store %arg7[%swap3A_171, %swap3A_172], %add3A_170 {strides = array<i32>} : memref<64x128xi32, #tpu.memory_space<vmem>>, vector<16xi32>,
      %scan3A_174 = arith.constant 0 : i32
      scf.yield %scan3A_174 : i32
    }
    %scan3A_9 = arith.constant 64 : i32
    %get3A_10 = arith.constant 16 : index
    %get3A_11 = tpu.vector_load %arg6[%get3A_10] {strides = array<i32>} : memref<128xi32, #tpu.memory_space<vmem>>, vector<16xi32>,
    %scan3A_12 = arith.constant 0 : i32
    %scan3A_13 = arith.constant 0 : i32
    %scan3A_14 = arith.constant 64 : i32
    %scan3A_15 = arith.addi %scan3A_13, %scan3A_14 : i32
    %scan3A_16 = arith.constant 1 : i32
    %scan3A_17 = scf.for %scan3A_165 = %scan3A_13 to %scan3A_15 step %scan3A_16 iter_args(%scan3A_166 = %scan3A_12) -> (i32)  : i32 {
      %mul3A_167 = arith.constant 100352 : i32
      %mul3A_168 = arith.muli %scan3A_165, %mul3A_167 : i32
      %add3A_169 = vector.broadcast %mul3A_168 : i32 to vector<16xi32>
      %add3A_170 = arith.addi %get3A_11, %add3A_169 : vector<16xi32>
      %swap3A_171 = arith.index_cast %scan3A_165 : i32 to index
      %swap3A_172 = arith.constant 16 : index
      %swap3A_173 = tpu.vector_load %arg7[%swap3A_171, %swap3A_172] {strides = array<i32>} : memref<64x128xi32, #tpu.memory_space<vmem>>, vector<16xi32>,
      tpu.vector_store %arg7[%swap3A_171, %swap3A_172], %add3A_170 {strides = array<i32>} : memref<64x128xi32, #tpu.memory_space<vmem>>, vector<16xi32>,
      %scan3A_174 = arith.constant 0 : i32
      scf.yield %scan3A_174 : i32
    }
    %scan3A_18 = arith.constant 64 : i32
    %get3A_19 = arith.constant 32 : index
    %get3A_20 = tpu.vector_load %arg6[%get3A_19] {strides = array<i32>} : memref<128xi32, #tpu.memory_space<vmem>>, vector<16xi32>,
    %scan3A_21 = arith.constant 0 : i32
    %scan3A_22 = arith.constant 0 : i32
    %scan3A_23 = arith.constant 64 : i32
    %scan3A_24 = arith.addi %scan3A_22, %scan3A_23 : i32
    %scan3A_25 = arith.constant 1 : i32
    %scan3A_26 = scf.for %scan3A_165 = %scan3A_22 to %scan3A_24 step %scan3A_25 iter_args(%scan3A_166 = %scan3A_21) -> (i32)  : i32 {
      %mul3A_167 = arith.constant 100352 : i32
      %mul3A_168 = arith.muli %scan3A_165, %mul3A_167 : i32
      %add3A_169 = vector.broadcast %mul3A_168 : i32 to vector<16xi32>
      %add3A_170 = arith.addi %get3A_20, %add3A_169 : vector<16xi32>
      %swap3A_171 = arith.index_cast %scan3A_165 : i32 to index
      %swap3A_172 = arith.constant 32 : index
      %swap3A_173 = tpu.vector_load %arg7[%swap3A_171, %swap3A_172] {strides = array<i32>} : memref<64x128xi32, #tpu.memory_space<vmem>>, vector<16xi32>,
      tpu.vector_store %arg7[%swap3A_171, %swap3A_172], %add3A_170 {strides = array<i32>} : memref<64x128xi32, #tpu.memory_space<vmem>>, vector<16xi32>,
      %scan3A_174 = arith.constant 0 : i32
      scf.yield %scan3A_174 : i32
    }
    %scan3A_27 = arith.constant 64 : i32
    %get3A_28 = arith.constant 48 : index
    %get3A_29 = tpu.vector_load %arg6[%get3A_28] {strides = array<i32>} : memref<128xi32, #tpu.memory_space<vmem>>, vector<16xi32>,
    %scan3A_30 = arith.constant 0 : i32
    %scan3A_31 = arith.constant 0 : i32
    %scan3A_32 = arith.constant 64 : i32
    %scan3A_33 = arith.addi %scan3A_31, %scan3A_32 : i32
    %scan3A_34 = arith.constant 1 : i32
    %scan3A_35 = scf.for %scan3A_165 = %scan3A_31 to %scan3A_33 step %scan3A_34 iter_args(%scan3A_166 = %scan3A_30) -> (i32)  : i32 {
      %mul3A_167 = arith.constant 100352 : i32
      %mul3A_168 = arith.muli %scan3A_165, %mul3A_167 : i32
      %add3A_169 = vector.broadcast %mul3A_168 : i32 to vector<16xi32>
      %add3A_170 = arith.addi %get3A_29, %add3A_169 : vector<16xi32>
      %swap3A_171 = arith.index_cast %scan3A_165 : i32 to index
      %swap3A_172 = arith.constant 48 : index
      %swap3A_173 = tpu.vector_load %arg7[%swap3A_171, %swap3A_172] {strides = array<i32>} : memref<64x128xi32, #tpu.memory_space<vmem>>, vector<16xi32>,
      tpu.vector_store %arg7[%swap3A_171, %swap3A_172], %add3A_170 {strides = array<i32>} : memref<64x128xi32, #tpu.memory_space<vmem>>, vector<16xi32>,
      %scan3A_174 = arith.constant 0 : i32
      scf.yield %scan3A_174 : i32
    }
    %scan3A_36 = arith.constant 64 : i32
    %get3A_37 = arith.constant 64 : index
    %get3A_38 = tpu.vector_load %arg6[%get3A_37] {strides = array<i32>} : memref<128xi32, #tpu.memory_space<vmem>>, vector<16xi32>,
    %scan3A_39 = arith.constant 0 : i32
    %scan3A_40 = arith.constant 0 : i32
    %scan3A_41 = arith.constant 64 : i32
    %scan3A_42 = arith.addi %scan3A_40, %scan3A_41 : i32
    %scan3A_43 = arith.constant 1 : i32
    %scan3A_44 = scf.for %scan3A_165 = %scan3A_40 to %scan3A_42 step %scan3A_43 iter_args(%scan3A_166 = %scan3A_39) -> (i32)  : i32 {
      %mul3A_167 = arith.constant 100352 : i32
      %mul3A_168 = arith.muli %scan3A_165, %mul3A_167 : i32
      %add3A_169 = vector.broadcast %mul3A_168 : i32 to vector<16xi32>
      %add3A_170 = arith.addi %get3A_38, %add3A_169 : vector<16xi32>
      %swap3A_171 = arith.index_cast %scan3A_165 : i32 to index
      %swap3A_172 = arith.constant 64 : index
      %swap3A_173 = tpu.vector_load %arg7[%swap3A_171, %swap3A_172] {strides = array<i32>} : memref<64x128xi32, #tpu.memory_space<vmem>>, vector<16xi32>,
      tpu.vector_store %arg7[%swap3A_171, %swap3A_172], %add3A_170 {strides = array<i32>} : memref<64x128xi32, #tpu.memory_space<vmem>>, vector<16xi32>,
      %scan3A_174 = arith.constant 0 : i32
      scf.yield %scan3A_174 : i32
    }
    %scan3A_45 = arith.constant 64 : i32
    %get3A_46 = arith.constant 80 : index
    %get3A_47 = tpu.vector_load %arg6[%get3A_46] {strides = array<i32>} : memref<128xi32, #tpu.memory_space<vmem>>, vector<16xi32>,
    %scan3A_48 = arith.constant 0 : i32
    %scan3A_49 = arith.constant 0 : i32
    %scan3A_50 = arith.constant 64 : i32
    %scan3A_51 = arith.addi %scan3A_49, %scan3A_50 : i32
    %scan3A_52 = arith.constant 1 : i32
    %scan3A_53 = scf.for %scan3A_165 = %scan3A_49 to %scan3A_51 step %scan3A_52 iter_args(%scan3A_166 = %scan3A_48) -> (i32)  : i32 {
      %mul3A_167 = arith.constant 100352 : i32
      %mul3A_168 = arith.muli %scan3A_165, %mul3A_167 : i32
      %add3A_169 = vector.broadcast %mul3A_168 : i32 to vector<16xi32>
      %add3A_170 = arith.addi %get3A_47, %add3A_169 : vector<16xi32>
      %swap3A_171 = arith.index_cast %scan3A_165 : i32 to index
      %swap3A_172 = arith.constant 80 : index
      %swap3A_173 = tpu.vector_load %arg7[%swap3A_171, %swap3A_172] {strides = array<i32>} : memref<64x128xi32, #tpu.memory_space<vmem>>, vector<16xi32>,
      tpu.vector_store %arg7[%swap3A_171, %swap3A_172], %add3A_170 {strides = array<i32>} : memref<64x128xi32, #tpu.memory_space<vmem>>, vector<16xi32>,
      %scan3A_174 = arith.constant 0 : i32
      scf.yield %scan3A_174 : i32
    }
    %scan3A_54 = arith.constant 64 : i32
    %get3A_55 = arith.constant 96 : index
    %get3A_56 = tpu.vector_load %arg6[%get3A_55] {strides = array<i32>} : memref<128xi32, #tpu.memory_space<vmem>>, vector<16xi32>,
    %scan3A_57 = arith.constant 0 : i32
    %scan3A_58 = arith.constant 0 : i32
    %scan3A_59 = arith.constant 64 : i32
    %scan3A_60 = arith.addi %scan3A_58, %scan3A_59 : i32
    %scan3A_61 = arith.constant 1 : i32
    %scan3A_62 = scf.for %scan3A_165 = %scan3A_58 to %scan3A_60 step %scan3A_61 iter_args(%scan3A_166 = %scan3A_57) -> (i32)  : i32 {
      %mul3A_167 = arith.constant 100352 : i32
      %mul3A_168 = arith.muli %scan3A_165, %mul3A_167 : i32
      %add3A_169 = vector.broadcast %mul3A_168 : i32 to vector<16xi32>
      %add3A_170 = arith.addi %get3A_56, %add3A_169 : vector<16xi32>
      %swap3A_171 = arith.index_cast %scan3A_165 : i32 to index
      %swap3A_172 = arith.constant 96 : index
      %swap3A_173 = tpu.vector_load %arg7[%swap3A_171, %swap3A_172] {strides = array<i32>} : memref<64x128xi32, #tpu.memory_space<vmem>>, vector<16xi32>,
      tpu.vector_store %arg7[%swap3A_171, %swap3A_172], %add3A_170 {strides = array<i32>} : memref<64x128xi32, #tpu.memory_space<vmem>>, vector<16xi32>,
      %scan3A_174 = arith.constant 0 : i32
      scf.yield %scan3A_174 : i32
    }
    %scan3A_63 = arith.constant 64 : i32
    %get3A_64 = arith.constant 112 : index
    %get3A_65 = tpu.vector_load %arg6[%get3A_64] {strides = array<i32>} : memref<128xi32, #tpu.memory_space<vmem>>, vector<16xi32>,
    %scan3A_66 = arith.constant 0 : i32
    %scan3A_67 = arith.constant 0 : i32
    %scan3A_68 = arith.constant 64 : i32
    %scan3A_69 = arith.addi %scan3A_67, %scan3A_68 : i32
    %scan3A_70 = arith.constant 1 : i32
    %scan3A_71 = scf.for %scan3A_165 = %scan3A_67 to %scan3A_69 step %scan3A_70 iter_args(%scan3A_166 = %scan3A_66) -> (i32)  : i32 {
      %mul3A_167 = arith.constant 100352 : i32
      %mul3A_168 = arith.muli %scan3A_165, %mul3A_167 : i32
      %add3A_169 = vector.broadcast %mul3A_168 : i32 to vector<16xi32>
      %add3A_170 = arith.addi %get3A_65, %add3A_169 : vector<16xi32>
      %swap3A_171 = arith.index_cast %scan3A_165 : i32 to index
      %swap3A_172 = arith.constant 112 : index
      %swap3A_173 = tpu.vector_load %arg7[%swap3A_171, %swap3A_172] {strides = array<i32>} : memref<64x128xi32, #tpu.memory_space<vmem>>, vector<16xi32>,
      tpu.vector_store %arg7[%swap3A_171, %swap3A_172], %add3A_170 {strides = array<i32>} : memref<64x128xi32, #tpu.memory_space<vmem>>, vector<16xi32>,
      %scan3A_174 = arith.constant 0 : i32
      scf.yield %scan3A_174 : i32
    }
    %scan3A_72 = arith.constant 64 : i32
    %scan3A_73 = arith.constant 0 : i32
    %scan3A_74 = arith.constant 0 : i32
    %scan3A_75 = arith.constant 64 : i32
    %scan3A_76 = arith.addi %scan3A_74, %scan3A_75 : i32
    %scan3A_77 = arith.constant 1 : i32
    %scan3A_78 = scf.for %scan3A_165 = %scan3A_74 to %scan3A_76 step %scan3A_77 iter_args(%scan3A_166 = %scan3A_73) -> (i32)  : i32 {
      %dma_start3A = arith.constant 0 : i32
      %dma_start3A_167 = tpu.memref_slice %arg8[%scan3A_165, %dma_start3A] : memref<64x128xf32, #tpu.memory_space<vmem>> -> memref<1x128xf32, #tpu.memory_space<vmem>>
      %dma_start3A_168 = tpu.memref_squeeze %dma_start3A_167 : memref<1x128xf32, #tpu.memory_space<vmem>> -> memref<128xf32, #tpu.memory_space<vmem>>
      %dma_start3A_169 = arith.constant 0 : i32
      %dma_start3A_170 = tpu.memref_slice %arg7[%scan3A_165, %dma_start3A_169] : memref<64x128xi32, #tpu.memory_space<vmem>> -> memref<1x128xi32, #tpu.memory_space<vmem>>
      %dma_start3A_171 = tpu.memref_squeeze %dma_start3A_170 : memref<1x128xi32, #tpu.memory_space<vmem>> -> memref<128xi32, #tpu.memory_space<vmem>>
      %dma_start3A_172 = arith.constant 0 : i32
      %dma_start3A_173 = tpu.memref_slice %arg3[%dma_start3A_172] : memref<6422528xf32, #tpu.memory_space<hbm>> -> memref<6422528xf32, #tpu.memory_space<hbm>>
      tpu.enqueue_indirect_dma source(%dma_start3A_173 : memref<6422528xf32, #tpu.memory_space<hbm>>) target(%dma_start3A_168 : memref<128xf32, #tpu.memory_space<vmem>>) offsets(%dma_start3A_171 : memref<128xi32, #tpu.memory_space<vmem>>) semaphore(%arg10 : memref<!tpu.dma_semaphore, #tpu.memory_space<semaphore_mem>>)
      %scan3A_174 = arith.constant 0 : i32
      scf.yield %scan3A_174 : i32
    }
    %scan3A_79 = arith.constant 64 : i32
    %scan3A_80 = arith.constant 0 : i32
    %scan3A_81 = arith.constant 0 : i32
    %scan3A_82 = arith.constant 64 : i32
    %scan3A_83 = arith.addi %scan3A_81, %scan3A_82 : i32
    %scan3A_84 = arith.constant 1 : i32
    %scan3A_85 = scf.for %scan3A_165 = %scan3A_81 to %scan3A_83 step %scan3A_84 iter_args(%scan3A_166 = %scan3A_80) -> (i32)  : i32 {
      %dma_wait3A = arith.constant 0 : i32
      %dma_wait3A_167 = tpu.memref_slice %arg8[%scan3A_165, %dma_wait3A] : memref<64x128xf32, #tpu.memory_space<vmem>> -> memref<1x128xf32, #tpu.memory_space<vmem>>
      %dma_wait3A_168 = tpu.memref_squeeze %dma_wait3A_167 : memref<1x128xf32, #tpu.memory_space<vmem>> -> memref<128xf32, #tpu.memory_space<vmem>>
      %dma_wait3A_169 = arith.constant 0 : i32
      %dma_wait3A_170 = tpu.memref_slice %arg7[%scan3A_165, %dma_wait3A_169] : memref<64x128xi32, #tpu.memory_space<vmem>> -> memref<1x128xi32, #tpu.memory_space<vmem>>
      %dma_wait3A_171 = tpu.memref_squeeze %dma_wait3A_170 : memref<1x128xi32, #tpu.memory_space<vmem>> -> memref<128xi32, #tpu.memory_space<vmem>>
      %dma_wait3A_172 = arith.constant 0 : i32
      %dma_wait3A_173 = tpu.memref_slice %arg3[%dma_wait3A_172] : memref<6422528xf32, #tpu.memory_space<hbm>> -> memref<6422528xf32, #tpu.memory_space<hbm>>
      tpu.wait_indirect_dma semaphore(%arg10 : memref<!tpu.dma_semaphore, #tpu.memory_space<semaphore_mem>>) src(%dma_wait3A_173 : memref<6422528xf32, #tpu.memory_space<hbm>>) dst(%dma_wait3A_168 : memref<128xf32, #tpu.memory_space<vmem>>)
      %scan3A_174 = arith.constant 0 : i32
      scf.yield %scan3A_174 : i32
    }
    %scan3A_86 = arith.constant 64 : i32
    %broadcast_in_dim3A = arith.constant 0.000000e+00 : f32
    %broadcast_in_dim3A_87 = vector.broadcast %broadcast_in_dim3A : f32 to vector<16xf32>
    %scan3A_88 = arith.constant 0 : i32
    %scan3A_89 = arith.constant 64 : i32
    %scan3A_90 = arith.addi %scan3A_88, %scan3A_89 : i32
    %scan3A_91 = arith.constant 1 : i32
    %scan3A_92 = scf.for %scan3A_165 = %scan3A_88 to %scan3A_90 step %scan3A_91 iter_args(%scan3A_166 = %broadcast_in_dim3A_87) -> (vector<16xf32>)  : i32 {
      %get3A_167 = arith.index_cast %scan3A_165 : i32 to index
      %get3A_168 = arith.constant 0 : index
      %get3A_169 = tpu.vector_load %arg8[%get3A_167, %get3A_168] {strides = array<i32>} : memref<64x128xf32, #tpu.memory_space<vmem>>, vector<16xf32>,
      %mul3A_170 = arith.mulf %get3A_169, %get3A_169 : vector<16xf32>
      %add3A_171 = arith.addf %scan3A_166, %mul3A_170 : vector<16xf32>
      scf.yield %add3A_171 : vector<16xf32>
    }
    %scan3A_93 = arith.constant 64 : i32
    %swap3A = arith.constant 0 : index
    %swap3A_94 = tpu.vector_load %arg9[%swap3A] {strides = array<i32>} : memref<128xf32, #tpu.memory_space<vmem>>, vector<16xf32>,
    tpu.vector_store %arg9[%swap3A], %scan3A_92 {strides = array<i32>} : memref<128xf32, #tpu.memory_space<vmem>>, vector<16xf32>,
    %broadcast_in_dim3A_95 = arith.constant 0.000000e+00 : f32
    %broadcast_in_dim3A_96 = vector.broadcast %broadcast_in_dim3A_95 : f32 to vector<16xf32>
    %scan3A_97 = arith.constant 0 : i32
    %scan3A_98 = arith.constant 64 : i32
    %scan3A_99 = arith.addi %scan3A_97, %scan3A_98 : i32
    %scan3A_100 = arith.constant 1 : i32
    %scan3A_101 = scf.for %scan3A_165 = %scan3A_97 to %scan3A_99 step %scan3A_100 iter_args(%scan3A_166 = %broadcast_in_dim3A_96) -> (vector<16xf32>)  : i32 {
      %get3A_167 = arith.index_cast %scan3A_165 : i32 to index
      %get3A_168 = arith.constant 16 : index
      %get3A_169 = tpu.vector_load %arg8[%get3A_167, %get3A_168] {strides = array<i32>} : memref<64x128xf32, #tpu.memory_space<vmem>>, vector<16xf32>,
      %mul3A_170 = arith.mulf %get3A_169, %get3A_169 : vector<16xf32>
      %add3A_171 = arith.addf %scan3A_166, %mul3A_170 : vector<16xf32>
      scf.yield %add3A_171 : vector<16xf32>
    }
    %scan3A_102 = arith.constant 64 : i32
    %swap3A_103 = arith.constant 16 : index
    %swap3A_104 = tpu.vector_load %arg9[%swap3A_103] {strides = array<i32>} : memref<128xf32, #tpu.memory_space<vmem>>, vector<16xf32>,
    tpu.vector_store %arg9[%swap3A_103], %scan3A_101 {strides = array<i32>} : memref<128xf32, #tpu.memory_space<vmem>>, vector<16xf32>,
    %broadcast_in_dim3A_105 = arith.constant 0.000000e+00 : f32
    %broadcast_in_dim3A_106 = vector.broadcast %broadcast_in_dim3A_105 : f32 to vector<16xf32>
    %scan3A_107 = arith.constant 0 : i32
    %scan3A_108 = arith.constant 64 : i32
    %scan3A_109 = arith.addi %scan3A_107, %scan3A_108 : i32
    %scan3A_110 = arith.constant 1 : i32
    %scan3A_111 = scf.for %scan3A_165 = %scan3A_107 to %scan3A_109 step %scan3A_110 iter_args(%scan3A_166 = %broadcast_in_dim3A_106) -> (vector<16xf32>)  : i32 {
      %get3A_167 = arith.index_cast %scan3A_165 : i32 to index
      %get3A_168 = arith.constant 32 : index
      %get3A_169 = tpu.vector_load %arg8[%get3A_167, %get3A_168] {strides = array<i32>} : memref<64x128xf32, #tpu.memory_space<vmem>>, vector<16xf32>,
      %mul3A_170 = arith.mulf %get3A_169, %get3A_169 : vector<16xf32>
      %add3A_171 = arith.addf %scan3A_166, %mul3A_170 : vector<16xf32>
      scf.yield %add3A_171 : vector<16xf32>
    }
    %scan3A_112 = arith.constant 64 : i32
    %swap3A_113 = arith.constant 32 : index
    %swap3A_114 = tpu.vector_load %arg9[%swap3A_113] {strides = array<i32>} : memref<128xf32, #tpu.memory_space<vmem>>, vector<16xf32>,
    tpu.vector_store %arg9[%swap3A_113], %scan3A_111 {strides = array<i32>} : memref<128xf32, #tpu.memory_space<vmem>>, vector<16xf32>,
    %broadcast_in_dim3A_115 = arith.constant 0.000000e+00 : f32
    %broadcast_in_dim3A_116 = vector.broadcast %broadcast_in_dim3A_115 : f32 to vector<16xf32>
    %scan3A_117 = arith.constant 0 : i32
    %scan3A_118 = arith.constant 64 : i32
    %scan3A_119 = arith.addi %scan3A_117, %scan3A_118 : i32
    %scan3A_120 = arith.constant 1 : i32
    %scan3A_121 = scf.for %scan3A_165 = %scan3A_117 to %scan3A_119 step %scan3A_120 iter_args(%scan3A_166 = %broadcast_in_dim3A_116) -> (vector<16xf32>)  : i32 {
      %get3A_167 = arith.index_cast %scan3A_165 : i32 to index
      %get3A_168 = arith.constant 48 : index
      %get3A_169 = tpu.vector_load %arg8[%get3A_167, %get3A_168] {strides = array<i32>} : memref<64x128xf32, #tpu.memory_space<vmem>>, vector<16xf32>,
      %mul3A_170 = arith.mulf %get3A_169, %get3A_169 : vector<16xf32>
      %add3A_171 = arith.addf %scan3A_166, %mul3A_170 : vector<16xf32>
      scf.yield %add3A_171 : vector<16xf32>
    }
    %scan3A_122 = arith.constant 64 : i32
    %swap3A_123 = arith.constant 48 : index
    %swap3A_124 = tpu.vector_load %arg9[%swap3A_123] {strides = array<i32>} : memref<128xf32, #tpu.memory_space<vmem>>, vector<16xf32>,
    tpu.vector_store %arg9[%swap3A_123], %scan3A_121 {strides = array<i32>} : memref<128xf32, #tpu.memory_space<vmem>>, vector<16xf32>,
    %broadcast_in_dim3A_125 = arith.constant 0.000000e+00 : f32
    %broadcast_in_dim3A_126 = vector.broadcast %broadcast_in_dim3A_125 : f32 to vector<16xf32>
    %scan3A_127 = arith.constant 0 : i32
    %scan3A_128 = arith.constant 64 : i32
    %scan3A_129 = arith.addi %scan3A_127, %scan3A_128 : i32
    %scan3A_130 = arith.constant 1 : i32
    %scan3A_131 = scf.for %scan3A_165 = %scan3A_127 to %scan3A_129 step %scan3A_130 iter_args(%scan3A_166 = %broadcast_in_dim3A_126) -> (vector<16xf32>)  : i32 {
      %get3A_167 = arith.index_cast %scan3A_165 : i32 to index
      %get3A_168 = arith.constant 64 : index
      %get3A_169 = tpu.vector_load %arg8[%get3A_167, %get3A_168] {strides = array<i32>} : memref<64x128xf32, #tpu.memory_space<vmem>>, vector<16xf32>,
      %mul3A_170 = arith.mulf %get3A_169, %get3A_169 : vector<16xf32>
      %add3A_171 = arith.addf %scan3A_166, %mul3A_170 : vector<16xf32>
      scf.yield %add3A_171 : vector<16xf32>
    }
    %scan3A_132 = arith.constant 64 : i32
    %swap3A_133 = arith.constant 64 : index
    %swap3A_134 = tpu.vector_load %arg9[%swap3A_133] {strides = array<i32>} : memref<128xf32, #tpu.memory_space<vmem>>, vector<16xf32>,
    tpu.vector_store %arg9[%swap3A_133], %scan3A_131 {strides = array<i32>} : memref<128xf32, #tpu.memory_space<vmem>>, vector<16xf32>,
    %broadcast_in_dim3A_135 = arith.constant 0.000000e+00 : f32
    %broadcast_in_dim3A_136 = vector.broadcast %broadcast_in_dim3A_135 : f32 to vector<16xf32>
    %scan3A_137 = arith.constant 0 : i32
    %scan3A_138 = arith.constant 64 : i32
    %scan3A_139 = arith.addi %scan3A_137, %scan3A_138 : i32
    %scan3A_140 = arith.constant 1 : i32
    %scan3A_141 = scf.for %scan3A_165 = %scan3A_137 to %scan3A_139 step %scan3A_140 iter_args(%scan3A_166 = %broadcast_in_dim3A_136) -> (vector<16xf32>)  : i32 {
      %get3A_167 = arith.index_cast %scan3A_165 : i32 to index
      %get3A_168 = arith.constant 80 : index
      %get3A_169 = tpu.vector_load %arg8[%get3A_167, %get3A_168] {strides = array<i32>} : memref<64x128xf32, #tpu.memory_space<vmem>>, vector<16xf32>,
      %mul3A_170 = arith.mulf %get3A_169, %get3A_169 : vector<16xf32>
      %add3A_171 = arith.addf %scan3A_166, %mul3A_170 : vector<16xf32>
      scf.yield %add3A_171 : vector<16xf32>
    }
    %scan3A_142 = arith.constant 64 : i32
    %swap3A_143 = arith.constant 80 : index
    %swap3A_144 = tpu.vector_load %arg9[%swap3A_143] {strides = array<i32>} : memref<128xf32, #tpu.memory_space<vmem>>, vector<16xf32>,
    tpu.vector_store %arg9[%swap3A_143], %scan3A_141 {strides = array<i32>} : memref<128xf32, #tpu.memory_space<vmem>>, vector<16xf32>,
    %broadcast_in_dim3A_145 = arith.constant 0.000000e+00 : f32
    %broadcast_in_dim3A_146 = vector.broadcast %broadcast_in_dim3A_145 : f32 to vector<16xf32>
    %scan3A_147 = arith.constant 0 : i32
    %scan3A_148 = arith.constant 64 : i32
    %scan3A_149 = arith.addi %scan3A_147, %scan3A_148 : i32
    %scan3A_150 = arith.constant 1 : i32
    %scan3A_151 = scf.for %scan3A_165 = %scan3A_147 to %scan3A_149 step %scan3A_150 iter_args(%scan3A_166 = %broadcast_in_dim3A_146) -> (vector<16xf32>)  : i32 {
      %get3A_167 = arith.index_cast %scan3A_165 : i32 to index
      %get3A_168 = arith.constant 96 : index
      %get3A_169 = tpu.vector_load %arg8[%get3A_167, %get3A_168] {strides = array<i32>} : memref<64x128xf32, #tpu.memory_space<vmem>>, vector<16xf32>,
      %mul3A_170 = arith.mulf %get3A_169, %get3A_169 : vector<16xf32>
      %add3A_171 = arith.addf %scan3A_166, %mul3A_170 : vector<16xf32>
      scf.yield %add3A_171 : vector<16xf32>
    }
    %scan3A_152 = arith.constant 64 : i32
    %swap3A_153 = arith.constant 96 : index
    %swap3A_154 = tpu.vector_load %arg9[%swap3A_153] {strides = array<i32>} : memref<128xf32, #tpu.memory_space<vmem>>, vector<16xf32>,
    tpu.vector_store %arg9[%swap3A_153], %scan3A_151 {strides = array<i32>} : memref<128xf32, #tpu.memory_space<vmem>>, vector<16xf32>,
    %broadcast_in_dim3A_155 = arith.constant 0.000000e+00 : f32
    %broadcast_in_dim3A_156 = vector.broadcast %broadcast_in_dim3A_155 : f32 to vector<16xf32>
    %scan3A_157 = arith.constant 0 : i32
    %scan3A_158 = arith.constant 64 : i32
    %scan3A_159 = arith.addi %scan3A_157, %scan3A_158 : i32
    %scan3A_160 = arith.constant 1 : i32
    %scan3A_161 = scf.for %scan3A_165 = %scan3A_157 to %scan3A_159 step %scan3A_160 iter_args(%scan3A_166 = %broadcast_in_dim3A_156) -> (vector<16xf32>)  : i32 {
      %get3A_167 = arith.index_cast %scan3A_165 : i32 to index
      %get3A_168 = arith.constant 112 : index
      %get3A_169 = tpu.vector_load %arg8[%get3A_167, %get3A_168] {strides = array<i32>} : memref<64x128xf32, #tpu.memory_space<vmem>>, vector<16xf32>,
      %mul3A_170 = arith.mulf %get3A_169, %get3A_169 : vector<16xf32>
      %add3A_171 = arith.addf %scan3A_166, %mul3A_170 : vector<16xf32>
      scf.yield %add3A_171 : vector<16xf32>
    }
    %scan3A_162 = arith.constant 64 : i32
    %swap3A_163 = arith.constant 112 : index
    %swap3A_164 = tpu.vector_load %arg9[%swap3A_163] {strides = array<i32>} : memref<128xf32, #tpu.memory_space<vmem>>, vector<16xf32>,
    tpu.vector_store %arg9[%swap3A_163], %scan3A_161 {strides = array<i32>} : memref<128xf32, #tpu.memory_space<vmem>>, vector<16xf32>,
    "tpu.region"() ({
      %run_scoped3A = tpu.sem_alloc : memref<!tpu.dma_semaphore, #tpu.memory_space<semaphore_mem>>
      %dma_start3A = arith.constant 0 : i32
      %dma_start3A_165 = arith.constant 0 : i32
      %dma_start3A_166 = tpu.memref_slice %arg4[%add3A, %dma_start3A, %dma_start3A_165] : memref<32x64x128xf32, #tpu.memory_space<hbm>> -> memref<1x64x128xf32, #tpu.memory_space<hbm>>
      %dma_start3A_167 = tpu.memref_squeeze %dma_start3A_166 : memref<1x64x128xf32, #tpu.memory_space<hbm>> -> memref<64x128xf32, #tpu.memory_space<hbm>>
      %dma_start3A_168 = arith.constant 0 : i32
      %dma_start3A_169 = arith.constant 0 : i32
      %dma_start3A_170 = tpu.memref_slice %arg4[%add3A, %dma_start3A_168, %dma_start3A_169] : memref<32x64x128xf32, #tpu.memory_space<hbm>> -> memref<1x64x128xf32, #tpu.memory_space<hbm>>
      %dma_start3A_171 = tpu.memref_squeeze %dma_start3A_170 : memref<1x64x128xf32, #tpu.memory_space<hbm>> -> memref<64x128xf32, #tpu.memory_space<hbm>>
      tpu.enqueue_dma source(%arg8 : memref<64x128xf32, #tpu.memory_space<vmem>>) target(%dma_start3A_171 : memref<64x128xf32, #tpu.memory_space<hbm>>) target_semaphore(%run_scoped3A : memref<!tpu.dma_semaphore, #tpu.memory_space<semaphore_mem>>)
      %dma_wait3A = arith.constant 0 : i32
      %dma_wait3A_172 = arith.constant 0 : i32
      %dma_wait3A_173 = tpu.memref_slice %arg4[%add3A, %dma_wait3A, %dma_wait3A_172] : memref<32x64x128xf32, #tpu.memory_space<hbm>> -> memref<1x64x128xf32, #tpu.memory_space<hbm>>
      %dma_wait3A_174 = tpu.memref_squeeze %dma_wait3A_173 : memref<1x64x128xf32, #tpu.memory_space<hbm>> -> memref<64x128xf32, #tpu.memory_space<hbm>>
      %dma_wait3A_175 = arith.constant 0 : i32
      %dma_wait3A_176 = arith.constant 0 : i32
      %dma_wait3A_177 = tpu.memref_slice %arg4[%add3A, %dma_wait3A_175, %dma_wait3A_176] : memref<32x64x128xf32, #tpu.memory_space<hbm>> -> memref<1x64x128xf32, #tpu.memory_space<hbm>>
      %dma_wait3A_178 = tpu.memref_squeeze %dma_wait3A_177 : memref<1x64x128xf32, #tpu.memory_space<hbm>> -> memref<64x128xf32, #tpu.memory_space<hbm>>
      tpu.wait_dma2 semaphore(%run_scoped3A : memref<!tpu.dma_semaphore, #tpu.memory_space<semaphore_mem>>) src(%arg8 : memref<64x128xf32, #tpu.memory_space<vmem>>) dst(%dma_wait3A_178 : memref<64x128xf32, #tpu.memory_space<hbm>>)
      tpu.yield
    }) : () -> ()
    "tpu.region"() ({
      %run_scoped3A = tpu.sem_alloc : memref<!tpu.dma_semaphore, #tpu.memory_space<semaphore_mem>>
      %dma_start3A = tpu.memref_slice %arg5[%mul3A_2] : memref<4096xf32, #tpu.memory_space<hbm>> -> memref<128xf32, #tpu.memory_space<hbm>>
      %dma_start3A_165 = tpu.memref_slice %arg5[%mul3A_2] : memref<4096xf32, #tpu.memory_space<hbm>> -> memref<128xf32, #tpu.memory_space<hbm>>
      tpu.enqueue_dma source(%arg9 : memref<128xf32, #tpu.memory_space<vmem>>) target(%dma_start3A_165 : memref<128xf32, #tpu.memory_space<hbm>>) target_semaphore(%run_scoped3A : memref<!tpu.dma_semaphore, #tpu.memory_space<semaphore_mem>>)
      %dma_wait3A = tpu.memref_slice %arg5[%mul3A_2] : memref<4096xf32, #tpu.memory_space<hbm>> -> memref<128xf32, #tpu.memory_space<hbm>>
      %dma_wait3A_166 = tpu.memref_slice %arg5[%mul3A_2] : memref<4096xf32, #tpu.memory_space<hbm>> -> memref<128xf32, #tpu.memory_space<hbm>>
      tpu.wait_dma2 semaphore(%run_scoped3A : memref<!tpu.dma_semaphore, #tpu.memory_space<semaphore_mem>>) src(%arg9 : memref<128xf32, #tpu.memory_space<vmem>>) dst(%dma_wait3A_166 : memref<128xf32, #tpu.memory_space<hbm>>)
      tpu.yield
    }) : () -> ()
    return
  }
}

#map = affine_map<(d0, d1) -> (0)>
#map1 = affine_map<(d0, d1) -> (0, 0, 0)>
module attributes {stable_mosaic.version = 14 : i64} {
  func.func @kf(%arg0: i32, %arg1: i32, %arg2: memref<4096xi32, #tpu.memory_space<hbm>>, %arg3: memref<6422528xf32, #tpu.memory_space<hbm>>, %arg4: memref<32x64x128xf32, #tpu.memory_space<hbm>>, %arg5: memref<32x64x128xf32, #tpu.memory_space<hbm>>, %arg6: memref<4096xf32, #tpu.memory_space<hbm>>, %arg7: memref<4096xf32, #tpu.memory_space<hbm>>, %arg8: memref<4096xf32, #tpu.memory_space<hbm>>, %arg9: memref<128xi32, #tpu.memory_space<vmem>>, %arg10: memref<64x128xi32, #tpu.memory_space<vmem>>, %arg11: memref<64x128xf32, #tpu.memory_space<vmem>>, %arg12: memref<64x128xf32, #tpu.memory_space<vmem>>, %arg13: memref<64x128xf32, #tpu.memory_space<vmem>>, %arg14: memref<128xf32, #tpu.memory_space<vmem>>, %arg15: memref<128xf32, #tpu.memory_space<vmem>>, %arg16: memref<128xf32, #tpu.memory_space<vmem>>, %arg17: memref<!tpu.dma_semaphore, #tpu.memory_space<semaphore_mem>>, %arg18: memref<!tpu.dma_semaphore, #tpu.memory_space<semaphore_mem>>, %arg19: memref<!tpu.dma_semaphore, #tpu.memory_space<semaphore_mem>>) attributes {dimension_semantics = [#tpu.dimension_semantics<core_parallel>, #tpu.dimension_semantics<subcore_parallel>], iteration_bounds = array<i64: 2, 16>, scalar_prefetch = 0 : i64, scratch_operands = 11 : i64, tpu.core_type = #tpu.core_type<sc_vector_subcore>, window_params = [{transform_indices = #map}, {transform_indices = #map}, {transform_indices = #map1}, {transform_indices = #map1}, {transform_indices = #map}, {transform_indices = #map}, {transform_indices = #map}]} {
    %mul3A = arith.constant 2 : i32
    %mul3A_0 = arith.muli %arg1, %mul3A : i32
    %add3A = arith.addi %mul3A_0, %arg0 : i32
    %mul3A_1 = arith.constant 128 : i32
    %mul3A_2 = arith.muli %add3A, %mul3A_1 : i32
    "tpu.region"() ({
      %run_scoped3A = tpu.sem_alloc : memref<!tpu.dma_semaphore, #tpu.memory_space<semaphore_mem>>
      %dma_start3A_266 = tpu.memref_slice %arg2[%mul3A_2] : memref<4096xi32, #tpu.memory_space<hbm>> -> memref<128xi32, #tpu.memory_space<hbm>>
      %dma_start3A_267 = tpu.memref_slice %arg2[%mul3A_2] : memref<4096xi32, #tpu.memory_space<hbm>> -> memref<128xi32, #tpu.memory_space<hbm>>
      tpu.enqueue_dma source(%dma_start3A_267 : memref<128xi32, #tpu.memory_space<hbm>>) target(%arg9 : memref<128xi32, #tpu.memory_space<vmem>>) target_semaphore(%run_scoped3A : memref<!tpu.dma_semaphore, #tpu.memory_space<semaphore_mem>>)
      %dma_wait3A_268 = tpu.memref_slice %arg2[%mul3A_2] : memref<4096xi32, #tpu.memory_space<hbm>> -> memref<128xi32, #tpu.memory_space<hbm>>
      %dma_wait3A_269 = tpu.memref_slice %arg2[%mul3A_2] : memref<4096xi32, #tpu.memory_space<hbm>> -> memref<128xi32, #tpu.memory_space<hbm>>
      tpu.wait_dma2 semaphore(%run_scoped3A : memref<!tpu.dma_semaphore, #tpu.memory_space<semaphore_mem>>) src(%dma_wait3A_269 : memref<128xi32, #tpu.memory_space<hbm>>) dst(%arg9 : memref<128xi32, #tpu.memory_space<vmem>>)
      tpu.yield
    }) : () -> ()
    %get3A = arith.constant 0 : index
    %get3A_3 = tpu.vector_load %arg9[%get3A] {strides = array<i32>} : memref<128xi32, #tpu.memory_space<vmem>>, vector<16xi32>,
    %scan3A = arith.constant 0 : i32
    %scan3A_4 = arith.constant 0 : i32
    %scan3A_5 = arith.constant 64 : i32
    %scan3A_6 = arith.addi %scan3A_4, %scan3A_5 : i32
    %scan3A_7 = arith.constant 1 : i32
    %scan3A_8 = scf.for %scan3A_266 = %scan3A_4 to %scan3A_6 step %scan3A_7 iter_args(%scan3A_267 = %scan3A) -> (i32)  : i32 {
      %mul3A_268 = arith.constant 100352 : i32
      %mul3A_269 = arith.muli %scan3A_266, %mul3A_268 : i32
      %add3A_270 = vector.broadcast %mul3A_269 : i32 to vector<16xi32>
      %add3A_271 = arith.addi %get3A_3, %add3A_270 : vector<16xi32>
      %swap3A_272 = arith.index_cast %scan3A_266 : i32 to index
      %swap3A_273 = arith.constant 0 : index
      %swap3A_274 = tpu.vector_load %arg10[%swap3A_272, %swap3A_273] {strides = array<i32>} : memref<64x128xi32, #tpu.memory_space<vmem>>, vector<16xi32>,
      tpu.vector_store %arg10[%swap3A_272, %swap3A_273], %add3A_271 {strides = array<i32>} : memref<64x128xi32, #tpu.memory_space<vmem>>, vector<16xi32>,
      %scan3A_275 = arith.constant 0 : i32
      scf.yield %scan3A_275 : i32
    }
    %scan3A_9 = arith.constant 64 : i32
    %get3A_10 = arith.constant 16 : index
    %get3A_11 = tpu.vector_load %arg9[%get3A_10] {strides = array<i32>} : memref<128xi32, #tpu.memory_space<vmem>>, vector<16xi32>,
    %scan3A_12 = arith.constant 0 : i32
    %scan3A_13 = arith.constant 0 : i32
    %scan3A_14 = arith.constant 64 : i32
    %scan3A_15 = arith.addi %scan3A_13, %scan3A_14 : i32
    %scan3A_16 = arith.constant 1 : i32
    %scan3A_17 = scf.for %scan3A_266 = %scan3A_13 to %scan3A_15 step %scan3A_16 iter_args(%scan3A_267 = %scan3A_12) -> (i32)  : i32 {
      %mul3A_268 = arith.constant 100352 : i32
      %mul3A_269 = arith.muli %scan3A_266, %mul3A_268 : i32
      %add3A_270 = vector.broadcast %mul3A_269 : i32 to vector<16xi32>
      %add3A_271 = arith.addi %get3A_11, %add3A_270 : vector<16xi32>
      %swap3A_272 = arith.index_cast %scan3A_266 : i32 to index
      %swap3A_273 = arith.constant 16 : index
      %swap3A_274 = tpu.vector_load %arg10[%swap3A_272, %swap3A_273] {strides = array<i32>} : memref<64x128xi32, #tpu.memory_space<vmem>>, vector<16xi32>,
      tpu.vector_store %arg10[%swap3A_272, %swap3A_273], %add3A_271 {strides = array<i32>} : memref<64x128xi32, #tpu.memory_space<vmem>>, vector<16xi32>,
      %scan3A_275 = arith.constant 0 : i32
      scf.yield %scan3A_275 : i32
    }
    %scan3A_18 = arith.constant 64 : i32
    %get3A_19 = arith.constant 32 : index
    %get3A_20 = tpu.vector_load %arg9[%get3A_19] {strides = array<i32>} : memref<128xi32, #tpu.memory_space<vmem>>, vector<16xi32>,
    %scan3A_21 = arith.constant 0 : i32
    %scan3A_22 = arith.constant 0 : i32
    %scan3A_23 = arith.constant 64 : i32
    %scan3A_24 = arith.addi %scan3A_22, %scan3A_23 : i32
    %scan3A_25 = arith.constant 1 : i32
    %scan3A_26 = scf.for %scan3A_266 = %scan3A_22 to %scan3A_24 step %scan3A_25 iter_args(%scan3A_267 = %scan3A_21) -> (i32)  : i32 {
      %mul3A_268 = arith.constant 100352 : i32
      %mul3A_269 = arith.muli %scan3A_266, %mul3A_268 : i32
      %add3A_270 = vector.broadcast %mul3A_269 : i32 to vector<16xi32>
      %add3A_271 = arith.addi %get3A_20, %add3A_270 : vector<16xi32>
      %swap3A_272 = arith.index_cast %scan3A_266 : i32 to index
      %swap3A_273 = arith.constant 32 : index
      %swap3A_274 = tpu.vector_load %arg10[%swap3A_272, %swap3A_273] {strides = array<i32>} : memref<64x128xi32, #tpu.memory_space<vmem>>, vector<16xi32>,
      tpu.vector_store %arg10[%swap3A_272, %swap3A_273], %add3A_271 {strides = array<i32>} : memref<64x128xi32, #tpu.memory_space<vmem>>, vector<16xi32>,
      %scan3A_275 = arith.constant 0 : i32
      scf.yield %scan3A_275 : i32
    }
    %scan3A_27 = arith.constant 64 : i32
    %get3A_28 = arith.constant 48 : index
    %get3A_29 = tpu.vector_load %arg9[%get3A_28] {strides = array<i32>} : memref<128xi32, #tpu.memory_space<vmem>>, vector<16xi32>,
    %scan3A_30 = arith.constant 0 : i32
    %scan3A_31 = arith.constant 0 : i32
    %scan3A_32 = arith.constant 64 : i32
    %scan3A_33 = arith.addi %scan3A_31, %scan3A_32 : i32
    %scan3A_34 = arith.constant 1 : i32
    %scan3A_35 = scf.for %scan3A_266 = %scan3A_31 to %scan3A_33 step %scan3A_34 iter_args(%scan3A_267 = %scan3A_30) -> (i32)  : i32 {
      %mul3A_268 = arith.constant 100352 : i32
      %mul3A_269 = arith.muli %scan3A_266, %mul3A_268 : i32
      %add3A_270 = vector.broadcast %mul3A_269 : i32 to vector<16xi32>
      %add3A_271 = arith.addi %get3A_29, %add3A_270 : vector<16xi32>
      %swap3A_272 = arith.index_cast %scan3A_266 : i32 to index
      %swap3A_273 = arith.constant 48 : index
      %swap3A_274 = tpu.vector_load %arg10[%swap3A_272, %swap3A_273] {strides = array<i32>} : memref<64x128xi32, #tpu.memory_space<vmem>>, vector<16xi32>,
      tpu.vector_store %arg10[%swap3A_272, %swap3A_273], %add3A_271 {strides = array<i32>} : memref<64x128xi32, #tpu.memory_space<vmem>>, vector<16xi32>,
      %scan3A_275 = arith.constant 0 : i32
      scf.yield %scan3A_275 : i32
    }
    %scan3A_36 = arith.constant 64 : i32
    %get3A_37 = arith.constant 64 : index
    %get3A_38 = tpu.vector_load %arg9[%get3A_37] {strides = array<i32>} : memref<128xi32, #tpu.memory_space<vmem>>, vector<16xi32>,
    %scan3A_39 = arith.constant 0 : i32
    %scan3A_40 = arith.constant 0 : i32
    %scan3A_41 = arith.constant 64 : i32
    %scan3A_42 = arith.addi %scan3A_40, %scan3A_41 : i32
    %scan3A_43 = arith.constant 1 : i32
    %scan3A_44 = scf.for %scan3A_266 = %scan3A_40 to %scan3A_42 step %scan3A_43 iter_args(%scan3A_267 = %scan3A_39) -> (i32)  : i32 {
      %mul3A_268 = arith.constant 100352 : i32
      %mul3A_269 = arith.muli %scan3A_266, %mul3A_268 : i32
      %add3A_270 = vector.broadcast %mul3A_269 : i32 to vector<16xi32>
      %add3A_271 = arith.addi %get3A_38, %add3A_270 : vector<16xi32>
      %swap3A_272 = arith.index_cast %scan3A_266 : i32 to index
      %swap3A_273 = arith.constant 64 : index
      %swap3A_274 = tpu.vector_load %arg10[%swap3A_272, %swap3A_273] {strides = array<i32>} : memref<64x128xi32, #tpu.memory_space<vmem>>, vector<16xi32>,
      tpu.vector_store %arg10[%swap3A_272, %swap3A_273], %add3A_271 {strides = array<i32>} : memref<64x128xi32, #tpu.memory_space<vmem>>, vector<16xi32>,
      %scan3A_275 = arith.constant 0 : i32
      scf.yield %scan3A_275 : i32
    }
    %scan3A_45 = arith.constant 64 : i32
    %get3A_46 = arith.constant 80 : index
    %get3A_47 = tpu.vector_load %arg9[%get3A_46] {strides = array<i32>} : memref<128xi32, #tpu.memory_space<vmem>>, vector<16xi32>,
    %scan3A_48 = arith.constant 0 : i32
    %scan3A_49 = arith.constant 0 : i32
    %scan3A_50 = arith.constant 64 : i32
    %scan3A_51 = arith.addi %scan3A_49, %scan3A_50 : i32
    %scan3A_52 = arith.constant 1 : i32
    %scan3A_53 = scf.for %scan3A_266 = %scan3A_49 to %scan3A_51 step %scan3A_52 iter_args(%scan3A_267 = %scan3A_48) -> (i32)  : i32 {
      %mul3A_268 = arith.constant 100352 : i32
      %mul3A_269 = arith.muli %scan3A_266, %mul3A_268 : i32
      %add3A_270 = vector.broadcast %mul3A_269 : i32 to vector<16xi32>
      %add3A_271 = arith.addi %get3A_47, %add3A_270 : vector<16xi32>
      %swap3A_272 = arith.index_cast %scan3A_266 : i32 to index
      %swap3A_273 = arith.constant 80 : index
      %swap3A_274 = tpu.vector_load %arg10[%swap3A_272, %swap3A_273] {strides = array<i32>} : memref<64x128xi32, #tpu.memory_space<vmem>>, vector<16xi32>,
      tpu.vector_store %arg10[%swap3A_272, %swap3A_273], %add3A_271 {strides = array<i32>} : memref<64x128xi32, #tpu.memory_space<vmem>>, vector<16xi32>,
      %scan3A_275 = arith.constant 0 : i32
      scf.yield %scan3A_275 : i32
    }
    %scan3A_54 = arith.constant 64 : i32
    %get3A_55 = arith.constant 96 : index
    %get3A_56 = tpu.vector_load %arg9[%get3A_55] {strides = array<i32>} : memref<128xi32, #tpu.memory_space<vmem>>, vector<16xi32>,
    %scan3A_57 = arith.constant 0 : i32
    %scan3A_58 = arith.constant 0 : i32
    %scan3A_59 = arith.constant 64 : i32
    %scan3A_60 = arith.addi %scan3A_58, %scan3A_59 : i32
    %scan3A_61 = arith.constant 1 : i32
    %scan3A_62 = scf.for %scan3A_266 = %scan3A_58 to %scan3A_60 step %scan3A_61 iter_args(%scan3A_267 = %scan3A_57) -> (i32)  : i32 {
      %mul3A_268 = arith.constant 100352 : i32
      %mul3A_269 = arith.muli %scan3A_266, %mul3A_268 : i32
      %add3A_270 = vector.broadcast %mul3A_269 : i32 to vector<16xi32>
      %add3A_271 = arith.addi %get3A_56, %add3A_270 : vector<16xi32>
      %swap3A_272 = arith.index_cast %scan3A_266 : i32 to index
      %swap3A_273 = arith.constant 96 : index
      %swap3A_274 = tpu.vector_load %arg10[%swap3A_272, %swap3A_273] {strides = array<i32>} : memref<64x128xi32, #tpu.memory_space<vmem>>, vector<16xi32>,
      tpu.vector_store %arg10[%swap3A_272, %swap3A_273], %add3A_271 {strides = array<i32>} : memref<64x128xi32, #tpu.memory_space<vmem>>, vector<16xi32>,
      %scan3A_275 = arith.constant 0 : i32
      scf.yield %scan3A_275 : i32
    }
    %scan3A_63 = arith.constant 64 : i32
    %get3A_64 = arith.constant 112 : index
    %get3A_65 = tpu.vector_load %arg9[%get3A_64] {strides = array<i32>} : memref<128xi32, #tpu.memory_space<vmem>>, vector<16xi32>,
    %scan3A_66 = arith.constant 0 : i32
    %scan3A_67 = arith.constant 0 : i32
    %scan3A_68 = arith.constant 64 : i32
    %scan3A_69 = arith.addi %scan3A_67, %scan3A_68 : i32
    %scan3A_70 = arith.constant 1 : i32
    %scan3A_71 = scf.for %scan3A_266 = %scan3A_67 to %scan3A_69 step %scan3A_70 iter_args(%scan3A_267 = %scan3A_66) -> (i32)  : i32 {
      %mul3A_268 = arith.constant 100352 : i32
      %mul3A_269 = arith.muli %scan3A_266, %mul3A_268 : i32
      %add3A_270 = vector.broadcast %mul3A_269 : i32 to vector<16xi32>
      %add3A_271 = arith.addi %get3A_65, %add3A_270 : vector<16xi32>
      %swap3A_272 = arith.index_cast %scan3A_266 : i32 to index
      %swap3A_273 = arith.constant 112 : index
      %swap3A_274 = tpu.vector_load %arg10[%swap3A_272, %swap3A_273] {strides = array<i32>} : memref<64x128xi32, #tpu.memory_space<vmem>>, vector<16xi32>,
      tpu.vector_store %arg10[%swap3A_272, %swap3A_273], %add3A_271 {strides = array<i32>} : memref<64x128xi32, #tpu.memory_space<vmem>>, vector<16xi32>,
      %scan3A_275 = arith.constant 0 : i32
      scf.yield %scan3A_275 : i32
    }
    %scan3A_72 = arith.constant 64 : i32
    %scan3A_73 = arith.constant 0 : i32
    %scan3A_74 = arith.constant 0 : i32
    %scan3A_75 = arith.constant 64 : i32
    %scan3A_76 = arith.addi %scan3A_74, %scan3A_75 : i32
    %scan3A_77 = arith.constant 1 : i32
    %scan3A_78 = scf.for %scan3A_266 = %scan3A_74 to %scan3A_76 step %scan3A_77 iter_args(%scan3A_267 = %scan3A_73) -> (i32)  : i32 {
      %dma_start3A_268 = arith.constant 0 : i32
      %dma_start3A_269 = tpu.memref_slice %arg11[%scan3A_266, %dma_start3A_268] : memref<64x128xf32, #tpu.memory_space<vmem>> -> memref<1x128xf32, #tpu.memory_space<vmem>>
      %dma_start3A_270 = tpu.memref_squeeze %dma_start3A_269 : memref<1x128xf32, #tpu.memory_space<vmem>> -> memref<128xf32, #tpu.memory_space<vmem>>
      %dma_start3A_271 = arith.constant 0 : i32
      %dma_start3A_272 = tpu.memref_slice %arg10[%scan3A_266, %dma_start3A_271] : memref<64x128xi32, #tpu.memory_space<vmem>> -> memref<1x128xi32, #tpu.memory_space<vmem>>
      %dma_start3A_273 = tpu.memref_squeeze %dma_start3A_272 : memref<1x128xi32, #tpu.memory_space<vmem>> -> memref<128xi32, #tpu.memory_space<vmem>>
      %dma_start3A_274 = arith.constant 0 : i32
      %dma_start3A_275 = tpu.memref_slice %arg3[%dma_start3A_274] : memref<6422528xf32, #tpu.memory_space<hbm>> -> memref<6422528xf32, #tpu.memory_space<hbm>>
      tpu.enqueue_indirect_dma source(%dma_start3A_275 : memref<6422528xf32, #tpu.memory_space<hbm>>) target(%dma_start3A_270 : memref<128xf32, #tpu.memory_space<vmem>>) offsets(%dma_start3A_273 : memref<128xi32, #tpu.memory_space<vmem>>) semaphore(%arg17 : memref<!tpu.dma_semaphore, #tpu.memory_space<semaphore_mem>>)
      %scan3A_276 = arith.constant 0 : i32
      scf.yield %scan3A_276 : i32
    }
    %scan3A_79 = arith.constant 64 : i32
    %dma_start3A = arith.constant 0 : i32
    %dma_start3A_80 = arith.constant 0 : i32
    %dma_start3A_81 = tpu.memref_slice %arg4[%add3A, %dma_start3A, %dma_start3A_80] : memref<32x64x128xf32, #tpu.memory_space<hbm>> -> memref<1x64x128xf32, #tpu.memory_space<hbm>>
    %dma_start3A_82 = tpu.memref_squeeze %dma_start3A_81 : memref<1x64x128xf32, #tpu.memory_space<hbm>> -> memref<64x128xf32, #tpu.memory_space<hbm>>
    %dma_start3A_83 = arith.constant 0 : i32
    %dma_start3A_84 = arith.constant 0 : i32
    %dma_start3A_85 = tpu.memref_slice %arg4[%add3A, %dma_start3A_83, %dma_start3A_84] : memref<32x64x128xf32, #tpu.memory_space<hbm>> -> memref<1x64x128xf32, #tpu.memory_space<hbm>>
    %dma_start3A_86 = tpu.memref_squeeze %dma_start3A_85 : memref<1x64x128xf32, #tpu.memory_space<hbm>> -> memref<64x128xf32, #tpu.memory_space<hbm>>
    tpu.enqueue_dma source(%dma_start3A_86 : memref<64x128xf32, #tpu.memory_space<hbm>>) target(%arg12 : memref<64x128xf32, #tpu.memory_space<vmem>>) target_semaphore(%arg18 : memref<!tpu.dma_semaphore, #tpu.memory_space<semaphore_mem>>)
    %dma_start3A_87 = arith.constant 0 : i32
    %dma_start3A_88 = arith.constant 0 : i32
    %dma_start3A_89 = tpu.memref_slice %arg5[%add3A, %dma_start3A_87, %dma_start3A_88] : memref<32x64x128xf32, #tpu.memory_space<hbm>> -> memref<1x64x128xf32, #tpu.memory_space<hbm>>
    %dma_start3A_90 = tpu.memref_squeeze %dma_start3A_89 : memref<1x64x128xf32, #tpu.memory_space<hbm>> -> memref<64x128xf32, #tpu.memory_space<hbm>>
    %dma_start3A_91 = arith.constant 0 : i32
    %dma_start3A_92 = arith.constant 0 : i32
    %dma_start3A_93 = tpu.memref_slice %arg5[%add3A, %dma_start3A_91, %dma_start3A_92] : memref<32x64x128xf32, #tpu.memory_space<hbm>> -> memref<1x64x128xf32, #tpu.memory_space<hbm>>
    %dma_start3A_94 = tpu.memref_squeeze %dma_start3A_93 : memref<1x64x128xf32, #tpu.memory_space<hbm>> -> memref<64x128xf32, #tpu.memory_space<hbm>>
    tpu.enqueue_dma source(%dma_start3A_94 : memref<64x128xf32, #tpu.memory_space<hbm>>) target(%arg13 : memref<64x128xf32, #tpu.memory_space<vmem>>) target_semaphore(%arg19 : memref<!tpu.dma_semaphore, #tpu.memory_space<semaphore_mem>>)
    "tpu.region"() ({
      %run_scoped3A = tpu.sem_alloc : memref<!tpu.dma_semaphore, #tpu.memory_space<semaphore_mem>>
      %dma_start3A_266 = tpu.memref_slice %arg6[%mul3A_2] : memref<4096xf32, #tpu.memory_space<hbm>> -> memref<128xf32, #tpu.memory_space<hbm>>
      %dma_start3A_267 = tpu.memref_slice %arg6[%mul3A_2] : memref<4096xf32, #tpu.memory_space<hbm>> -> memref<128xf32, #tpu.memory_space<hbm>>
      tpu.enqueue_dma source(%dma_start3A_267 : memref<128xf32, #tpu.memory_space<hbm>>) target(%arg14 : memref<128xf32, #tpu.memory_space<vmem>>) target_semaphore(%run_scoped3A : memref<!tpu.dma_semaphore, #tpu.memory_space<semaphore_mem>>)
      %dma_wait3A_268 = tpu.memref_slice %arg6[%mul3A_2] : memref<4096xf32, #tpu.memory_space<hbm>> -> memref<128xf32, #tpu.memory_space<hbm>>
      %dma_wait3A_269 = tpu.memref_slice %arg6[%mul3A_2] : memref<4096xf32, #tpu.memory_space<hbm>> -> memref<128xf32, #tpu.memory_space<hbm>>
      tpu.wait_dma2 semaphore(%run_scoped3A : memref<!tpu.dma_semaphore, #tpu.memory_space<semaphore_mem>>) src(%dma_wait3A_269 : memref<128xf32, #tpu.memory_space<hbm>>) dst(%arg14 : memref<128xf32, #tpu.memory_space<vmem>>)
      tpu.yield
    }) : () -> ()
    "tpu.region"() ({
      %run_scoped3A = tpu.sem_alloc : memref<!tpu.dma_semaphore, #tpu.memory_space<semaphore_mem>>
      %dma_start3A_266 = tpu.memref_slice %arg7[%mul3A_2] : memref<4096xf32, #tpu.memory_space<hbm>> -> memref<128xf32, #tpu.memory_space<hbm>>
      %dma_start3A_267 = tpu.memref_slice %arg7[%mul3A_2] : memref<4096xf32, #tpu.memory_space<hbm>> -> memref<128xf32, #tpu.memory_space<hbm>>
      tpu.enqueue_dma source(%dma_start3A_267 : memref<128xf32, #tpu.memory_space<hbm>>) target(%arg15 : memref<128xf32, #tpu.memory_space<vmem>>) target_semaphore(%run_scoped3A : memref<!tpu.dma_semaphore, #tpu.memory_space<semaphore_mem>>)
      %dma_wait3A_268 = tpu.memref_slice %arg7[%mul3A_2] : memref<4096xf32, #tpu.memory_space<hbm>> -> memref<128xf32, #tpu.memory_space<hbm>>
      %dma_wait3A_269 = tpu.memref_slice %arg7[%mul3A_2] : memref<4096xf32, #tpu.memory_space<hbm>> -> memref<128xf32, #tpu.memory_space<hbm>>
      tpu.wait_dma2 semaphore(%run_scoped3A : memref<!tpu.dma_semaphore, #tpu.memory_space<semaphore_mem>>) src(%dma_wait3A_269 : memref<128xf32, #tpu.memory_space<hbm>>) dst(%arg15 : memref<128xf32, #tpu.memory_space<vmem>>)
      tpu.yield
    }) : () -> ()
    %dma_wait3A = arith.constant 0 : i32
    %dma_wait3A_95 = arith.constant 0 : i32
    %dma_wait3A_96 = tpu.memref_slice %arg4[%add3A, %dma_wait3A, %dma_wait3A_95] : memref<32x64x128xf32, #tpu.memory_space<hbm>> -> memref<1x64x128xf32, #tpu.memory_space<hbm>>
    %dma_wait3A_97 = tpu.memref_squeeze %dma_wait3A_96 : memref<1x64x128xf32, #tpu.memory_space<hbm>> -> memref<64x128xf32, #tpu.memory_space<hbm>>
    %dma_wait3A_98 = arith.constant 0 : i32
    %dma_wait3A_99 = arith.constant 0 : i32
    %dma_wait3A_100 = tpu.memref_slice %arg4[%add3A, %dma_wait3A_98, %dma_wait3A_99] : memref<32x64x128xf32, #tpu.memory_space<hbm>> -> memref<1x64x128xf32, #tpu.memory_space<hbm>>
    %dma_wait3A_101 = tpu.memref_squeeze %dma_wait3A_100 : memref<1x64x128xf32, #tpu.memory_space<hbm>> -> memref<64x128xf32, #tpu.memory_space<hbm>>
    tpu.wait_dma2 semaphore(%arg18 : memref<!tpu.dma_semaphore, #tpu.memory_space<semaphore_mem>>) src(%dma_wait3A_101 : memref<64x128xf32, #tpu.memory_space<hbm>>) dst(%arg12 : memref<64x128xf32, #tpu.memory_space<vmem>>)
    %dma_wait3A_102 = arith.constant 0 : i32
    %dma_wait3A_103 = arith.constant 0 : i32
    %dma_wait3A_104 = tpu.memref_slice %arg5[%add3A, %dma_wait3A_102, %dma_wait3A_103] : memref<32x64x128xf32, #tpu.memory_space<hbm>> -> memref<1x64x128xf32, #tpu.memory_space<hbm>>
    %dma_wait3A_105 = tpu.memref_squeeze %dma_wait3A_104 : memref<1x64x128xf32, #tpu.memory_space<hbm>> -> memref<64x128xf32, #tpu.memory_space<hbm>>
    %dma_wait3A_106 = arith.constant 0 : i32
    %dma_wait3A_107 = arith.constant 0 : i32
    %dma_wait3A_108 = tpu.memref_slice %arg5[%add3A, %dma_wait3A_106, %dma_wait3A_107] : memref<32x64x128xf32, #tpu.memory_space<hbm>> -> memref<1x64x128xf32, #tpu.memory_space<hbm>>
    %dma_wait3A_109 = tpu.memref_squeeze %dma_wait3A_108 : memref<1x64x128xf32, #tpu.memory_space<hbm>> -> memref<64x128xf32, #tpu.memory_space<hbm>>
    tpu.wait_dma2 semaphore(%arg19 : memref<!tpu.dma_semaphore, #tpu.memory_space<semaphore_mem>>) src(%dma_wait3A_109 : memref<64x128xf32, #tpu.memory_space<hbm>>) dst(%arg13 : memref<64x128xf32, #tpu.memory_space<vmem>>)
    %scan3A_110 = arith.constant 0 : i32
    %scan3A_111 = arith.constant 0 : i32
    %scan3A_112 = arith.constant 64 : i32
    %scan3A_113 = arith.addi %scan3A_111, %scan3A_112 : i32
    %scan3A_114 = arith.constant 1 : i32
    %scan3A_115 = scf.for %scan3A_266 = %scan3A_111 to %scan3A_113 step %scan3A_114 iter_args(%scan3A_267 = %scan3A_110) -> (i32)  : i32 {
      %dma_wait3A_268 = arith.constant 0 : i32
      %dma_wait3A_269 = tpu.memref_slice %arg11[%scan3A_266, %dma_wait3A_268] : memref<64x128xf32, #tpu.memory_space<vmem>> -> memref<1x128xf32, #tpu.memory_space<vmem>>
      %dma_wait3A_270 = tpu.memref_squeeze %dma_wait3A_269 : memref<1x128xf32, #tpu.memory_space<vmem>> -> memref<128xf32, #tpu.memory_space<vmem>>
      %dma_wait3A_271 = arith.constant 0 : i32
      %dma_wait3A_272 = tpu.memref_slice %arg10[%scan3A_266, %dma_wait3A_271] : memref<64x128xi32, #tpu.memory_space<vmem>> -> memref<1x128xi32, #tpu.memory_space<vmem>>
      %dma_wait3A_273 = tpu.memref_squeeze %dma_wait3A_272 : memref<1x128xi32, #tpu.memory_space<vmem>> -> memref<128xi32, #tpu.memory_space<vmem>>
      %dma_wait3A_274 = arith.constant 0 : i32
      %dma_wait3A_275 = tpu.memref_slice %arg3[%dma_wait3A_274] : memref<6422528xf32, #tpu.memory_space<hbm>> -> memref<6422528xf32, #tpu.memory_space<hbm>>
      tpu.wait_indirect_dma semaphore(%arg17 : memref<!tpu.dma_semaphore, #tpu.memory_space<semaphore_mem>>) src(%dma_wait3A_275 : memref<6422528xf32, #tpu.memory_space<hbm>>) dst(%dma_wait3A_270 : memref<128xf32, #tpu.memory_space<vmem>>)
      %scan3A_276 = arith.constant 0 : i32
      scf.yield %scan3A_276 : i32
    }
    %scan3A_116 = arith.constant 64 : i32
    %broadcast_in_dim3A = arith.constant 0.000000e+00 : f32
    %broadcast_in_dim3A_117 = vector.broadcast %broadcast_in_dim3A : f32 to vector<16xf32>
    %scan3A_118 = arith.constant 0 : i32
    %scan3A_119 = arith.constant 64 : i32
    %scan3A_120 = arith.addi %scan3A_118, %scan3A_119 : i32
    %scan3A_121 = arith.constant 1 : i32
    %scan3A_122 = scf.for %scan3A_266 = %scan3A_118 to %scan3A_120 step %scan3A_121 iter_args(%scan3A_267 = %broadcast_in_dim3A_117) -> (vector<16xf32>)  : i32 {
      %get3A_268 = arith.index_cast %scan3A_266 : i32 to index
      %get3A_269 = arith.constant 0 : index
      %get3A_270 = tpu.vector_load %arg11[%get3A_268, %get3A_269] {strides = array<i32>} : memref<64x128xf32, #tpu.memory_space<vmem>>, vector<16xf32>,
      %get3A_271 = arith.index_cast %scan3A_266 : i32 to index
      %get3A_272 = arith.constant 0 : index
      %get3A_273 = tpu.vector_load %arg12[%get3A_271, %get3A_272] {strides = array<i32>} : memref<64x128xf32, #tpu.memory_space<vmem>>, vector<16xf32>,
      %get3A_274 = arith.index_cast %scan3A_266 : i32 to index
      %get3A_275 = arith.constant 0 : index
      %get3A_276 = tpu.vector_load %arg13[%get3A_274, %get3A_275] {strides = array<i32>} : memref<64x128xf32, #tpu.memory_space<vmem>>, vector<16xf32>,
      %add3A_277 = arith.addf %get3A_270, %get3A_273 : vector<16xf32>
      %add3A_278 = arith.addf %add3A_277, %get3A_276 : vector<16xf32>
      %mul3A_279 = arith.mulf %add3A_278, %add3A_278 : vector<16xf32>
      %mul3A_280 = arith.mulf %get3A_270, %get3A_270 : vector<16xf32>
      %sub3A_281 = arith.subf %mul3A_279, %mul3A_280 : vector<16xf32>
      %add3A_282 = arith.addf %scan3A_267, %sub3A_281 : vector<16xf32>
      scf.yield %add3A_282 : vector<16xf32>
    }
    %scan3A_123 = arith.constant 64 : i32
    %get3A_124 = arith.constant 0 : index
    %get3A_125 = tpu.vector_load %arg14[%get3A_124] {strides = array<i32>} : memref<128xf32, #tpu.memory_space<vmem>>, vector<16xf32>,
    %get3A_126 = arith.constant 0 : index
    %get3A_127 = tpu.vector_load %arg15[%get3A_126] {strides = array<i32>} : memref<128xf32, #tpu.memory_space<vmem>>, vector<16xf32>,
    %add3A_128 = arith.addf %get3A_125, %get3A_127 : vector<16xf32>
    %sub3A = arith.subf %scan3A_122, %add3A_128 : vector<16xf32>
    %mul3A_129 = arith.constant 5.000000e-01 : f32
    %mul3A_130 = vector.broadcast %mul3A_129 : f32 to vector<16xf32>
    %mul3A_131 = arith.mulf %mul3A_130, %sub3A : vector<16xf32>
    %swap3A = arith.constant 0 : index
    %swap3A_132 = tpu.vector_load %arg16[%swap3A] {strides = array<i32>} : memref<128xf32, #tpu.memory_space<vmem>>, vector<16xf32>,
    tpu.vector_store %arg16[%swap3A], %mul3A_131 {strides = array<i32>} : memref<128xf32, #tpu.memory_space<vmem>>, vector<16xf32>,
    %broadcast_in_dim3A_133 = arith.constant 0.000000e+00 : f32
    %broadcast_in_dim3A_134 = vector.broadcast %broadcast_in_dim3A_133 : f32 to vector<16xf32>
    %scan3A_135 = arith.constant 0 : i32
    %scan3A_136 = arith.constant 64 : i32
    %scan3A_137 = arith.addi %scan3A_135, %scan3A_136 : i32
    %scan3A_138 = arith.constant 1 : i32
    %scan3A_139 = scf.for %scan3A_266 = %scan3A_135 to %scan3A_137 step %scan3A_138 iter_args(%scan3A_267 = %broadcast_in_dim3A_134) -> (vector<16xf32>)  : i32 {
      %get3A_268 = arith.index_cast %scan3A_266 : i32 to index
      %get3A_269 = arith.constant 16 : index
      %get3A_270 = tpu.vector_load %arg11[%get3A_268, %get3A_269] {strides = array<i32>} : memref<64x128xf32, #tpu.memory_space<vmem>>, vector<16xf32>,
      %get3A_271 = arith.index_cast %scan3A_266 : i32 to index
      %get3A_272 = arith.constant 16 : index
      %get3A_273 = tpu.vector_load %arg12[%get3A_271, %get3A_272] {strides = array<i32>} : memref<64x128xf32, #tpu.memory_space<vmem>>, vector<16xf32>,
      %get3A_274 = arith.index_cast %scan3A_266 : i32 to index
      %get3A_275 = arith.constant 16 : index
      %get3A_276 = tpu.vector_load %arg13[%get3A_274, %get3A_275] {strides = array<i32>} : memref<64x128xf32, #tpu.memory_space<vmem>>, vector<16xf32>,
      %add3A_277 = arith.addf %get3A_270, %get3A_273 : vector<16xf32>
      %add3A_278 = arith.addf %add3A_277, %get3A_276 : vector<16xf32>
      %mul3A_279 = arith.mulf %add3A_278, %add3A_278 : vector<16xf32>
      %mul3A_280 = arith.mulf %get3A_270, %get3A_270 : vector<16xf32>
      %sub3A_281 = arith.subf %mul3A_279, %mul3A_280 : vector<16xf32>
      %add3A_282 = arith.addf %scan3A_267, %sub3A_281 : vector<16xf32>
      scf.yield %add3A_282 : vector<16xf32>
    }
    %scan3A_140 = arith.constant 64 : i32
    %get3A_141 = arith.constant 16 : index
    %get3A_142 = tpu.vector_load %arg14[%get3A_141] {strides = array<i32>} : memref<128xf32, #tpu.memory_space<vmem>>, vector<16xf32>,
    %get3A_143 = arith.constant 16 : index
    %get3A_144 = tpu.vector_load %arg15[%get3A_143] {strides = array<i32>} : memref<128xf32, #tpu.memory_space<vmem>>, vector<16xf32>,
    %add3A_145 = arith.addf %get3A_142, %get3A_144 : vector<16xf32>
    %sub3A_146 = arith.subf %scan3A_139, %add3A_145 : vector<16xf32>
    %mul3A_147 = arith.constant 5.000000e-01 : f32
    %mul3A_148 = vector.broadcast %mul3A_147 : f32 to vector<16xf32>
    %mul3A_149 = arith.mulf %mul3A_148, %sub3A_146 : vector<16xf32>
    %swap3A_150 = arith.constant 16 : index
    %swap3A_151 = tpu.vector_load %arg16[%swap3A_150] {strides = array<i32>} : memref<128xf32, #tpu.memory_space<vmem>>, vector<16xf32>,
    tpu.vector_store %arg16[%swap3A_150], %mul3A_149 {strides = array<i32>} : memref<128xf32, #tpu.memory_space<vmem>>, vector<16xf32>,
    %broadcast_in_dim3A_152 = arith.constant 0.000000e+00 : f32
    %broadcast_in_dim3A_153 = vector.broadcast %broadcast_in_dim3A_152 : f32 to vector<16xf32>
    %scan3A_154 = arith.constant 0 : i32
    %scan3A_155 = arith.constant 64 : i32
    %scan3A_156 = arith.addi %scan3A_154, %scan3A_155 : i32
    %scan3A_157 = arith.constant 1 : i32
    %scan3A_158 = scf.for %scan3A_266 = %scan3A_154 to %scan3A_156 step %scan3A_157 iter_args(%scan3A_267 = %broadcast_in_dim3A_153) -> (vector<16xf32>)  : i32 {
      %get3A_268 = arith.index_cast %scan3A_266 : i32 to index
      %get3A_269 = arith.constant 32 : index
      %get3A_270 = tpu.vector_load %arg11[%get3A_268, %get3A_269] {strides = array<i32>} : memref<64x128xf32, #tpu.memory_space<vmem>>, vector<16xf32>,
      %get3A_271 = arith.index_cast %scan3A_266 : i32 to index
      %get3A_272 = arith.constant 32 : index
      %get3A_273 = tpu.vector_load %arg12[%get3A_271, %get3A_272] {strides = array<i32>} : memref<64x128xf32, #tpu.memory_space<vmem>>, vector<16xf32>,
      %get3A_274 = arith.index_cast %scan3A_266 : i32 to index
      %get3A_275 = arith.constant 32 : index
      %get3A_276 = tpu.vector_load %arg13[%get3A_274, %get3A_275] {strides = array<i32>} : memref<64x128xf32, #tpu.memory_space<vmem>>, vector<16xf32>,
      %add3A_277 = arith.addf %get3A_270, %get3A_273 : vector<16xf32>
      %add3A_278 = arith.addf %add3A_277, %get3A_276 : vector<16xf32>
      %mul3A_279 = arith.mulf %add3A_278, %add3A_278 : vector<16xf32>
      %mul3A_280 = arith.mulf %get3A_270, %get3A_270 : vector<16xf32>
      %sub3A_281 = arith.subf %mul3A_279, %mul3A_280 : vector<16xf32>
      %add3A_282 = arith.addf %scan3A_267, %sub3A_281 : vector<16xf32>
      scf.yield %add3A_282 : vector<16xf32>
    }
    %scan3A_159 = arith.constant 64 : i32
    %get3A_160 = arith.constant 32 : index
    %get3A_161 = tpu.vector_load %arg14[%get3A_160] {strides = array<i32>} : memref<128xf32, #tpu.memory_space<vmem>>, vector<16xf32>,
    %get3A_162 = arith.constant 32 : index
    %get3A_163 = tpu.vector_load %arg15[%get3A_162] {strides = array<i32>} : memref<128xf32, #tpu.memory_space<vmem>>, vector<16xf32>,
    %add3A_164 = arith.addf %get3A_161, %get3A_163 : vector<16xf32>
    %sub3A_165 = arith.subf %scan3A_158, %add3A_164 : vector<16xf32>
    %mul3A_166 = arith.constant 5.000000e-01 : f32
    %mul3A_167 = vector.broadcast %mul3A_166 : f32 to vector<16xf32>
    %mul3A_168 = arith.mulf %mul3A_167, %sub3A_165 : vector<16xf32>
    %swap3A_169 = arith.constant 32 : index
    %swap3A_170 = tpu.vector_load %arg16[%swap3A_169] {strides = array<i32>} : memref<128xf32, #tpu.memory_space<vmem>>, vector<16xf32>,
    tpu.vector_store %arg16[%swap3A_169], %mul3A_168 {strides = array<i32>} : memref<128xf32, #tpu.memory_space<vmem>>, vector<16xf32>,
    %broadcast_in_dim3A_171 = arith.constant 0.000000e+00 : f32
    %broadcast_in_dim3A_172 = vector.broadcast %broadcast_in_dim3A_171 : f32 to vector<16xf32>
    %scan3A_173 = arith.constant 0 : i32
    %scan3A_174 = arith.constant 64 : i32
    %scan3A_175 = arith.addi %scan3A_173, %scan3A_174 : i32
    %scan3A_176 = arith.constant 1 : i32
    %scan3A_177 = scf.for %scan3A_266 = %scan3A_173 to %scan3A_175 step %scan3A_176 iter_args(%scan3A_267 = %broadcast_in_dim3A_172) -> (vector<16xf32>)  : i32 {
      %get3A_268 = arith.index_cast %scan3A_266 : i32 to index
      %get3A_269 = arith.constant 48 : index
      %get3A_270 = tpu.vector_load %arg11[%get3A_268, %get3A_269] {strides = array<i32>} : memref<64x128xf32, #tpu.memory_space<vmem>>, vector<16xf32>,
      %get3A_271 = arith.index_cast %scan3A_266 : i32 to index
      %get3A_272 = arith.constant 48 : index
      %get3A_273 = tpu.vector_load %arg12[%get3A_271, %get3A_272] {strides = array<i32>} : memref<64x128xf32, #tpu.memory_space<vmem>>, vector<16xf32>,
      %get3A_274 = arith.index_cast %scan3A_266 : i32 to index
      %get3A_275 = arith.constant 48 : index
      %get3A_276 = tpu.vector_load %arg13[%get3A_274, %get3A_275] {strides = array<i32>} : memref<64x128xf32, #tpu.memory_space<vmem>>, vector<16xf32>,
      %add3A_277 = arith.addf %get3A_270, %get3A_273 : vector<16xf32>
      %add3A_278 = arith.addf %add3A_277, %get3A_276 : vector<16xf32>
      %mul3A_279 = arith.mulf %add3A_278, %add3A_278 : vector<16xf32>
      %mul3A_280 = arith.mulf %get3A_270, %get3A_270 : vector<16xf32>
      %sub3A_281 = arith.subf %mul3A_279, %mul3A_280 : vector<16xf32>
      %add3A_282 = arith.addf %scan3A_267, %sub3A_281 : vector<16xf32>
      scf.yield %add3A_282 : vector<16xf32>
    }
    %scan3A_178 = arith.constant 64 : i32
    %get3A_179 = arith.constant 48 : index
    %get3A_180 = tpu.vector_load %arg14[%get3A_179] {strides = array<i32>} : memref<128xf32, #tpu.memory_space<vmem>>, vector<16xf32>,
    %get3A_181 = arith.constant 48 : index
    %get3A_182 = tpu.vector_load %arg15[%get3A_181] {strides = array<i32>} : memref<128xf32, #tpu.memory_space<vmem>>, vector<16xf32>,
    %add3A_183 = arith.addf %get3A_180, %get3A_182 : vector<16xf32>
    %sub3A_184 = arith.subf %scan3A_177, %add3A_183 : vector<16xf32>
    %mul3A_185 = arith.constant 5.000000e-01 : f32
    %mul3A_186 = vector.broadcast %mul3A_185 : f32 to vector<16xf32>
    %mul3A_187 = arith.mulf %mul3A_186, %sub3A_184 : vector<16xf32>
    %swap3A_188 = arith.constant 48 : index
    %swap3A_189 = tpu.vector_load %arg16[%swap3A_188] {strides = array<i32>} : memref<128xf32, #tpu.memory_space<vmem>>, vector<16xf32>,
    tpu.vector_store %arg16[%swap3A_188], %mul3A_187 {strides = array<i32>} : memref<128xf32, #tpu.memory_space<vmem>>, vector<16xf32>,
    %broadcast_in_dim3A_190 = arith.constant 0.000000e+00 : f32
    %broadcast_in_dim3A_191 = vector.broadcast %broadcast_in_dim3A_190 : f32 to vector<16xf32>
    %scan3A_192 = arith.constant 0 : i32
    %scan3A_193 = arith.constant 64 : i32
    %scan3A_194 = arith.addi %scan3A_192, %scan3A_193 : i32
    %scan3A_195 = arith.constant 1 : i32
    %scan3A_196 = scf.for %scan3A_266 = %scan3A_192 to %scan3A_194 step %scan3A_195 iter_args(%scan3A_267 = %broadcast_in_dim3A_191) -> (vector<16xf32>)  : i32 {
      %get3A_268 = arith.index_cast %scan3A_266 : i32 to index
      %get3A_269 = arith.constant 64 : index
      %get3A_270 = tpu.vector_load %arg11[%get3A_268, %get3A_269] {strides = array<i32>} : memref<64x128xf32, #tpu.memory_space<vmem>>, vector<16xf32>,
      %get3A_271 = arith.index_cast %scan3A_266 : i32 to index
      %get3A_272 = arith.constant 64 : index
      %get3A_273 = tpu.vector_load %arg12[%get3A_271, %get3A_272] {strides = array<i32>} : memref<64x128xf32, #tpu.memory_space<vmem>>, vector<16xf32>,
      %get3A_274 = arith.index_cast %scan3A_266 : i32 to index
      %get3A_275 = arith.constant 64 : index
      %get3A_276 = tpu.vector_load %arg13[%get3A_274, %get3A_275] {strides = array<i32>} : memref<64x128xf32, #tpu.memory_space<vmem>>, vector<16xf32>,
      %add3A_277 = arith.addf %get3A_270, %get3A_273 : vector<16xf32>
      %add3A_278 = arith.addf %add3A_277, %get3A_276 : vector<16xf32>
      %mul3A_279 = arith.mulf %add3A_278, %add3A_278 : vector<16xf32>
      %mul3A_280 = arith.mulf %get3A_270, %get3A_270 : vector<16xf32>
      %sub3A_281 = arith.subf %mul3A_279, %mul3A_280 : vector<16xf32>
      %add3A_282 = arith.addf %scan3A_267, %sub3A_281 : vector<16xf32>
      scf.yield %add3A_282 : vector<16xf32>
    }
    %scan3A_197 = arith.constant 64 : i32
    %get3A_198 = arith.constant 64 : index
    %get3A_199 = tpu.vector_load %arg14[%get3A_198] {strides = array<i32>} : memref<128xf32, #tpu.memory_space<vmem>>, vector<16xf32>,
    %get3A_200 = arith.constant 64 : index
    %get3A_201 = tpu.vector_load %arg15[%get3A_200] {strides = array<i32>} : memref<128xf32, #tpu.memory_space<vmem>>, vector<16xf32>,
    %add3A_202 = arith.addf %get3A_199, %get3A_201 : vector<16xf32>
    %sub3A_203 = arith.subf %scan3A_196, %add3A_202 : vector<16xf32>
    %mul3A_204 = arith.constant 5.000000e-01 : f32
    %mul3A_205 = vector.broadcast %mul3A_204 : f32 to vector<16xf32>
    %mul3A_206 = arith.mulf %mul3A_205, %sub3A_203 : vector<16xf32>
    %swap3A_207 = arith.constant 64 : index
    %swap3A_208 = tpu.vector_load %arg16[%swap3A_207] {strides = array<i32>} : memref<128xf32, #tpu.memory_space<vmem>>, vector<16xf32>,
    tpu.vector_store %arg16[%swap3A_207], %mul3A_206 {strides = array<i32>} : memref<128xf32, #tpu.memory_space<vmem>>, vector<16xf32>,
    %broadcast_in_dim3A_209 = arith.constant 0.000000e+00 : f32
    %broadcast_in_dim3A_210 = vector.broadcast %broadcast_in_dim3A_209 : f32 to vector<16xf32>
    %scan3A_211 = arith.constant 0 : i32
    %scan3A_212 = arith.constant 64 : i32
    %scan3A_213 = arith.addi %scan3A_211, %scan3A_212 : i32
    %scan3A_214 = arith.constant 1 : i32
    %scan3A_215 = scf.for %scan3A_266 = %scan3A_211 to %scan3A_213 step %scan3A_214 iter_args(%scan3A_267 = %broadcast_in_dim3A_210) -> (vector<16xf32>)  : i32 {
      %get3A_268 = arith.index_cast %scan3A_266 : i32 to index
      %get3A_269 = arith.constant 80 : index
      %get3A_270 = tpu.vector_load %arg11[%get3A_268, %get3A_269] {strides = array<i32>} : memref<64x128xf32, #tpu.memory_space<vmem>>, vector<16xf32>,
      %get3A_271 = arith.index_cast %scan3A_266 : i32 to index
      %get3A_272 = arith.constant 80 : index
      %get3A_273 = tpu.vector_load %arg12[%get3A_271, %get3A_272] {strides = array<i32>} : memref<64x128xf32, #tpu.memory_space<vmem>>, vector<16xf32>,
      %get3A_274 = arith.index_cast %scan3A_266 : i32 to index
      %get3A_275 = arith.constant 80 : index
      %get3A_276 = tpu.vector_load %arg13[%get3A_274, %get3A_275] {strides = array<i32>} : memref<64x128xf32, #tpu.memory_space<vmem>>, vector<16xf32>,
      %add3A_277 = arith.addf %get3A_270, %get3A_273 : vector<16xf32>
      %add3A_278 = arith.addf %add3A_277, %get3A_276 : vector<16xf32>
      %mul3A_279 = arith.mulf %add3A_278, %add3A_278 : vector<16xf32>
      %mul3A_280 = arith.mulf %get3A_270, %get3A_270 : vector<16xf32>
      %sub3A_281 = arith.subf %mul3A_279, %mul3A_280 : vector<16xf32>
      %add3A_282 = arith.addf %scan3A_267, %sub3A_281 : vector<16xf32>
      scf.yield %add3A_282 : vector<16xf32>
    }
    %scan3A_216 = arith.constant 64 : i32
    %get3A_217 = arith.constant 80 : index
    %get3A_218 = tpu.vector_load %arg14[%get3A_217] {strides = array<i32>} : memref<128xf32, #tpu.memory_space<vmem>>, vector<16xf32>,
    %get3A_219 = arith.constant 80 : index
    %get3A_220 = tpu.vector_load %arg15[%get3A_219] {strides = array<i32>} : memref<128xf32, #tpu.memory_space<vmem>>, vector<16xf32>,
    %add3A_221 = arith.addf %get3A_218, %get3A_220 : vector<16xf32>
    %sub3A_222 = arith.subf %scan3A_215, %add3A_221 : vector<16xf32>
    %mul3A_223 = arith.constant 5.000000e-01 : f32
    %mul3A_224 = vector.broadcast %mul3A_223 : f32 to vector<16xf32>
    %mul3A_225 = arith.mulf %mul3A_224, %sub3A_222 : vector<16xf32>
    %swap3A_226 = arith.constant 80 : index
    %swap3A_227 = tpu.vector_load %arg16[%swap3A_226] {strides = array<i32>} : memref<128xf32, #tpu.memory_space<vmem>>, vector<16xf32>,
    tpu.vector_store %arg16[%swap3A_226], %mul3A_225 {strides = array<i32>} : memref<128xf32, #tpu.memory_space<vmem>>, vector<16xf32>,
    %broadcast_in_dim3A_228 = arith.constant 0.000000e+00 : f32
    %broadcast_in_dim3A_229 = vector.broadcast %broadcast_in_dim3A_228 : f32 to vector<16xf32>
    %scan3A_230 = arith.constant 0 : i32
    %scan3A_231 = arith.constant 64 : i32
    %scan3A_232 = arith.addi %scan3A_230, %scan3A_231 : i32
    %scan3A_233 = arith.constant 1 : i32
    %scan3A_234 = scf.for %scan3A_266 = %scan3A_230 to %scan3A_232 step %scan3A_233 iter_args(%scan3A_267 = %broadcast_in_dim3A_229) -> (vector<16xf32>)  : i32 {
      %get3A_268 = arith.index_cast %scan3A_266 : i32 to index
      %get3A_269 = arith.constant 96 : index
      %get3A_270 = tpu.vector_load %arg11[%get3A_268, %get3A_269] {strides = array<i32>} : memref<64x128xf32, #tpu.memory_space<vmem>>, vector<16xf32>,
      %get3A_271 = arith.index_cast %scan3A_266 : i32 to index
      %get3A_272 = arith.constant 96 : index
      %get3A_273 = tpu.vector_load %arg12[%get3A_271, %get3A_272] {strides = array<i32>} : memref<64x128xf32, #tpu.memory_space<vmem>>, vector<16xf32>,
      %get3A_274 = arith.index_cast %scan3A_266 : i32 to index
      %get3A_275 = arith.constant 96 : index
      %get3A_276 = tpu.vector_load %arg13[%get3A_274, %get3A_275] {strides = array<i32>} : memref<64x128xf32, #tpu.memory_space<vmem>>, vector<16xf32>,
      %add3A_277 = arith.addf %get3A_270, %get3A_273 : vector<16xf32>
      %add3A_278 = arith.addf %add3A_277, %get3A_276 : vector<16xf32>
      %mul3A_279 = arith.mulf %add3A_278, %add3A_278 : vector<16xf32>
      %mul3A_280 = arith.mulf %get3A_270, %get3A_270 : vector<16xf32>
      %sub3A_281 = arith.subf %mul3A_279, %mul3A_280 : vector<16xf32>
      %add3A_282 = arith.addf %scan3A_267, %sub3A_281 : vector<16xf32>
      scf.yield %add3A_282 : vector<16xf32>
    }
    %scan3A_235 = arith.constant 64 : i32
    %get3A_236 = arith.constant 96 : index
    %get3A_237 = tpu.vector_load %arg14[%get3A_236] {strides = array<i32>} : memref<128xf32, #tpu.memory_space<vmem>>, vector<16xf32>,
    %get3A_238 = arith.constant 96 : index
    %get3A_239 = tpu.vector_load %arg15[%get3A_238] {strides = array<i32>} : memref<128xf32, #tpu.memory_space<vmem>>, vector<16xf32>,
    %add3A_240 = arith.addf %get3A_237, %get3A_239 : vector<16xf32>
    %sub3A_241 = arith.subf %scan3A_234, %add3A_240 : vector<16xf32>
    %mul3A_242 = arith.constant 5.000000e-01 : f32
    %mul3A_243 = vector.broadcast %mul3A_242 : f32 to vector<16xf32>
    %mul3A_244 = arith.mulf %mul3A_243, %sub3A_241 : vector<16xf32>
    %swap3A_245 = arith.constant 96 : index
    %swap3A_246 = tpu.vector_load %arg16[%swap3A_245] {strides = array<i32>} : memref<128xf32, #tpu.memory_space<vmem>>, vector<16xf32>,
    tpu.vector_store %arg16[%swap3A_245], %mul3A_244 {strides = array<i32>} : memref<128xf32, #tpu.memory_space<vmem>>, vector<16xf32>,
    %broadcast_in_dim3A_247 = arith.constant 0.000000e+00 : f32
    %broadcast_in_dim3A_248 = vector.broadcast %broadcast_in_dim3A_247 : f32 to vector<16xf32>
    %scan3A_249 = arith.constant 0 : i32
    %scan3A_250 = arith.constant 64 : i32
    %scan3A_251 = arith.addi %scan3A_249, %scan3A_250 : i32
    %scan3A_252 = arith.constant 1 : i32
    %scan3A_253 = scf.for %scan3A_266 = %scan3A_249 to %scan3A_251 step %scan3A_252 iter_args(%scan3A_267 = %broadcast_in_dim3A_248) -> (vector<16xf32>)  : i32 {
      %get3A_268 = arith.index_cast %scan3A_266 : i32 to index
      %get3A_269 = arith.constant 112 : index
      %get3A_270 = tpu.vector_load %arg11[%get3A_268, %get3A_269] {strides = array<i32>} : memref<64x128xf32, #tpu.memory_space<vmem>>, vector<16xf32>,
      %get3A_271 = arith.index_cast %scan3A_266 : i32 to index
      %get3A_272 = arith.constant 112 : index
      %get3A_273 = tpu.vector_load %arg12[%get3A_271, %get3A_272] {strides = array<i32>} : memref<64x128xf32, #tpu.memory_space<vmem>>, vector<16xf32>,
      %get3A_274 = arith.index_cast %scan3A_266 : i32 to index
      %get3A_275 = arith.constant 112 : index
      %get3A_276 = tpu.vector_load %arg13[%get3A_274, %get3A_275] {strides = array<i32>} : memref<64x128xf32, #tpu.memory_space<vmem>>, vector<16xf32>,
      %add3A_277 = arith.addf %get3A_270, %get3A_273 : vector<16xf32>
      %add3A_278 = arith.addf %add3A_277, %get3A_276 : vector<16xf32>
      %mul3A_279 = arith.mulf %add3A_278, %add3A_278 : vector<16xf32>
      %mul3A_280 = arith.mulf %get3A_270, %get3A_270 : vector<16xf32>
      %sub3A_281 = arith.subf %mul3A_279, %mul3A_280 : vector<16xf32>
      %add3A_282 = arith.addf %scan3A_267, %sub3A_281 : vector<16xf32>
      scf.yield %add3A_282 : vector<16xf32>
    }
    %scan3A_254 = arith.constant 64 : i32
    %get3A_255 = arith.constant 112 : index
    %get3A_256 = tpu.vector_load %arg14[%get3A_255] {strides = array<i32>} : memref<128xf32, #tpu.memory_space<vmem>>, vector<16xf32>,
    %get3A_257 = arith.constant 112 : index
    %get3A_258 = tpu.vector_load %arg15[%get3A_257] {strides = array<i32>} : memref<128xf32, #tpu.memory_space<vmem>>, vector<16xf32>,
    %add3A_259 = arith.addf %get3A_256, %get3A_258 : vector<16xf32>
    %sub3A_260 = arith.subf %scan3A_253, %add3A_259 : vector<16xf32>
    %mul3A_261 = arith.constant 5.000000e-01 : f32
    %mul3A_262 = vector.broadcast %mul3A_261 : f32 to vector<16xf32>
    %mul3A_263 = arith.mulf %mul3A_262, %sub3A_260 : vector<16xf32>
    %swap3A_264 = arith.constant 112 : index
    %swap3A_265 = tpu.vector_load %arg16[%swap3A_264] {strides = array<i32>} : memref<128xf32, #tpu.memory_space<vmem>>, vector<16xf32>,
    tpu.vector_store %arg16[%swap3A_264], %mul3A_263 {strides = array<i32>} : memref<128xf32, #tpu.memory_space<vmem>>, vector<16xf32>,
    "tpu.region"() ({
      %run_scoped3A = tpu.sem_alloc : memref<!tpu.dma_semaphore, #tpu.memory_space<semaphore_mem>>
      %dma_start3A_266 = tpu.memref_slice %arg8[%mul3A_2] : memref<4096xf32, #tpu.memory_space<hbm>> -> memref<128xf32, #tpu.memory_space<hbm>>
      %dma_start3A_267 = tpu.memref_slice %arg8[%mul3A_2] : memref<4096xf32, #tpu.memory_space<hbm>> -> memref<128xf32, #tpu.memory_space<hbm>>
      tpu.enqueue_dma source(%arg16 : memref<128xf32, #tpu.memory_space<vmem>>) target(%dma_start3A_267 : memref<128xf32, #tpu.memory_space<hbm>>) target_semaphore(%run_scoped3A : memref<!tpu.dma_semaphore, #tpu.memory_space<semaphore_mem>>)
      %dma_wait3A_268 = tpu.memref_slice %arg8[%mul3A_2] : memref<4096xf32, #tpu.memory_space<hbm>> -> memref<128xf32, #tpu.memory_space<hbm>>
      %dma_wait3A_269 = tpu.memref_slice %arg8[%mul3A_2] : memref<4096xf32, #tpu.memory_space<hbm>> -> memref<128xf32, #tpu.memory_space<hbm>>
      tpu.wait_dma2 semaphore(%run_scoped3A : memref<!tpu.dma_semaphore, #tpu.memory_space<semaphore_mem>>) src(%arg16 : memref<128xf32, #tpu.memory_space<vmem>>) dst(%dma_wait3A_269 : memref<128xf32, #tpu.memory_space<hbm>>)
      tpu.yield
    }) : () -> ()
    return
  }
}

#map = affine_map<(d0, d1) -> (0, 0, 0)>
#map1 = affine_map<(d0, d1) -> (0, 0)>
#map2 = affine_map<(d0, d1) -> (0)>
module attributes {stable_mosaic.version = 14 : i64} {
  func.func @k0(%arg0: i32, %arg1: i32, %arg2: memref<32x20x128xi32, #tpu.memory_space<hbm>>, %arg3: memref<1008x64xf32, #tpu.memory_space<hbm>>, %arg4: memref<32x64x128xf32, #tpu.memory_space<hbm>>, %arg5: memref<4096xf32, #tpu.memory_space<hbm>>, %arg6: memref<20x128xi32, #tpu.memory_space<vmem>>, %arg7: memref<64x128xf32, #tpu.memory_space<vmem>>, %arg8: memref<1008x64xf32, #tpu.memory_space<vmem>>, %arg9: memref<128xf32, #tpu.memory_space<vmem>>, %arg10: memref<!tpu.dma_semaphore, #tpu.memory_space<semaphore_mem>>) attributes {dimension_semantics = [#tpu.dimension_semantics<core_parallel>, #tpu.dimension_semantics<subcore_parallel>], iteration_bounds = array<i64: 2, 16>, scalar_prefetch = 0 : i64, scratch_operands = 5 : i64, tpu.core_type = #tpu.core_type<sc_vector_subcore>, window_params = [{transform_indices = #map}, {transform_indices = #map1}, {transform_indices = #map}, {transform_indices = #map2}]} {
    %mul3A = arith.constant 2 : i32
    %mul3A_0 = arith.muli %arg1, %mul3A : i32
    %add3A = arith.addi %mul3A_0, %arg0 : i32
    %mul3A_1 = arith.constant 128 : i32
    %mul3A_2 = arith.muli %add3A, %mul3A_1 : i32
    "tpu.region"() ({
      %run_scoped3A = tpu.sem_alloc : memref<!tpu.dma_semaphore, #tpu.memory_space<semaphore_mem>>
      %dma_start3A = arith.constant 0 : i32
      %dma_start3A_719 = arith.constant 0 : i32
      %dma_start3A_720 = tpu.memref_slice %arg2[%add3A, %dma_start3A, %dma_start3A_719] : memref<32x20x128xi32, #tpu.memory_space<hbm>> -> memref<1x20x128xi32, #tpu.memory_space<hbm>>
      %dma_start3A_721 = tpu.memref_squeeze %dma_start3A_720 : memref<1x20x128xi32, #tpu.memory_space<hbm>> -> memref<20x128xi32, #tpu.memory_space<hbm>>
      %dma_start3A_722 = arith.constant 0 : i32
      %dma_start3A_723 = arith.constant 0 : i32
      %dma_start3A_724 = tpu.memref_slice %arg2[%add3A, %dma_start3A_722, %dma_start3A_723] : memref<32x20x128xi32, #tpu.memory_space<hbm>> -> memref<1x20x128xi32, #tpu.memory_space<hbm>>
      %dma_start3A_725 = tpu.memref_squeeze %dma_start3A_724 : memref<1x20x128xi32, #tpu.memory_space<hbm>> -> memref<20x128xi32, #tpu.memory_space<hbm>>
      tpu.enqueue_dma source(%dma_start3A_725 : memref<20x128xi32, #tpu.memory_space<hbm>>) target(%arg6 : memref<20x128xi32, #tpu.memory_space<vmem>>) target_semaphore(%run_scoped3A : memref<!tpu.dma_semaphore, #tpu.memory_space<semaphore_mem>>)
      %dma_wait3A = arith.constant 0 : i32
      %dma_wait3A_726 = arith.constant 0 : i32
      %dma_wait3A_727 = tpu.memref_slice %arg2[%add3A, %dma_wait3A, %dma_wait3A_726] : memref<32x20x128xi32, #tpu.memory_space<hbm>> -> memref<1x20x128xi32, #tpu.memory_space<hbm>>
      %dma_wait3A_728 = tpu.memref_squeeze %dma_wait3A_727 : memref<1x20x128xi32, #tpu.memory_space<hbm>> -> memref<20x128xi32, #tpu.memory_space<hbm>>
      %dma_wait3A_729 = arith.constant 0 : i32
      %dma_wait3A_730 = arith.constant 0 : i32
      %dma_wait3A_731 = tpu.memref_slice %arg2[%add3A, %dma_wait3A_729, %dma_wait3A_730] : memref<32x20x128xi32, #tpu.memory_space<hbm>> -> memref<1x20x128xi32, #tpu.memory_space<hbm>>
      %dma_wait3A_732 = tpu.memref_squeeze %dma_wait3A_731 : memref<1x20x128xi32, #tpu.memory_space<hbm>> -> memref<20x128xi32, #tpu.memory_space<hbm>>
      tpu.wait_dma2 semaphore(%run_scoped3A : memref<!tpu.dma_semaphore, #tpu.memory_space<semaphore_mem>>) src(%dma_wait3A_732 : memref<20x128xi32, #tpu.memory_space<hbm>>) dst(%arg6 : memref<20x128xi32, #tpu.memory_space<vmem>>)
      tpu.yield
    }) : () -> ()
    tpu.enqueue_dma source(%arg3 : memref<1008x64xf32, #tpu.memory_space<hbm>>) target(%arg8 : memref<1008x64xf32, #tpu.memory_space<vmem>>) target_semaphore(%arg10 : memref<!tpu.dma_semaphore, #tpu.memory_space<semaphore_mem>>)
    tpu.wait_dma2 semaphore(%arg10 : memref<!tpu.dma_semaphore, #tpu.memory_space<semaphore_mem>>) src(%arg3 : memref<1008x64xf32, #tpu.memory_space<hbm>>) dst(%arg8 : memref<1008x64xf32, #tpu.memory_space<vmem>>)
    %iota3A = tpu.iota {dimensions = array<i32: 0>} : vector<16xi32>
    %get3A = arith.constant 0 : i32
    %get3A_3 = arith.index_cast %get3A : i32 to index
    %get3A_4 = arith.constant 0 : index
    %get3A_5 = tpu.vector_load %arg6[%get3A_3, %get3A_4] {strides = array<i32>} : memref<20x128xi32, #tpu.memory_space<vmem>>, vector<16xi32>,
    %get3A_6 = arith.constant 1 : i32
    %get3A_7 = arith.index_cast %get3A_6 : i32 to index
    %get3A_8 = arith.constant 0 : index
    %get3A_9 = tpu.vector_load %arg6[%get3A_7, %get3A_8] {strides = array<i32>} : memref<20x128xi32, #tpu.memory_space<vmem>>, vector<16xi32>,
    %get3A_10 = arith.constant 2 : i32
    %get3A_11 = arith.index_cast %get3A_10 : i32 to index
    %get3A_12 = arith.constant 0 : index
    %get3A_13 = tpu.vector_load %arg6[%get3A_11, %get3A_12] {strides = array<i32>} : memref<20x128xi32, #tpu.memory_space<vmem>>, vector<16xi32>,
    %get3A_14 = arith.constant 3 : i32
    %get3A_15 = arith.index_cast %get3A_14 : i32 to index
    %get3A_16 = arith.constant 0 : index
    %get3A_17 = tpu.vector_load %arg6[%get3A_15, %get3A_16] {strides = array<i32>} : memref<20x128xi32, #tpu.memory_space<vmem>>, vector<16xi32>,
    %get3A_18 = arith.constant 4 : i32
    %get3A_19 = arith.index_cast %get3A_18 : i32 to index
    %get3A_20 = arith.constant 0 : index
    %get3A_21 = tpu.vector_load %arg6[%get3A_19, %get3A_20] {strides = array<i32>} : memref<20x128xi32, #tpu.memory_space<vmem>>, vector<16xi32>,
    %get3A_22 = arith.constant 5 : i32
    %get3A_23 = arith.index_cast %get3A_22 : i32 to index
    %get3A_24 = arith.constant 0 : index
    %get3A_25 = tpu.vector_load %arg6[%get3A_23, %get3A_24] {strides = array<i32>} : memref<20x128xi32, #tpu.memory_space<vmem>>, vector<16xi32>,
    %get3A_26 = arith.constant 6 : i32
    %get3A_27 = arith.index_cast %get3A_26 : i32 to index
    %get3A_28 = arith.constant 0 : index
    %get3A_29 = tpu.vector_load %arg6[%get3A_27, %get3A_28] {strides = array<i32>} : memref<20x128xi32, #tpu.memory_space<vmem>>, vector<16xi32>,
    %get3A_30 = arith.constant 7 : i32
    %get3A_31 = arith.index_cast %get3A_30 : i32 to index
    %get3A_32 = arith.constant 0 : index
    %get3A_33 = tpu.vector_load %arg6[%get3A_31, %get3A_32] {strides = array<i32>} : memref<20x128xi32, #tpu.memory_space<vmem>>, vector<16xi32>,
    %get3A_34 = arith.constant 8 : i32
    %get3A_35 = arith.index_cast %get3A_34 : i32 to index
    %get3A_36 = arith.constant 0 : index
    %get3A_37 = tpu.vector_load %arg6[%get3A_35, %get3A_36] {strides = array<i32>} : memref<20x128xi32, #tpu.memory_space<vmem>>, vector<16xi32>,
    %get3A_38 = arith.constant 9 : i32
    %get3A_39 = arith.index_cast %get3A_38 : i32 to index
    %get3A_40 = arith.constant 0 : index
    %get3A_41 = tpu.vector_load %arg6[%get3A_39, %get3A_40] {strides = array<i32>} : memref<20x128xi32, #tpu.memory_space<vmem>>, vector<16xi32>,
    %get3A_42 = arith.constant 10 : i32
    %get3A_43 = arith.index_cast %get3A_42 : i32 to index
    %get3A_44 = arith.constant 0 : index
    %get3A_45 = tpu.vector_load %arg6[%get3A_43, %get3A_44] {strides = array<i32>} : memref<20x128xi32, #tpu.memory_space<vmem>>, vector<16xi32>,
    %get3A_46 = arith.constant 11 : i32
    %get3A_47 = arith.index_cast %get3A_46 : i32 to index
    %get3A_48 = arith.constant 0 : index
    %get3A_49 = tpu.vector_load %arg6[%get3A_47, %get3A_48] {strides = array<i32>} : memref<20x128xi32, #tpu.memory_space<vmem>>, vector<16xi32>,
    %get3A_50 = arith.constant 12 : i32
    %get3A_51 = arith.index_cast %get3A_50 : i32 to index
    %get3A_52 = arith.constant 0 : index
    %get3A_53 = tpu.vector_load %arg6[%get3A_51, %get3A_52] {strides = array<i32>} : memref<20x128xi32, #tpu.memory_space<vmem>>, vector<16xi32>,
    %get3A_54 = arith.constant 13 : i32
    %get3A_55 = arith.index_cast %get3A_54 : i32 to index
    %get3A_56 = arith.constant 0 : index
    %get3A_57 = tpu.vector_load %arg6[%get3A_55, %get3A_56] {strides = array<i32>} : memref<20x128xi32, #tpu.memory_space<vmem>>, vector<16xi32>,
    %get3A_58 = arith.constant 14 : i32
    %get3A_59 = arith.index_cast %get3A_58 : i32 to index
    %get3A_60 = arith.constant 0 : index
    %get3A_61 = tpu.vector_load %arg6[%get3A_59, %get3A_60] {strides = array<i32>} : memref<20x128xi32, #tpu.memory_space<vmem>>, vector<16xi32>,
    %get3A_62 = arith.constant 15 : i32
    %get3A_63 = arith.index_cast %get3A_62 : i32 to index
    %get3A_64 = arith.constant 0 : index
    %get3A_65 = tpu.vector_load %arg6[%get3A_63, %get3A_64] {strides = array<i32>} : memref<20x128xi32, #tpu.memory_space<vmem>>, vector<16xi32>,
    %get3A_66 = arith.constant 16 : i32
    %get3A_67 = arith.index_cast %get3A_66 : i32 to index
    %get3A_68 = arith.constant 0 : index
    %get3A_69 = tpu.vector_load %arg6[%get3A_67, %get3A_68] {strides = array<i32>} : memref<20x128xi32, #tpu.memory_space<vmem>>, vector<16xi32>,
    %get3A_70 = arith.constant 17 : i32
    %get3A_71 = arith.index_cast %get3A_70 : i32 to index
    %get3A_72 = arith.constant 0 : index
    %get3A_73 = tpu.vector_load %arg6[%get3A_71, %get3A_72] {strides = array<i32>} : memref<20x128xi32, #tpu.memory_space<vmem>>, vector<16xi32>,
    %get3A_74 = arith.constant 18 : i32
    %get3A_75 = arith.index_cast %get3A_74 : i32 to index
    %get3A_76 = arith.constant 0 : index
    %get3A_77 = tpu.vector_load %arg6[%get3A_75, %get3A_76] {strides = array<i32>} : memref<20x128xi32, #tpu.memory_space<vmem>>, vector<16xi32>,
    %get3A_78 = arith.constant 19 : i32
    %get3A_79 = arith.index_cast %get3A_78 : i32 to index
    %get3A_80 = arith.constant 0 : index
    %get3A_81 = tpu.vector_load %arg6[%get3A_79, %get3A_80] {strides = array<i32>} : memref<20x128xi32, #tpu.memory_space<vmem>>, vector<16xi32>,
    %broadcast_in_dim3A = arith.constant 0.000000e+00 : f32
    %broadcast_in_dim3A_82 = vector.broadcast %broadcast_in_dim3A : f32 to vector<16xf32>
    %scan3A = arith.constant 0 : i32
    %scan3A_83 = arith.constant 64 : i32
    %scan3A_84 = arith.addi %scan3A, %scan3A_83 : i32
    %scan3A_85 = arith.constant 1 : i32
    %scan3A_86 = scf.for %scan3A_719 = %scan3A to %scan3A_84 step %scan3A_85 iter_args(%scan3A_720 = %broadcast_in_dim3A_82) -> (vector<16xf32>)  : i32 {
      %broadcast_in_dim3A_721 = vector.broadcast %scan3A_719 : i32 to vector<16xi32>
      %add3A_722 = arith.addi %broadcast_in_dim3A_721, %iota3A : vector<16xi32>
      %and3A = arith.constant 63 : i32
      %and3A_723 = vector.broadcast %and3A : i32 to vector<16xi32>
      %and3A_724 = arith.andi %add3A_722, %and3A_723 : vector<16xi32>
      %gather3A = tpu.vector_load_idx %arg8[%get3A_5, %and3A_724] : memref<1008x64xf32, #tpu.memory_space<vmem>>[vector<16xi32>, vector<16xi32>], vector<16xf32>,
      %mul3A_725 = arith.mulf %gather3A, %gather3A : vector<16xf32>
      %gather3A_726 = tpu.vector_load_idx %arg8[%get3A_9, %and3A_724] : memref<1008x64xf32, #tpu.memory_space<vmem>>[vector<16xi32>, vector<16xi32>], vector<16xf32>,
      %add3A_727 = arith.addf %gather3A, %gather3A_726 : vector<16xf32>
      %mul3A_728 = arith.mulf %gather3A_726, %gather3A_726 : vector<16xf32>
      %add3A_729 = arith.addf %mul3A_725, %mul3A_728 : vector<16xf32>
      %gather3A_730 = tpu.vector_load_idx %arg8[%get3A_13, %and3A_724] : memref<1008x64xf32, #tpu.memory_space<vmem>>[vector<16xi32>, vector<16xi32>], vector<16xf32>,
      %add3A_731 = arith.addf %add3A_727, %gather3A_730 : vector<16xf32>
      %mul3A_732 = arith.mulf %gather3A_730, %gather3A_730 : vector<16xf32>
      %add3A_733 = arith.addf %add3A_729, %mul3A_732 : vector<16xf32>
      %gather3A_734 = tpu.vector_load_idx %arg8[%get3A_17, %and3A_724] : memref<1008x64xf32, #tpu.memory_space<vmem>>[vector<16xi32>, vector<16xi32>], vector<16xf32>,
      %add3A_735 = arith.addf %add3A_731, %gather3A_734 : vector<16xf32>
      %mul3A_736 = arith.mulf %gather3A_734, %gather3A_734 : vector<16xf32>
      %add3A_737 = arith.addf %add3A_733, %mul3A_736 : vector<16xf32>
      %gather3A_738 = tpu.vector_load_idx %arg8[%get3A_21, %and3A_724] : memref<1008x64xf32, #tpu.memory_space<vmem>>[vector<16xi32>, vector<16xi32>], vector<16xf32>,
      %add3A_739 = arith.addf %add3A_735, %gather3A_738 : vector<16xf32>
      %mul3A_740 = arith.mulf %gather3A_738, %gather3A_738 : vector<16xf32>
      %add3A_741 = arith.addf %add3A_737, %mul3A_740 : vector<16xf32>
      %gather3A_742 = tpu.vector_load_idx %arg8[%get3A_25, %and3A_724] : memref<1008x64xf32, #tpu.memory_space<vmem>>[vector<16xi32>, vector<16xi32>], vector<16xf32>,
      %add3A_743 = arith.addf %add3A_739, %gather3A_742 : vector<16xf32>
      %mul3A_744 = arith.mulf %gather3A_742, %gather3A_742 : vector<16xf32>
      %add3A_745 = arith.addf %add3A_741, %mul3A_744 : vector<16xf32>
      %gather3A_746 = tpu.vector_load_idx %arg8[%get3A_29, %and3A_724] : memref<1008x64xf32, #tpu.memory_space<vmem>>[vector<16xi32>, vector<16xi32>], vector<16xf32>,
      %add3A_747 = arith.addf %add3A_743, %gather3A_746 : vector<16xf32>
      %mul3A_748 = arith.mulf %gather3A_746, %gather3A_746 : vector<16xf32>
      %add3A_749 = arith.addf %add3A_745, %mul3A_748 : vector<16xf32>
      %gather3A_750 = tpu.vector_load_idx %arg8[%get3A_33, %and3A_724] : memref<1008x64xf32, #tpu.memory_space<vmem>>[vector<16xi32>, vector<16xi32>], vector<16xf32>,
      %add3A_751 = arith.addf %add3A_747, %gather3A_750 : vector<16xf32>
      %mul3A_752 = arith.mulf %gather3A_750, %gather3A_750 : vector<16xf32>
      %add3A_753 = arith.addf %add3A_749, %mul3A_752 : vector<16xf32>
      %gather3A_754 = tpu.vector_load_idx %arg8[%get3A_37, %and3A_724] : memref<1008x64xf32, #tpu.memory_space<vmem>>[vector<16xi32>, vector<16xi32>], vector<16xf32>,
      %add3A_755 = arith.addf %add3A_751, %gather3A_754 : vector<16xf32>
      %mul3A_756 = arith.mulf %gather3A_754, %gather3A_754 : vector<16xf32>
      %add3A_757 = arith.addf %add3A_753, %mul3A_756 : vector<16xf32>
      %gather3A_758 = tpu.vector_load_idx %arg8[%get3A_41, %and3A_724] : memref<1008x64xf32, #tpu.memory_space<vmem>>[vector<16xi32>, vector<16xi32>], vector<16xf32>,
      %add3A_759 = arith.addf %add3A_755, %gather3A_758 : vector<16xf32>
      %mul3A_760 = arith.mulf %gather3A_758, %gather3A_758 : vector<16xf32>
      %add3A_761 = arith.addf %add3A_757, %mul3A_760 : vector<16xf32>
      %gather3A_762 = tpu.vector_load_idx %arg8[%get3A_45, %and3A_724] : memref<1008x64xf32, #tpu.memory_space<vmem>>[vector<16xi32>, vector<16xi32>], vector<16xf32>,
      %add3A_763 = arith.addf %add3A_759, %gather3A_762 : vector<16xf32>
      %mul3A_764 = arith.mulf %gather3A_762, %gather3A_762 : vector<16xf32>
      %add3A_765 = arith.addf %add3A_761, %mul3A_764 : vector<16xf32>
      %gather3A_766 = tpu.vector_load_idx %arg8[%get3A_49, %and3A_724] : memref<1008x64xf32, #tpu.memory_space<vmem>>[vector<16xi32>, vector<16xi32>], vector<16xf32>,
      %add3A_767 = arith.addf %add3A_763, %gather3A_766 : vector<16xf32>
      %mul3A_768 = arith.mulf %gather3A_766, %gather3A_766 : vector<16xf32>
      %add3A_769 = arith.addf %add3A_765, %mul3A_768 : vector<16xf32>
      %gather3A_770 = tpu.vector_load_idx %arg8[%get3A_53, %and3A_724] : memref<1008x64xf32, #tpu.memory_space<vmem>>[vector<16xi32>, vector<16xi32>], vector<16xf32>,
      %add3A_771 = arith.addf %add3A_767, %gather3A_770 : vector<16xf32>
      %mul3A_772 = arith.mulf %gather3A_770, %gather3A_770 : vector<16xf32>
      %add3A_773 = arith.addf %add3A_769, %mul3A_772 : vector<16xf32>
      %gather3A_774 = tpu.vector_load_idx %arg8[%get3A_57, %and3A_724] : memref<1008x64xf32, #tpu.memory_space<vmem>>[vector<16xi32>, vector<16xi32>], vector<16xf32>,
      %add3A_775 = arith.addf %add3A_771, %gather3A_774 : vector<16xf32>
      %mul3A_776 = arith.mulf %gather3A_774, %gather3A_774 : vector<16xf32>
      %add3A_777 = arith.addf %add3A_773, %mul3A_776 : vector<16xf32>
      %gather3A_778 = tpu.vector_load_idx %arg8[%get3A_61, %and3A_724] : memref<1008x64xf32, #tpu.memory_space<vmem>>[vector<16xi32>, vector<16xi32>], vector<16xf32>,
      %add3A_779 = arith.addf %add3A_775, %gather3A_778 : vector<16xf32>
      %mul3A_780 = arith.mulf %gather3A_778, %gather3A_778 : vector<16xf32>
      %add3A_781 = arith.addf %add3A_777, %mul3A_780 : vector<16xf32>
      %gather3A_782 = tpu.vector_load_idx %arg8[%get3A_65, %and3A_724] : memref<1008x64xf32, #tpu.memory_space<vmem>>[vector<16xi32>, vector<16xi32>], vector<16xf32>,
      %add3A_783 = arith.addf %add3A_779, %gather3A_782 : vector<16xf32>
      %mul3A_784 = arith.mulf %gather3A_782, %gather3A_782 : vector<16xf32>
      %add3A_785 = arith.addf %add3A_781, %mul3A_784 : vector<16xf32>
      %gather3A_786 = tpu.vector_load_idx %arg8[%get3A_69, %and3A_724] : memref<1008x64xf32, #tpu.memory_space<vmem>>[vector<16xi32>, vector<16xi32>], vector<16xf32>,
      %add3A_787 = arith.addf %add3A_783, %gather3A_786 : vector<16xf32>
      %mul3A_788 = arith.mulf %gather3A_786, %gather3A_786 : vector<16xf32>
      %add3A_789 = arith.addf %add3A_785, %mul3A_788 : vector<16xf32>
      %gather3A_790 = tpu.vector_load_idx %arg8[%get3A_73, %and3A_724] : memref<1008x64xf32, #tpu.memory_space<vmem>>[vector<16xi32>, vector<16xi32>], vector<16xf32>,
      %add3A_791 = arith.addf %add3A_787, %gather3A_790 : vector<16xf32>
      %mul3A_792 = arith.mulf %gather3A_790, %gather3A_790 : vector<16xf32>
      %add3A_793 = arith.addf %add3A_789, %mul3A_792 : vector<16xf32>
      %gather3A_794 = tpu.vector_load_idx %arg8[%get3A_77, %and3A_724] : memref<1008x64xf32, #tpu.memory_space<vmem>>[vector<16xi32>, vector<16xi32>], vector<16xf32>,
      %add3A_795 = arith.addf %add3A_791, %gather3A_794 : vector<16xf32>
      %mul3A_796 = arith.mulf %gather3A_794, %gather3A_794 : vector<16xf32>
      %add3A_797 = arith.addf %add3A_793, %mul3A_796 : vector<16xf32>
      %gather3A_798 = tpu.vector_load_idx %arg8[%get3A_81, %and3A_724] : memref<1008x64xf32, #tpu.memory_space<vmem>>[vector<16xi32>, vector<16xi32>], vector<16xf32>,
      %add3A_799 = arith.addf %add3A_795, %gather3A_798 : vector<16xf32>
      %mul3A_800 = arith.mulf %gather3A_798, %gather3A_798 : vector<16xf32>
      %add3A_801 = arith.addf %add3A_797, %mul3A_800 : vector<16xf32>
      %add3A_802 = arith.constant 0 : i32
      %add3A_803 = vector.broadcast %add3A_802 : i32 to vector<16xi32>
      %add3A_804 = arith.addi %add3A_803, %iota3A : vector<16xi32>
      tpu.vector_store_idx %arg7[%and3A_724, %add3A_804], %add3A_799 : memref<64x128xf32, #tpu.memory_space<vmem>>[vector<16xi32>, vector<16xi32>], vector<16xf32>,
      %add3A_805 = arith.addf %scan3A_720, %add3A_801 : vector<16xf32>
      scf.yield %add3A_805 : vector<16xf32>
    }
    %scan3A_87 = arith.constant 64 : i32
    %swap3A = arith.constant 0 : index
    %swap3A_88 = tpu.vector_load %arg9[%swap3A] {strides = array<i32>} : memref<128xf32, #tpu.memory_space<vmem>>, vector<16xf32>,
    tpu.vector_store %arg9[%swap3A], %scan3A_86 {strides = array<i32>} : memref<128xf32, #tpu.memory_space<vmem>>, vector<16xf32>,
    %get3A_89 = arith.constant 0 : i32
    %get3A_90 = arith.index_cast %get3A_89 : i32 to index
    %get3A_91 = arith.constant 16 : index
    %get3A_92 = tpu.vector_load %arg6[%get3A_90, %get3A_91] {strides = array<i32>} : memref<20x128xi32, #tpu.memory_space<vmem>>, vector<16xi32>,
    %get3A_93 = arith.constant 1 : i32
    %get3A_94 = arith.index_cast %get3A_93 : i32 to index
    %get3A_95 = arith.constant 16 : index
    %get3A_96 = tpu.vector_load %arg6[%get3A_94, %get3A_95] {strides = array<i32>} : memref<20x128xi32, #tpu.memory_space<vmem>>, vector<16xi32>,
    %get3A_97 = arith.constant 2 : i32
    %get3A_98 = arith.index_cast %get3A_97 : i32 to index
    %get3A_99 = arith.constant 16 : index
    %get3A_100 = tpu.vector_load %arg6[%get3A_98, %get3A_99] {strides = array<i32>} : memref<20x128xi32, #tpu.memory_space<vmem>>, vector<16xi32>,
    %get3A_101 = arith.constant 3 : i32
    %get3A_102 = arith.index_cast %get3A_101 : i32 to index
    %get3A_103 = arith.constant 16 : index
    %get3A_104 = tpu.vector_load %arg6[%get3A_102, %get3A_103] {strides = array<i32>} : memref<20x128xi32, #tpu.memory_space<vmem>>, vector<16xi32>,
    %get3A_105 = arith.constant 4 : i32
    %get3A_106 = arith.index_cast %get3A_105 : i32 to index
    %get3A_107 = arith.constant 16 : index
    %get3A_108 = tpu.vector_load %arg6[%get3A_106, %get3A_107] {strides = array<i32>} : memref<20x128xi32, #tpu.memory_space<vmem>>, vector<16xi32>,
    %get3A_109 = arith.constant 5 : i32
    %get3A_110 = arith.index_cast %get3A_109 : i32 to index
    %get3A_111 = arith.constant 16 : index
    %get3A_112 = tpu.vector_load %arg6[%get3A_110, %get3A_111] {strides = array<i32>} : memref<20x128xi32, #tpu.memory_space<vmem>>, vector<16xi32>,
    %get3A_113 = arith.constant 6 : i32
    %get3A_114 = arith.index_cast %get3A_113 : i32 to index
    %get3A_115 = arith.constant 16 : index
    %get3A_116 = tpu.vector_load %arg6[%get3A_114, %get3A_115] {strides = array<i32>} : memref<20x128xi32, #tpu.memory_space<vmem>>, vector<16xi32>,
    %get3A_117 = arith.constant 7 : i32
    %get3A_118 = arith.index_cast %get3A_117 : i32 to index
    %get3A_119 = arith.constant 16 : index
    %get3A_120 = tpu.vector_load %arg6[%get3A_118, %get3A_119] {strides = array<i32>} : memref<20x128xi32, #tpu.memory_space<vmem>>, vector<16xi32>,
    %get3A_121 = arith.constant 8 : i32
    %get3A_122 = arith.index_cast %get3A_121 : i32 to index
    %get3A_123 = arith.constant 16 : index
    %get3A_124 = tpu.vector_load %arg6[%get3A_122, %get3A_123] {strides = array<i32>} : memref<20x128xi32, #tpu.memory_space<vmem>>, vector<16xi32>,
    %get3A_125 = arith.constant 9 : i32
    %get3A_126 = arith.index_cast %get3A_125 : i32 to index
    %get3A_127 = arith.constant 16 : index
    %get3A_128 = tpu.vector_load %arg6[%get3A_126, %get3A_127] {strides = array<i32>} : memref<20x128xi32, #tpu.memory_space<vmem>>, vector<16xi32>,
    %get3A_129 = arith.constant 10 : i32
    %get3A_130 = arith.index_cast %get3A_129 : i32 to index
    %get3A_131 = arith.constant 16 : index
    %get3A_132 = tpu.vector_load %arg6[%get3A_130, %get3A_131] {strides = array<i32>} : memref<20x128xi32, #tpu.memory_space<vmem>>, vector<16xi32>,
    %get3A_133 = arith.constant 11 : i32
    %get3A_134 = arith.index_cast %get3A_133 : i32 to index
    %get3A_135 = arith.constant 16 : index
    %get3A_136 = tpu.vector_load %arg6[%get3A_134, %get3A_135] {strides = array<i32>} : memref<20x128xi32, #tpu.memory_space<vmem>>, vector<16xi32>,
    %get3A_137 = arith.constant 12 : i32
    %get3A_138 = arith.index_cast %get3A_137 : i32 to index
    %get3A_139 = arith.constant 16 : index
    %get3A_140 = tpu.vector_load %arg6[%get3A_138, %get3A_139] {strides = array<i32>} : memref<20x128xi32, #tpu.memory_space<vmem>>, vector<16xi32>,
    %get3A_141 = arith.constant 13 : i32
    %get3A_142 = arith.index_cast %get3A_141 : i32 to index
    %get3A_143 = arith.constant 16 : index
    %get3A_144 = tpu.vector_load %arg6[%get3A_142, %get3A_143] {strides = array<i32>} : memref<20x128xi32, #tpu.memory_space<vmem>>, vector<16xi32>,
    %get3A_145 = arith.constant 14 : i32
    %get3A_146 = arith.index_cast %get3A_145 : i32 to index
    %get3A_147 = arith.constant 16 : index
    %get3A_148 = tpu.vector_load %arg6[%get3A_146, %get3A_147] {strides = array<i32>} : memref<20x128xi32, #tpu.memory_space<vmem>>, vector<16xi32>,
    %get3A_149 = arith.constant 15 : i32
    %get3A_150 = arith.index_cast %get3A_149 : i32 to index
    %get3A_151 = arith.constant 16 : index
    %get3A_152 = tpu.vector_load %arg6[%get3A_150, %get3A_151] {strides = array<i32>} : memref<20x128xi32, #tpu.memory_space<vmem>>, vector<16xi32>,
    %get3A_153 = arith.constant 16 : i32
    %get3A_154 = arith.index_cast %get3A_153 : i32 to index
    %get3A_155 = arith.constant 16 : index
    %get3A_156 = tpu.vector_load %arg6[%get3A_154, %get3A_155] {strides = array<i32>} : memref<20x128xi32, #tpu.memory_space<vmem>>, vector<16xi32>,
    %get3A_157 = arith.constant 17 : i32
    %get3A_158 = arith.index_cast %get3A_157 : i32 to index
    %get3A_159 = arith.constant 16 : index
    %get3A_160 = tpu.vector_load %arg6[%get3A_158, %get3A_159] {strides = array<i32>} : memref<20x128xi32, #tpu.memory_space<vmem>>, vector<16xi32>,
    %get3A_161 = arith.constant 18 : i32
    %get3A_162 = arith.index_cast %get3A_161 : i32 to index
    %get3A_163 = arith.constant 16 : index
    %get3A_164 = tpu.vector_load %arg6[%get3A_162, %get3A_163] {strides = array<i32>} : memref<20x128xi32, #tpu.memory_space<vmem>>, vector<16xi32>,
    %get3A_165 = arith.constant 19 : i32
    %get3A_166 = arith.index_cast %get3A_165 : i32 to index
    %get3A_167 = arith.constant 16 : index
    %get3A_168 = tpu.vector_load %arg6[%get3A_166, %get3A_167] {strides = array<i32>} : memref<20x128xi32, #tpu.memory_space<vmem>>, vector<16xi32>,
    %broadcast_in_dim3A_169 = arith.constant 0.000000e+00 : f32
    %broadcast_in_dim3A_170 = vector.broadcast %broadcast_in_dim3A_169 : f32 to vector<16xf32>
    %scan3A_171 = arith.constant 0 : i32
    %scan3A_172 = arith.constant 64 : i32
    %scan3A_173 = arith.addi %scan3A_171, %scan3A_172 : i32
    %scan3A_174 = arith.constant 1 : i32
    %scan3A_175 = scf.for %scan3A_719 = %scan3A_171 to %scan3A_173 step %scan3A_174 iter_args(%scan3A_720 = %broadcast_in_dim3A_170) -> (vector<16xf32>)  : i32 {
      %broadcast_in_dim3A_721 = vector.broadcast %scan3A_719 : i32 to vector<16xi32>
      %add3A_722 = arith.addi %broadcast_in_dim3A_721, %iota3A : vector<16xi32>
      %and3A = arith.constant 63 : i32
      %and3A_723 = vector.broadcast %and3A : i32 to vector<16xi32>
      %and3A_724 = arith.andi %add3A_722, %and3A_723 : vector<16xi32>
      %gather3A = tpu.vector_load_idx %arg8[%get3A_92, %and3A_724] : memref<1008x64xf32, #tpu.memory_space<vmem>>[vector<16xi32>, vector<16xi32>], vector<16xf32>,
      %mul3A_725 = arith.mulf %gather3A, %gather3A : vector<16xf32>
      %gather3A_726 = tpu.vector_load_idx %arg8[%get3A_96, %and3A_724] : memref<1008x64xf32, #tpu.memory_space<vmem>>[vector<16xi32>, vector<16xi32>], vector<16xf32>,
      %add3A_727 = arith.addf %gather3A, %gather3A_726 : vector<16xf32>
      %mul3A_728 = arith.mulf %gather3A_726, %gather3A_726 : vector<16xf32>
      %add3A_729 = arith.addf %mul3A_725, %mul3A_728 : vector<16xf32>
      %gather3A_730 = tpu.vector_load_idx %arg8[%get3A_100, %and3A_724] : memref<1008x64xf32, #tpu.memory_space<vmem>>[vector<16xi32>, vector<16xi32>], vector<16xf32>,
      %add3A_731 = arith.addf %add3A_727, %gather3A_730 : vector<16xf32>
      %mul3A_732 = arith.mulf %gather3A_730, %gather3A_730 : vector<16xf32>
      %add3A_733 = arith.addf %add3A_729, %mul3A_732 : vector<16xf32>
      %gather3A_734 = tpu.vector_load_idx %arg8[%get3A_104, %and3A_724] : memref<1008x64xf32, #tpu.memory_space<vmem>>[vector<16xi32>, vector<16xi32>], vector<16xf32>,
      %add3A_735 = arith.addf %add3A_731, %gather3A_734 : vector<16xf32>
      %mul3A_736 = arith.mulf %gather3A_734, %gather3A_734 : vector<16xf32>
      %add3A_737 = arith.addf %add3A_733, %mul3A_736 : vector<16xf32>
      %gather3A_738 = tpu.vector_load_idx %arg8[%get3A_108, %and3A_724] : memref<1008x64xf32, #tpu.memory_space<vmem>>[vector<16xi32>, vector<16xi32>], vector<16xf32>,
      %add3A_739 = arith.addf %add3A_735, %gather3A_738 : vector<16xf32>
      %mul3A_740 = arith.mulf %gather3A_738, %gather3A_738 : vector<16xf32>
      %add3A_741 = arith.addf %add3A_737, %mul3A_740 : vector<16xf32>
      %gather3A_742 = tpu.vector_load_idx %arg8[%get3A_112, %and3A_724] : memref<1008x64xf32, #tpu.memory_space<vmem>>[vector<16xi32>, vector<16xi32>], vector<16xf32>,
      %add3A_743 = arith.addf %add3A_739, %gather3A_742 : vector<16xf32>
      %mul3A_744 = arith.mulf %gather3A_742, %gather3A_742 : vector<16xf32>
      %add3A_745 = arith.addf %add3A_741, %mul3A_744 : vector<16xf32>
      %gather3A_746 = tpu.vector_load_idx %arg8[%get3A_116, %and3A_724] : memref<1008x64xf32, #tpu.memory_space<vmem>>[vector<16xi32>, vector<16xi32>], vector<16xf32>,
      %add3A_747 = arith.addf %add3A_743, %gather3A_746 : vector<16xf32>
      %mul3A_748 = arith.mulf %gather3A_746, %gather3A_746 : vector<16xf32>
      %add3A_749 = arith.addf %add3A_745, %mul3A_748 : vector<16xf32>
      %gather3A_750 = tpu.vector_load_idx %arg8[%get3A_120, %and3A_724] : memref<1008x64xf32, #tpu.memory_space<vmem>>[vector<16xi32>, vector<16xi32>], vector<16xf32>,
      %add3A_751 = arith.addf %add3A_747, %gather3A_750 : vector<16xf32>
      %mul3A_752 = arith.mulf %gather3A_750, %gather3A_750 : vector<16xf32>
      %add3A_753 = arith.addf %add3A_749, %mul3A_752 : vector<16xf32>
      %gather3A_754 = tpu.vector_load_idx %arg8[%get3A_124, %and3A_724] : memref<1008x64xf32, #tpu.memory_space<vmem>>[vector<16xi32>, vector<16xi32>], vector<16xf32>,
      %add3A_755 = arith.addf %add3A_751, %gather3A_754 : vector<16xf32>
      %mul3A_756 = arith.mulf %gather3A_754, %gather3A_754 : vector<16xf32>
      %add3A_757 = arith.addf %add3A_753, %mul3A_756 : vector<16xf32>
      %gather3A_758 = tpu.vector_load_idx %arg8[%get3A_128, %and3A_724] : memref<1008x64xf32, #tpu.memory_space<vmem>>[vector<16xi32>, vector<16xi32>], vector<16xf32>,
      %add3A_759 = arith.addf %add3A_755, %gather3A_758 : vector<16xf32>
      %mul3A_760 = arith.mulf %gather3A_758, %gather3A_758 : vector<16xf32>
      %add3A_761 = arith.addf %add3A_757, %mul3A_760 : vector<16xf32>
      %gather3A_762 = tpu.vector_load_idx %arg8[%get3A_132, %and3A_724] : memref<1008x64xf32, #tpu.memory_space<vmem>>[vector<16xi32>, vector<16xi32>], vector<16xf32>,
      %add3A_763 = arith.addf %add3A_759, %gather3A_762 : vector<16xf32>
      %mul3A_764 = arith.mulf %gather3A_762, %gather3A_762 : vector<16xf32>
      %add3A_765 = arith.addf %add3A_761, %mul3A_764 : vector<16xf32>
      %gather3A_766 = tpu.vector_load_idx %arg8[%get3A_136, %and3A_724] : memref<1008x64xf32, #tpu.memory_space<vmem>>[vector<16xi32>, vector<16xi32>], vector<16xf32>,
      %add3A_767 = arith.addf %add3A_763, %gather3A_766 : vector<16xf32>
      %mul3A_768 = arith.mulf %gather3A_766, %gather3A_766 : vector<16xf32>
      %add3A_769 = arith.addf %add3A_765, %mul3A_768 : vector<16xf32>
      %gather3A_770 = tpu.vector_load_idx %arg8[%get3A_140, %and3A_724] : memref<1008x64xf32, #tpu.memory_space<vmem>>[vector<16xi32>, vector<16xi32>], vector<16xf32>,
      %add3A_771 = arith.addf %add3A_767, %gather3A_770 : vector<16xf32>
      %mul3A_772 = arith.mulf %gather3A_770, %gather3A_770 : vector<16xf32>
      %add3A_773 = arith.addf %add3A_769, %mul3A_772 : vector<16xf32>
      %gather3A_774 = tpu.vector_load_idx %arg8[%get3A_144, %and3A_724] : memref<1008x64xf32, #tpu.memory_space<vmem>>[vector<16xi32>, vector<16xi32>], vector<16xf32>,
      %add3A_775 = arith.addf %add3A_771, %gather3A_774 : vector<16xf32>
      %mul3A_776 = arith.mulf %gather3A_774, %gather3A_774 : vector<16xf32>
      %add3A_777 = arith.addf %add3A_773, %mul3A_776 : vector<16xf32>
      %gather3A_778 = tpu.vector_load_idx %arg8[%get3A_148, %and3A_724] : memref<1008x64xf32, #tpu.memory_space<vmem>>[vector<16xi32>, vector<16xi32>], vector<16xf32>,
      %add3A_779 = arith.addf %add3A_775, %gather3A_778 : vector<16xf32>
      %mul3A_780 = arith.mulf %gather3A_778, %gather3A_778 : vector<16xf32>
      %add3A_781 = arith.addf %add3A_777, %mul3A_780 : vector<16xf32>
      %gather3A_782 = tpu.vector_load_idx %arg8[%get3A_152, %and3A_724] : memref<1008x64xf32, #tpu.memory_space<vmem>>[vector<16xi32>, vector<16xi32>], vector<16xf32>,
      %add3A_783 = arith.addf %add3A_779, %gather3A_782 : vector<16xf32>
      %mul3A_784 = arith.mulf %gather3A_782, %gather3A_782 : vector<16xf32>
      %add3A_785 = arith.addf %add3A_781, %mul3A_784 : vector<16xf32>
      %gather3A_786 = tpu.vector_load_idx %arg8[%get3A_156, %and3A_724] : memref<1008x64xf32, #tpu.memory_space<vmem>>[vector<16xi32>, vector<16xi32>], vector<16xf32>,
      %add3A_787 = arith.addf %add3A_783, %gather3A_786 : vector<16xf32>
      %mul3A_788 = arith.mulf %gather3A_786, %gather3A_786 : vector<16xf32>
      %add3A_789 = arith.addf %add3A_785, %mul3A_788 : vector<16xf32>
      %gather3A_790 = tpu.vector_load_idx %arg8[%get3A_160, %and3A_724] : memref<1008x64xf32, #tpu.memory_space<vmem>>[vector<16xi32>, vector<16xi32>], vector<16xf32>,
      %add3A_791 = arith.addf %add3A_787, %gather3A_790 : vector<16xf32>
      %mul3A_792 = arith.mulf %gather3A_790, %gather3A_790 : vector<16xf32>
      %add3A_793 = arith.addf %add3A_789, %mul3A_792 : vector<16xf32>
      %gather3A_794 = tpu.vector_load_idx %arg8[%get3A_164, %and3A_724] : memref<1008x64xf32, #tpu.memory_space<vmem>>[vector<16xi32>, vector<16xi32>], vector<16xf32>,
      %add3A_795 = arith.addf %add3A_791, %gather3A_794 : vector<16xf32>
      %mul3A_796 = arith.mulf %gather3A_794, %gather3A_794 : vector<16xf32>
      %add3A_797 = arith.addf %add3A_793, %mul3A_796 : vector<16xf32>
      %gather3A_798 = tpu.vector_load_idx %arg8[%get3A_168, %and3A_724] : memref<1008x64xf32, #tpu.memory_space<vmem>>[vector<16xi32>, vector<16xi32>], vector<16xf32>,
      %add3A_799 = arith.addf %add3A_795, %gather3A_798 : vector<16xf32>
      %mul3A_800 = arith.mulf %gather3A_798, %gather3A_798 : vector<16xf32>
      %add3A_801 = arith.addf %add3A_797, %mul3A_800 : vector<16xf32>
      %add3A_802 = arith.constant 16 : i32
      %add3A_803 = vector.broadcast %add3A_802 : i32 to vector<16xi32>
      %add3A_804 = arith.addi %add3A_803, %iota3A : vector<16xi32>
      tpu.vector_store_idx %arg7[%and3A_724, %add3A_804], %add3A_799 : memref<64x128xf32, #tpu.memory_space<vmem>>[vector<16xi32>, vector<16xi32>], vector<16xf32>,
      %add3A_805 = arith.addf %scan3A_720, %add3A_801 : vector<16xf32>
      scf.yield %add3A_805 : vector<16xf32>
    }
    %scan3A_176 = arith.constant 64 : i32
    %swap3A_177 = arith.constant 16 : index
    %swap3A_178 = tpu.vector_load %arg9[%swap3A_177] {strides = array<i32>} : memref<128xf32, #tpu.memory_space<vmem>>, vector<16xf32>,
    tpu.vector_store %arg9[%swap3A_177], %scan3A_175 {strides = array<i32>} : memref<128xf32, #tpu.memory_space<vmem>>, vector<16xf32>,
    %get3A_179 = arith.constant 0 : i32
    %get3A_180 = arith.index_cast %get3A_179 : i32 to index
    %get3A_181 = arith.constant 32 : index
    %get3A_182 = tpu.vector_load %arg6[%get3A_180, %get3A_181] {strides = array<i32>} : memref<20x128xi32, #tpu.memory_space<vmem>>, vector<16xi32>,
    %get3A_183 = arith.constant 1 : i32
    %get3A_184 = arith.index_cast %get3A_183 : i32 to index
    %get3A_185 = arith.constant 32 : index
    %get3A_186 = tpu.vector_load %arg6[%get3A_184, %get3A_185] {strides = array<i32>} : memref<20x128xi32, #tpu.memory_space<vmem>>, vector<16xi32>,
    %get3A_187 = arith.constant 2 : i32
    %get3A_188 = arith.index_cast %get3A_187 : i32 to index
    %get3A_189 = arith.constant 32 : index
    %get3A_190 = tpu.vector_load %arg6[%get3A_188, %get3A_189] {strides = array<i32>} : memref<20x128xi32, #tpu.memory_space<vmem>>, vector<16xi32>,
    %get3A_191 = arith.constant 3 : i32
    %get3A_192 = arith.index_cast %get3A_191 : i32 to index
    %get3A_193 = arith.constant 32 : index
    %get3A_194 = tpu.vector_load %arg6[%get3A_192, %get3A_193] {strides = array<i32>} : memref<20x128xi32, #tpu.memory_space<vmem>>, vector<16xi32>,
    %get3A_195 = arith.constant 4 : i32
    %get3A_196 = arith.index_cast %get3A_195 : i32 to index
    %get3A_197 = arith.constant 32 : index
    %get3A_198 = tpu.vector_load %arg6[%get3A_196, %get3A_197] {strides = array<i32>} : memref<20x128xi32, #tpu.memory_space<vmem>>, vector<16xi32>,
    %get3A_199 = arith.constant 5 : i32
    %get3A_200 = arith.index_cast %get3A_199 : i32 to index
    %get3A_201 = arith.constant 32 : index
    %get3A_202 = tpu.vector_load %arg6[%get3A_200, %get3A_201] {strides = array<i32>} : memref<20x128xi32, #tpu.memory_space<vmem>>, vector<16xi32>,
    %get3A_203 = arith.constant 6 : i32
    %get3A_204 = arith.index_cast %get3A_203 : i32 to index
    %get3A_205 = arith.constant 32 : index
    %get3A_206 = tpu.vector_load %arg6[%get3A_204, %get3A_205] {strides = array<i32>} : memref<20x128xi32, #tpu.memory_space<vmem>>, vector<16xi32>,
    %get3A_207 = arith.constant 7 : i32
    %get3A_208 = arith.index_cast %get3A_207 : i32 to index
    %get3A_209 = arith.constant 32 : index
    %get3A_210 = tpu.vector_load %arg6[%get3A_208, %get3A_209] {strides = array<i32>} : memref<20x128xi32, #tpu.memory_space<vmem>>, vector<16xi32>,
    %get3A_211 = arith.constant 8 : i32
    %get3A_212 = arith.index_cast %get3A_211 : i32 to index
    %get3A_213 = arith.constant 32 : index
    %get3A_214 = tpu.vector_load %arg6[%get3A_212, %get3A_213] {strides = array<i32>} : memref<20x128xi32, #tpu.memory_space<vmem>>, vector<16xi32>,
    %get3A_215 = arith.constant 9 : i32
    %get3A_216 = arith.index_cast %get3A_215 : i32 to index
    %get3A_217 = arith.constant 32 : index
    %get3A_218 = tpu.vector_load %arg6[%get3A_216, %get3A_217] {strides = array<i32>} : memref<20x128xi32, #tpu.memory_space<vmem>>, vector<16xi32>,
    %get3A_219 = arith.constant 10 : i32
    %get3A_220 = arith.index_cast %get3A_219 : i32 to index
    %get3A_221 = arith.constant 32 : index
    %get3A_222 = tpu.vector_load %arg6[%get3A_220, %get3A_221] {strides = array<i32>} : memref<20x128xi32, #tpu.memory_space<vmem>>, vector<16xi32>,
    %get3A_223 = arith.constant 11 : i32
    %get3A_224 = arith.index_cast %get3A_223 : i32 to index
    %get3A_225 = arith.constant 32 : index
    %get3A_226 = tpu.vector_load %arg6[%get3A_224, %get3A_225] {strides = array<i32>} : memref<20x128xi32, #tpu.memory_space<vmem>>, vector<16xi32>,
    %get3A_227 = arith.constant 12 : i32
    %get3A_228 = arith.index_cast %get3A_227 : i32 to index
    %get3A_229 = arith.constant 32 : index
    %get3A_230 = tpu.vector_load %arg6[%get3A_228, %get3A_229] {strides = array<i32>} : memref<20x128xi32, #tpu.memory_space<vmem>>, vector<16xi32>,
    %get3A_231 = arith.constant 13 : i32
    %get3A_232 = arith.index_cast %get3A_231 : i32 to index
    %get3A_233 = arith.constant 32 : index
    %get3A_234 = tpu.vector_load %arg6[%get3A_232, %get3A_233] {strides = array<i32>} : memref<20x128xi32, #tpu.memory_space<vmem>>, vector<16xi32>,
    %get3A_235 = arith.constant 14 : i32
    %get3A_236 = arith.index_cast %get3A_235 : i32 to index
    %get3A_237 = arith.constant 32 : index
    %get3A_238 = tpu.vector_load %arg6[%get3A_236, %get3A_237] {strides = array<i32>} : memref<20x128xi32, #tpu.memory_space<vmem>>, vector<16xi32>,
    %get3A_239 = arith.constant 15 : i32
    %get3A_240 = arith.index_cast %get3A_239 : i32 to index
    %get3A_241 = arith.constant 32 : index
    %get3A_242 = tpu.vector_load %arg6[%get3A_240, %get3A_241] {strides = array<i32>} : memref<20x128xi32, #tpu.memory_space<vmem>>, vector<16xi32>,
    %get3A_243 = arith.constant 16 : i32
    %get3A_244 = arith.index_cast %get3A_243 : i32 to index
    %get3A_245 = arith.constant 32 : index
    %get3A_246 = tpu.vector_load %arg6[%get3A_244, %get3A_245] {strides = array<i32>} : memref<20x128xi32, #tpu.memory_space<vmem>>, vector<16xi32>,
    %get3A_247 = arith.constant 17 : i32
    %get3A_248 = arith.index_cast %get3A_247 : i32 to index
    %get3A_249 = arith.constant 32 : index
    %get3A_250 = tpu.vector_load %arg6[%get3A_248, %get3A_249] {strides = array<i32>} : memref<20x128xi32, #tpu.memory_space<vmem>>, vector<16xi32>,
    %get3A_251 = arith.constant 18 : i32
    %get3A_252 = arith.index_cast %get3A_251 : i32 to index
    %get3A_253 = arith.constant 32 : index
    %get3A_254 = tpu.vector_load %arg6[%get3A_252, %get3A_253] {strides = array<i32>} : memref<20x128xi32, #tpu.memory_space<vmem>>, vector<16xi32>,
    %get3A_255 = arith.constant 19 : i32
    %get3A_256 = arith.index_cast %get3A_255 : i32 to index
    %get3A_257 = arith.constant 32 : index
    %get3A_258 = tpu.vector_load %arg6[%get3A_256, %get3A_257] {strides = array<i32>} : memref<20x128xi32, #tpu.memory_space<vmem>>, vector<16xi32>,
    %broadcast_in_dim3A_259 = arith.constant 0.000000e+00 : f32
    %broadcast_in_dim3A_260 = vector.broadcast %broadcast_in_dim3A_259 : f32 to vector<16xf32>
    %scan3A_261 = arith.constant 0 : i32
    %scan3A_262 = arith.constant 64 : i32
    %scan3A_263 = arith.addi %scan3A_261, %scan3A_262 : i32
    %scan3A_264 = arith.constant 1 : i32
    %scan3A_265 = scf.for %scan3A_719 = %scan3A_261 to %scan3A_263 step %scan3A_264 iter_args(%scan3A_720 = %broadcast_in_dim3A_260) -> (vector<16xf32>)  : i32 {
      %broadcast_in_dim3A_721 = vector.broadcast %scan3A_719 : i32 to vector<16xi32>
      %add3A_722 = arith.addi %broadcast_in_dim3A_721, %iota3A : vector<16xi32>
      %and3A = arith.constant 63 : i32
      %and3A_723 = vector.broadcast %and3A : i32 to vector<16xi32>
      %and3A_724 = arith.andi %add3A_722, %and3A_723 : vector<16xi32>
      %gather3A = tpu.vector_load_idx %arg8[%get3A_182, %and3A_724] : memref<1008x64xf32, #tpu.memory_space<vmem>>[vector<16xi32>, vector<16xi32>], vector<16xf32>,
      %mul3A_725 = arith.mulf %gather3A, %gather3A : vector<16xf32>
      %gather3A_726 = tpu.vector_load_idx %arg8[%get3A_186, %and3A_724] : memref<1008x64xf32, #tpu.memory_space<vmem>>[vector<16xi32>, vector<16xi32>], vector<16xf32>,
      %add3A_727 = arith.addf %gather3A, %gather3A_726 : vector<16xf32>
      %mul3A_728 = arith.mulf %gather3A_726, %gather3A_726 : vector<16xf32>
      %add3A_729 = arith.addf %mul3A_725, %mul3A_728 : vector<16xf32>
      %gather3A_730 = tpu.vector_load_idx %arg8[%get3A_190, %and3A_724] : memref<1008x64xf32, #tpu.memory_space<vmem>>[vector<16xi32>, vector<16xi32>], vector<16xf32>,
      %add3A_731 = arith.addf %add3A_727, %gather3A_730 : vector<16xf32>
      %mul3A_732 = arith.mulf %gather3A_730, %gather3A_730 : vector<16xf32>
      %add3A_733 = arith.addf %add3A_729, %mul3A_732 : vector<16xf32>
      %gather3A_734 = tpu.vector_load_idx %arg8[%get3A_194, %and3A_724] : memref<1008x64xf32, #tpu.memory_space<vmem>>[vector<16xi32>, vector<16xi32>], vector<16xf32>,
      %add3A_735 = arith.addf %add3A_731, %gather3A_734 : vector<16xf32>
      %mul3A_736 = arith.mulf %gather3A_734, %gather3A_734 : vector<16xf32>
      %add3A_737 = arith.addf %add3A_733, %mul3A_736 : vector<16xf32>
      %gather3A_738 = tpu.vector_load_idx %arg8[%get3A_198, %and3A_724] : memref<1008x64xf32, #tpu.memory_space<vmem>>[vector<16xi32>, vector<16xi32>], vector<16xf32>,
      %add3A_739 = arith.addf %add3A_735, %gather3A_738 : vector<16xf32>
      %mul3A_740 = arith.mulf %gather3A_738, %gather3A_738 : vector<16xf32>
      %add3A_741 = arith.addf %add3A_737, %mul3A_740 : vector<16xf32>
      %gather3A_742 = tpu.vector_load_idx %arg8[%get3A_202, %and3A_724] : memref<1008x64xf32, #tpu.memory_space<vmem>>[vector<16xi32>, vector<16xi32>], vector<16xf32>,
      %add3A_743 = arith.addf %add3A_739, %gather3A_742 : vector<16xf32>
      %mul3A_744 = arith.mulf %gather3A_742, %gather3A_742 : vector<16xf32>
      %add3A_745 = arith.addf %add3A_741, %mul3A_744 : vector<16xf32>
      %gather3A_746 = tpu.vector_load_idx %arg8[%get3A_206, %and3A_724] : memref<1008x64xf32, #tpu.memory_space<vmem>>[vector<16xi32>, vector<16xi32>], vector<16xf32>,
      %add3A_747 = arith.addf %add3A_743, %gather3A_746 : vector<16xf32>
      %mul3A_748 = arith.mulf %gather3A_746, %gather3A_746 : vector<16xf32>
      %add3A_749 = arith.addf %add3A_745, %mul3A_748 : vector<16xf32>
      %gather3A_750 = tpu.vector_load_idx %arg8[%get3A_210, %and3A_724] : memref<1008x64xf32, #tpu.memory_space<vmem>>[vector<16xi32>, vector<16xi32>], vector<16xf32>,
      %add3A_751 = arith.addf %add3A_747, %gather3A_750 : vector<16xf32>
      %mul3A_752 = arith.mulf %gather3A_750, %gather3A_750 : vector<16xf32>
      %add3A_753 = arith.addf %add3A_749, %mul3A_752 : vector<16xf32>
      %gather3A_754 = tpu.vector_load_idx %arg8[%get3A_214, %and3A_724] : memref<1008x64xf32, #tpu.memory_space<vmem>>[vector<16xi32>, vector<16xi32>], vector<16xf32>,
      %add3A_755 = arith.addf %add3A_751, %gather3A_754 : vector<16xf32>
      %mul3A_756 = arith.mulf %gather3A_754, %gather3A_754 : vector<16xf32>
      %add3A_757 = arith.addf %add3A_753, %mul3A_756 : vector<16xf32>
      %gather3A_758 = tpu.vector_load_idx %arg8[%get3A_218, %and3A_724] : memref<1008x64xf32, #tpu.memory_space<vmem>>[vector<16xi32>, vector<16xi32>], vector<16xf32>,
      %add3A_759 = arith.addf %add3A_755, %gather3A_758 : vector<16xf32>
      %mul3A_760 = arith.mulf %gather3A_758, %gather3A_758 : vector<16xf32>
      %add3A_761 = arith.addf %add3A_757, %mul3A_760 : vector<16xf32>
      %gather3A_762 = tpu.vector_load_idx %arg8[%get3A_222, %and3A_724] : memref<1008x64xf32, #tpu.memory_space<vmem>>[vector<16xi32>, vector<16xi32>], vector<16xf32>,
      %add3A_763 = arith.addf %add3A_759, %gather3A_762 : vector<16xf32>
      %mul3A_764 = arith.mulf %gather3A_762, %gather3A_762 : vector<16xf32>
      %add3A_765 = arith.addf %add3A_761, %mul3A_764 : vector<16xf32>
      %gather3A_766 = tpu.vector_load_idx %arg8[%get3A_226, %and3A_724] : memref<1008x64xf32, #tpu.memory_space<vmem>>[vector<16xi32>, vector<16xi32>], vector<16xf32>,
      %add3A_767 = arith.addf %add3A_763, %gather3A_766 : vector<16xf32>
      %mul3A_768 = arith.mulf %gather3A_766, %gather3A_766 : vector<16xf32>
      %add3A_769 = arith.addf %add3A_765, %mul3A_768 : vector<16xf32>
      %gather3A_770 = tpu.vector_load_idx %arg8[%get3A_230, %and3A_724] : memref<1008x64xf32, #tpu.memory_space<vmem>>[vector<16xi32>, vector<16xi32>], vector<16xf32>,
      %add3A_771 = arith.addf %add3A_767, %gather3A_770 : vector<16xf32>
      %mul3A_772 = arith.mulf %gather3A_770, %gather3A_770 : vector<16xf32>
      %add3A_773 = arith.addf %add3A_769, %mul3A_772 : vector<16xf32>
      %gather3A_774 = tpu.vector_load_idx %arg8[%get3A_234, %and3A_724] : memref<1008x64xf32, #tpu.memory_space<vmem>>[vector<16xi32>, vector<16xi32>], vector<16xf32>,
      %add3A_775 = arith.addf %add3A_771, %gather3A_774 : vector<16xf32>
      %mul3A_776 = arith.mulf %gather3A_774, %gather3A_774 : vector<16xf32>
      %add3A_777 = arith.addf %add3A_773, %mul3A_776 : vector<16xf32>
      %gather3A_778 = tpu.vector_load_idx %arg8[%get3A_238, %and3A_724] : memref<1008x64xf32, #tpu.memory_space<vmem>>[vector<16xi32>, vector<16xi32>], vector<16xf32>,
      %add3A_779 = arith.addf %add3A_775, %gather3A_778 : vector<16xf32>
      %mul3A_780 = arith.mulf %gather3A_778, %gather3A_778 : vector<16xf32>
      %add3A_781 = arith.addf %add3A_777, %mul3A_780 : vector<16xf32>
      %gather3A_782 = tpu.vector_load_idx %arg8[%get3A_242, %and3A_724] : memref<1008x64xf32, #tpu.memory_space<vmem>>[vector<16xi32>, vector<16xi32>], vector<16xf32>,
      %add3A_783 = arith.addf %add3A_779, %gather3A_782 : vector<16xf32>
      %mul3A_784 = arith.mulf %gather3A_782, %gather3A_782 : vector<16xf32>
      %add3A_785 = arith.addf %add3A_781, %mul3A_784 : vector<16xf32>
      %gather3A_786 = tpu.vector_load_idx %arg8[%get3A_246, %and3A_724] : memref<1008x64xf32, #tpu.memory_space<vmem>>[vector<16xi32>, vector<16xi32>], vector<16xf32>,
      %add3A_787 = arith.addf %add3A_783, %gather3A_786 : vector<16xf32>
      %mul3A_788 = arith.mulf %gather3A_786, %gather3A_786 : vector<16xf32>
      %add3A_789 = arith.addf %add3A_785, %mul3A_788 : vector<16xf32>
      %gather3A_790 = tpu.vector_load_idx %arg8[%get3A_250, %and3A_724] : memref<1008x64xf32, #tpu.memory_space<vmem>>[vector<16xi32>, vector<16xi32>], vector<16xf32>,
      %add3A_791 = arith.addf %add3A_787, %gather3A_790 : vector<16xf32>
      %mul3A_792 = arith.mulf %gather3A_790, %gather3A_790 : vector<16xf32>
      %add3A_793 = arith.addf %add3A_789, %mul3A_792 : vector<16xf32>
      %gather3A_794 = tpu.vector_load_idx %arg8[%get3A_254, %and3A_724] : memref<1008x64xf32, #tpu.memory_space<vmem>>[vector<16xi32>, vector<16xi32>], vector<16xf32>,
      %add3A_795 = arith.addf %add3A_791, %gather3A_794 : vector<16xf32>
      %mul3A_796 = arith.mulf %gather3A_794, %gather3A_794 : vector<16xf32>
      %add3A_797 = arith.addf %add3A_793, %mul3A_796 : vector<16xf32>
      %gather3A_798 = tpu.vector_load_idx %arg8[%get3A_258, %and3A_724] : memref<1008x64xf32, #tpu.memory_space<vmem>>[vector<16xi32>, vector<16xi32>], vector<16xf32>,
      %add3A_799 = arith.addf %add3A_795, %gather3A_798 : vector<16xf32>
      %mul3A_800 = arith.mulf %gather3A_798, %gather3A_798 : vector<16xf32>
      %add3A_801 = arith.addf %add3A_797, %mul3A_800 : vector<16xf32>
      %add3A_802 = arith.constant 32 : i32
      %add3A_803 = vector.broadcast %add3A_802 : i32 to vector<16xi32>
      %add3A_804 = arith.addi %add3A_803, %iota3A : vector<16xi32>
      tpu.vector_store_idx %arg7[%and3A_724, %add3A_804], %add3A_799 : memref<64x128xf32, #tpu.memory_space<vmem>>[vector<16xi32>, vector<16xi32>], vector<16xf32>,
      %add3A_805 = arith.addf %scan3A_720, %add3A_801 : vector<16xf32>
      scf.yield %add3A_805 : vector<16xf32>
    }
    %scan3A_266 = arith.constant 64 : i32
    %swap3A_267 = arith.constant 32 : index
    %swap3A_268 = tpu.vector_load %arg9[%swap3A_267] {strides = array<i32>} : memref<128xf32, #tpu.memory_space<vmem>>, vector<16xf32>,
    tpu.vector_store %arg9[%swap3A_267], %scan3A_265 {strides = array<i32>} : memref<128xf32, #tpu.memory_space<vmem>>, vector<16xf32>,
    %get3A_269 = arith.constant 0 : i32
    %get3A_270 = arith.index_cast %get3A_269 : i32 to index
    %get3A_271 = arith.constant 48 : index
    %get3A_272 = tpu.vector_load %arg6[%get3A_270, %get3A_271] {strides = array<i32>} : memref<20x128xi32, #tpu.memory_space<vmem>>, vector<16xi32>,
    %get3A_273 = arith.constant 1 : i32
    %get3A_274 = arith.index_cast %get3A_273 : i32 to index
    %get3A_275 = arith.constant 48 : index
    %get3A_276 = tpu.vector_load %arg6[%get3A_274, %get3A_275] {strides = array<i32>} : memref<20x128xi32, #tpu.memory_space<vmem>>, vector<16xi32>,
    %get3A_277 = arith.constant 2 : i32
    %get3A_278 = arith.index_cast %get3A_277 : i32 to index
    %get3A_279 = arith.constant 48 : index
    %get3A_280 = tpu.vector_load %arg6[%get3A_278, %get3A_279] {strides = array<i32>} : memref<20x128xi32, #tpu.memory_space<vmem>>, vector<16xi32>,
    %get3A_281 = arith.constant 3 : i32
    %get3A_282 = arith.index_cast %get3A_281 : i32 to index
    %get3A_283 = arith.constant 48 : index
    %get3A_284 = tpu.vector_load %arg6[%get3A_282, %get3A_283] {strides = array<i32>} : memref<20x128xi32, #tpu.memory_space<vmem>>, vector<16xi32>,
    %get3A_285 = arith.constant 4 : i32
    %get3A_286 = arith.index_cast %get3A_285 : i32 to index
    %get3A_287 = arith.constant 48 : index
    %get3A_288 = tpu.vector_load %arg6[%get3A_286, %get3A_287] {strides = array<i32>} : memref<20x128xi32, #tpu.memory_space<vmem>>, vector<16xi32>,
    %get3A_289 = arith.constant 5 : i32
    %get3A_290 = arith.index_cast %get3A_289 : i32 to index
    %get3A_291 = arith.constant 48 : index
    %get3A_292 = tpu.vector_load %arg6[%get3A_290, %get3A_291] {strides = array<i32>} : memref<20x128xi32, #tpu.memory_space<vmem>>, vector<16xi32>,
    %get3A_293 = arith.constant 6 : i32
    %get3A_294 = arith.index_cast %get3A_293 : i32 to index
    %get3A_295 = arith.constant 48 : index
    %get3A_296 = tpu.vector_load %arg6[%get3A_294, %get3A_295] {strides = array<i32>} : memref<20x128xi32, #tpu.memory_space<vmem>>, vector<16xi32>,
    %get3A_297 = arith.constant 7 : i32
    %get3A_298 = arith.index_cast %get3A_297 : i32 to index
    %get3A_299 = arith.constant 48 : index
    %get3A_300 = tpu.vector_load %arg6[%get3A_298, %get3A_299] {strides = array<i32>} : memref<20x128xi32, #tpu.memory_space<vmem>>, vector<16xi32>,
    %get3A_301 = arith.constant 8 : i32
    %get3A_302 = arith.index_cast %get3A_301 : i32 to index
    %get3A_303 = arith.constant 48 : index
    %get3A_304 = tpu.vector_load %arg6[%get3A_302, %get3A_303] {strides = array<i32>} : memref<20x128xi32, #tpu.memory_space<vmem>>, vector<16xi32>,
    %get3A_305 = arith.constant 9 : i32
    %get3A_306 = arith.index_cast %get3A_305 : i32 to index
    %get3A_307 = arith.constant 48 : index
    %get3A_308 = tpu.vector_load %arg6[%get3A_306, %get3A_307] {strides = array<i32>} : memref<20x128xi32, #tpu.memory_space<vmem>>, vector<16xi32>,
    %get3A_309 = arith.constant 10 : i32
    %get3A_310 = arith.index_cast %get3A_309 : i32 to index
    %get3A_311 = arith.constant 48 : index
    %get3A_312 = tpu.vector_load %arg6[%get3A_310, %get3A_311] {strides = array<i32>} : memref<20x128xi32, #tpu.memory_space<vmem>>, vector<16xi32>,
    %get3A_313 = arith.constant 11 : i32
    %get3A_314 = arith.index_cast %get3A_313 : i32 to index
    %get3A_315 = arith.constant 48 : index
    %get3A_316 = tpu.vector_load %arg6[%get3A_314, %get3A_315] {strides = array<i32>} : memref<20x128xi32, #tpu.memory_space<vmem>>, vector<16xi32>,
    %get3A_317 = arith.constant 12 : i32
    %get3A_318 = arith.index_cast %get3A_317 : i32 to index
    %get3A_319 = arith.constant 48 : index
    %get3A_320 = tpu.vector_load %arg6[%get3A_318, %get3A_319] {strides = array<i32>} : memref<20x128xi32, #tpu.memory_space<vmem>>, vector<16xi32>,
    %get3A_321 = arith.constant 13 : i32
    %get3A_322 = arith.index_cast %get3A_321 : i32 to index
    %get3A_323 = arith.constant 48 : index
    %get3A_324 = tpu.vector_load %arg6[%get3A_322, %get3A_323] {strides = array<i32>} : memref<20x128xi32, #tpu.memory_space<vmem>>, vector<16xi32>,
    %get3A_325 = arith.constant 14 : i32
    %get3A_326 = arith.index_cast %get3A_325 : i32 to index
    %get3A_327 = arith.constant 48 : index
    %get3A_328 = tpu.vector_load %arg6[%get3A_326, %get3A_327] {strides = array<i32>} : memref<20x128xi32, #tpu.memory_space<vmem>>, vector<16xi32>,
    %get3A_329 = arith.constant 15 : i32
    %get3A_330 = arith.index_cast %get3A_329 : i32 to index
    %get3A_331 = arith.constant 48 : index
    %get3A_332 = tpu.vector_load %arg6[%get3A_330, %get3A_331] {strides = array<i32>} : memref<20x128xi32, #tpu.memory_space<vmem>>, vector<16xi32>,
    %get3A_333 = arith.constant 16 : i32
    %get3A_334 = arith.index_cast %get3A_333 : i32 to index
    %get3A_335 = arith.constant 48 : index
    %get3A_336 = tpu.vector_load %arg6[%get3A_334, %get3A_335] {strides = array<i32>} : memref<20x128xi32, #tpu.memory_space<vmem>>, vector<16xi32>,
    %get3A_337 = arith.constant 17 : i32
    %get3A_338 = arith.index_cast %get3A_337 : i32 to index
    %get3A_339 = arith.constant 48 : index
    %get3A_340 = tpu.vector_load %arg6[%get3A_338, %get3A_339] {strides = array<i32>} : memref<20x128xi32, #tpu.memory_space<vmem>>, vector<16xi32>,
    %get3A_341 = arith.constant 18 : i32
    %get3A_342 = arith.index_cast %get3A_341 : i32 to index
    %get3A_343 = arith.constant 48 : index
    %get3A_344 = tpu.vector_load %arg6[%get3A_342, %get3A_343] {strides = array<i32>} : memref<20x128xi32, #tpu.memory_space<vmem>>, vector<16xi32>,
    %get3A_345 = arith.constant 19 : i32
    %get3A_346 = arith.index_cast %get3A_345 : i32 to index
    %get3A_347 = arith.constant 48 : index
    %get3A_348 = tpu.vector_load %arg6[%get3A_346, %get3A_347] {strides = array<i32>} : memref<20x128xi32, #tpu.memory_space<vmem>>, vector<16xi32>,
    %broadcast_in_dim3A_349 = arith.constant 0.000000e+00 : f32
    %broadcast_in_dim3A_350 = vector.broadcast %broadcast_in_dim3A_349 : f32 to vector<16xf32>
    %scan3A_351 = arith.constant 0 : i32
    %scan3A_352 = arith.constant 64 : i32
    %scan3A_353 = arith.addi %scan3A_351, %scan3A_352 : i32
    %scan3A_354 = arith.constant 1 : i32
    %scan3A_355 = scf.for %scan3A_719 = %scan3A_351 to %scan3A_353 step %scan3A_354 iter_args(%scan3A_720 = %broadcast_in_dim3A_350) -> (vector<16xf32>)  : i32 {
      %broadcast_in_dim3A_721 = vector.broadcast %scan3A_719 : i32 to vector<16xi32>
      %add3A_722 = arith.addi %broadcast_in_dim3A_721, %iota3A : vector<16xi32>
      %and3A = arith.constant 63 : i32
      %and3A_723 = vector.broadcast %and3A : i32 to vector<16xi32>
      %and3A_724 = arith.andi %add3A_722, %and3A_723 : vector<16xi32>
      %gather3A = tpu.vector_load_idx %arg8[%get3A_272, %and3A_724] : memref<1008x64xf32, #tpu.memory_space<vmem>>[vector<16xi32>, vector<16xi32>], vector<16xf32>,
      %mul3A_725 = arith.mulf %gather3A, %gather3A : vector<16xf32>
      %gather3A_726 = tpu.vector_load_idx %arg8[%get3A_276, %and3A_724] : memref<1008x64xf32, #tpu.memory_space<vmem>>[vector<16xi32>, vector<16xi32>], vector<16xf32>,
      %add3A_727 = arith.addf %gather3A, %gather3A_726 : vector<16xf32>
      %mul3A_728 = arith.mulf %gather3A_726, %gather3A_726 : vector<16xf32>
      %add3A_729 = arith.addf %mul3A_725, %mul3A_728 : vector<16xf32>
      %gather3A_730 = tpu.vector_load_idx %arg8[%get3A_280, %and3A_724] : memref<1008x64xf32, #tpu.memory_space<vmem>>[vector<16xi32>, vector<16xi32>], vector<16xf32>,
      %add3A_731 = arith.addf %add3A_727, %gather3A_730 : vector<16xf32>
      %mul3A_732 = arith.mulf %gather3A_730, %gather3A_730 : vector<16xf32>
      %add3A_733 = arith.addf %add3A_729, %mul3A_732 : vector<16xf32>
      %gather3A_734 = tpu.vector_load_idx %arg8[%get3A_284, %and3A_724] : memref<1008x64xf32, #tpu.memory_space<vmem>>[vector<16xi32>, vector<16xi32>], vector<16xf32>,
      %add3A_735 = arith.addf %add3A_731, %gather3A_734 : vector<16xf32>
      %mul3A_736 = arith.mulf %gather3A_734, %gather3A_734 : vector<16xf32>
      %add3A_737 = arith.addf %add3A_733, %mul3A_736 : vector<16xf32>
      %gather3A_738 = tpu.vector_load_idx %arg8[%get3A_288, %and3A_724] : memref<1008x64xf32, #tpu.memory_space<vmem>>[vector<16xi32>, vector<16xi32>], vector<16xf32>,
      %add3A_739 = arith.addf %add3A_735, %gather3A_738 : vector<16xf32>
      %mul3A_740 = arith.mulf %gather3A_738, %gather3A_738 : vector<16xf32>
      %add3A_741 = arith.addf %add3A_737, %mul3A_740 : vector<16xf32>
      %gather3A_742 = tpu.vector_load_idx %arg8[%get3A_292, %and3A_724] : memref<1008x64xf32, #tpu.memory_space<vmem>>[vector<16xi32>, vector<16xi32>], vector<16xf32>,
      %add3A_743 = arith.addf %add3A_739, %gather3A_742 : vector<16xf32>
      %mul3A_744 = arith.mulf %gather3A_742, %gather3A_742 : vector<16xf32>
      %add3A_745 = arith.addf %add3A_741, %mul3A_744 : vector<16xf32>
      %gather3A_746 = tpu.vector_load_idx %arg8[%get3A_296, %and3A_724] : memref<1008x64xf32, #tpu.memory_space<vmem>>[vector<16xi32>, vector<16xi32>], vector<16xf32>,
      %add3A_747 = arith.addf %add3A_743, %gather3A_746 : vector<16xf32>
      %mul3A_748 = arith.mulf %gather3A_746, %gather3A_746 : vector<16xf32>
      %add3A_749 = arith.addf %add3A_745, %mul3A_748 : vector<16xf32>
      %gather3A_750 = tpu.vector_load_idx %arg8[%get3A_300, %and3A_724] : memref<1008x64xf32, #tpu.memory_space<vmem>>[vector<16xi32>, vector<16xi32>], vector<16xf32>,
      %add3A_751 = arith.addf %add3A_747, %gather3A_750 : vector<16xf32>
      %mul3A_752 = arith.mulf %gather3A_750, %gather3A_750 : vector<16xf32>
      %add3A_753 = arith.addf %add3A_749, %mul3A_752 : vector<16xf32>
      %gather3A_754 = tpu.vector_load_idx %arg8[%get3A_304, %and3A_724] : memref<1008x64xf32, #tpu.memory_space<vmem>>[vector<16xi32>, vector<16xi32>], vector<16xf32>,
      %add3A_755 = arith.addf %add3A_751, %gather3A_754 : vector<16xf32>
      %mul3A_756 = arith.mulf %gather3A_754, %gather3A_754 : vector<16xf32>
      %add3A_757 = arith.addf %add3A_753, %mul3A_756 : vector<16xf32>
      %gather3A_758 = tpu.vector_load_idx %arg8[%get3A_308, %and3A_724] : memref<1008x64xf32, #tpu.memory_space<vmem>>[vector<16xi32>, vector<16xi32>], vector<16xf32>,
      %add3A_759 = arith.addf %add3A_755, %gather3A_758 : vector<16xf32>
      %mul3A_760 = arith.mulf %gather3A_758, %gather3A_758 : vector<16xf32>
      %add3A_761 = arith.addf %add3A_757, %mul3A_760 : vector<16xf32>
      %gather3A_762 = tpu.vector_load_idx %arg8[%get3A_312, %and3A_724] : memref<1008x64xf32, #tpu.memory_space<vmem>>[vector<16xi32>, vector<16xi32>], vector<16xf32>,
      %add3A_763 = arith.addf %add3A_759, %gather3A_762 : vector<16xf32>
      %mul3A_764 = arith.mulf %gather3A_762, %gather3A_762 : vector<16xf32>
      %add3A_765 = arith.addf %add3A_761, %mul3A_764 : vector<16xf32>
      %gather3A_766 = tpu.vector_load_idx %arg8[%get3A_316, %and3A_724] : memref<1008x64xf32, #tpu.memory_space<vmem>>[vector<16xi32>, vector<16xi32>], vector<16xf32>,
      %add3A_767 = arith.addf %add3A_763, %gather3A_766 : vector<16xf32>
      %mul3A_768 = arith.mulf %gather3A_766, %gather3A_766 : vector<16xf32>
      %add3A_769 = arith.addf %add3A_765, %mul3A_768 : vector<16xf32>
      %gather3A_770 = tpu.vector_load_idx %arg8[%get3A_320, %and3A_724] : memref<1008x64xf32, #tpu.memory_space<vmem>>[vector<16xi32>, vector<16xi32>], vector<16xf32>,
      %add3A_771 = arith.addf %add3A_767, %gather3A_770 : vector<16xf32>
      %mul3A_772 = arith.mulf %gather3A_770, %gather3A_770 : vector<16xf32>
      %add3A_773 = arith.addf %add3A_769, %mul3A_772 : vector<16xf32>
      %gather3A_774 = tpu.vector_load_idx %arg8[%get3A_324, %and3A_724] : memref<1008x64xf32, #tpu.memory_space<vmem>>[vector<16xi32>, vector<16xi32>], vector<16xf32>,
      %add3A_775 = arith.addf %add3A_771, %gather3A_774 : vector<16xf32>
      %mul3A_776 = arith.mulf %gather3A_774, %gather3A_774 : vector<16xf32>
      %add3A_777 = arith.addf %add3A_773, %mul3A_776 : vector<16xf32>
      %gather3A_778 = tpu.vector_load_idx %arg8[%get3A_328, %and3A_724] : memref<1008x64xf32, #tpu.memory_space<vmem>>[vector<16xi32>, vector<16xi32>], vector<16xf32>,
      %add3A_779 = arith.addf %add3A_775, %gather3A_778 : vector<16xf32>
      %mul3A_780 = arith.mulf %gather3A_778, %gather3A_778 : vector<16xf32>
      %add3A_781 = arith.addf %add3A_777, %mul3A_780 : vector<16xf32>
      %gather3A_782 = tpu.vector_load_idx %arg8[%get3A_332, %and3A_724] : memref<1008x64xf32, #tpu.memory_space<vmem>>[vector<16xi32>, vector<16xi32>], vector<16xf32>,
      %add3A_783 = arith.addf %add3A_779, %gather3A_782 : vector<16xf32>
      %mul3A_784 = arith.mulf %gather3A_782, %gather3A_782 : vector<16xf32>
      %add3A_785 = arith.addf %add3A_781, %mul3A_784 : vector<16xf32>
      %gather3A_786 = tpu.vector_load_idx %arg8[%get3A_336, %and3A_724] : memref<1008x64xf32, #tpu.memory_space<vmem>>[vector<16xi32>, vector<16xi32>], vector<16xf32>,
      %add3A_787 = arith.addf %add3A_783, %gather3A_786 : vector<16xf32>
      %mul3A_788 = arith.mulf %gather3A_786, %gather3A_786 : vector<16xf32>
      %add3A_789 = arith.addf %add3A_785, %mul3A_788 : vector<16xf32>
      %gather3A_790 = tpu.vector_load_idx %arg8[%get3A_340, %and3A_724] : memref<1008x64xf32, #tpu.memory_space<vmem>>[vector<16xi32>, vector<16xi32>], vector<16xf32>,
      %add3A_791 = arith.addf %add3A_787, %gather3A_790 : vector<16xf32>
      %mul3A_792 = arith.mulf %gather3A_790, %gather3A_790 : vector<16xf32>
      %add3A_793 = arith.addf %add3A_789, %mul3A_792 : vector<16xf32>
      %gather3A_794 = tpu.vector_load_idx %arg8[%get3A_344, %and3A_724] : memref<1008x64xf32, #tpu.memory_space<vmem>>[vector<16xi32>, vector<16xi32>], vector<16xf32>,
      %add3A_795 = arith.addf %add3A_791, %gather3A_794 : vector<16xf32>
      %mul3A_796 = arith.mulf %gather3A_794, %gather3A_794 : vector<16xf32>
      %add3A_797 = arith.addf %add3A_793, %mul3A_796 : vector<16xf32>
      %gather3A_798 = tpu.vector_load_idx %arg8[%get3A_348, %and3A_724] : memref<1008x64xf32, #tpu.memory_space<vmem>>[vector<16xi32>, vector<16xi32>], vector<16xf32>,
      %add3A_799 = arith.addf %add3A_795, %gather3A_798 : vector<16xf32>
      %mul3A_800 = arith.mulf %gather3A_798, %gather3A_798 : vector<16xf32>
      %add3A_801 = arith.addf %add3A_797, %mul3A_800 : vector<16xf32>
      %add3A_802 = arith.constant 48 : i32
      %add3A_803 = vector.broadcast %add3A_802 : i32 to vector<16xi32>
      %add3A_804 = arith.addi %add3A_803, %iota3A : vector<16xi32>
      tpu.vector_store_idx %arg7[%and3A_724, %add3A_804], %add3A_799 : memref<64x128xf32, #tpu.memory_space<vmem>>[vector<16xi32>, vector<16xi32>], vector<16xf32>,
      %add3A_805 = arith.addf %scan3A_720, %add3A_801 : vector<16xf32>
      scf.yield %add3A_805 : vector<16xf32>
    }
    %scan3A_356 = arith.constant 64 : i32
    %swap3A_357 = arith.constant 48 : index
    %swap3A_358 = tpu.vector_load %arg9[%swap3A_357] {strides = array<i32>} : memref<128xf32, #tpu.memory_space<vmem>>, vector<16xf32>,
    tpu.vector_store %arg9[%swap3A_357], %scan3A_355 {strides = array<i32>} : memref<128xf32, #tpu.memory_space<vmem>>, vector<16xf32>,
    %get3A_359 = arith.constant 0 : i32
    %get3A_360 = arith.index_cast %get3A_359 : i32 to index
    %get3A_361 = arith.constant 64 : index
    %get3A_362 = tpu.vector_load %arg6[%get3A_360, %get3A_361] {strides = array<i32>} : memref<20x128xi32, #tpu.memory_space<vmem>>, vector<16xi32>,
    %get3A_363 = arith.constant 1 : i32
    %get3A_364 = arith.index_cast %get3A_363 : i32 to index
    %get3A_365 = arith.constant 64 : index
    %get3A_366 = tpu.vector_load %arg6[%get3A_364, %get3A_365] {strides = array<i32>} : memref<20x128xi32, #tpu.memory_space<vmem>>, vector<16xi32>,
    %get3A_367 = arith.constant 2 : i32
    %get3A_368 = arith.index_cast %get3A_367 : i32 to index
    %get3A_369 = arith.constant 64 : index
    %get3A_370 = tpu.vector_load %arg6[%get3A_368, %get3A_369] {strides = array<i32>} : memref<20x128xi32, #tpu.memory_space<vmem>>, vector<16xi32>,
    %get3A_371 = arith.constant 3 : i32
    %get3A_372 = arith.index_cast %get3A_371 : i32 to index
    %get3A_373 = arith.constant 64 : index
    %get3A_374 = tpu.vector_load %arg6[%get3A_372, %get3A_373] {strides = array<i32>} : memref<20x128xi32, #tpu.memory_space<vmem>>, vector<16xi32>,
    %get3A_375 = arith.constant 4 : i32
    %get3A_376 = arith.index_cast %get3A_375 : i32 to index
    %get3A_377 = arith.constant 64 : index
    %get3A_378 = tpu.vector_load %arg6[%get3A_376, %get3A_377] {strides = array<i32>} : memref<20x128xi32, #tpu.memory_space<vmem>>, vector<16xi32>,
    %get3A_379 = arith.constant 5 : i32
    %get3A_380 = arith.index_cast %get3A_379 : i32 to index
    %get3A_381 = arith.constant 64 : index
    %get3A_382 = tpu.vector_load %arg6[%get3A_380, %get3A_381] {strides = array<i32>} : memref<20x128xi32, #tpu.memory_space<vmem>>, vector<16xi32>,
    %get3A_383 = arith.constant 6 : i32
    %get3A_384 = arith.index_cast %get3A_383 : i32 to index
    %get3A_385 = arith.constant 64 : index
    %get3A_386 = tpu.vector_load %arg6[%get3A_384, %get3A_385] {strides = array<i32>} : memref<20x128xi32, #tpu.memory_space<vmem>>, vector<16xi32>,
    %get3A_387 = arith.constant 7 : i32
    %get3A_388 = arith.index_cast %get3A_387 : i32 to index
    %get3A_389 = arith.constant 64 : index
    %get3A_390 = tpu.vector_load %arg6[%get3A_388, %get3A_389] {strides = array<i32>} : memref<20x128xi32, #tpu.memory_space<vmem>>, vector<16xi32>,
    %get3A_391 = arith.constant 8 : i32
    %get3A_392 = arith.index_cast %get3A_391 : i32 to index
    %get3A_393 = arith.constant 64 : index
    %get3A_394 = tpu.vector_load %arg6[%get3A_392, %get3A_393] {strides = array<i32>} : memref<20x128xi32, #tpu.memory_space<vmem>>, vector<16xi32>,
    %get3A_395 = arith.constant 9 : i32
    %get3A_396 = arith.index_cast %get3A_395 : i32 to index
    %get3A_397 = arith.constant 64 : index
    %get3A_398 = tpu.vector_load %arg6[%get3A_396, %get3A_397] {strides = array<i32>} : memref<20x128xi32, #tpu.memory_space<vmem>>, vector<16xi32>,
    %get3A_399 = arith.constant 10 : i32
    %get3A_400 = arith.index_cast %get3A_399 : i32 to index
    %get3A_401 = arith.constant 64 : index
    %get3A_402 = tpu.vector_load %arg6[%get3A_400, %get3A_401] {strides = array<i32>} : memref<20x128xi32, #tpu.memory_space<vmem>>, vector<16xi32>,
    %get3A_403 = arith.constant 11 : i32
    %get3A_404 = arith.index_cast %get3A_403 : i32 to index
    %get3A_405 = arith.constant 64 : index
    %get3A_406 = tpu.vector_load %arg6[%get3A_404, %get3A_405] {strides = array<i32>} : memref<20x128xi32, #tpu.memory_space<vmem>>, vector<16xi32>,
    %get3A_407 = arith.constant 12 : i32
    %get3A_408 = arith.index_cast %get3A_407 : i32 to index
    %get3A_409 = arith.constant 64 : index
    %get3A_410 = tpu.vector_load %arg6[%get3A_408, %get3A_409] {strides = array<i32>} : memref<20x128xi32, #tpu.memory_space<vmem>>, vector<16xi32>,
    %get3A_411 = arith.constant 13 : i32
    %get3A_412 = arith.index_cast %get3A_411 : i32 to index
    %get3A_413 = arith.constant 64 : index
    %get3A_414 = tpu.vector_load %arg6[%get3A_412, %get3A_413] {strides = array<i32>} : memref<20x128xi32, #tpu.memory_space<vmem>>, vector<16xi32>,
    %get3A_415 = arith.constant 14 : i32
    %get3A_416 = arith.index_cast %get3A_415 : i32 to index
    %get3A_417 = arith.constant 64 : index
    %get3A_418 = tpu.vector_load %arg6[%get3A_416, %get3A_417] {strides = array<i32>} : memref<20x128xi32, #tpu.memory_space<vmem>>, vector<16xi32>,
    %get3A_419 = arith.constant 15 : i32
    %get3A_420 = arith.index_cast %get3A_419 : i32 to index
    %get3A_421 = arith.constant 64 : index
    %get3A_422 = tpu.vector_load %arg6[%get3A_420, %get3A_421] {strides = array<i32>} : memref<20x128xi32, #tpu.memory_space<vmem>>, vector<16xi32>,
    %get3A_423 = arith.constant 16 : i32
    %get3A_424 = arith.index_cast %get3A_423 : i32 to index
    %get3A_425 = arith.constant 64 : index
    %get3A_426 = tpu.vector_load %arg6[%get3A_424, %get3A_425] {strides = array<i32>} : memref<20x128xi32, #tpu.memory_space<vmem>>, vector<16xi32>,
    %get3A_427 = arith.constant 17 : i32
    %get3A_428 = arith.index_cast %get3A_427 : i32 to index
    %get3A_429 = arith.constant 64 : index
    %get3A_430 = tpu.vector_load %arg6[%get3A_428, %get3A_429] {strides = array<i32>} : memref<20x128xi32, #tpu.memory_space<vmem>>, vector<16xi32>,
    %get3A_431 = arith.constant 18 : i32
    %get3A_432 = arith.index_cast %get3A_431 : i32 to index
    %get3A_433 = arith.constant 64 : index
    %get3A_434 = tpu.vector_load %arg6[%get3A_432, %get3A_433] {strides = array<i32>} : memref<20x128xi32, #tpu.memory_space<vmem>>, vector<16xi32>,
    %get3A_435 = arith.constant 19 : i32
    %get3A_436 = arith.index_cast %get3A_435 : i32 to index
    %get3A_437 = arith.constant 64 : index
    %get3A_438 = tpu.vector_load %arg6[%get3A_436, %get3A_437] {strides = array<i32>} : memref<20x128xi32, #tpu.memory_space<vmem>>, vector<16xi32>,
    %broadcast_in_dim3A_439 = arith.constant 0.000000e+00 : f32
    %broadcast_in_dim3A_440 = vector.broadcast %broadcast_in_dim3A_439 : f32 to vector<16xf32>
    %scan3A_441 = arith.constant 0 : i32
    %scan3A_442 = arith.constant 64 : i32
    %scan3A_443 = arith.addi %scan3A_441, %scan3A_442 : i32
    %scan3A_444 = arith.constant 1 : i32
    %scan3A_445 = scf.for %scan3A_719 = %scan3A_441 to %scan3A_443 step %scan3A_444 iter_args(%scan3A_720 = %broadcast_in_dim3A_440) -> (vector<16xf32>)  : i32 {
      %broadcast_in_dim3A_721 = vector.broadcast %scan3A_719 : i32 to vector<16xi32>
      %add3A_722 = arith.addi %broadcast_in_dim3A_721, %iota3A : vector<16xi32>
      %and3A = arith.constant 63 : i32
      %and3A_723 = vector.broadcast %and3A : i32 to vector<16xi32>
      %and3A_724 = arith.andi %add3A_722, %and3A_723 : vector<16xi32>
      %gather3A = tpu.vector_load_idx %arg8[%get3A_362, %and3A_724] : memref<1008x64xf32, #tpu.memory_space<vmem>>[vector<16xi32>, vector<16xi32>], vector<16xf32>,
      %mul3A_725 = arith.mulf %gather3A, %gather3A : vector<16xf32>
      %gather3A_726 = tpu.vector_load_idx %arg8[%get3A_366, %and3A_724] : memref<1008x64xf32, #tpu.memory_space<vmem>>[vector<16xi32>, vector<16xi32>], vector<16xf32>,
      %add3A_727 = arith.addf %gather3A, %gather3A_726 : vector<16xf32>
      %mul3A_728 = arith.mulf %gather3A_726, %gather3A_726 : vector<16xf32>
      %add3A_729 = arith.addf %mul3A_725, %mul3A_728 : vector<16xf32>
      %gather3A_730 = tpu.vector_load_idx %arg8[%get3A_370, %and3A_724] : memref<1008x64xf32, #tpu.memory_space<vmem>>[vector<16xi32>, vector<16xi32>], vector<16xf32>,
      %add3A_731 = arith.addf %add3A_727, %gather3A_730 : vector<16xf32>
      %mul3A_732 = arith.mulf %gather3A_730, %gather3A_730 : vector<16xf32>
      %add3A_733 = arith.addf %add3A_729, %mul3A_732 : vector<16xf32>
      %gather3A_734 = tpu.vector_load_idx %arg8[%get3A_374, %and3A_724] : memref<1008x64xf32, #tpu.memory_space<vmem>>[vector<16xi32>, vector<16xi32>], vector<16xf32>,
      %add3A_735 = arith.addf %add3A_731, %gather3A_734 : vector<16xf32>
      %mul3A_736 = arith.mulf %gather3A_734, %gather3A_734 : vector<16xf32>
      %add3A_737 = arith.addf %add3A_733, %mul3A_736 : vector<16xf32>
      %gather3A_738 = tpu.vector_load_idx %arg8[%get3A_378, %and3A_724] : memref<1008x64xf32, #tpu.memory_space<vmem>>[vector<16xi32>, vector<16xi32>], vector<16xf32>,
      %add3A_739 = arith.addf %add3A_735, %gather3A_738 : vector<16xf32>
      %mul3A_740 = arith.mulf %gather3A_738, %gather3A_738 : vector<16xf32>
      %add3A_741 = arith.addf %add3A_737, %mul3A_740 : vector<16xf32>
      %gather3A_742 = tpu.vector_load_idx %arg8[%get3A_382, %and3A_724] : memref<1008x64xf32, #tpu.memory_space<vmem>>[vector<16xi32>, vector<16xi32>], vector<16xf32>,
      %add3A_743 = arith.addf %add3A_739, %gather3A_742 : vector<16xf32>
      %mul3A_744 = arith.mulf %gather3A_742, %gather3A_742 : vector<16xf32>
      %add3A_745 = arith.addf %add3A_741, %mul3A_744 : vector<16xf32>
      %gather3A_746 = tpu.vector_load_idx %arg8[%get3A_386, %and3A_724] : memref<1008x64xf32, #tpu.memory_space<vmem>>[vector<16xi32>, vector<16xi32>], vector<16xf32>,
      %add3A_747 = arith.addf %add3A_743, %gather3A_746 : vector<16xf32>
      %mul3A_748 = arith.mulf %gather3A_746, %gather3A_746 : vector<16xf32>
      %add3A_749 = arith.addf %add3A_745, %mul3A_748 : vector<16xf32>
      %gather3A_750 = tpu.vector_load_idx %arg8[%get3A_390, %and3A_724] : memref<1008x64xf32, #tpu.memory_space<vmem>>[vector<16xi32>, vector<16xi32>], vector<16xf32>,
      %add3A_751 = arith.addf %add3A_747, %gather3A_750 : vector<16xf32>
      %mul3A_752 = arith.mulf %gather3A_750, %gather3A_750 : vector<16xf32>
      %add3A_753 = arith.addf %add3A_749, %mul3A_752 : vector<16xf32>
      %gather3A_754 = tpu.vector_load_idx %arg8[%get3A_394, %and3A_724] : memref<1008x64xf32, #tpu.memory_space<vmem>>[vector<16xi32>, vector<16xi32>], vector<16xf32>,
      %add3A_755 = arith.addf %add3A_751, %gather3A_754 : vector<16xf32>
      %mul3A_756 = arith.mulf %gather3A_754, %gather3A_754 : vector<16xf32>
      %add3A_757 = arith.addf %add3A_753, %mul3A_756 : vector<16xf32>
      %gather3A_758 = tpu.vector_load_idx %arg8[%get3A_398, %and3A_724] : memref<1008x64xf32, #tpu.memory_space<vmem>>[vector<16xi32>, vector<16xi32>], vector<16xf32>,
      %add3A_759 = arith.addf %add3A_755, %gather3A_758 : vector<16xf32>
      %mul3A_760 = arith.mulf %gather3A_758, %gather3A_758 : vector<16xf32>
      %add3A_761 = arith.addf %add3A_757, %mul3A_760 : vector<16xf32>
      %gather3A_762 = tpu.vector_load_idx %arg8[%get3A_402, %and3A_724] : memref<1008x64xf32, #tpu.memory_space<vmem>>[vector<16xi32>, vector<16xi32>], vector<16xf32>,
      %add3A_763 = arith.addf %add3A_759, %gather3A_762 : vector<16xf32>
      %mul3A_764 = arith.mulf %gather3A_762, %gather3A_762 : vector<16xf32>
      %add3A_765 = arith.addf %add3A_761, %mul3A_764 : vector<16xf32>
      %gather3A_766 = tpu.vector_load_idx %arg8[%get3A_406, %and3A_724] : memref<1008x64xf32, #tpu.memory_space<vmem>>[vector<16xi32>, vector<16xi32>], vector<16xf32>,
      %add3A_767 = arith.addf %add3A_763, %gather3A_766 : vector<16xf32>
      %mul3A_768 = arith.mulf %gather3A_766, %gather3A_766 : vector<16xf32>
      %add3A_769 = arith.addf %add3A_765, %mul3A_768 : vector<16xf32>
      %gather3A_770 = tpu.vector_load_idx %arg8[%get3A_410, %and3A_724] : memref<1008x64xf32, #tpu.memory_space<vmem>>[vector<16xi32>, vector<16xi32>], vector<16xf32>,
      %add3A_771 = arith.addf %add3A_767, %gather3A_770 : vector<16xf32>
      %mul3A_772 = arith.mulf %gather3A_770, %gather3A_770 : vector<16xf32>
      %add3A_773 = arith.addf %add3A_769, %mul3A_772 : vector<16xf32>
      %gather3A_774 = tpu.vector_load_idx %arg8[%get3A_414, %and3A_724] : memref<1008x64xf32, #tpu.memory_space<vmem>>[vector<16xi32>, vector<16xi32>], vector<16xf32>,
      %add3A_775 = arith.addf %add3A_771, %gather3A_774 : vector<16xf32>
      %mul3A_776 = arith.mulf %gather3A_774, %gather3A_774 : vector<16xf32>
      %add3A_777 = arith.addf %add3A_773, %mul3A_776 : vector<16xf32>
      %gather3A_778 = tpu.vector_load_idx %arg8[%get3A_418, %and3A_724] : memref<1008x64xf32, #tpu.memory_space<vmem>>[vector<16xi32>, vector<16xi32>], vector<16xf32>,
      %add3A_779 = arith.addf %add3A_775, %gather3A_778 : vector<16xf32>
      %mul3A_780 = arith.mulf %gather3A_778, %gather3A_778 : vector<16xf32>
      %add3A_781 = arith.addf %add3A_777, %mul3A_780 : vector<16xf32>
      %gather3A_782 = tpu.vector_load_idx %arg8[%get3A_422, %and3A_724] : memref<1008x64xf32, #tpu.memory_space<vmem>>[vector<16xi32>, vector<16xi32>], vector<16xf32>,
      %add3A_783 = arith.addf %add3A_779, %gather3A_782 : vector<16xf32>
      %mul3A_784 = arith.mulf %gather3A_782, %gather3A_782 : vector<16xf32>
      %add3A_785 = arith.addf %add3A_781, %mul3A_784 : vector<16xf32>
      %gather3A_786 = tpu.vector_load_idx %arg8[%get3A_426, %and3A_724] : memref<1008x64xf32, #tpu.memory_space<vmem>>[vector<16xi32>, vector<16xi32>], vector<16xf32>,
      %add3A_787 = arith.addf %add3A_783, %gather3A_786 : vector<16xf32>
      %mul3A_788 = arith.mulf %gather3A_786, %gather3A_786 : vector<16xf32>
      %add3A_789 = arith.addf %add3A_785, %mul3A_788 : vector<16xf32>
      %gather3A_790 = tpu.vector_load_idx %arg8[%get3A_430, %and3A_724] : memref<1008x64xf32, #tpu.memory_space<vmem>>[vector<16xi32>, vector<16xi32>], vector<16xf32>,
      %add3A_791 = arith.addf %add3A_787, %gather3A_790 : vector<16xf32>
      %mul3A_792 = arith.mulf %gather3A_790, %gather3A_790 : vector<16xf32>
      %add3A_793 = arith.addf %add3A_789, %mul3A_792 : vector<16xf32>
      %gather3A_794 = tpu.vector_load_idx %arg8[%get3A_434, %and3A_724] : memref<1008x64xf32, #tpu.memory_space<vmem>>[vector<16xi32>, vector<16xi32>], vector<16xf32>,
      %add3A_795 = arith.addf %add3A_791, %gather3A_794 : vector<16xf32>
      %mul3A_796 = arith.mulf %gather3A_794, %gather3A_794 : vector<16xf32>
      %add3A_797 = arith.addf %add3A_793, %mul3A_796 : vector<16xf32>
      %gather3A_798 = tpu.vector_load_idx %arg8[%get3A_438, %and3A_724] : memref<1008x64xf32, #tpu.memory_space<vmem>>[vector<16xi32>, vector<16xi32>], vector<16xf32>,
      %add3A_799 = arith.addf %add3A_795, %gather3A_798 : vector<16xf32>
      %mul3A_800 = arith.mulf %gather3A_798, %gather3A_798 : vector<16xf32>
      %add3A_801 = arith.addf %add3A_797, %mul3A_800 : vector<16xf32>
      %add3A_802 = arith.constant 64 : i32
      %add3A_803 = vector.broadcast %add3A_802 : i32 to vector<16xi32>
      %add3A_804 = arith.addi %add3A_803, %iota3A : vector<16xi32>
      tpu.vector_store_idx %arg7[%and3A_724, %add3A_804], %add3A_799 : memref<64x128xf32, #tpu.memory_space<vmem>>[vector<16xi32>, vector<16xi32>], vector<16xf32>,
      %add3A_805 = arith.addf %scan3A_720, %add3A_801 : vector<16xf32>
      scf.yield %add3A_805 : vector<16xf32>
    }
    %scan3A_446 = arith.constant 64 : i32
    %swap3A_447 = arith.constant 64 : index
    %swap3A_448 = tpu.vector_load %arg9[%swap3A_447] {strides = array<i32>} : memref<128xf32, #tpu.memory_space<vmem>>, vector<16xf32>,
    tpu.vector_store %arg9[%swap3A_447], %scan3A_445 {strides = array<i32>} : memref<128xf32, #tpu.memory_space<vmem>>, vector<16xf32>,
    %get3A_449 = arith.constant 0 : i32
    %get3A_450 = arith.index_cast %get3A_449 : i32 to index
    %get3A_451 = arith.constant 80 : index
    %get3A_452 = tpu.vector_load %arg6[%get3A_450, %get3A_451] {strides = array<i32>} : memref<20x128xi32, #tpu.memory_space<vmem>>, vector<16xi32>,
    %get3A_453 = arith.constant 1 : i32
    %get3A_454 = arith.index_cast %get3A_453 : i32 to index
    %get3A_455 = arith.constant 80 : index
    %get3A_456 = tpu.vector_load %arg6[%get3A_454, %get3A_455] {strides = array<i32>} : memref<20x128xi32, #tpu.memory_space<vmem>>, vector<16xi32>,
    %get3A_457 = arith.constant 2 : i32
    %get3A_458 = arith.index_cast %get3A_457 : i32 to index
    %get3A_459 = arith.constant 80 : index
    %get3A_460 = tpu.vector_load %arg6[%get3A_458, %get3A_459] {strides = array<i32>} : memref<20x128xi32, #tpu.memory_space<vmem>>, vector<16xi32>,
    %get3A_461 = arith.constant 3 : i32
    %get3A_462 = arith.index_cast %get3A_461 : i32 to index
    %get3A_463 = arith.constant 80 : index
    %get3A_464 = tpu.vector_load %arg6[%get3A_462, %get3A_463] {strides = array<i32>} : memref<20x128xi32, #tpu.memory_space<vmem>>, vector<16xi32>,
    %get3A_465 = arith.constant 4 : i32
    %get3A_466 = arith.index_cast %get3A_465 : i32 to index
    %get3A_467 = arith.constant 80 : index
    %get3A_468 = tpu.vector_load %arg6[%get3A_466, %get3A_467] {strides = array<i32>} : memref<20x128xi32, #tpu.memory_space<vmem>>, vector<16xi32>,
    %get3A_469 = arith.constant 5 : i32
    %get3A_470 = arith.index_cast %get3A_469 : i32 to index
    %get3A_471 = arith.constant 80 : index
    %get3A_472 = tpu.vector_load %arg6[%get3A_470, %get3A_471] {strides = array<i32>} : memref<20x128xi32, #tpu.memory_space<vmem>>, vector<16xi32>,
    %get3A_473 = arith.constant 6 : i32
    %get3A_474 = arith.index_cast %get3A_473 : i32 to index
    %get3A_475 = arith.constant 80 : index
    %get3A_476 = tpu.vector_load %arg6[%get3A_474, %get3A_475] {strides = array<i32>} : memref<20x128xi32, #tpu.memory_space<vmem>>, vector<16xi32>,
    %get3A_477 = arith.constant 7 : i32
    %get3A_478 = arith.index_cast %get3A_477 : i32 to index
    %get3A_479 = arith.constant 80 : index
    %get3A_480 = tpu.vector_load %arg6[%get3A_478, %get3A_479] {strides = array<i32>} : memref<20x128xi32, #tpu.memory_space<vmem>>, vector<16xi32>,
    %get3A_481 = arith.constant 8 : i32
    %get3A_482 = arith.index_cast %get3A_481 : i32 to index
    %get3A_483 = arith.constant 80 : index
    %get3A_484 = tpu.vector_load %arg6[%get3A_482, %get3A_483] {strides = array<i32>} : memref<20x128xi32, #tpu.memory_space<vmem>>, vector<16xi32>,
    %get3A_485 = arith.constant 9 : i32
    %get3A_486 = arith.index_cast %get3A_485 : i32 to index
    %get3A_487 = arith.constant 80 : index
    %get3A_488 = tpu.vector_load %arg6[%get3A_486, %get3A_487] {strides = array<i32>} : memref<20x128xi32, #tpu.memory_space<vmem>>, vector<16xi32>,
    %get3A_489 = arith.constant 10 : i32
    %get3A_490 = arith.index_cast %get3A_489 : i32 to index
    %get3A_491 = arith.constant 80 : index
    %get3A_492 = tpu.vector_load %arg6[%get3A_490, %get3A_491] {strides = array<i32>} : memref<20x128xi32, #tpu.memory_space<vmem>>, vector<16xi32>,
    %get3A_493 = arith.constant 11 : i32
    %get3A_494 = arith.index_cast %get3A_493 : i32 to index
    %get3A_495 = arith.constant 80 : index
    %get3A_496 = tpu.vector_load %arg6[%get3A_494, %get3A_495] {strides = array<i32>} : memref<20x128xi32, #tpu.memory_space<vmem>>, vector<16xi32>,
    %get3A_497 = arith.constant 12 : i32
    %get3A_498 = arith.index_cast %get3A_497 : i32 to index
    %get3A_499 = arith.constant 80 : index
    %get3A_500 = tpu.vector_load %arg6[%get3A_498, %get3A_499] {strides = array<i32>} : memref<20x128xi32, #tpu.memory_space<vmem>>, vector<16xi32>,
    %get3A_501 = arith.constant 13 : i32
    %get3A_502 = arith.index_cast %get3A_501 : i32 to index
    %get3A_503 = arith.constant 80 : index
    %get3A_504 = tpu.vector_load %arg6[%get3A_502, %get3A_503] {strides = array<i32>} : memref<20x128xi32, #tpu.memory_space<vmem>>, vector<16xi32>,
    %get3A_505 = arith.constant 14 : i32
    %get3A_506 = arith.index_cast %get3A_505 : i32 to index
    %get3A_507 = arith.constant 80 : index
    %get3A_508 = tpu.vector_load %arg6[%get3A_506, %get3A_507] {strides = array<i32>} : memref<20x128xi32, #tpu.memory_space<vmem>>, vector<16xi32>,
    %get3A_509 = arith.constant 15 : i32
    %get3A_510 = arith.index_cast %get3A_509 : i32 to index
    %get3A_511 = arith.constant 80 : index
    %get3A_512 = tpu.vector_load %arg6[%get3A_510, %get3A_511] {strides = array<i32>} : memref<20x128xi32, #tpu.memory_space<vmem>>, vector<16xi32>,
    %get3A_513 = arith.constant 16 : i32
    %get3A_514 = arith.index_cast %get3A_513 : i32 to index
    %get3A_515 = arith.constant 80 : index
    %get3A_516 = tpu.vector_load %arg6[%get3A_514, %get3A_515] {strides = array<i32>} : memref<20x128xi32, #tpu.memory_space<vmem>>, vector<16xi32>,
    %get3A_517 = arith.constant 17 : i32
    %get3A_518 = arith.index_cast %get3A_517 : i32 to index
    %get3A_519 = arith.constant 80 : index
    %get3A_520 = tpu.vector_load %arg6[%get3A_518, %get3A_519] {strides = array<i32>} : memref<20x128xi32, #tpu.memory_space<vmem>>, vector<16xi32>,
    %get3A_521 = arith.constant 18 : i32
    %get3A_522 = arith.index_cast %get3A_521 : i32 to index
    %get3A_523 = arith.constant 80 : index
    %get3A_524 = tpu.vector_load %arg6[%get3A_522, %get3A_523] {strides = array<i32>} : memref<20x128xi32, #tpu.memory_space<vmem>>, vector<16xi32>,
    %get3A_525 = arith.constant 19 : i32
    %get3A_526 = arith.index_cast %get3A_525 : i32 to index
    %get3A_527 = arith.constant 80 : index
    %get3A_528 = tpu.vector_load %arg6[%get3A_526, %get3A_527] {strides = array<i32>} : memref<20x128xi32, #tpu.memory_space<vmem>>, vector<16xi32>,
    %broadcast_in_dim3A_529 = arith.constant 0.000000e+00 : f32
    %broadcast_in_dim3A_530 = vector.broadcast %broadcast_in_dim3A_529 : f32 to vector<16xf32>
    %scan3A_531 = arith.constant 0 : i32
    %scan3A_532 = arith.constant 64 : i32
    %scan3A_533 = arith.addi %scan3A_531, %scan3A_532 : i32
    %scan3A_534 = arith.constant 1 : i32
    %scan3A_535 = scf.for %scan3A_719 = %scan3A_531 to %scan3A_533 step %scan3A_534 iter_args(%scan3A_720 = %broadcast_in_dim3A_530) -> (vector<16xf32>)  : i32 {
      %broadcast_in_dim3A_721 = vector.broadcast %scan3A_719 : i32 to vector<16xi32>
      %add3A_722 = arith.addi %broadcast_in_dim3A_721, %iota3A : vector<16xi32>
      %and3A = arith.constant 63 : i32
      %and3A_723 = vector.broadcast %and3A : i32 to vector<16xi32>
      %and3A_724 = arith.andi %add3A_722, %and3A_723 : vector<16xi32>
      %gather3A = tpu.vector_load_idx %arg8[%get3A_452, %and3A_724] : memref<1008x64xf32, #tpu.memory_space<vmem>>[vector<16xi32>, vector<16xi32>], vector<16xf32>,
      %mul3A_725 = arith.mulf %gather3A, %gather3A : vector<16xf32>
      %gather3A_726 = tpu.vector_load_idx %arg8[%get3A_456, %and3A_724] : memref<1008x64xf32, #tpu.memory_space<vmem>>[vector<16xi32>, vector<16xi32>], vector<16xf32>,
      %add3A_727 = arith.addf %gather3A, %gather3A_726 : vector<16xf32>
      %mul3A_728 = arith.mulf %gather3A_726, %gather3A_726 : vector<16xf32>
      %add3A_729 = arith.addf %mul3A_725, %mul3A_728 : vector<16xf32>
      %gather3A_730 = tpu.vector_load_idx %arg8[%get3A_460, %and3A_724] : memref<1008x64xf32, #tpu.memory_space<vmem>>[vector<16xi32>, vector<16xi32>], vector<16xf32>,
      %add3A_731 = arith.addf %add3A_727, %gather3A_730 : vector<16xf32>
      %mul3A_732 = arith.mulf %gather3A_730, %gather3A_730 : vector<16xf32>
      %add3A_733 = arith.addf %add3A_729, %mul3A_732 : vector<16xf32>
      %gather3A_734 = tpu.vector_load_idx %arg8[%get3A_464, %and3A_724] : memref<1008x64xf32, #tpu.memory_space<vmem>>[vector<16xi32>, vector<16xi32>], vector<16xf32>,
      %add3A_735 = arith.addf %add3A_731, %gather3A_734 : vector<16xf32>
      %mul3A_736 = arith.mulf %gather3A_734, %gather3A_734 : vector<16xf32>
      %add3A_737 = arith.addf %add3A_733, %mul3A_736 : vector<16xf32>
      %gather3A_738 = tpu.vector_load_idx %arg8[%get3A_468, %and3A_724] : memref<1008x64xf32, #tpu.memory_space<vmem>>[vector<16xi32>, vector<16xi32>], vector<16xf32>,
      %add3A_739 = arith.addf %add3A_735, %gather3A_738 : vector<16xf32>
      %mul3A_740 = arith.mulf %gather3A_738, %gather3A_738 : vector<16xf32>
      %add3A_741 = arith.addf %add3A_737, %mul3A_740 : vector<16xf32>
      %gather3A_742 = tpu.vector_load_idx %arg8[%get3A_472, %and3A_724] : memref<1008x64xf32, #tpu.memory_space<vmem>>[vector<16xi32>, vector<16xi32>], vector<16xf32>,
      %add3A_743 = arith.addf %add3A_739, %gather3A_742 : vector<16xf32>
      %mul3A_744 = arith.mulf %gather3A_742, %gather3A_742 : vector<16xf32>
      %add3A_745 = arith.addf %add3A_741, %mul3A_744 : vector<16xf32>
      %gather3A_746 = tpu.vector_load_idx %arg8[%get3A_476, %and3A_724] : memref<1008x64xf32, #tpu.memory_space<vmem>>[vector<16xi32>, vector<16xi32>], vector<16xf32>,
      %add3A_747 = arith.addf %add3A_743, %gather3A_746 : vector<16xf32>
      %mul3A_748 = arith.mulf %gather3A_746, %gather3A_746 : vector<16xf32>
      %add3A_749 = arith.addf %add3A_745, %mul3A_748 : vector<16xf32>
      %gather3A_750 = tpu.vector_load_idx %arg8[%get3A_480, %and3A_724] : memref<1008x64xf32, #tpu.memory_space<vmem>>[vector<16xi32>, vector<16xi32>], vector<16xf32>,
      %add3A_751 = arith.addf %add3A_747, %gather3A_750 : vector<16xf32>
      %mul3A_752 = arith.mulf %gather3A_750, %gather3A_750 : vector<16xf32>
      %add3A_753 = arith.addf %add3A_749, %mul3A_752 : vector<16xf32>
      %gather3A_754 = tpu.vector_load_idx %arg8[%get3A_484, %and3A_724] : memref<1008x64xf32, #tpu.memory_space<vmem>>[vector<16xi32>, vector<16xi32>], vector<16xf32>,
      %add3A_755 = arith.addf %add3A_751, %gather3A_754 : vector<16xf32>
      %mul3A_756 = arith.mulf %gather3A_754, %gather3A_754 : vector<16xf32>
      %add3A_757 = arith.addf %add3A_753, %mul3A_756 : vector<16xf32>
      %gather3A_758 = tpu.vector_load_idx %arg8[%get3A_488, %and3A_724] : memref<1008x64xf32, #tpu.memory_space<vmem>>[vector<16xi32>, vector<16xi32>], vector<16xf32>,
      %add3A_759 = arith.addf %add3A_755, %gather3A_758 : vector<16xf32>
      %mul3A_760 = arith.mulf %gather3A_758, %gather3A_758 : vector<16xf32>
      %add3A_761 = arith.addf %add3A_757, %mul3A_760 : vector<16xf32>
      %gather3A_762 = tpu.vector_load_idx %arg8[%get3A_492, %and3A_724] : memref<1008x64xf32, #tpu.memory_space<vmem>>[vector<16xi32>, vector<16xi32>], vector<16xf32>,
      %add3A_763 = arith.addf %add3A_759, %gather3A_762 : vector<16xf32>
      %mul3A_764 = arith.mulf %gather3A_762, %gather3A_762 : vector<16xf32>
      %add3A_765 = arith.addf %add3A_761, %mul3A_764 : vector<16xf32>
      %gather3A_766 = tpu.vector_load_idx %arg8[%get3A_496, %and3A_724] : memref<1008x64xf32, #tpu.memory_space<vmem>>[vector<16xi32>, vector<16xi32>], vector<16xf32>,
      %add3A_767 = arith.addf %add3A_763, %gather3A_766 : vector<16xf32>
      %mul3A_768 = arith.mulf %gather3A_766, %gather3A_766 : vector<16xf32>
      %add3A_769 = arith.addf %add3A_765, %mul3A_768 : vector<16xf32>
      %gather3A_770 = tpu.vector_load_idx %arg8[%get3A_500, %and3A_724] : memref<1008x64xf32, #tpu.memory_space<vmem>>[vector<16xi32>, vector<16xi32>], vector<16xf32>,
      %add3A_771 = arith.addf %add3A_767, %gather3A_770 : vector<16xf32>
      %mul3A_772 = arith.mulf %gather3A_770, %gather3A_770 : vector<16xf32>
      %add3A_773 = arith.addf %add3A_769, %mul3A_772 : vector<16xf32>
      %gather3A_774 = tpu.vector_load_idx %arg8[%get3A_504, %and3A_724] : memref<1008x64xf32, #tpu.memory_space<vmem>>[vector<16xi32>, vector<16xi32>], vector<16xf32>,
      %add3A_775 = arith.addf %add3A_771, %gather3A_774 : vector<16xf32>
      %mul3A_776 = arith.mulf %gather3A_774, %gather3A_774 : vector<16xf32>
      %add3A_777 = arith.addf %add3A_773, %mul3A_776 : vector<16xf32>
      %gather3A_778 = tpu.vector_load_idx %arg8[%get3A_508, %and3A_724] : memref<1008x64xf32, #tpu.memory_space<vmem>>[vector<16xi32>, vector<16xi32>], vector<16xf32>,
      %add3A_779 = arith.addf %add3A_775, %gather3A_778 : vector<16xf32>
      %mul3A_780 = arith.mulf %gather3A_778, %gather3A_778 : vector<16xf32>
      %add3A_781 = arith.addf %add3A_777, %mul3A_780 : vector<16xf32>
      %gather3A_782 = tpu.vector_load_idx %arg8[%get3A_512, %and3A_724] : memref<1008x64xf32, #tpu.memory_space<vmem>>[vector<16xi32>, vector<16xi32>], vector<16xf32>,
      %add3A_783 = arith.addf %add3A_779, %gather3A_782 : vector<16xf32>
      %mul3A_784 = arith.mulf %gather3A_782, %gather3A_782 : vector<16xf32>
      %add3A_785 = arith.addf %add3A_781, %mul3A_784 : vector<16xf32>
      %gather3A_786 = tpu.vector_load_idx %arg8[%get3A_516, %and3A_724] : memref<1008x64xf32, #tpu.memory_space<vmem>>[vector<16xi32>, vector<16xi32>], vector<16xf32>,
      %add3A_787 = arith.addf %add3A_783, %gather3A_786 : vector<16xf32>
      %mul3A_788 = arith.mulf %gather3A_786, %gather3A_786 : vector<16xf32>
      %add3A_789 = arith.addf %add3A_785, %mul3A_788 : vector<16xf32>
      %gather3A_790 = tpu.vector_load_idx %arg8[%get3A_520, %and3A_724] : memref<1008x64xf32, #tpu.memory_space<vmem>>[vector<16xi32>, vector<16xi32>], vector<16xf32>,
      %add3A_791 = arith.addf %add3A_787, %gather3A_790 : vector<16xf32>
      %mul3A_792 = arith.mulf %gather3A_790, %gather3A_790 : vector<16xf32>
      %add3A_793 = arith.addf %add3A_789, %mul3A_792 : vector<16xf32>
      %gather3A_794 = tpu.vector_load_idx %arg8[%get3A_524, %and3A_724] : memref<1008x64xf32, #tpu.memory_space<vmem>>[vector<16xi32>, vector<16xi32>], vector<16xf32>,
      %add3A_795 = arith.addf %add3A_791, %gather3A_794 : vector<16xf32>
      %mul3A_796 = arith.mulf %gather3A_794, %gather3A_794 : vector<16xf32>
      %add3A_797 = arith.addf %add3A_793, %mul3A_796 : vector<16xf32>
      %gather3A_798 = tpu.vector_load_idx %arg8[%get3A_528, %and3A_724] : memref<1008x64xf32, #tpu.memory_space<vmem>>[vector<16xi32>, vector<16xi32>], vector<16xf32>,
      %add3A_799 = arith.addf %add3A_795, %gather3A_798 : vector<16xf32>
      %mul3A_800 = arith.mulf %gather3A_798, %gather3A_798 : vector<16xf32>
      %add3A_801 = arith.addf %add3A_797, %mul3A_800 : vector<16xf32>
      %add3A_802 = arith.constant 80 : i32
      %add3A_803 = vector.broadcast %add3A_802 : i32 to vector<16xi32>
      %add3A_804 = arith.addi %add3A_803, %iota3A : vector<16xi32>
      tpu.vector_store_idx %arg7[%and3A_724, %add3A_804], %add3A_799 : memref<64x128xf32, #tpu.memory_space<vmem>>[vector<16xi32>, vector<16xi32>], vector<16xf32>,
      %add3A_805 = arith.addf %scan3A_720, %add3A_801 : vector<16xf32>
      scf.yield %add3A_805 : vector<16xf32>
    }
    %scan3A_536 = arith.constant 64 : i32
    %swap3A_537 = arith.constant 80 : index
    %swap3A_538 = tpu.vector_load %arg9[%swap3A_537] {strides = array<i32>} : memref<128xf32, #tpu.memory_space<vmem>>, vector<16xf32>,
    tpu.vector_store %arg9[%swap3A_537], %scan3A_535 {strides = array<i32>} : memref<128xf32, #tpu.memory_space<vmem>>, vector<16xf32>,
    %get3A_539 = arith.constant 0 : i32
    %get3A_540 = arith.index_cast %get3A_539 : i32 to index
    %get3A_541 = arith.constant 96 : index
    %get3A_542 = tpu.vector_load %arg6[%get3A_540, %get3A_541] {strides = array<i32>} : memref<20x128xi32, #tpu.memory_space<vmem>>, vector<16xi32>,
    %get3A_543 = arith.constant 1 : i32
    %get3A_544 = arith.index_cast %get3A_543 : i32 to index
    %get3A_545 = arith.constant 96 : index
    %get3A_546 = tpu.vector_load %arg6[%get3A_544, %get3A_545] {strides = array<i32>} : memref<20x128xi32, #tpu.memory_space<vmem>>, vector<16xi32>,
    %get3A_547 = arith.constant 2 : i32
    %get3A_548 = arith.index_cast %get3A_547 : i32 to index
    %get3A_549 = arith.constant 96 : index
    %get3A_550 = tpu.vector_load %arg6[%get3A_548, %get3A_549] {strides = array<i32>} : memref<20x128xi32, #tpu.memory_space<vmem>>, vector<16xi32>,
    %get3A_551 = arith.constant 3 : i32
    %get3A_552 = arith.index_cast %get3A_551 : i32 to index
    %get3A_553 = arith.constant 96 : index
    %get3A_554 = tpu.vector_load %arg6[%get3A_552, %get3A_553] {strides = array<i32>} : memref<20x128xi32, #tpu.memory_space<vmem>>, vector<16xi32>,
    %get3A_555 = arith.constant 4 : i32
    %get3A_556 = arith.index_cast %get3A_555 : i32 to index
    %get3A_557 = arith.constant 96 : index
    %get3A_558 = tpu.vector_load %arg6[%get3A_556, %get3A_557] {strides = array<i32>} : memref<20x128xi32, #tpu.memory_space<vmem>>, vector<16xi32>,
    %get3A_559 = arith.constant 5 : i32
    %get3A_560 = arith.index_cast %get3A_559 : i32 to index
    %get3A_561 = arith.constant 96 : index
    %get3A_562 = tpu.vector_load %arg6[%get3A_560, %get3A_561] {strides = array<i32>} : memref<20x128xi32, #tpu.memory_space<vmem>>, vector<16xi32>,
    %get3A_563 = arith.constant 6 : i32
    %get3A_564 = arith.index_cast %get3A_563 : i32 to index
    %get3A_565 = arith.constant 96 : index
    %get3A_566 = tpu.vector_load %arg6[%get3A_564, %get3A_565] {strides = array<i32>} : memref<20x128xi32, #tpu.memory_space<vmem>>, vector<16xi32>,
    %get3A_567 = arith.constant 7 : i32
    %get3A_568 = arith.index_cast %get3A_567 : i32 to index
    %get3A_569 = arith.constant 96 : index
    %get3A_570 = tpu.vector_load %arg6[%get3A_568, %get3A_569] {strides = array<i32>} : memref<20x128xi32, #tpu.memory_space<vmem>>, vector<16xi32>,
    %get3A_571 = arith.constant 8 : i32
    %get3A_572 = arith.index_cast %get3A_571 : i32 to index
    %get3A_573 = arith.constant 96 : index
    %get3A_574 = tpu.vector_load %arg6[%get3A_572, %get3A_573] {strides = array<i32>} : memref<20x128xi32, #tpu.memory_space<vmem>>, vector<16xi32>,
    %get3A_575 = arith.constant 9 : i32
    %get3A_576 = arith.index_cast %get3A_575 : i32 to index
    %get3A_577 = arith.constant 96 : index
    %get3A_578 = tpu.vector_load %arg6[%get3A_576, %get3A_577] {strides = array<i32>} : memref<20x128xi32, #tpu.memory_space<vmem>>, vector<16xi32>,
    %get3A_579 = arith.constant 10 : i32
    %get3A_580 = arith.index_cast %get3A_579 : i32 to index
    %get3A_581 = arith.constant 96 : index
    %get3A_582 = tpu.vector_load %arg6[%get3A_580, %get3A_581] {strides = array<i32>} : memref<20x128xi32, #tpu.memory_space<vmem>>, vector<16xi32>,
    %get3A_583 = arith.constant 11 : i32
    %get3A_584 = arith.index_cast %get3A_583 : i32 to index
    %get3A_585 = arith.constant 96 : index
    %get3A_586 = tpu.vector_load %arg6[%get3A_584, %get3A_585] {strides = array<i32>} : memref<20x128xi32, #tpu.memory_space<vmem>>, vector<16xi32>,
    %get3A_587 = arith.constant 12 : i32
    %get3A_588 = arith.index_cast %get3A_587 : i32 to index
    %get3A_589 = arith.constant 96 : index
    %get3A_590 = tpu.vector_load %arg6[%get3A_588, %get3A_589] {strides = array<i32>} : memref<20x128xi32, #tpu.memory_space<vmem>>, vector<16xi32>,
    %get3A_591 = arith.constant 13 : i32
    %get3A_592 = arith.index_cast %get3A_591 : i32 to index
    %get3A_593 = arith.constant 96 : index
    %get3A_594 = tpu.vector_load %arg6[%get3A_592, %get3A_593] {strides = array<i32>} : memref<20x128xi32, #tpu.memory_space<vmem>>, vector<16xi32>,
    %get3A_595 = arith.constant 14 : i32
    %get3A_596 = arith.index_cast %get3A_595 : i32 to index
    %get3A_597 = arith.constant 96 : index
    %get3A_598 = tpu.vector_load %arg6[%get3A_596, %get3A_597] {strides = array<i32>} : memref<20x128xi32, #tpu.memory_space<vmem>>, vector<16xi32>,
    %get3A_599 = arith.constant 15 : i32
    %get3A_600 = arith.index_cast %get3A_599 : i32 to index
    %get3A_601 = arith.constant 96 : index
    %get3A_602 = tpu.vector_load %arg6[%get3A_600, %get3A_601] {strides = array<i32>} : memref<20x128xi32, #tpu.memory_space<vmem>>, vector<16xi32>,
    %get3A_603 = arith.constant 16 : i32
    %get3A_604 = arith.index_cast %get3A_603 : i32 to index
    %get3A_605 = arith.constant 96 : index
    %get3A_606 = tpu.vector_load %arg6[%get3A_604, %get3A_605] {strides = array<i32>} : memref<20x128xi32, #tpu.memory_space<vmem>>, vector<16xi32>,
    %get3A_607 = arith.constant 17 : i32
    %get3A_608 = arith.index_cast %get3A_607 : i32 to index
    %get3A_609 = arith.constant 96 : index
    %get3A_610 = tpu.vector_load %arg6[%get3A_608, %get3A_609] {strides = array<i32>} : memref<20x128xi32, #tpu.memory_space<vmem>>, vector<16xi32>,
    %get3A_611 = arith.constant 18 : i32
    %get3A_612 = arith.index_cast %get3A_611 : i32 to index
    %get3A_613 = arith.constant 96 : index
    %get3A_614 = tpu.vector_load %arg6[%get3A_612, %get3A_613] {strides = array<i32>} : memref<20x128xi32, #tpu.memory_space<vmem>>, vector<16xi32>,
    %get3A_615 = arith.constant 19 : i32
    %get3A_616 = arith.index_cast %get3A_615 : i32 to index
    %get3A_617 = arith.constant 96 : index
    %get3A_618 = tpu.vector_load %arg6[%get3A_616, %get3A_617] {strides = array<i32>} : memref<20x128xi32, #tpu.memory_space<vmem>>, vector<16xi32>,
    %broadcast_in_dim3A_619 = arith.constant 0.000000e+00 : f32
    %broadcast_in_dim3A_620 = vector.broadcast %broadcast_in_dim3A_619 : f32 to vector<16xf32>
    %scan3A_621 = arith.constant 0 : i32
    %scan3A_622 = arith.constant 64 : i32
    %scan3A_623 = arith.addi %scan3A_621, %scan3A_622 : i32
    %scan3A_624 = arith.constant 1 : i32
    %scan3A_625 = scf.for %scan3A_719 = %scan3A_621 to %scan3A_623 step %scan3A_624 iter_args(%scan3A_720 = %broadcast_in_dim3A_620) -> (vector<16xf32>)  : i32 {
      %broadcast_in_dim3A_721 = vector.broadcast %scan3A_719 : i32 to vector<16xi32>
      %add3A_722 = arith.addi %broadcast_in_dim3A_721, %iota3A : vector<16xi32>
      %and3A = arith.constant 63 : i32
      %and3A_723 = vector.broadcast %and3A : i32 to vector<16xi32>
      %and3A_724 = arith.andi %add3A_722, %and3A_723 : vector<16xi32>
      %gather3A = tpu.vector_load_idx %arg8[%get3A_542, %and3A_724] : memref<1008x64xf32, #tpu.memory_space<vmem>>[vector<16xi32>, vector<16xi32>], vector<16xf32>,
      %mul3A_725 = arith.mulf %gather3A, %gather3A : vector<16xf32>
      %gather3A_726 = tpu.vector_load_idx %arg8[%get3A_546, %and3A_724] : memref<1008x64xf32, #tpu.memory_space<vmem>>[vector<16xi32>, vector<16xi32>], vector<16xf32>,
      %add3A_727 = arith.addf %gather3A, %gather3A_726 : vector<16xf32>
      %mul3A_728 = arith.mulf %gather3A_726, %gather3A_726 : vector<16xf32>
      %add3A_729 = arith.addf %mul3A_725, %mul3A_728 : vector<16xf32>
      %gather3A_730 = tpu.vector_load_idx %arg8[%get3A_550, %and3A_724] : memref<1008x64xf32, #tpu.memory_space<vmem>>[vector<16xi32>, vector<16xi32>], vector<16xf32>,
      %add3A_731 = arith.addf %add3A_727, %gather3A_730 : vector<16xf32>
      %mul3A_732 = arith.mulf %gather3A_730, %gather3A_730 : vector<16xf32>
      %add3A_733 = arith.addf %add3A_729, %mul3A_732 : vector<16xf32>
      %gather3A_734 = tpu.vector_load_idx %arg8[%get3A_554, %and3A_724] : memref<1008x64xf32, #tpu.memory_space<vmem>>[vector<16xi32>, vector<16xi32>], vector<16xf32>,
      %add3A_735 = arith.addf %add3A_731, %gather3A_734 : vector<16xf32>
      %mul3A_736 = arith.mulf %gather3A_734, %gather3A_734 : vector<16xf32>
      %add3A_737 = arith.addf %add3A_733, %mul3A_736 : vector<16xf32>
      %gather3A_738 = tpu.vector_load_idx %arg8[%get3A_558, %and3A_724] : memref<1008x64xf32, #tpu.memory_space<vmem>>[vector<16xi32>, vector<16xi32>], vector<16xf32>,
      %add3A_739 = arith.addf %add3A_735, %gather3A_738 : vector<16xf32>
      %mul3A_740 = arith.mulf %gather3A_738, %gather3A_738 : vector<16xf32>
      %add3A_741 = arith.addf %add3A_737, %mul3A_740 : vector<16xf32>
      %gather3A_742 = tpu.vector_load_idx %arg8[%get3A_562, %and3A_724] : memref<1008x64xf32, #tpu.memory_space<vmem>>[vector<16xi32>, vector<16xi32>], vector<16xf32>,
      %add3A_743 = arith.addf %add3A_739, %gather3A_742 : vector<16xf32>
      %mul3A_744 = arith.mulf %gather3A_742, %gather3A_742 : vector<16xf32>
      %add3A_745 = arith.addf %add3A_741, %mul3A_744 : vector<16xf32>
      %gather3A_746 = tpu.vector_load_idx %arg8[%get3A_566, %and3A_724] : memref<1008x64xf32, #tpu.memory_space<vmem>>[vector<16xi32>, vector<16xi32>], vector<16xf32>,
      %add3A_747 = arith.addf %add3A_743, %gather3A_746 : vector<16xf32>
      %mul3A_748 = arith.mulf %gather3A_746, %gather3A_746 : vector<16xf32>
      %add3A_749 = arith.addf %add3A_745, %mul3A_748 : vector<16xf32>
      %gather3A_750 = tpu.vector_load_idx %arg8[%get3A_570, %and3A_724] : memref<1008x64xf32, #tpu.memory_space<vmem>>[vector<16xi32>, vector<16xi32>], vector<16xf32>,
      %add3A_751 = arith.addf %add3A_747, %gather3A_750 : vector<16xf32>
      %mul3A_752 = arith.mulf %gather3A_750, %gather3A_750 : vector<16xf32>
      %add3A_753 = arith.addf %add3A_749, %mul3A_752 : vector<16xf32>
      %gather3A_754 = tpu.vector_load_idx %arg8[%get3A_574, %and3A_724] : memref<1008x64xf32, #tpu.memory_space<vmem>>[vector<16xi32>, vector<16xi32>], vector<16xf32>,
      %add3A_755 = arith.addf %add3A_751, %gather3A_754 : vector<16xf32>
      %mul3A_756 = arith.mulf %gather3A_754, %gather3A_754 : vector<16xf32>
      %add3A_757 = arith.addf %add3A_753, %mul3A_756 : vector<16xf32>
      %gather3A_758 = tpu.vector_load_idx %arg8[%get3A_578, %and3A_724] : memref<1008x64xf32, #tpu.memory_space<vmem>>[vector<16xi32>, vector<16xi32>], vector<16xf32>,
      %add3A_759 = arith.addf %add3A_755, %gather3A_758 : vector<16xf32>
      %mul3A_760 = arith.mulf %gather3A_758, %gather3A_758 : vector<16xf32>
      %add3A_761 = arith.addf %add3A_757, %mul3A_760 : vector<16xf32>
      %gather3A_762 = tpu.vector_load_idx %arg8[%get3A_582, %and3A_724] : memref<1008x64xf32, #tpu.memory_space<vmem>>[vector<16xi32>, vector<16xi32>], vector<16xf32>,
      %add3A_763 = arith.addf %add3A_759, %gather3A_762 : vector<16xf32>
      %mul3A_764 = arith.mulf %gather3A_762, %gather3A_762 : vector<16xf32>
      %add3A_765 = arith.addf %add3A_761, %mul3A_764 : vector<16xf32>
      %gather3A_766 = tpu.vector_load_idx %arg8[%get3A_586, %and3A_724] : memref<1008x64xf32, #tpu.memory_space<vmem>>[vector<16xi32>, vector<16xi32>], vector<16xf32>,
      %add3A_767 = arith.addf %add3A_763, %gather3A_766 : vector<16xf32>
      %mul3A_768 = arith.mulf %gather3A_766, %gather3A_766 : vector<16xf32>
      %add3A_769 = arith.addf %add3A_765, %mul3A_768 : vector<16xf32>
      %gather3A_770 = tpu.vector_load_idx %arg8[%get3A_590, %and3A_724] : memref<1008x64xf32, #tpu.memory_space<vmem>>[vector<16xi32>, vector<16xi32>], vector<16xf32>,
      %add3A_771 = arith.addf %add3A_767, %gather3A_770 : vector<16xf32>
      %mul3A_772 = arith.mulf %gather3A_770, %gather3A_770 : vector<16xf32>
      %add3A_773 = arith.addf %add3A_769, %mul3A_772 : vector<16xf32>
      %gather3A_774 = tpu.vector_load_idx %arg8[%get3A_594, %and3A_724] : memref<1008x64xf32, #tpu.memory_space<vmem>>[vector<16xi32>, vector<16xi32>], vector<16xf32>,
      %add3A_775 = arith.addf %add3A_771, %gather3A_774 : vector<16xf32>
      %mul3A_776 = arith.mulf %gather3A_774, %gather3A_774 : vector<16xf32>
      %add3A_777 = arith.addf %add3A_773, %mul3A_776 : vector<16xf32>
      %gather3A_778 = tpu.vector_load_idx %arg8[%get3A_598, %and3A_724] : memref<1008x64xf32, #tpu.memory_space<vmem>>[vector<16xi32>, vector<16xi32>], vector<16xf32>,
      %add3A_779 = arith.addf %add3A_775, %gather3A_778 : vector<16xf32>
      %mul3A_780 = arith.mulf %gather3A_778, %gather3A_778 : vector<16xf32>
      %add3A_781 = arith.addf %add3A_777, %mul3A_780 : vector<16xf32>
      %gather3A_782 = tpu.vector_load_idx %arg8[%get3A_602, %and3A_724] : memref<1008x64xf32, #tpu.memory_space<vmem>>[vector<16xi32>, vector<16xi32>], vector<16xf32>,
      %add3A_783 = arith.addf %add3A_779, %gather3A_782 : vector<16xf32>
      %mul3A_784 = arith.mulf %gather3A_782, %gather3A_782 : vector<16xf32>
      %add3A_785 = arith.addf %add3A_781, %mul3A_784 : vector<16xf32>
      %gather3A_786 = tpu.vector_load_idx %arg8[%get3A_606, %and3A_724] : memref<1008x64xf32, #tpu.memory_space<vmem>>[vector<16xi32>, vector<16xi32>], vector<16xf32>,
      %add3A_787 = arith.addf %add3A_783, %gather3A_786 : vector<16xf32>
      %mul3A_788 = arith.mulf %gather3A_786, %gather3A_786 : vector<16xf32>
      %add3A_789 = arith.addf %add3A_785, %mul3A_788 : vector<16xf32>
      %gather3A_790 = tpu.vector_load_idx %arg8[%get3A_610, %and3A_724] : memref<1008x64xf32, #tpu.memory_space<vmem>>[vector<16xi32>, vector<16xi32>], vector<16xf32>,
      %add3A_791 = arith.addf %add3A_787, %gather3A_790 : vector<16xf32>
      %mul3A_792 = arith.mulf %gather3A_790, %gather3A_790 : vector<16xf32>
      %add3A_793 = arith.addf %add3A_789, %mul3A_792 : vector<16xf32>
      %gather3A_794 = tpu.vector_load_idx %arg8[%get3A_614, %and3A_724] : memref<1008x64xf32, #tpu.memory_space<vmem>>[vector<16xi32>, vector<16xi32>], vector<16xf32>,
      %add3A_795 = arith.addf %add3A_791, %gather3A_794 : vector<16xf32>
      %mul3A_796 = arith.mulf %gather3A_794, %gather3A_794 : vector<16xf32>
      %add3A_797 = arith.addf %add3A_793, %mul3A_796 : vector<16xf32>
      %gather3A_798 = tpu.vector_load_idx %arg8[%get3A_618, %and3A_724] : memref<1008x64xf32, #tpu.memory_space<vmem>>[vector<16xi32>, vector<16xi32>], vector<16xf32>,
      %add3A_799 = arith.addf %add3A_795, %gather3A_798 : vector<16xf32>
      %mul3A_800 = arith.mulf %gather3A_798, %gather3A_798 : vector<16xf32>
      %add3A_801 = arith.addf %add3A_797, %mul3A_800 : vector<16xf32>
      %add3A_802 = arith.constant 96 : i32
      %add3A_803 = vector.broadcast %add3A_802 : i32 to vector<16xi32>
      %add3A_804 = arith.addi %add3A_803, %iota3A : vector<16xi32>
      tpu.vector_store_idx %arg7[%and3A_724, %add3A_804], %add3A_799 : memref<64x128xf32, #tpu.memory_space<vmem>>[vector<16xi32>, vector<16xi32>], vector<16xf32>,
      %add3A_805 = arith.addf %scan3A_720, %add3A_801 : vector<16xf32>
      scf.yield %add3A_805 : vector<16xf32>
    }
    %scan3A_626 = arith.constant 64 : i32
    %swap3A_627 = arith.constant 96 : index
    %swap3A_628 = tpu.vector_load %arg9[%swap3A_627] {strides = array<i32>} : memref<128xf32, #tpu.memory_space<vmem>>, vector<16xf32>,
    tpu.vector_store %arg9[%swap3A_627], %scan3A_625 {strides = array<i32>} : memref<128xf32, #tpu.memory_space<vmem>>, vector<16xf32>,
    %get3A_629 = arith.constant 0 : i32
    %get3A_630 = arith.index_cast %get3A_629 : i32 to index
    %get3A_631 = arith.constant 112 : index
    %get3A_632 = tpu.vector_load %arg6[%get3A_630, %get3A_631] {strides = array<i32>} : memref<20x128xi32, #tpu.memory_space<vmem>>, vector<16xi32>,
    %get3A_633 = arith.constant 1 : i32
    %get3A_634 = arith.index_cast %get3A_633 : i32 to index
    %get3A_635 = arith.constant 112 : index
    %get3A_636 = tpu.vector_load %arg6[%get3A_634, %get3A_635] {strides = array<i32>} : memref<20x128xi32, #tpu.memory_space<vmem>>, vector<16xi32>,
    %get3A_637 = arith.constant 2 : i32
    %get3A_638 = arith.index_cast %get3A_637 : i32 to index
    %get3A_639 = arith.constant 112 : index
    %get3A_640 = tpu.vector_load %arg6[%get3A_638, %get3A_639] {strides = array<i32>} : memref<20x128xi32, #tpu.memory_space<vmem>>, vector<16xi32>,
    %get3A_641 = arith.constant 3 : i32
    %get3A_642 = arith.index_cast %get3A_641 : i32 to index
    %get3A_643 = arith.constant 112 : index
    %get3A_644 = tpu.vector_load %arg6[%get3A_642, %get3A_643] {strides = array<i32>} : memref<20x128xi32, #tpu.memory_space<vmem>>, vector<16xi32>,
    %get3A_645 = arith.constant 4 : i32
    %get3A_646 = arith.index_cast %get3A_645 : i32 to index
    %get3A_647 = arith.constant 112 : index
    %get3A_648 = tpu.vector_load %arg6[%get3A_646, %get3A_647] {strides = array<i32>} : memref<20x128xi32, #tpu.memory_space<vmem>>, vector<16xi32>,
    %get3A_649 = arith.constant 5 : i32
    %get3A_650 = arith.index_cast %get3A_649 : i32 to index
    %get3A_651 = arith.constant 112 : index
    %get3A_652 = tpu.vector_load %arg6[%get3A_650, %get3A_651] {strides = array<i32>} : memref<20x128xi32, #tpu.memory_space<vmem>>, vector<16xi32>,
    %get3A_653 = arith.constant 6 : i32
    %get3A_654 = arith.index_cast %get3A_653 : i32 to index
    %get3A_655 = arith.constant 112 : index
    %get3A_656 = tpu.vector_load %arg6[%get3A_654, %get3A_655] {strides = array<i32>} : memref<20x128xi32, #tpu.memory_space<vmem>>, vector<16xi32>,
    %get3A_657 = arith.constant 7 : i32
    %get3A_658 = arith.index_cast %get3A_657 : i32 to index
    %get3A_659 = arith.constant 112 : index
    %get3A_660 = tpu.vector_load %arg6[%get3A_658, %get3A_659] {strides = array<i32>} : memref<20x128xi32, #tpu.memory_space<vmem>>, vector<16xi32>,
    %get3A_661 = arith.constant 8 : i32
    %get3A_662 = arith.index_cast %get3A_661 : i32 to index
    %get3A_663 = arith.constant 112 : index
    %get3A_664 = tpu.vector_load %arg6[%get3A_662, %get3A_663] {strides = array<i32>} : memref<20x128xi32, #tpu.memory_space<vmem>>, vector<16xi32>,
    %get3A_665 = arith.constant 9 : i32
    %get3A_666 = arith.index_cast %get3A_665 : i32 to index
    %get3A_667 = arith.constant 112 : index
    %get3A_668 = tpu.vector_load %arg6[%get3A_666, %get3A_667] {strides = array<i32>} : memref<20x128xi32, #tpu.memory_space<vmem>>, vector<16xi32>,
    %get3A_669 = arith.constant 10 : i32
    %get3A_670 = arith.index_cast %get3A_669 : i32 to index
    %get3A_671 = arith.constant 112 : index
    %get3A_672 = tpu.vector_load %arg6[%get3A_670, %get3A_671] {strides = array<i32>} : memref<20x128xi32, #tpu.memory_space<vmem>>, vector<16xi32>,
    %get3A_673 = arith.constant 11 : i32
    %get3A_674 = arith.index_cast %get3A_673 : i32 to index
    %get3A_675 = arith.constant 112 : index
    %get3A_676 = tpu.vector_load %arg6[%get3A_674, %get3A_675] {strides = array<i32>} : memref<20x128xi32, #tpu.memory_space<vmem>>, vector<16xi32>,
    %get3A_677 = arith.constant 12 : i32
    %get3A_678 = arith.index_cast %get3A_677 : i32 to index
    %get3A_679 = arith.constant 112 : index
    %get3A_680 = tpu.vector_load %arg6[%get3A_678, %get3A_679] {strides = array<i32>} : memref<20x128xi32, #tpu.memory_space<vmem>>, vector<16xi32>,
    %get3A_681 = arith.constant 13 : i32
    %get3A_682 = arith.index_cast %get3A_681 : i32 to index
    %get3A_683 = arith.constant 112 : index
    %get3A_684 = tpu.vector_load %arg6[%get3A_682, %get3A_683] {strides = array<i32>} : memref<20x128xi32, #tpu.memory_space<vmem>>, vector<16xi32>,
    %get3A_685 = arith.constant 14 : i32
    %get3A_686 = arith.index_cast %get3A_685 : i32 to index
    %get3A_687 = arith.constant 112 : index
    %get3A_688 = tpu.vector_load %arg6[%get3A_686, %get3A_687] {strides = array<i32>} : memref<20x128xi32, #tpu.memory_space<vmem>>, vector<16xi32>,
    %get3A_689 = arith.constant 15 : i32
    %get3A_690 = arith.index_cast %get3A_689 : i32 to index
    %get3A_691 = arith.constant 112 : index
    %get3A_692 = tpu.vector_load %arg6[%get3A_690, %get3A_691] {strides = array<i32>} : memref<20x128xi32, #tpu.memory_space<vmem>>, vector<16xi32>,
    %get3A_693 = arith.constant 16 : i32
    %get3A_694 = arith.index_cast %get3A_693 : i32 to index
    %get3A_695 = arith.constant 112 : index
    %get3A_696 = tpu.vector_load %arg6[%get3A_694, %get3A_695] {strides = array<i32>} : memref<20x128xi32, #tpu.memory_space<vmem>>, vector<16xi32>,
    %get3A_697 = arith.constant 17 : i32
    %get3A_698 = arith.index_cast %get3A_697 : i32 to index
    %get3A_699 = arith.constant 112 : index
    %get3A_700 = tpu.vector_load %arg6[%get3A_698, %get3A_699] {strides = array<i32>} : memref<20x128xi32, #tpu.memory_space<vmem>>, vector<16xi32>,
    %get3A_701 = arith.constant 18 : i32
    %get3A_702 = arith.index_cast %get3A_701 : i32 to index
    %get3A_703 = arith.constant 112 : index
    %get3A_704 = tpu.vector_load %arg6[%get3A_702, %get3A_703] {strides = array<i32>} : memref<20x128xi32, #tpu.memory_space<vmem>>, vector<16xi32>,
    %get3A_705 = arith.constant 19 : i32
    %get3A_706 = arith.index_cast %get3A_705 : i32 to index
    %get3A_707 = arith.constant 112 : index
    %get3A_708 = tpu.vector_load %arg6[%get3A_706, %get3A_707] {strides = array<i32>} : memref<20x128xi32, #tpu.memory_space<vmem>>, vector<16xi32>,
    %broadcast_in_dim3A_709 = arith.constant 0.000000e+00 : f32
    %broadcast_in_dim3A_710 = vector.broadcast %broadcast_in_dim3A_709 : f32 to vector<16xf32>
    %scan3A_711 = arith.constant 0 : i32
    %scan3A_712 = arith.constant 64 : i32
    %scan3A_713 = arith.addi %scan3A_711, %scan3A_712 : i32
    %scan3A_714 = arith.constant 1 : i32
    %scan3A_715 = scf.for %scan3A_719 = %scan3A_711 to %scan3A_713 step %scan3A_714 iter_args(%scan3A_720 = %broadcast_in_dim3A_710) -> (vector<16xf32>)  : i32 {
      %broadcast_in_dim3A_721 = vector.broadcast %scan3A_719 : i32 to vector<16xi32>
      %add3A_722 = arith.addi %broadcast_in_dim3A_721, %iota3A : vector<16xi32>
      %and3A = arith.constant 63 : i32
      %and3A_723 = vector.broadcast %and3A : i32 to vector<16xi32>
      %and3A_724 = arith.andi %add3A_722, %and3A_723 : vector<16xi32>
      %gather3A = tpu.vector_load_idx %arg8[%get3A_632, %and3A_724] : memref<1008x64xf32, #tpu.memory_space<vmem>>[vector<16xi32>, vector<16xi32>], vector<16xf32>,
      %mul3A_725 = arith.mulf %gather3A, %gather3A : vector<16xf32>
      %gather3A_726 = tpu.vector_load_idx %arg8[%get3A_636, %and3A_724] : memref<1008x64xf32, #tpu.memory_space<vmem>>[vector<16xi32>, vector<16xi32>], vector<16xf32>,
      %add3A_727 = arith.addf %gather3A, %gather3A_726 : vector<16xf32>
      %mul3A_728 = arith.mulf %gather3A_726, %gather3A_726 : vector<16xf32>
      %add3A_729 = arith.addf %mul3A_725, %mul3A_728 : vector<16xf32>
      %gather3A_730 = tpu.vector_load_idx %arg8[%get3A_640, %and3A_724] : memref<1008x64xf32, #tpu.memory_space<vmem>>[vector<16xi32>, vector<16xi32>], vector<16xf32>,
      %add3A_731 = arith.addf %add3A_727, %gather3A_730 : vector<16xf32>
      %mul3A_732 = arith.mulf %gather3A_730, %gather3A_730 : vector<16xf32>
      %add3A_733 = arith.addf %add3A_729, %mul3A_732 : vector<16xf32>
      %gather3A_734 = tpu.vector_load_idx %arg8[%get3A_644, %and3A_724] : memref<1008x64xf32, #tpu.memory_space<vmem>>[vector<16xi32>, vector<16xi32>], vector<16xf32>,
      %add3A_735 = arith.addf %add3A_731, %gather3A_734 : vector<16xf32>
      %mul3A_736 = arith.mulf %gather3A_734, %gather3A_734 : vector<16xf32>
      %add3A_737 = arith.addf %add3A_733, %mul3A_736 : vector<16xf32>
      %gather3A_738 = tpu.vector_load_idx %arg8[%get3A_648, %and3A_724] : memref<1008x64xf32, #tpu.memory_space<vmem>>[vector<16xi32>, vector<16xi32>], vector<16xf32>,
      %add3A_739 = arith.addf %add3A_735, %gather3A_738 : vector<16xf32>
      %mul3A_740 = arith.mulf %gather3A_738, %gather3A_738 : vector<16xf32>
      %add3A_741 = arith.addf %add3A_737, %mul3A_740 : vector<16xf32>
      %gather3A_742 = tpu.vector_load_idx %arg8[%get3A_652, %and3A_724] : memref<1008x64xf32, #tpu.memory_space<vmem>>[vector<16xi32>, vector<16xi32>], vector<16xf32>,
      %add3A_743 = arith.addf %add3A_739, %gather3A_742 : vector<16xf32>
      %mul3A_744 = arith.mulf %gather3A_742, %gather3A_742 : vector<16xf32>
      %add3A_745 = arith.addf %add3A_741, %mul3A_744 : vector<16xf32>
      %gather3A_746 = tpu.vector_load_idx %arg8[%get3A_656, %and3A_724] : memref<1008x64xf32, #tpu.memory_space<vmem>>[vector<16xi32>, vector<16xi32>], vector<16xf32>,
      %add3A_747 = arith.addf %add3A_743, %gather3A_746 : vector<16xf32>
      %mul3A_748 = arith.mulf %gather3A_746, %gather3A_746 : vector<16xf32>
      %add3A_749 = arith.addf %add3A_745, %mul3A_748 : vector<16xf32>
      %gather3A_750 = tpu.vector_load_idx %arg8[%get3A_660, %and3A_724] : memref<1008x64xf32, #tpu.memory_space<vmem>>[vector<16xi32>, vector<16xi32>], vector<16xf32>,
      %add3A_751 = arith.addf %add3A_747, %gather3A_750 : vector<16xf32>
      %mul3A_752 = arith.mulf %gather3A_750, %gather3A_750 : vector<16xf32>
      %add3A_753 = arith.addf %add3A_749, %mul3A_752 : vector<16xf32>
      %gather3A_754 = tpu.vector_load_idx %arg8[%get3A_664, %and3A_724] : memref<1008x64xf32, #tpu.memory_space<vmem>>[vector<16xi32>, vector<16xi32>], vector<16xf32>,
      %add3A_755 = arith.addf %add3A_751, %gather3A_754 : vector<16xf32>
      %mul3A_756 = arith.mulf %gather3A_754, %gather3A_754 : vector<16xf32>
      %add3A_757 = arith.addf %add3A_753, %mul3A_756 : vector<16xf32>
      %gather3A_758 = tpu.vector_load_idx %arg8[%get3A_668, %and3A_724] : memref<1008x64xf32, #tpu.memory_space<vmem>>[vector<16xi32>, vector<16xi32>], vector<16xf32>,
      %add3A_759 = arith.addf %add3A_755, %gather3A_758 : vector<16xf32>
      %mul3A_760 = arith.mulf %gather3A_758, %gather3A_758 : vector<16xf32>
      %add3A_761 = arith.addf %add3A_757, %mul3A_760 : vector<16xf32>
      %gather3A_762 = tpu.vector_load_idx %arg8[%get3A_672, %and3A_724] : memref<1008x64xf32, #tpu.memory_space<vmem>>[vector<16xi32>, vector<16xi32>], vector<16xf32>,
      %add3A_763 = arith.addf %add3A_759, %gather3A_762 : vector<16xf32>
      %mul3A_764 = arith.mulf %gather3A_762, %gather3A_762 : vector<16xf32>
      %add3A_765 = arith.addf %add3A_761, %mul3A_764 : vector<16xf32>
      %gather3A_766 = tpu.vector_load_idx %arg8[%get3A_676, %and3A_724] : memref<1008x64xf32, #tpu.memory_space<vmem>>[vector<16xi32>, vector<16xi32>], vector<16xf32>,
      %add3A_767 = arith.addf %add3A_763, %gather3A_766 : vector<16xf32>
      %mul3A_768 = arith.mulf %gather3A_766, %gather3A_766 : vector<16xf32>
      %add3A_769 = arith.addf %add3A_765, %mul3A_768 : vector<16xf32>
      %gather3A_770 = tpu.vector_load_idx %arg8[%get3A_680, %and3A_724] : memref<1008x64xf32, #tpu.memory_space<vmem>>[vector<16xi32>, vector<16xi32>], vector<16xf32>,
      %add3A_771 = arith.addf %add3A_767, %gather3A_770 : vector<16xf32>
      %mul3A_772 = arith.mulf %gather3A_770, %gather3A_770 : vector<16xf32>
      %add3A_773 = arith.addf %add3A_769, %mul3A_772 : vector<16xf32>
      %gather3A_774 = tpu.vector_load_idx %arg8[%get3A_684, %and3A_724] : memref<1008x64xf32, #tpu.memory_space<vmem>>[vector<16xi32>, vector<16xi32>], vector<16xf32>,
      %add3A_775 = arith.addf %add3A_771, %gather3A_774 : vector<16xf32>
      %mul3A_776 = arith.mulf %gather3A_774, %gather3A_774 : vector<16xf32>
      %add3A_777 = arith.addf %add3A_773, %mul3A_776 : vector<16xf32>
      %gather3A_778 = tpu.vector_load_idx %arg8[%get3A_688, %and3A_724] : memref<1008x64xf32, #tpu.memory_space<vmem>>[vector<16xi32>, vector<16xi32>], vector<16xf32>,
      %add3A_779 = arith.addf %add3A_775, %gather3A_778 : vector<16xf32>
      %mul3A_780 = arith.mulf %gather3A_778, %gather3A_778 : vector<16xf32>
      %add3A_781 = arith.addf %add3A_777, %mul3A_780 : vector<16xf32>
      %gather3A_782 = tpu.vector_load_idx %arg8[%get3A_692, %and3A_724] : memref<1008x64xf32, #tpu.memory_space<vmem>>[vector<16xi32>, vector<16xi32>], vector<16xf32>,
      %add3A_783 = arith.addf %add3A_779, %gather3A_782 : vector<16xf32>
      %mul3A_784 = arith.mulf %gather3A_782, %gather3A_782 : vector<16xf32>
      %add3A_785 = arith.addf %add3A_781, %mul3A_784 : vector<16xf32>
      %gather3A_786 = tpu.vector_load_idx %arg8[%get3A_696, %and3A_724] : memref<1008x64xf32, #tpu.memory_space<vmem>>[vector<16xi32>, vector<16xi32>], vector<16xf32>,
      %add3A_787 = arith.addf %add3A_783, %gather3A_786 : vector<16xf32>
      %mul3A_788 = arith.mulf %gather3A_786, %gather3A_786 : vector<16xf32>
      %add3A_789 = arith.addf %add3A_785, %mul3A_788 : vector<16xf32>
      %gather3A_790 = tpu.vector_load_idx %arg8[%get3A_700, %and3A_724] : memref<1008x64xf32, #tpu.memory_space<vmem>>[vector<16xi32>, vector<16xi32>], vector<16xf32>,
      %add3A_791 = arith.addf %add3A_787, %gather3A_790 : vector<16xf32>
      %mul3A_792 = arith.mulf %gather3A_790, %gather3A_790 : vector<16xf32>
      %add3A_793 = arith.addf %add3A_789, %mul3A_792 : vector<16xf32>
      %gather3A_794 = tpu.vector_load_idx %arg8[%get3A_704, %and3A_724] : memref<1008x64xf32, #tpu.memory_space<vmem>>[vector<16xi32>, vector<16xi32>], vector<16xf32>,
      %add3A_795 = arith.addf %add3A_791, %gather3A_794 : vector<16xf32>
      %mul3A_796 = arith.mulf %gather3A_794, %gather3A_794 : vector<16xf32>
      %add3A_797 = arith.addf %add3A_793, %mul3A_796 : vector<16xf32>
      %gather3A_798 = tpu.vector_load_idx %arg8[%get3A_708, %and3A_724] : memref<1008x64xf32, #tpu.memory_space<vmem>>[vector<16xi32>, vector<16xi32>], vector<16xf32>,
      %add3A_799 = arith.addf %add3A_795, %gather3A_798 : vector<16xf32>
      %mul3A_800 = arith.mulf %gather3A_798, %gather3A_798 : vector<16xf32>
      %add3A_801 = arith.addf %add3A_797, %mul3A_800 : vector<16xf32>
      %add3A_802 = arith.constant 112 : i32
      %add3A_803 = vector.broadcast %add3A_802 : i32 to vector<16xi32>
      %add3A_804 = arith.addi %add3A_803, %iota3A : vector<16xi32>
      tpu.vector_store_idx %arg7[%and3A_724, %add3A_804], %add3A_799 : memref<64x128xf32, #tpu.memory_space<vmem>>[vector<16xi32>, vector<16xi32>], vector<16xf32>,
      %add3A_805 = arith.addf %scan3A_720, %add3A_801 : vector<16xf32>
      scf.yield %add3A_805 : vector<16xf32>
    }
    %scan3A_716 = arith.constant 64 : i32
    %swap3A_717 = arith.constant 112 : index
    %swap3A_718 = tpu.vector_load %arg9[%swap3A_717] {strides = array<i32>} : memref<128xf32, #tpu.memory_space<vmem>>, vector<16xf32>,
    tpu.vector_store %arg9[%swap3A_717], %scan3A_715 {strides = array<i32>} : memref<128xf32, #tpu.memory_space<vmem>>, vector<16xf32>,
    "tpu.region"() ({
      %run_scoped3A = tpu.sem_alloc : memref<!tpu.dma_semaphore, #tpu.memory_space<semaphore_mem>>
      %dma_start3A = arith.constant 0 : i32
      %dma_start3A_719 = arith.constant 0 : i32
      %dma_start3A_720 = tpu.memref_slice %arg4[%add3A, %dma_start3A, %dma_start3A_719] : memref<32x64x128xf32, #tpu.memory_space<hbm>> -> memref<1x64x128xf32, #tpu.memory_space<hbm>>
      %dma_start3A_721 = tpu.memref_squeeze %dma_start3A_720 : memref<1x64x128xf32, #tpu.memory_space<hbm>> -> memref<64x128xf32, #tpu.memory_space<hbm>>
      %dma_start3A_722 = arith.constant 0 : i32
      %dma_start3A_723 = arith.constant 0 : i32
      %dma_start3A_724 = tpu.memref_slice %arg4[%add3A, %dma_start3A_722, %dma_start3A_723] : memref<32x64x128xf32, #tpu.memory_space<hbm>> -> memref<1x64x128xf32, #tpu.memory_space<hbm>>
      %dma_start3A_725 = tpu.memref_squeeze %dma_start3A_724 : memref<1x64x128xf32, #tpu.memory_space<hbm>> -> memref<64x128xf32, #tpu.memory_space<hbm>>
      tpu.enqueue_dma source(%arg7 : memref<64x128xf32, #tpu.memory_space<vmem>>) target(%dma_start3A_725 : memref<64x128xf32, #tpu.memory_space<hbm>>) target_semaphore(%run_scoped3A : memref<!tpu.dma_semaphore, #tpu.memory_space<semaphore_mem>>)
      %dma_wait3A = arith.constant 0 : i32
      %dma_wait3A_726 = arith.constant 0 : i32
      %dma_wait3A_727 = tpu.memref_slice %arg4[%add3A, %dma_wait3A, %dma_wait3A_726] : memref<32x64x128xf32, #tpu.memory_space<hbm>> -> memref<1x64x128xf32, #tpu.memory_space<hbm>>
      %dma_wait3A_728 = tpu.memref_squeeze %dma_wait3A_727 : memref<1x64x128xf32, #tpu.memory_space<hbm>> -> memref<64x128xf32, #tpu.memory_space<hbm>>
      %dma_wait3A_729 = arith.constant 0 : i32
      %dma_wait3A_730 = arith.constant 0 : i32
      %dma_wait3A_731 = tpu.memref_slice %arg4[%add3A, %dma_wait3A_729, %dma_wait3A_730] : memref<32x64x128xf32, #tpu.memory_space<hbm>> -> memref<1x64x128xf32, #tpu.memory_space<hbm>>
      %dma_wait3A_732 = tpu.memref_squeeze %dma_wait3A_731 : memref<1x64x128xf32, #tpu.memory_space<hbm>> -> memref<64x128xf32, #tpu.memory_space<hbm>>
      tpu.wait_dma2 semaphore(%run_scoped3A : memref<!tpu.dma_semaphore, #tpu.memory_space<semaphore_mem>>) src(%arg7 : memref<64x128xf32, #tpu.memory_space<vmem>>) dst(%dma_wait3A_732 : memref<64x128xf32, #tpu.memory_space<hbm>>)
      tpu.yield
    }) : () -> ()
    "tpu.region"() ({
      %run_scoped3A = tpu.sem_alloc : memref<!tpu.dma_semaphore, #tpu.memory_space<semaphore_mem>>
      %dma_start3A = tpu.memref_slice %arg5[%mul3A_2] : memref<4096xf32, #tpu.memory_space<hbm>> -> memref<128xf32, #tpu.memory_space<hbm>>
      %dma_start3A_719 = tpu.memref_slice %arg5[%mul3A_2] : memref<4096xf32, #tpu.memory_space<hbm>> -> memref<128xf32, #tpu.memory_space<hbm>>
      tpu.enqueue_dma source(%arg9 : memref<128xf32, #tpu.memory_space<vmem>>) target(%dma_start3A_719 : memref<128xf32, #tpu.memory_space<hbm>>) target_semaphore(%run_scoped3A : memref<!tpu.dma_semaphore, #tpu.memory_space<semaphore_mem>>)
      %dma_wait3A = tpu.memref_slice %arg5[%mul3A_2] : memref<4096xf32, #tpu.memory_space<hbm>> -> memref<128xf32, #tpu.memory_space<hbm>>
      %dma_wait3A_720 = tpu.memref_slice %arg5[%mul3A_2] : memref<4096xf32, #tpu.memory_space<hbm>> -> memref<128xf32, #tpu.memory_space<hbm>>
      tpu.wait_dma2 semaphore(%run_scoped3A : memref<!tpu.dma_semaphore, #tpu.memory_space<semaphore_mem>>) src(%arg9 : memref<128xf32, #tpu.memory_space<vmem>>) dst(%dma_wait3A_720 : memref<128xf32, #tpu.memory_space<hbm>>)
      tpu.yield
    }) : () -> ()
    return
  }
}

module attributes {stable_mosaic.version = 14 : i64} {
  func.func @body(%arg0: i32, %arg1: i32, %arg2: memref<8x100352xf32, #tpu.memory_space<vmem>>, %arg3: memref<8x784x128xf32, #tpu.memory_space<vmem>>) attributes {dimension_semantics = [#tpu.dimension_semantics<arbitrary>, #tpu.dimension_semantics<arbitrary>], iteration_bounds = array<i64: 8, 1>, scalar_prefetch = 0 : i64, scratch_operands = 0 : i64, tpu.core_type = #tpu.core_type<tc>, window_params = [{transform_indices = @transform_0, window_bounds = array<i64: 8, 100352>}, {transform_indices = @transform_1, window_bounds = array<i64: 8, 784, 128>}]} {
    %scan3A = arith.constant 0 : i32
    %scan3A_0 = arith.constant 98 : i32
    %scan3A_1 = arith.addi %scan3A, %scan3A_0 : i32
    %scan3A_2 = arith.constant 1 : i32
    scf.for %scan3A_4 = %scan3A to %scan3A_1 step %scan3A_2  : i32 {
      %mul3A = arith.constant 1024 : i32
      %mul3A_5 = arith.muli %scan3A_4, %mul3A : i32
      %add3A = arith.constant 0 : i32
      %add3A_6 = arith.addi %mul3A_5, %add3A : i32
      %get3A = arith.constant 0 : index
      %get3A_7 = arith.index_cast %add3A_6 : i32 to index
      %get3A_8 = vector.load %arg2[%get3A, %get3A_7] : memref<8x100352xf32, #tpu.memory_space<vmem>>, vector<8x128xf32>
      %mul3A_9 = arith.constant 8 : i32
      %mul3A_10 = arith.muli %scan3A_4, %mul3A_9 : i32
      %add3A_11 = arith.constant 0 : i32
      %add3A_12 = arith.addi %mul3A_10, %add3A_11 : i32
      %swap3A = arith.constant 0 : index
      %swap3A_13 = arith.index_cast %add3A_12 : i32 to index
      %swap3A_14 = arith.constant 0 : index
      %swap3A_15 = vector.load %arg3[%swap3A, %swap3A_13, %swap3A_14] : memref<8x784x128xf32, #tpu.memory_space<vmem>>, vector<8x1x128xf32>
      %swap3A_16 = vector.shape_cast %swap3A_15 : vector<8x1x128xf32> to vector<8x128xf32>
      %swap3A_17 = vector.shape_cast %get3A_8 : vector<8x128xf32> to vector<8x1x128xf32>
      tpu.vector_store %arg3[%swap3A, %swap3A_13, %swap3A_14], %swap3A_17 {strides = array<i32>} : memref<8x784x128xf32, #tpu.memory_space<vmem>>, vector<8x1x128xf32>,
      %mul3A_18 = arith.constant 1024 : i32
      %mul3A_19 = arith.muli %scan3A_4, %mul3A_18 : i32
      %add3A_20 = arith.constant 128 : i32
      %add3A_21 = arith.addi %mul3A_19, %add3A_20 : i32
      %get3A_22 = arith.constant 0 : index
      %get3A_23 = arith.index_cast %add3A_21 : i32 to index
      %get3A_24 = vector.load %arg2[%get3A_22, %get3A_23] : memref<8x100352xf32, #tpu.memory_space<vmem>>, vector<8x128xf32>
      %mul3A_25 = arith.constant 8 : i32
      %mul3A_26 = arith.muli %scan3A_4, %mul3A_25 : i32
      %add3A_27 = arith.constant 1 : i32
      %add3A_28 = arith.addi %mul3A_26, %add3A_27 : i32
      %swap3A_29 = arith.constant 0 : index
      %swap3A_30 = arith.index_cast %add3A_28 : i32 to index
      %swap3A_31 = arith.constant 0 : index
      %swap3A_32 = vector.load %arg3[%swap3A_29, %swap3A_30, %swap3A_31] : memref<8x784x128xf32, #tpu.memory_space<vmem>>, vector<8x1x128xf32>
      %swap3A_33 = vector.shape_cast %swap3A_32 : vector<8x1x128xf32> to vector<8x128xf32>
      %swap3A_34 = vector.shape_cast %get3A_24 : vector<8x128xf32> to vector<8x1x128xf32>
      tpu.vector_store %arg3[%swap3A_29, %swap3A_30, %swap3A_31], %swap3A_34 {strides = array<i32>} : memref<8x784x128xf32, #tpu.memory_space<vmem>>, vector<8x1x128xf32>,
      %mul3A_35 = arith.constant 1024 : i32
      %mul3A_36 = arith.muli %scan3A_4, %mul3A_35 : i32
      %add3A_37 = arith.constant 256 : i32
      %add3A_38 = arith.addi %mul3A_36, %add3A_37 : i32
      %get3A_39 = arith.constant 0 : index
      %get3A_40 = arith.index_cast %add3A_38 : i32 to index
      %get3A_41 = vector.load %arg2[%get3A_39, %get3A_40] : memref<8x100352xf32, #tpu.memory_space<vmem>>, vector<8x128xf32>
      %mul3A_42 = arith.constant 8 : i32
      %mul3A_43 = arith.muli %scan3A_4, %mul3A_42 : i32
      %add3A_44 = arith.constant 2 : i32
      %add3A_45 = arith.addi %mul3A_43, %add3A_44 : i32
      %swap3A_46 = arith.constant 0 : index
      %swap3A_47 = arith.index_cast %add3A_45 : i32 to index
      %swap3A_48 = arith.constant 0 : index
      %swap3A_49 = vector.load %arg3[%swap3A_46, %swap3A_47, %swap3A_48] : memref<8x784x128xf32, #tpu.memory_space<vmem>>, vector<8x1x128xf32>
      %swap3A_50 = vector.shape_cast %swap3A_49 : vector<8x1x128xf32> to vector<8x128xf32>
      %swap3A_51 = vector.shape_cast %get3A_41 : vector<8x128xf32> to vector<8x1x128xf32>
      tpu.vector_store %arg3[%swap3A_46, %swap3A_47, %swap3A_48], %swap3A_51 {strides = array<i32>} : memref<8x784x128xf32, #tpu.memory_space<vmem>>, vector<8x1x128xf32>,
      %mul3A_52 = arith.constant 1024 : i32
      %mul3A_53 = arith.muli %scan3A_4, %mul3A_52 : i32
      %add3A_54 = arith.constant 384 : i32
      %add3A_55 = arith.addi %mul3A_53, %add3A_54 : i32
      %get3A_56 = arith.constant 0 : index
      %get3A_57 = arith.index_cast %add3A_55 : i32 to index
      %get3A_58 = vector.load %arg2[%get3A_56, %get3A_57] : memref<8x100352xf32, #tpu.memory_space<vmem>>, vector<8x128xf32>
      %mul3A_59 = arith.constant 8 : i32
      %mul3A_60 = arith.muli %scan3A_4, %mul3A_59 : i32
      %add3A_61 = arith.constant 3 : i32
      %add3A_62 = arith.addi %mul3A_60, %add3A_61 : i32
      %swap3A_63 = arith.constant 0 : index
      %swap3A_64 = arith.index_cast %add3A_62 : i32 to index
      %swap3A_65 = arith.constant 0 : index
      %swap3A_66 = vector.load %arg3[%swap3A_63, %swap3A_64, %swap3A_65] : memref<8x784x128xf32, #tpu.memory_space<vmem>>, vector<8x1x128xf32>
      %swap3A_67 = vector.shape_cast %swap3A_66 : vector<8x1x128xf32> to vector<8x128xf32>
      %swap3A_68 = vector.shape_cast %get3A_58 : vector<8x128xf32> to vector<8x1x128xf32>
      tpu.vector_store %arg3[%swap3A_63, %swap3A_64, %swap3A_65], %swap3A_68 {strides = array<i32>} : memref<8x784x128xf32, #tpu.memory_space<vmem>>, vector<8x1x128xf32>,
      %mul3A_69 = arith.constant 1024 : i32
      %mul3A_70 = arith.muli %scan3A_4, %mul3A_69 : i32
      %add3A_71 = arith.constant 512 : i32
      %add3A_72 = arith.addi %mul3A_70, %add3A_71 : i32
      %get3A_73 = arith.constant 0 : index
      %get3A_74 = arith.index_cast %add3A_72 : i32 to index
      %get3A_75 = vector.load %arg2[%get3A_73, %get3A_74] : memref<8x100352xf32, #tpu.memory_space<vmem>>, vector<8x128xf32>
      %mul3A_76 = arith.constant 8 : i32
      %mul3A_77 = arith.muli %scan3A_4, %mul3A_76 : i32
      %add3A_78 = arith.constant 4 : i32
      %add3A_79 = arith.addi %mul3A_77, %add3A_78 : i32
      %swap3A_80 = arith.constant 0 : index
      %swap3A_81 = arith.index_cast %add3A_79 : i32 to index
      %swap3A_82 = arith.constant 0 : index
      %swap3A_83 = vector.load %arg3[%swap3A_80, %swap3A_81, %swap3A_82] : memref<8x784x128xf32, #tpu.memory_space<vmem>>, vector<8x1x128xf32>
      %swap3A_84 = vector.shape_cast %swap3A_83 : vector<8x1x128xf32> to vector<8x128xf32>
      %swap3A_85 = vector.shape_cast %get3A_75 : vector<8x128xf32> to vector<8x1x128xf32>
      tpu.vector_store %arg3[%swap3A_80, %swap3A_81, %swap3A_82], %swap3A_85 {strides = array<i32>} : memref<8x784x128xf32, #tpu.memory_space<vmem>>, vector<8x1x128xf32>,
      %mul3A_86 = arith.constant 1024 : i32
      %mul3A_87 = arith.muli %scan3A_4, %mul3A_86 : i32
      %add3A_88 = arith.constant 640 : i32
      %add3A_89 = arith.addi %mul3A_87, %add3A_88 : i32
      %get3A_90 = arith.constant 0 : index
      %get3A_91 = arith.index_cast %add3A_89 : i32 to index
      %get3A_92 = vector.load %arg2[%get3A_90, %get3A_91] : memref<8x100352xf32, #tpu.memory_space<vmem>>, vector<8x128xf32>
      %mul3A_93 = arith.constant 8 : i32
      %mul3A_94 = arith.muli %scan3A_4, %mul3A_93 : i32
      %add3A_95 = arith.constant 5 : i32
      %add3A_96 = arith.addi %mul3A_94, %add3A_95 : i32
      %swap3A_97 = arith.constant 0 : index
      %swap3A_98 = arith.index_cast %add3A_96 : i32 to index
      %swap3A_99 = arith.constant 0 : index
      %swap3A_100 = vector.load %arg3[%swap3A_97, %swap3A_98, %swap3A_99] : memref<8x784x128xf32, #tpu.memory_space<vmem>>, vector<8x1x128xf32>
      %swap3A_101 = vector.shape_cast %swap3A_100 : vector<8x1x128xf32> to vector<8x128xf32>
      %swap3A_102 = vector.shape_cast %get3A_92 : vector<8x128xf32> to vector<8x1x128xf32>
      tpu.vector_store %arg3[%swap3A_97, %swap3A_98, %swap3A_99], %swap3A_102 {strides = array<i32>} : memref<8x784x128xf32, #tpu.memory_space<vmem>>, vector<8x1x128xf32>,
      %mul3A_103 = arith.constant 1024 : i32
      %mul3A_104 = arith.muli %scan3A_4, %mul3A_103 : i32
      %add3A_105 = arith.constant 768 : i32
      %add3A_106 = arith.addi %mul3A_104, %add3A_105 : i32
      %get3A_107 = arith.constant 0 : index
      %get3A_108 = arith.index_cast %add3A_106 : i32 to index
      %get3A_109 = vector.load %arg2[%get3A_107, %get3A_108] : memref<8x100352xf32, #tpu.memory_space<vmem>>, vector<8x128xf32>
      %mul3A_110 = arith.constant 8 : i32
      %mul3A_111 = arith.muli %scan3A_4, %mul3A_110 : i32
      %add3A_112 = arith.constant 6 : i32
      %add3A_113 = arith.addi %mul3A_111, %add3A_112 : i32
      %swap3A_114 = arith.constant 0 : index
      %swap3A_115 = arith.index_cast %add3A_113 : i32 to index
      %swap3A_116 = arith.constant 0 : index
      %swap3A_117 = vector.load %arg3[%swap3A_114, %swap3A_115, %swap3A_116] : memref<8x784x128xf32, #tpu.memory_space<vmem>>, vector<8x1x128xf32>
      %swap3A_118 = vector.shape_cast %swap3A_117 : vector<8x1x128xf32> to vector<8x128xf32>
      %swap3A_119 = vector.shape_cast %get3A_109 : vector<8x128xf32> to vector<8x1x128xf32>
      tpu.vector_store %arg3[%swap3A_114, %swap3A_115, %swap3A_116], %swap3A_119 {strides = array<i32>} : memref<8x784x128xf32, #tpu.memory_space<vmem>>, vector<8x1x128xf32>,
      %mul3A_120 = arith.constant 1024 : i32
      %mul3A_121 = arith.muli %scan3A_4, %mul3A_120 : i32
      %add3A_122 = arith.constant 896 : i32
      %add3A_123 = arith.addi %mul3A_121, %add3A_122 : i32
      %get3A_124 = arith.constant 0 : index
      %get3A_125 = arith.index_cast %add3A_123 : i32 to index
      %get3A_126 = vector.load %arg2[%get3A_124, %get3A_125] : memref<8x100352xf32, #tpu.memory_space<vmem>>, vector<8x128xf32>
      %mul3A_127 = arith.constant 8 : i32
      %mul3A_128 = arith.muli %scan3A_4, %mul3A_127 : i32
      %add3A_129 = arith.constant 7 : i32
      %add3A_130 = arith.addi %mul3A_128, %add3A_129 : i32
      %swap3A_131 = arith.constant 0 : index
      %swap3A_132 = arith.index_cast %add3A_130 : i32 to index
      %swap3A_133 = arith.constant 0 : index
      %swap3A_134 = vector.load %arg3[%swap3A_131, %swap3A_132, %swap3A_133] : memref<8x784x128xf32, #tpu.memory_space<vmem>>, vector<8x1x128xf32>
      %swap3A_135 = vector.shape_cast %swap3A_134 : vector<8x1x128xf32> to vector<8x128xf32>
      %swap3A_136 = vector.shape_cast %get3A_126 : vector<8x128xf32> to vector<8x1x128xf32>
      tpu.vector_store %arg3[%swap3A_131, %swap3A_132, %swap3A_133], %swap3A_136 {strides = array<i32>} : memref<8x784x128xf32, #tpu.memory_space<vmem>>, vector<8x1x128xf32>,
    }
    %scan3A_3 = arith.constant 98 : i32
    return
  }
  func.func @transform_0(%arg0: i32, %arg1: i32) -> (i32, i32) {
    %c0_i32 = arith.constant 0 : i32
    return %arg0, %arg1 : i32, i32
  }
  func.func @transform_1(%arg0: i32, %arg1: i32) -> (i32, i32, i32) {
    %c0_i32 = arith.constant 0 : i32
    %c0_i32_0 = arith.constant 0 : i32
    return %arg0, %arg1, %c0_i32 : i32, i32, i32
  }
}

</mosaic_0001>

<sc_bundles>
// kernel: kernel.10.cloned.1.call-start
scs
__scs_entry_jumppad:
0x0: {  	(pc) =	sbr.rel $0x88, $3  }
0x1: {  	(tag) =	ssettag $0x0;
	lr =	simm.s32 $0x1  }
0x2: {  	[smem:$0x3F9C] =	sst lr;
	_ =	strace $0xD0000000  }
0x3: {  	_ = 	snop  }
0x4: {  	_ = 	snop  }
0x5: {  	_ = 	snop  }
0x6: {  	_ = 	snop  }
0x7: {  	_ = 	snop  }
__scs_overlays_trampoline_lowered:
0x8: {  	[smem:$0x3FAB] =	sst s0  }
0x9: {  	[smem:$0x3FAC] =	sst s1  }
0xa: {  	[smem:$0x3FAD] =	sst s2  }
0xb: {  	[smem:$0x3FAE] =	sst s3  }
0xc: {  	[smem:$0x3FAF] =	sst s4  }
0xd: {  	[smem:$0x3FB0] =	sst s5  }
0xe: {  	[smem:$0x3FB1] =	sst s6  }
0xf: {  	[smem:$0x3FB2] =	sst s7  }
0x10: {  	[smem:$0x3FB3] =	sst s8  }
0x11: {  	[smem:$0x3FB4] =	sst s9;
	s0 =	simm.s32 @!p0 $0x0  }
0x12: {  	s1 =	sld [smem:$0x3F9A];
	s0 =	simm.s32 @p0 $0x1  }
0x13: {  	[smem:$0x3FB5] =	sst s0;
	s0 =	simm.s32 @!p1 $0x0  }
0x14: {  	s2 =	sld [smem:$0x3F99];
	s0 =	simm.s32 @p1 $0x1  }
0x15: {  	[smem:$0x3FB6] =	sst s0;
	s0 =	simm.s32 @!p2 $0x0  }
0x16: {  	s3 =	sld [smem:$0x3FDB];
	s0 =	simm.s32 @p2 $0x1  }
0x17: {  	s4 =	simm.s32 $0x1BF5;
	[smem:$0x3FB8] =	sst s0  }
0x18: {  	s0 =	sld [smem:$0x3F9B];
	_ =	swait.ge [sflag:s4], $0x0  }
0x19: {  	s7 =	sld [smem:$0x3F9C]  }
0x1a: {  	s8 =	sadd.s32 $0xFFFFE003, lr  }
0x1b: {  	s9 =	sadd.s32 $0xFFFFFEF7, lr;
	s5 =	simm.s32 $0xFFFFFFFF;
	p2 =	slt.u32 s8, $0xFFFFF086  }
0x1c: {  	p1 =	slt.u32 s9, $0xF7A;
	s5 =	simm.s32 @!p2 $0x0  }
0x1d: {  	s5 =	simm.s32 @p1 $0x1;
	p0 =	seq.s32 s7, s2  }
0x1e: {  	s7 =	smul.u32 @!p0 $0xF7A, s2;
	p2 =	seq.s32 @!p0 s5, $0x0  }
0x1f: {  	s9 =	smul.u32 $0xF7A, s1;
	s8 =	simm.s32 @!p0 $0x1BF5;
	p2 =	por !p2, p0  }
0x20: {  	[sflag:s8] =	ssyncset.s32 @!p0 $0xFFFFF086;
	s6 =	sadd.s32 @!p0 s3, s7;
	s7 =	simm.s32 @!p0 $0x108  }
0x21: {  	s3 =	sadd.s32 s3, s9;
	s6 =	sadd.s32 @!p0 $0x88, s6;
	s7 =	simm.s32 @p2 $0x1082  }
0x22: {  	[simem:s7], [sflag:s8] =	dma.local @!p0 [hbm:s6], $0xF7A  }
0x23: {  	s9 =	sor.u32 $0xD0000000, s2;
	s6 =	simm.s32 $0x108;
	_ =	swait.ge @!p0 [sflag:s8], $0x0  }
0x24: {  	s3 =	sadd.s32 $0x88, s3;
	s6 =	simm.s32 @!p1 $0x1082;
	[sflag:s4] =	ssyncset.s32 $0xFFFFF086  }
0x25: {  	[simem:s6], [sflag:s4] =	dma.local [hbm:s3], $0xF7A  }
0x26: {  	[smem:$0x3F9C] =	sst s1;
	(tag) =	ssettag s2;
	_ =	strace s9  }
0x27: {  	s1 =	sld [smem:$0x3FAC]  }
0x28: {  	s2 =	sld [smem:$0x3FAD]  }
0x29: {  	s4 =	sld [smem:$0x3FAF]  }
0x2a: {  	p0 =	seq.s32 s5, $0x0;
	s5 =	sld [smem:$0x3FB0]  }
0x2b: {  	s6 =	sld [smem:$0x3FB1]  }
0x2c: {  	s7 =	sld [smem:$0x3FB2]  }
0x2d: {  	s3 =	simm.s32 $0x108;
	s8 =	sld [smem:$0x3FB3]  }
0x2e: {  	s3 =	simm.s32 @!p0 $0x1082;
	s9 =	sld [smem:$0x3FB4]  }
0x2f: {  	lr =	sadd.s32 s0, s3;
	s0 =	sld [smem:$0x3FAB]  }
0x30: {  	s3 =	sld [smem:$0x3FAE]  }
0x31: {  	[smem:$0x3FB7] =	sst s10  }
0x32: {  	s10 =	sld [smem:$0x3FB5];
	_ =	sdelay $0x3  }
0x33: {  	p0 =	seq.s32 s10, $0x1;
	s10 =	sld [smem:$0x3FB7];
	_ =	sdelay $0x3  }
0x34: {  	[smem:$0x3FB7] =	sst s10  }
0x35: {  	s10 =	sld [smem:$0x3FB6];
	_ =	sdelay $0x3  }
0x36: {  	p1 =	seq.s32 s10, $0x1;
	s10 =	sld [smem:$0x3FB7];
	_ =	sdelay $0x3  }
0x37: {  	[smem:$0x3FB7] =	sst s10  }
0x38: {  	s10 =	sld [smem:$0x3FB8]  }
0x39: {  	_ = 	snop;
	(pc) =	sbr.ind lr, $3  }
0x3a: {  	_ = 	snop  }
0x3b: {  	_ = 	snop  }
0x3c: {  	p2 =	seq.s32 s10, $0x1;
	s10 =	sld [smem:$0x3FB7]  }
0x3d: {  	_ =	shalt  }
0x3e: {  	_ =	shalt  }
0x3f: {  	_ =	shalt  }
0x40: {  	_ =	shalt  }
0x41: {  	_ =	shalt  }
0x42: {  	_ =	shalt  }
0x43: {  	_ =	shalt  }
0x44: {  	_ =	shalt  }
0x45: {  	_ =	shalt  }
0x46: {  	_ =	shalt  }
0x47: {  	_ =	shalt  }
0x48: {  	_ =	shalt  }
0x49: {  	_ =	shalt  }
0x4a: {  	_ =	shalt  }
0x4b: {  	_ =	shalt  }
0x4c: {  	_ =	shalt  }
0x4d: {  	_ =	shalt  }
0x4e: {  	_ =	shalt  }
0x4f: {  	_ =	shalt  }
0x50: {  	_ =	shalt  }
0x51: {  	_ =	shalt  }
0x52: {  	_ =	shalt  }
0x53: {  	_ =	shalt  }
0x54: {  	_ =	shalt  }
0x55: {  	_ =	shalt  }
0x56: {  	_ =	shalt  }
0x57: {  	_ =	shalt  }
0x58: {  	_ =	shalt  }
0x59: {  	_ =	shalt  }
0x5a: {  	_ =	shalt  }
0x5b: {  	_ =	shalt  }
0x5c: {  	_ =	shalt  }
0x5d: {  	_ =	shalt  }
0x5e: {  	_ =	shalt  }
0x5f: {  	_ =	shalt  }
0x60: {  	_ =	shalt  }
0x61: {  	_ =	shalt  }
0x62: {  	_ =	shalt  }
0x63: {  	_ =	shalt  }
0x64: {  	_ =	shalt  }
0x65: {  	_ =	shalt  }
0x66: {  	_ =	shalt  }
0x67: {  	_ =	shalt  }
0x68: {  	_ =	shalt  }
0x69: {  	_ =	shalt  }
0x6a: {  	_ =	shalt  }
0x6b: {  	_ =	shalt  }
0x6c: {  	_ =	shalt  }
0x6d: {  	_ =	shalt  }
0x6e: {  	_ =	shalt  }
0x6f: {  	_ =	shalt  }
0x70: {  	_ =	shalt  }
0x71: {  	_ =	shalt  }
0x72: {  	_ =	shalt  }
0x73: {  	_ =	shalt  }
0x74: {  	_ =	shalt  }
0x75: {  	_ =	shalt  }
0x76: {  	_ =	shalt  }
0x77: {  	_ =	shalt  }
0x78: {  	_ =	shalt  }
0x79: {  	_ =	shalt  }
0x7a: {  	_ =	shalt  }
0x7b: {  	_ =	shalt  }
0x7c: {  	_ =	shalt  }
0x7d: {  	_ =	shalt  }
0x7e: {  	_ =	shalt  }
0x7f: {  	_ =	shalt  }
0x80: {  	_ =	shalt  }
0x81: {  	_ =	shalt  }
0x82: {  	_ =	shalt  }
0x83: {  	_ =	shalt  }
0x84: {  	_ =	shalt  }
0x85: {  	_ =	shalt  }
0x86: {  	_ =	shalt  }
0x87: {  	_ =	shalt  }
.Lfunc_end0:
.L_simem_size_0:
called_computation.1_lowered:
.L_overlay_start_0:
0x88: {  	s2 =	sld [smem:$0x3FD9]  }
0x89: {  	s3 =	sld [smem:$0x3FFE];
	_ =	sdelay $0x1  }
0x8a: {  	s1 =	srdreg.scid  }
0x8b: {  	s0 =	sand.u32 $0x1, s1  }
0x8c: {  	s17 =	sshll.u32 s0, $0xA;
	s2 =	sadd.s32 s3, s2  }
0x8d: {  	s2 =	sadd.s32 s2, s17  }
0x8e: {  	[smem:$0x3FC3] =	sst s2  }
0x8f: {  	_ = 	snop  }
0x90: {  	s18 =	sld [smem:$0x3FC8];
	(tm) =	ssettm $0x1  }
0x91: {  	s19 =	sld [smem:$0x3FFB];
	_ =	sdelay $0x3  }
0x92: {  	_ =	strace s19  }
0x93: {  	s2 =	sld [smem:$0x3FFC];
	_ =	sdelay $0x3  }
0x94: {  	_ =	strace s2  }
0x95: {  	s2 =	sld [smem:$0x3FFD];
	_ =	sdelay $0x3  }
0x96: {  	_ =	strace s2  }
0x97: {  	_ =	strace $0x8FFFFFFF  }
0x98: {  	s20 =	sld [smem:$0x3FDB];
	_ =	sdelay $0x1  }
0x99: {  	s4 =	simm.s32 $_scs_section_size  }
0x9a: {  	s5 =	simm.s32 $_size__tile_overlayer_lowered;
	s6 =	simm.s32 $_tile_overlayer_lowered  }
0x9b: {  	s7 =	simm.s32 $0x1BFF;
	s21 =	sshll.u32 s6, $0x1;
	s4 =	sadd.s32 s4, s20  }
0x9c: {  	s22 =	simm.s32 $0x0;
	s5 =	sshll.u32 s5, $0x1;
	s6 =	sadd.s32 s21, s4  }
0x9d: {  	[timem:s22], [sflag:s7] =	dma.local [hbm:s6], s5  }
0x9e: {  	_ =	swait.ge [sflag:s7], s5  }
0x9f: {  	s5 =	ssub.s32 $0x0, s5;
	[sflag:s7] =	ssyncset.done $0x0  }
0xa0: {  	[sflag:s7] =	ssyncadd.s32 s5;
	_ =	sdelay $0x1  }
0xa1: {  	s23 =	simm.s32 $0x1B8B  }
0xa2: {  	_ =	swait.ge [sflag:s23], $0x1  }
0xa3: {  	[sflag:s23] =	ssyncset.done $0x0  }
0xa4: {  	[sflag:s23] =	ssyncadd.s32 $0xFFFFFFFF  }
0xa5: {  	s5 =	sld [smem:$0x0]  }
0xa6: {  	s6 =	sand.u32 $0xFFFFFFFE, s1  }
0xa7: {  	p0 =	sne.s32 s1, s6  }
0xa8: {  	s6 =	sshll.u32 @p0 s6, $0xE  }
0xa9: {  	s6 =	sadd.s32 @p0 $0x11B8D, s6;
	s7 =	sshll.u32 @p0 s5, $0x11  }
0xaa: {  	s6 =	sor.u32 @p0 s7, s6  }
0xab: {  	[sflag:s6] =	ssyncadd.remote.s32 @p0 $0x1;
	_ =	sdelay $0x1  }
0xac: {  	s6 =	simm.s32 @p0 $0x1B8D  }
0xad: {  	_ =	swait.eq @p0 [sflag:s6], $0x1  }
0xae: {  	[sflag:s6] =	ssyncadd.s32 @p0 $0xFFFFFFFF  }
0xaf: {  	s7 =	sshll.u32 @!p0 s1, $0xE  }
0xb0: {  	s7 =	sor.u32 @!p0 $0x4000, s7;
	s6 =	simm.s32 @!p0 $0x1B8D  }
0xb1: {  	s5 =	sshll.u32 @!p0 s5, $0x11;
	s7 =	sadd.s32 @!p0 $0x11B8D, s7;
	_ =	swait.eq @!p0 [sflag:s6], $0x1  }
0xb2: {  	s5 =	sor.u32 @!p0 s5, s7;
	[sflag:s6] =	ssyncadd.s32 @!p0 $0xFFFFFFFF  }
0xb3: {  	s25 =	simm.s32 $0x1B8E;
	s24 =	sld [smem:$0x3FFE];
	[sflag:s5] =	ssyncadd.remote.s32 @!p0 $0x1  }
0xb4: {  	s26 =	simm.s32 $execute0_lowered;
	[smem:$0x3FD2] =	sst s25  }
0xb5: {  	s6 =	sshll.u32 s26, $0x1;
	_ =	strace $0x80000049;
	[dreg:$0x1] =	wrdreg $0xFFFFFFFF  }
0xb6: {  	s28 =	simm.s32 $_size_execute0_lowered;
	s4 =	sadd.s32 s4, s6;
	[dreg:$0x0] =	wrdreg $0x0  }
0xb7: {  	s6 =	sshll.u32 s28, $0x1;
	[dreg:$0x2] =	wrdreg s4  }
0xb8: {  	[dreg:$0x3] =	wrdreg s6  }
0xb9: {  	[dreg:$0x4] =	wrdreg $0xC0  }
0xba: {  	_ =	task [dreg:s22], $0x5FFFF  }
0xbb: {  	[dreg:$0x1] =	wrdreg $0xFFFFFFFF  }
0xbc: {  	[dreg:$0x0] =	wrdreg $0x60  }
0xbd: {  	[dreg:$0x2] =	wrdreg s18  }
0xbe: {  	[dreg:$0x3] =	wrdreg s24  }
0xbf: {  	[dreg:$0x4] =	wrdreg $0xA  }
0xc0: {  	_ =	task.clear_ibuf [dreg:s22], $0x5FFFF;
	_ =	strace $0x90000049  }
0xc1: {  	s29 =	simm.s32 $0xA;
	_ =	strace $0x8000004B  }
0xc2: {  	_ =	swait.ge [sflag:s29], $0x1  }
0xc3: {  	[sflag:s29] =	ssyncadd.s32 $0xFFFFFFFF  }
0xc4: {  	_ =	strace $0x9000004B  }
0xc5: {  	_ =	sfence  }
0xc6: {  	s30 =	sld [smem:$0x0];
	_ =	sdelay $0x2  }
0xc7: {  	s31 =	sshll.u32 s1, $0xD;
	s1 =	sshrl.u32 s1, $0x2  }
0xc8: {  	s4 =	sand.u32 $0x4000, s31;
	s1 =	sadd.s32 s1, s30  }
0xc9: {  	s0 =	sor.u32 s4, s0;
	s1 =	sshll.u32 s1, $0x11  }
0xca: {  	s0 =	sor.u32 s1, s0  }
0xcb: {  	s0 =	sadd.s32 $0x8F2B, s0  }
0xcc: {  	[sflag:s0] =	ssyncadd.remote.s32 $0x1  }
0xcd: {  	_ =	sfence.sel $0xFFFF  }
0xce: {  	[dreg:$0x0] =	wrdreg $0xFFFFFFFF;
	(pc) =	sbr.abs _section_cstart, $3  }
0xcf: {  	[dreg:$0x1] =	wrdreg $0xFFFFFFFF  }
0xd0: {  	_ =	task.clear_ibuf [dreg:s22], $0x2FFFF;
	_ =	strace $0x9FFFFFFF  }
0xd1: {  	(tm) =	ssettm $0x7FFFFFFF  }
tec
execute0_lowered:
.L_overlay_start_1:
0x0: {  	(tag) =	ssettag $0x1  }
0x1: {  	s4 =	rddreg [dreg:$0x0]  }
0x2: {  	s5 =	rddreg [dreg:$0x1]  }
0x3: {  	s0 =	rddreg [dreg:$0x2];
	s2 =	simm.s32 $0x0;
	s3 =	srdreg.scid  }
0x4: {  	s1 =	stileid.u32;
	s11 =	simm.s32 $0x2080;
	s12 =	simm.s32 $0x4080  }
0x5: {  	s13 =	simm.s32 $0x0;
	s6 =	sand.u32 $0x1, s3;
	s31 =	sshll.u32 s1, $0x1  }
0x6: {  	[smem:$0x7FF] =	sst s2;
	s3 =	sadd.s32 $0xDE00, s5;
	s7 =	sor.u32 s6, s31  }
0x7: {  	_ =	strace $0x8000004A;
	s6 =	ssub.s32 $0x2, s6;
	s8 =	sshll.u32 s7, $0xA  }
0x8: {  	s7 =	sshll.u32 s7, $0x4;
	s9 =	sshrl.u32 s6, $0x1;
	s8 =	sadd.s32 s8, s5  }
0x9: {  	s10 =	sadd.s32 s7, s5;
	s9 =	ssub.s32 s6, s9;
	s4 =	sadd.s32 s4, s7  }
0xa: {  	s5 =	sadd.s32 $0xD1E00, s8;
	s6 =	sadd.s32 $0xD9E00, s10;
	s7 =	smax.u32 s9, $0x1  }
0xb: {  	s8 =	simm.s32 $0x2;
	s9 =	simm.s32 $0x80;
	s10 =	simm.s32 $0x1  }
.LBB2_1:
0xc: {  	[tilespmem:s2], [sflag:$0x2] =	stream.linear.gather [hbm4b:s4+s2], $0x80, $0x38;
	[tilespmem:$0x4100] =	vst v63  }
0xd: {  	_ =	swait.ge [sflag:s8], $0x80  }
0xe: {  	[sflag:s8] =	ssyncset.done $0x0  }
0xf: {  	[sflag:s8] =	ssyncadd.s32 $0xFFFFFF80  }
0x10: {  	v0 =	vld [tilespmem:$0x0];
	_ =	sdelay $0x4  }
0x11: {  	v1 =	vadd.s32 s2, v0  }
0x12: {  	s14 =	simm.s32 $0x18800;
	s15 =	simm.s32 $0x80;
	[tilespmem:s9+$0x0] =	vst v1  }
.LBB2_2:
0x13: {  	p0 =	sne.s32 s14, $0x607800  }
.Ltmp0:
0x14: {  	_ = 	snop;
	(pc) =	sbr.rel @p0 .LBB2_2-.Ltmp0, $3  }
0x15: {  	_ =	sdelay $0x1  }
0x16: {  	v1 =	vadd.s32 s14, v0;
	s14 =	sadd.s32 $0x18800, s14;
	s15 =	sadd.s32 $0x80, s15  }
0x17: {  	[tilespmem:s15+$0x0] =	vst v1  }
0x18: {  	v0 =	vld [tilespmem:$0x10];
	_ =	sdelay $0x3  }
0x19: {  	s15 =	simm.s32 $0x0  }
0x1a: {  	s14 =	simm.s32 $0x90;
	v1 =	vadd.s32 s15, v0  }
0x1b: {  	s15 =	simm.s32 $0x18800;
	[tilespmem:s14+$0x0] =	vst v1  }
.LBB2_4:
0x1c: {  	p0 =	sne.s32 s15, $0x607800  }
.Ltmp1:
0x1d: {  	_ = 	snop;
	(pc) =	sbr.rel @p0 .LBB2_4-.Ltmp1, $3  }
0x1e: {  	_ =	sdelay $0x1  }
0x1f: {  	v1 =	vadd.s32 s15, v0;
	s15 =	sadd.s32 $0x18800, s15;
	s14 =	sadd.s32 $0x80, s14  }
0x20: {  	[tilespmem:s14+$0x0] =	vst v1  }
0x21: {  	v0 =	vld [tilespmem:$0x20];
	_ =	sdelay $0x3  }
0x22: {  	s15 =	simm.s32 $0x0  }
0x23: {  	s14 =	simm.s32 $0xA0;
	v1 =	vadd.s32 s15, v0  }
0x24: {  	s15 =	simm.s32 $0x18800;
	[tilespmem:s14+$0x0] =	vst v1  }
.LBB2_6:
0x25: {  	p0 =	sne.s32 s15, $0x607800  }
.Ltmp2:
0x26: {  	_ = 	snop;
	(pc) =	sbr.rel @p0 .LBB2_6-.Ltmp2, $3  }
0x27: {  	_ =	sdelay $0x1  }
0x28: {  	v1 =	vadd.s32 s15, v0;
	s15 =	sadd.s32 $0x18800, s15;
	s14 =	sadd.s32 $0x80, s14  }
0x29: {  	[tilespmem:s14+$0x0] =	vst v1  }
0x2a: {  	v0 =	vld [tilespmem:$0x30];
	_ =	sdelay $0x3  }
0x2b: {  	s15 =	simm.s32 $0x0  }
0x2c: {  	s14 =	simm.s32 $0xB0;
	v1 =	vadd.s32 s15, v0  }
0x2d: {  	s15 =	simm.s32 $0x18800;
	[tilespmem:s14+$0x0] =	vst v1  }
.LBB2_8:
0x2e: {  	p0 =	sne.s32 s15, $0x607800  }
.Ltmp3:
0x2f: {  	_ = 	snop;
	(pc) =	sbr.rel @p0 .LBB2_8-.Ltmp3, $3  }
0x30: {  	_ =	sdelay $0x1  }
0x31: {  	v1 =	vadd.s32 s15, v0;
	s15 =	sadd.s32 $0x18800, s15;
	s14 =	sadd.s32 $0x80, s14  }
0x32: {  	[tilespmem:s14+$0x0] =	vst v1  }
0x33: {  	v0 =	vld [tilespmem:$0x40];
	_ =	sdelay $0x3  }
0x34: {  	s15 =	simm.s32 $0x0  }
0x35: {  	s14 =	simm.s32 $0xC0;
	v1 =	vadd.s32 s15, v0  }
0x36: {  	s15 =	simm.s32 $0x18800;
	[tilespmem:s14+$0x0] =	vst v1  }
.LBB2_10:
0x37: {  	p0 =	sne.s32 s15, $0x607800  }
.Ltmp4:
0x38: {  	_ = 	snop;
	(pc) =	sbr.rel @p0 .LBB2_10-.Ltmp4, $3  }
0x39: {  	_ =	sdelay $0x1  }
0x3a: {  	v1 =	vadd.s32 s15, v0;
	s15 =	sadd.s32 $0x18800, s15;
	s14 =	sadd.s32 $0x80, s14  }
0x3b: {  	[tilespmem:s14+$0x0] =	vst v1  }
0x3c: {  	v0 =	vld [tilespmem:$0x50];
	_ =	sdelay $0x3  }
0x3d: {  	s15 =	simm.s32 $0x0  }
0x3e: {  	s14 =	simm.s32 $0xD0;
	v1 =	vadd.s32 s15, v0  }
0x3f: {  	s15 =	simm.s32 $0x18800;
	[tilespmem:s14+$0x0] =	vst v1  }
.LBB2_12:
0x40: {  	p0 =	sne.s32 s15, $0x607800  }
.Ltmp5:
0x41: {  	_ = 	snop;
	(pc) =	sbr.rel @p0 .LBB2_12-.Ltmp5, $3  }
0x42: {  	_ =	sdelay $0x1  }
0x43: {  	v1 =	vadd.s32 s15, v0;
	s15 =	sadd.s32 $0x18800, s15;
	s14 =	sadd.s32 $0x80, s14  }
0x44: {  	[tilespmem:s14+$0x0] =	vst v1  }
0x45: {  	v0 =	vld [tilespmem:$0x60];
	_ =	sdelay $0x3  }
0x46: {  	s15 =	simm.s32 $0x0  }
0x47: {  	s14 =	simm.s32 $0xE0;
	v1 =	vadd.s32 s15, v0  }
0x48: {  	s15 =	simm.s32 $0x18800;
	[tilespmem:s14+$0x0] =	vst v1  }
.LBB2_14:
0x49: {  	p0 =	sne.s32 s15, $0x607800  }
.Ltmp6:
0x4a: {  	_ = 	snop;
	(pc) =	sbr.rel @p0 .LBB2_14-.Ltmp6, $3  }
0x4b: {  	_ =	sdelay $0x1  }
0x4c: {  	v1 =	vadd.s32 s15, v0;
	s15 =	sadd.s32 $0x18800, s15;
	s14 =	sadd.s32 $0x80, s14  }
0x4d: {  	[tilespmem:s14+$0x0] =	vst v1  }
0x4e: {  	v0 =	vld [tilespmem:$0x70];
	_ =	sdelay $0x3  }
0x4f: {  	s14 =	simm.s32 $0x0  }
0x50: {  	s15 =	simm.s32 $0xF0;
	v1 =	vadd.s32 s14, v0  }
0x51: {  	s16 =	simm.s32 $0x18800;
	[tilespmem:s15+$0x0] =	vst v1  }
.LBB2_16:
0x52: {  	p0 =	sne.s32 s16, $0x607800  }
.Ltmp7:
0x53: {  	_ = 	snop;
	(pc) =	sbr.rel @p0 .LBB2_16-.Ltmp7, $3  }
0x54: {  	_ =	sdelay $0x1  }
0x55: {  	v1 =	vadd.s32 s16, v0;
	s16 =	sadd.s32 $0x18800, s16;
	s15 =	sadd.s32 $0x80, s15  }
0x56: {  	[tilespmem:s15+$0x0] =	vst v1  }
.LBB2_17:
0x57: {  	p0 =	sne.s32 s14, $0x7E00  }
.Ltmp8:
0x58: {  	_ = 	snop;
	(pc) =	sbr.rel @p0 .LBB2_17-.Ltmp8, $4  }
0x59: {  	_ = 	snop  }
0x5a: {  	s15 =	sshra.s32 s14, $0x2  }
0x5b: {  	s14 =	sadd.s32 $0x200, s14;
	s16 =	sadd.s32 $0x2080, s15;
	s15 =	sadd.s32 $0x80, s15  }
0x5c: {  	[tilespmem:s16], [sflag:$0x1] =	stream.indirect.gather [hbm4b:s3+s9], $0x1, s15, s9, $0xb8;
	[tilespmem:$0x4100] =	vst v63  }
0x5d: {  	s14 =	simm.s32 $0x40  }
.LBB2_19:
0x5e: {  	p0 =	sne.s32 s14, $0x1  }
.Ltmp9:
0x5f: {  	_ = 	snop;
	(pc) =	sbr.rel @p0 .LBB2_19-.Ltmp9, $4  }
0x60: {  	_ = 	snop  }
0x61: {  	_ =	swait.ge [sflag:s10], $0x80  }
0x62: {  	[sflag:s10] =	ssyncset.done $0x0  }
0x63: {  	s14 =	sadd.s32 $0xFFFFFFFF, s14;
	[sflag:s10] =	ssyncadd.s32 $0xFFFFFF80  }
0x64: {  	s15 =	simm.s32 $0x0  }
0x65: {  	v1 =	vld [tilespmem:s15+$0x2080]  }
0x66: {  	v0 =	vimm.f32 $0.0e+00;
	s14 =	simm.s32 $0x200  }
.LBB2_21:
0x67: {  	p0 =	sne.s32 s14, $0x7E00  }
.Ltmp10:
0x68: {  	_ = 	snop;
	(pc) =	sbr.rel @p0 .LBB2_21-.Ltmp10, $4  }
0x69: {  	_ = 	snop  }
0x6a: {  	s15 =	sshra.s32 s14, $0x2;
	s14 =	sadd.s32 $0x200, s14;
	v2 =	vmul.f32 v1, v1  }
0x6b: {  	v1 =	vld [tilespmem:s15+$0x2080]  }
0x6c: {  	v0 =	vadd.f32 v2, v0  }
0x6d: {  	_ =	sdelay $0x2  }
0x6e: {  	v1 =	vmul.f32 v1, v1;
	_ =	sdelay $0x1  }
0x6f: {  	v0 =	vadd.f32 v1, v0;
	_ =	sdelay $0x1  }
0x70: {  	s15 =	simm.s32 $0x0;
	[tilespmem:$0x4080] =	vst v0  }
0x71: {  	v1 =	vld [tilespmem:s15+$0x2090]  }
0x72: {  	s14 =	simm.s32 $0x200;
	v0 =	vimm.f32 $0.0e+00  }
.LBB2_23:
0x73: {  	p0 =	sne.s32 s14, $0x7E00  }
.Ltmp11:
0x74: {  	_ = 	snop;
	(pc) =	sbr.rel @p0 .LBB2_23-.Ltmp11, $4  }
0x75: {  	_ = 	snop  }
0x76: {  	s15 =	sshra.s32 s14, $0x2;
	s14 =	sadd.s32 $0x200, s14;
	v2 =	vmul.f32 v1, v1  }
0x77: {  	v1 =	vld [tilespmem:s15+$0x2090]  }
0x78: {  	v0 =	vadd.f32 v2, v0  }
0x79: {  	_ =	sdelay $0x2  }
0x7a: {  	v1 =	vmul.f32 v1, v1;
	_ =	sdelay $0x1  }
0x7b: {  	v0 =	vadd.f32 v1, v0;
	_ =	sdelay $0x1  }
0x7c: {  	s15 =	simm.s32 $0x0;
	[tilespmem:$0x4090] =	vst v0  }
0x7d: {  	v1 =	vld [tilespmem:s15+$0x20A0]  }
0x7e: {  	s14 =	simm.s32 $0x200;
	v0 =	vimm.f32 $0.0e+00  }
.LBB2_25:
0x7f: {  	p0 =	sne.s32 s14, $0x7E00  }
.Ltmp12:
0x80: {  	_ = 	snop;
	(pc) =	sbr.rel @p0 .LBB2_25-.Ltmp12, $4  }
0x81: {  	_ = 	snop  }
0x82: {  	s15 =	sshra.s32 s14, $0x2;
	s14 =	sadd.s32 $0x200, s14;
	v2 =	vmul.f32 v1, v1  }
0x83: {  	v1 =	vld [tilespmem:s15+$0x20A0]  }
0x84: {  	v0 =	vadd.f32 v2, v0  }
0x85: {  	_ =	sdelay $0x2  }
0x86: {  	v1 =	vmul.f32 v1, v1;
	_ =	sdelay $0x1  }
0x87: {  	v0 =	vadd.f32 v1, v0;
	_ =	sdelay $0x1  }
0x88: {  	s15 =	simm.s32 $0x0;
	[tilespmem:$0x40A0] =	vst v0  }
0x89: {  	v1 =	vld [tilespmem:s15+$0x20B0]  }
0x8a: {  	s14 =	simm.s32 $0x200;
	v0 =	vimm.f32 $0.0e+00  }
.LBB2_27:
0x8b: {  	p0 =	sne.s32 s14, $0x7E00  }
.Ltmp13:
0x8c: {  	_ = 	snop;
	(pc) =	sbr.rel @p0 .LBB2_27-.Ltmp13, $4  }
0x8d: {  	_ = 	snop  }
0x8e: {  	s15 =	sshra.s32 s14, $0x2;
	s14 =	sadd.s32 $0x200, s14;
	v2 =	vmul.f32 v1, v1  }
0x8f: {  	v1 =	vld [tilespmem:s15+$0x20B0]  }
0x90: {  	v0 =	vadd.f32 v2, v0  }
0x91: {  	_ =	sdelay $0x2  }
0x92: {  	v1 =	vmul.f32 v1, v1;
	_ =	sdelay $0x1  }
0x93: {  	v0 =	vadd.f32 v1, v0;
	_ =	sdelay $0x1  }
0x94: {  	s15 =	simm.s32 $0x0;
	[tilespmem:$0x40B0] =	vst v0  }
0x95: {  	v1 =	vld [tilespmem:s15+$0x20C0]  }
0x96: {  	s14 =	simm.s32 $0x200;
	v0 =	vimm.f32 $0.0e+00  }
.LBB2_29:
0x97: {  	p0 =	sne.s32 s14, $0x7E00  }
.Ltmp14:
0x98: {  	_ = 	snop;
	(pc) =	sbr.rel @p0 .LBB2_29-.Ltmp14, $4  }
0x99: {  	_ = 	snop  }
0x9a: {  	s15 =	sshra.s32 s14, $0x2;
	s14 =	sadd.s32 $0x200, s14;
	v2 =	vmul.f32 v1, v1  }
0x9b: {  	v1 =	vld [tilespmem:s15+$0x20C0]  }
0x9c: {  	v0 =	vadd.f32 v2, v0  }
0x9d: {  	_ =	sdelay $0x2  }
0x9e: {  	v1 =	vmul.f32 v1, v1;
	_ =	sdelay $0x1  }
0x9f: {  	v0 =	vadd.f32 v1, v0;
	_ =	sdelay $0x1  }
0xa0: {  	s15 =	simm.s32 $0x0;
	[tilespmem:$0x40C0] =	vst v0  }
0xa1: {  	v1 =	vld [tilespmem:s15+$0x20D0]  }
0xa2: {  	s14 =	simm.s32 $0x200;
	v0 =	vimm.f32 $0.0e+00  }
.LBB2_31:
0xa3: {  	p0 =	sne.s32 s14, $0x7E00  }
.Ltmp15:
0xa4: {  	_ = 	snop;
	(pc) =	sbr.rel @p0 .LBB2_31-.Ltmp15, $4  }
0xa5: {  	_ = 	snop  }
0xa6: {  	s15 =	sshra.s32 s14, $0x2;
	s14 =	sadd.s32 $0x200, s14;
	v2 =	vmul.f32 v1, v1  }
0xa7: {  	v1 =	vld [tilespmem:s15+$0x20D0]  }
0xa8: {  	v0 =	vadd.f32 v2, v0  }
0xa9: {  	_ =	sdelay $0x2  }
0xaa: {  	v1 =	vmul.f32 v1, v1;
	_ =	sdelay $0x1  }
0xab: {  	v0 =	vadd.f32 v1, v0;
	_ =	sdelay $0x1  }
0xac: {  	s15 =	simm.s32 $0x0;
	[tilespmem:$0x40D0] =	vst v0  }
0xad: {  	v1 =	vld [tilespmem:s15+$0x20E0]  }
0xae: {  	s14 =	simm.s32 $0x200;
	v0 =	vimm.f32 $0.0e+00  }
.LBB2_33:
0xaf: {  	p0 =	sne.s32 s14, $0x7E00  }
.Ltmp16:
0xb0: {  	_ = 	snop;
	(pc) =	sbr.rel @p0 .LBB2_33-.Ltmp16, $4  }
0xb1: {  	_ = 	snop  }
0xb2: {  	s15 =	sshra.s32 s14, $0x2;
	s14 =	sadd.s32 $0x200, s14;
	v2 =	vmul.f32 v1, v1  }
0xb3: {  	v1 =	vld [tilespmem:s15+$0x20E0]  }
0xb4: {  	v0 =	vadd.f32 v2, v0  }
0xb5: {  	_ =	sdelay $0x2  }
0xb6: {  	v1 =	vmul.f32 v1, v1;
	_ =	sdelay $0x1  }
0xb7: {  	v0 =	vadd.f32 v1, v0;
	_ =	sdelay $0x1  }
0xb8: {  	s15 =	simm.s32 $0x0;
	[tilespmem:$0x40E0] =	vst v0  }
0xb9: {  	v1 =	vld [tilespmem:s15+$0x20F0]  }
0xba: {  	s14 =	simm.s32 $0x200;
	v0 =	vimm.f32 $0.0e+00  }
.LBB2_35:
0xbb: {  	p0 =	sne.s32 s14, $0x7E00  }
.Ltmp17:
0xbc: {  	_ = 	snop;
	(pc) =	sbr.rel @p0 .LBB2_35-.Ltmp17, $4  }
0xbd: {  	_ = 	snop  }
0xbe: {  	s15 =	sshra.s32 s14, $0x2;
	s14 =	sadd.s32 $0x200, s14;
	v2 =	vmul.f32 v1, v1  }
0xbf: {  	v1 =	vld [tilespmem:s15+$0x20F0]  }
0xc0: {  	v0 =	vadd.f32 v2, v0  }
0xc1: {  	_ =	sdelay $0x2  }
0xc2: {  	v1 =	vmul.f32 v1, v1;
	_ =	sdelay $0x1  }
0xc3: {  	v0 =	vadd.f32 v1, v0;
	_ =	sdelay $0x1  }
0xc4: {  	[tilespmem:$0x40F0] =	vst v0  }
0xc5: {  	[hbm4b:s5+s2] =	stream.linear.scatter [tilespmem:s11], [sflag:$0x2], $0x2000, $0x38;
	[tilespmem:$0x4100] =	vst v63  }
0xc6: {  	s13 =	sadd.s32 $0x1, s13;
	_ =	swait.ge [sflag:s8], $0x2000  }
0xc7: {  	p0 =	sne.s32 s13, s7;
	[sflag:s8] =	ssyncset.done $0x0  }
.Ltmp18:
0xc8: {  	[sflag:s8] =	ssyncadd.s32 $0xFFFFE000;
	(pc) =	sbr.rel @p0 .LBB2_1-.Ltmp18, $4  }
0xc9: {  	[hbm4b:s6+s2] =	stream.linear.scatter [tilespmem:s12], [sflag:$0x2], $0x80, $0x38;
	[tilespmem:$0x4100] =	vst v63  }
0xca: {  	_ =	swait.ge [sflag:s8], $0x80  }
0xcb: {  	[sflag:s8] =	ssyncset.done $0x0  }
0xcc: {  	[sflag:s8] =	ssyncadd.s32 $0xFFFFFF80  }
0xcd: {  	_ =	sfence.sel $0x180000  }
0xce: {  	[bflag:$0x0] =	sbarrier.arrive $0xFFFF  }
0xcf: {  	p0 =	sne.s32 s1, $0x0;
	_ =	strace $0x9000004A  }
0xd0: {  	s0 =	sadd.s32 @!p0 $0x100000, s0;
	[bflag:$0x2] =	sbarrier.arrive $0xFFFF  }
0xd1: {  	[sflag:s0] =	ssyncadd.tile.s32 @!p0 $0x1;
	_ =	shalt  }
.Lfunc_end2:
_tile_overlayer_lowered:
.L_overlay_start_2:
0xd2: {  	(tag) =	ssettag $0x2  }
0xd3: {  	s0 =	rddreg [dreg:$0x0];
	s2 =	stileid.u32  }
0xd4: {  	s1 =	rddreg [dreg:$0x1];
	p0 =	sne.s32 s2, $0x0  }
0xd5: {  	s3 =	rddreg [dreg:$0x2];
	[bflag:$0x3] =	sbarrier.arrive $0xFFFF;
	s2 =	simm.s32 @!p0 $0x1C02  }
0xd6: {  	[timem:s3], [sflag:s2] =	dma.local @!p0 [hbm:s0], s1  }
0xd7: {  	s0 =	simm.s32 @!p0 $0x2  }
0xd8: {  	_ =	swait.ge @!p0 [sflag:s0], s1  }
0xd9: {  	s1 =	ssub.s32 @!p0 $0x0, s1;
	[sflag:s0] =	ssyncset.done @!p0 $0x0  }
0xda: {  	[sflag:s0] =	ssyncadd.s32 @!p0 s1  }
0xdb: {  	[bflag:$0x3] =	sbarrier.arrive $0xFFFF  }
0xdc: {  	_ =	shalt  }

// kernel: kernel.13.cloned.1.call-start
scs
__scs_entry_jumppad:
0x0: {  	(pc) =	sbr.rel $0x88, $3  }
0x1: {  	(tag) =	ssettag $0x0;
	lr =	simm.s32 $0x1  }
0x2: {  	[smem:$0x3F9C] =	sst lr;
	_ =	strace $0xD0000000  }
0x3: {  	_ = 	snop  }
0x4: {  	_ = 	snop  }
0x5: {  	_ = 	snop  }
0x6: {  	_ = 	snop  }
0x7: {  	_ = 	snop  }
__scs_overlays_trampoline_lowered:
0x8: {  	[smem:$0x3FAB] =	sst s0  }
0x9: {  	[smem:$0x3FAC] =	sst s1  }
0xa: {  	[smem:$0x3FAD] =	sst s2  }
0xb: {  	[smem:$0x3FAE] =	sst s3  }
0xc: {  	[smem:$0x3FAF] =	sst s4  }
0xd: {  	[smem:$0x3FB0] =	sst s5  }
0xe: {  	[smem:$0x3FB1] =	sst s6  }
0xf: {  	[smem:$0x3FB2] =	sst s7  }
0x10: {  	[smem:$0x3FB3] =	sst s8  }
0x11: {  	[smem:$0x3FB4] =	sst s9;
	s0 =	simm.s32 @!p0 $0x0  }
0x12: {  	s1 =	sld [smem:$0x3F9A];
	s0 =	simm.s32 @p0 $0x1  }
0x13: {  	[smem:$0x3FB5] =	sst s0;
	s0 =	simm.s32 @!p1 $0x0  }
0x14: {  	s2 =	sld [smem:$0x3F99];
	s0 =	simm.s32 @p1 $0x1  }
0x15: {  	[smem:$0x3FB6] =	sst s0;
	s0 =	simm.s32 @!p2 $0x0  }
0x16: {  	s3 =	sld [smem:$0x3FDB];
	s0 =	simm.s32 @p2 $0x1  }
0x17: {  	s4 =	simm.s32 $0x1BF5;
	[smem:$0x3FB8] =	sst s0  }
0x18: {  	s0 =	sld [smem:$0x3F9B];
	_ =	swait.ge [sflag:s4], $0x0  }
0x19: {  	s7 =	sld [smem:$0x3F9C]  }
0x1a: {  	s8 =	sadd.s32 $0xFFFFE003, lr  }
0x1b: {  	s9 =	sadd.s32 $0xFFFFFEF7, lr;
	s5 =	simm.s32 $0xFFFFFFFF;
	p2 =	slt.u32 s8, $0xFFFFF086  }
0x1c: {  	p1 =	slt.u32 s9, $0xF7A;
	s5 =	simm.s32 @!p2 $0x0  }
0x1d: {  	s5 =	simm.s32 @p1 $0x1;
	p0 =	seq.s32 s7, s2  }
0x1e: {  	s7 =	smul.u32 @!p0 $0xF7A, s2;
	p2 =	seq.s32 @!p0 s5, $0x0  }
0x1f: {  	s9 =	smul.u32 $0xF7A, s1;
	s8 =	simm.s32 @!p0 $0x1BF5;
	p2 =	por !p2, p0  }
0x20: {  	[sflag:s8] =	ssyncset.s32 @!p0 $0xFFFFF086;
	s6 =	sadd.s32 @!p0 s3, s7;
	s7 =	simm.s32 @!p0 $0x108  }
0x21: {  	s3 =	sadd.s32 s3, s9;
	s6 =	sadd.s32 @!p0 $0x88, s6;
	s7 =	simm.s32 @p2 $0x1082  }
0x22: {  	[simem:s7], [sflag:s8] =	dma.local @!p0 [hbm:s6], $0xF7A  }
0x23: {  	s9 =	sor.u32 $0xD0000000, s2;
	s6 =	simm.s32 $0x108;
	_ =	swait.ge @!p0 [sflag:s8], $0x0  }
0x24: {  	s3 =	sadd.s32 $0x88, s3;
	s6 =	simm.s32 @!p1 $0x1082;
	[sflag:s4] =	ssyncset.s32 $0xFFFFF086  }
0x25: {  	[simem:s6], [sflag:s4] =	dma.local [hbm:s3], $0xF7A  }
0x26: {  	[smem:$0x3F9C] =	sst s1;
	(tag) =	ssettag s2;
	_ =	strace s9  }
0x27: {  	s1 =	sld [smem:$0x3FAC]  }
0x28: {  	s2 =	sld [smem:$0x3FAD]  }
0x29: {  	s4 =	sld [smem:$0x3FAF]  }
0x2a: {  	p0 =	seq.s32 s5, $0x0;
	s5 =	sld [smem:$0x3FB0]  }
0x2b: {  	s6 =	sld [smem:$0x3FB1]  }
0x2c: {  	s7 =	sld [smem:$0x3FB2]  }
0x2d: {  	s3 =	simm.s32 $0x108;
	s8 =	sld [smem:$0x3FB3]  }
0x2e: {  	s3 =	simm.s32 @!p0 $0x1082;
	s9 =	sld [smem:$0x3FB4]  }
0x2f: {  	lr =	sadd.s32 s0, s3;
	s0 =	sld [smem:$0x3FAB]  }
0x30: {  	s3 =	sld [smem:$0x3FAE]  }
0x31: {  	[smem:$0x3FB7] =	sst s10  }
0x32: {  	s10 =	sld [smem:$0x3FB5];
	_ =	sdelay $0x3  }
0x33: {  	p0 =	seq.s32 s10, $0x1;
	s10 =	sld [smem:$0x3FB7];
	_ =	sdelay $0x3  }
0x34: {  	[smem:$0x3FB7] =	sst s10  }
0x35: {  	s10 =	sld [smem:$0x3FB6];
	_ =	sdelay $0x3  }
0x36: {  	p1 =	seq.s32 s10, $0x1;
	s10 =	sld [smem:$0x3FB7];
	_ =	sdelay $0x3  }
0x37: {  	[smem:$0x3FB7] =	sst s10  }
0x38: {  	s10 =	sld [smem:$0x3FB8]  }
0x39: {  	_ = 	snop;
	(pc) =	sbr.ind lr, $3  }
0x3a: {  	_ = 	snop  }
0x3b: {  	_ = 	snop  }
0x3c: {  	p2 =	seq.s32 s10, $0x1;
	s10 =	sld [smem:$0x3FB7]  }
0x3d: {  	_ =	shalt  }
0x3e: {  	_ =	shalt  }
0x3f: {  	_ =	shalt  }
0x40: {  	_ =	shalt  }
0x41: {  	_ =	shalt  }
0x42: {  	_ =	shalt  }
0x43: {  	_ =	shalt  }
0x44: {  	_ =	shalt  }
0x45: {  	_ =	shalt  }
0x46: {  	_ =	shalt  }
0x47: {  	_ =	shalt  }
0x48: {  	_ =	shalt  }
0x49: {  	_ =	shalt  }
0x4a: {  	_ =	shalt  }
0x4b: {  	_ =	shalt  }
0x4c: {  	_ =	shalt  }
0x4d: {  	_ =	shalt  }
0x4e: {  	_ =	shalt  }
0x4f: {  	_ =	shalt  }
0x50: {  	_ =	shalt  }
0x51: {  	_ =	shalt  }
0x52: {  	_ =	shalt  }
0x53: {  	_ =	shalt  }
0x54: {  	_ =	shalt  }
0x55: {  	_ =	shalt  }
0x56: {  	_ =	shalt  }
0x57: {  	_ =	shalt  }
0x58: {  	_ =	shalt  }
0x59: {  	_ =	shalt  }
0x5a: {  	_ =	shalt  }
0x5b: {  	_ =	shalt  }
0x5c: {  	_ =	shalt  }
0x5d: {  	_ =	shalt  }
0x5e: {  	_ =	shalt  }
0x5f: {  	_ =	shalt  }
0x60: {  	_ =	shalt  }
0x61: {  	_ =	shalt  }
0x62: {  	_ =	shalt  }
0x63: {  	_ =	shalt  }
0x64: {  	_ =	shalt  }
0x65: {  	_ =	shalt  }
0x66: {  	_ =	shalt  }
0x67: {  	_ =	shalt  }
0x68: {  	_ =	shalt  }
0x69: {  	_ =	shalt  }
0x6a: {  	_ =	shalt  }
0x6b: {  	_ =	shalt  }
0x6c: {  	_ =	shalt  }
0x6d: {  	_ =	shalt  }
0x6e: {  	_ =	shalt  }
0x6f: {  	_ =	shalt  }
0x70: {  	_ =	shalt  }
0x71: {  	_ =	shalt  }
0x72: {  	_ =	shalt  }
0x73: {  	_ =	shalt  }
0x74: {  	_ =	shalt  }
0x75: {  	_ =	shalt  }
0x76: {  	_ =	shalt  }
0x77: {  	_ =	shalt  }
0x78: {  	_ =	shalt  }
0x79: {  	_ =	shalt  }
0x7a: {  	_ =	shalt  }
0x7b: {  	_ =	shalt  }
0x7c: {  	_ =	shalt  }
0x7d: {  	_ =	shalt  }
0x7e: {  	_ =	shalt  }
0x7f: {  	_ =	shalt  }
0x80: {  	_ =	shalt  }
0x81: {  	_ =	shalt  }
0x82: {  	_ =	shalt  }
0x83: {  	_ =	shalt  }
0x84: {  	_ =	shalt  }
0x85: {  	_ =	shalt  }
0x86: {  	_ =	shalt  }
0x87: {  	_ =	shalt  }
.Lfunc_end0:
.L_simem_size_0:
called_computation.2_lowered:
.L_overlay_start_0:
0x88: {  	s2 =	sld [smem:$0x3FD9]  }
0x89: {  	s3 =	sld [smem:$0x3FFE];
	_ =	sdelay $0x1  }
0x8a: {  	s1 =	srdreg.scid  }
0x8b: {  	s0 =	sand.u32 $0x1, s1  }
0x8c: {  	s17 =	sshll.u32 s0, $0xA;
	s2 =	sadd.s32 s3, s2  }
0x8d: {  	s2 =	sadd.s32 s2, s17  }
0x8e: {  	[smem:$0x3FC3] =	sst s2  }
0x8f: {  	_ = 	snop  }
0x90: {  	s2 =	sld [smem:$0x3FC9]  }
0x91: {  	s18 =	sld [smem:$0x3FD0];
	(tm) =	ssettm $0x1  }
0x92: {  	s4 =	sld [smem:$0x3FFB];
	_ =	sdelay $0x3  }
0x93: {  	_ =	strace s4  }
0x94: {  	s4 =	sld [smem:$0x3FFC];
	_ =	sdelay $0x3  }
0x95: {  	_ =	strace s4  }
0x96: {  	s4 =	sld [smem:$0x3FFD];
	_ =	sdelay $0x3  }
0x97: {  	_ =	strace s4  }
0x98: {  	_ =	strace $0x8FFFFFFF  }
0x99: {  	s19 =	sld [smem:$0x3FDB];
	_ =	sdelay $0x1  }
0x9a: {  	s5 =	simm.s32 $_scs_section_size  }
0x9b: {  	s6 =	simm.s32 $_size__tile_overlayer_lowered;
	s7 =	simm.s32 $_tile_overlayer_lowered  }
0x9c: {  	s22 =	simm.s32 $0x1BFF;
	s21 =	sshll.u32 s7, $0x1;
	s4 =	sadd.s32 s5, s19  }
0x9d: {  	s8 =	simm.s32 $0x0;
	s20 =	sshll.u32 s6, $0x1;
	s6 =	sadd.s32 s21, s4  }
0x9e: {  	[timem:s8], [sflag:s22] =	dma.local [hbm:s6], s20  }
0x9f: {  	_ =	swait.ge [sflag:s22], s20  }
0xa0: {  	s5 =	ssub.s32 $0x0, s20;
	[sflag:s22] =	ssyncset.done $0x0  }
0xa1: {  	[sflag:s22] =	ssyncadd.s32 s5;
	_ =	sdelay $0x1  }
0xa2: {  	s23 =	simm.s32 $0x1B8B  }
0xa3: {  	_ =	swait.ge [sflag:s23], $0x1  }
0xa4: {  	[sflag:s23] =	ssyncset.done $0x0  }
0xa5: {  	s25 =	simm.s32 $0x1B8E;
	s24 =	sld [smem:$0x3FFE];
	[sflag:s23] =	ssyncadd.s32 $0xFFFFFFFF  }
0xa6: {  	s26 =	simm.s32 $execute0_lowered;
	[smem:$0x3FD2] =	sst s25  }
0xa7: {  	s6 =	sshll.u32 s26, $0x1;
	_ =	strace $0x8000004C;
	[dreg:$0x1] =	wrdreg $0xFFFFFFFF  }
0xa8: {  	s28 =	simm.s32 $_size_execute0_lowered;
	s4 =	sadd.s32 s4, s6;
	[dreg:$0x0] =	wrdreg $0x0  }
0xa9: {  	s6 =	sshll.u32 s28, $0x1;
	[dreg:$0x2] =	wrdreg s4  }
0xaa: {  	[dreg:$0x3] =	wrdreg s6  }
0xab: {  	[dreg:$0x4] =	wrdreg $0xC0  }
0xac: {  	_ =	task [dreg:s8], $0x5FFFF  }
0xad: {  	[dreg:$0x1] =	wrdreg $0xFFFFFFFF  }
0xae: {  	[dreg:$0x0] =	wrdreg $0x60  }
0xaf: {  	[dreg:$0x2] =	wrdreg s2  }
0xb0: {  	[dreg:$0x3] =	wrdreg s24  }
0xb1: {  	[dreg:$0x4] =	wrdreg s18  }
0xb2: {  	[dreg:$0x5] =	wrdreg $0x9  }
0xb3: {  	_ =	task.clear_ibuf [dreg:s8], $0x6FFFF;
	_ =	strace $0x9000004C  }
0xb4: {  	s29 =	simm.s32 $0x9;
	_ =	strace $0x8000004E  }
0xb5: {  	_ =	swait.ge [sflag:s29], $0x1  }
0xb6: {  	[sflag:s29] =	ssyncadd.s32 $0xFFFFFFFF  }
0xb7: {  	_ =	strace $0x9000004E  }
0xb8: {  	_ =	sfence  }
0xb9: {  	s30 =	sld [smem:$0x0];
	_ =	sdelay $0x2  }
0xba: {  	s31 =	sshll.u32 s1, $0xD;
	s1 =	sshrl.u32 s1, $0x2  }
0xbb: {  	s3 =	sand.u32 $0x4000, s31;
	s1 =	sadd.s32 s1, s30  }
0xbc: {  	s0 =	sor.u32 s3, s0;
	s1 =	sshll.u32 s1, $0x11  }
0xbd: {  	s0 =	sor.u32 s1, s0  }
0xbe: {  	s0 =	sadd.s32 $0x8F2B, s0  }
0xbf: {  	[sflag:s0] =	ssyncadd.remote.s32 $0x1  }
0xc0: {  	_ =	sfence.sel $0xFFFF  }
0xc1: {  	[dreg:$0x0] =	wrdreg $0xFFFFFFFF;
	(pc) =	sbr.abs _section_cstart, $3  }
0xc2: {  	[dreg:$0x1] =	wrdreg $0xFFFFFFFF  }
0xc3: {  	_ =	task.clear_ibuf [dreg:s8], $0x2FFFF;
	_ =	strace $0x9FFFFFFF  }
0xc4: {  	(tm) =	ssettm $0x7FFFFFFF  }
0xc5: {  	_ =	shalt  }
tec
execute0_lowered:
.L_overlay_start_1:
0x0: {  	(tag) =	ssettag $0x1  }
0x1: {  	s4 =	rddreg [dreg:$0x0]  }
0x2: {  	s5 =	rddreg [dreg:$0x1]  }
0x3: {  	s9 =	rddreg [dreg:$0x2]  }
0x4: {  	s0 =	rddreg [dreg:$0x3];
	s2 =	simm.s32 $0x0  }
0x5: {  	s3 =	srdreg.scid;
	s1 =	stileid.u32;
	s13 =	simm.s32 $0x4080  }
0x6: {  	s14 =	simm.s32 $0x6080;
	s15 =	simm.s32 $0x8080;
	s16 =	simm.s32 $0x8100  }
0x7: {  	s17 =	simm.s32 $0x2;
	s18 =	simm.s32 $0x3;
	s19 =	simm.s32 $0x1  }
0x8: {  	s20 =	simm.s32 $0x8180;
	s21 =	simm.s32 $0x0;
	[smem:$0x7FF] =	sst s2  }
0x9: {  	s6 =	sand.u32 $0x1, s3;
	s7 =	sshll.u32 s1, $0x1;
	s3 =	sadd.s32 $0xDA000, s5  }
0xa: {  	_ =	strace $0x8000004D;
	s7 =	sor.u32 s6, s7;
	s6 =	ssub.s32 $0x2, s6  }
0xb: {  	s8 =	sshll.u32 s7, $0xA;
	s10 =	sshll.u32 s7, $0x4;
	s31 =	sshrl.u32 s6, $0x1  }
0xc: {  	s8 =	sadd.s32 s8, s5;
	s11 =	sadd.s32 s10, s5;
	s12 =	ssub.s32 s6, s31  }
0xd: {  	s4 =	sadd.s32 s4, s10;
	s9 =	sadd.s32 s9, s10;
	s5 =	sadd.s32 $0x5C00, s8  }
0xe: {  	s6 =	sadd.s32 $0xD1E00, s8;
	s7 =	sadd.s32 $0xDC00, s11;
	s8 =	sadd.s32 $0xD9E00, s11  }
0xf: {  	s10 =	smax.u32 s12, $0x1;
	s11 =	simm.s32 $0x4;
	s12 =	simm.s32 $0x80  }
.LBB2_1:
0x10: {  	[tilespmem:s2], [sflag:$0x4] =	stream.linear.gather [hbm4b:s4+s2], $0x80, $0x38;
	[tilespmem:$0x8200] =	vst v63  }
0x11: {  	_ =	swait.ge [sflag:s11], $0x80  }
0x12: {  	[sflag:s11] =	ssyncset.done $0x0  }
0x13: {  	[sflag:s11] =	ssyncadd.s32 $0xFFFFFF80  }
0x14: {  	v0 =	vld [tilespmem:$0x0];
	_ =	sdelay $0x4  }
0x15: {  	v1 =	vadd.s32 s2, v0  }
0x16: {  	s22 =	simm.s32 $0x18800;
	s23 =	simm.s32 $0x80;
	[tilespmem:s12+$0x0] =	vst v1  }
.LBB2_2:
0x17: {  	p0 =	sne.s32 s22, $0x607800  }
.Ltmp0:
0x18: {  	_ = 	snop;
	(pc) =	sbr.rel @p0 .LBB2_2-.Ltmp0, $3  }
0x19: {  	_ =	sdelay $0x1  }
0x1a: {  	v1 =	vadd.s32 s22, v0;
	s22 =	sadd.s32 $0x18800, s22;
	s23 =	sadd.s32 $0x80, s23  }
0x1b: {  	[tilespmem:s23+$0x0] =	vst v1  }
0x1c: {  	v0 =	vld [tilespmem:$0x10];
	_ =	sdelay $0x3  }
0x1d: {  	s23 =	simm.s32 $0x0  }
0x1e: {  	s22 =	simm.s32 $0x90;
	v1 =	vadd.s32 s23, v0  }
0x1f: {  	s23 =	simm.s32 $0x18800;
	[tilespmem:s22+$0x0] =	vst v1  }
.LBB2_4:
0x20: {  	p0 =	sne.s32 s23, $0x607800  }
.Ltmp1:
0x21: {  	_ = 	snop;
	(pc) =	sbr.rel @p0 .LBB2_4-.Ltmp1, $3  }
0x22: {  	_ =	sdelay $0x1  }
0x23: {  	v1 =	vadd.s32 s23, v0;
	s23 =	sadd.s32 $0x18800, s23;
	s22 =	sadd.s32 $0x80, s22  }
0x24: {  	[tilespmem:s22+$0x0] =	vst v1  }
0x25: {  	v0 =	vld [tilespmem:$0x20];
	_ =	sdelay $0x3  }
0x26: {  	s23 =	simm.s32 $0x0  }
0x27: {  	s22 =	simm.s32 $0xA0;
	v1 =	vadd.s32 s23, v0  }
0x28: {  	s23 =	simm.s32 $0x18800;
	[tilespmem:s22+$0x0] =	vst v1  }
.LBB2_6:
0x29: {  	p0 =	sne.s32 s23, $0x607800  }
.Ltmp2:
0x2a: {  	_ = 	snop;
	(pc) =	sbr.rel @p0 .LBB2_6-.Ltmp2, $3  }
0x2b: {  	_ =	sdelay $0x1  }
0x2c: {  	v1 =	vadd.s32 s23, v0;
	s23 =	sadd.s32 $0x18800, s23;
	s22 =	sadd.s32 $0x80, s22  }
0x2d: {  	[tilespmem:s22+$0x0] =	vst v1  }
0x2e: {  	v0 =	vld [tilespmem:$0x30];
	_ =	sdelay $0x3  }
0x2f: {  	s23 =	simm.s32 $0x0  }
0x30: {  	s22 =	simm.s32 $0xB0;
	v1 =	vadd.s32 s23, v0  }
0x31: {  	s23 =	simm.s32 $0x18800;
	[tilespmem:s22+$0x0] =	vst v1  }
.LBB2_8:
0x32: {  	p0 =	sne.s32 s23, $0x607800  }
.Ltmp3:
0x33: {  	_ = 	snop;
	(pc) =	sbr.rel @p0 .LBB2_8-.Ltmp3, $3  }
0x34: {  	_ =	sdelay $0x1  }
0x35: {  	v1 =	vadd.s32 s23, v0;
	s23 =	sadd.s32 $0x18800, s23;
	s22 =	sadd.s32 $0x80, s22  }
0x36: {  	[tilespmem:s22+$0x0] =	vst v1  }
0x37: {  	v0 =	vld [tilespmem:$0x40];
	_ =	sdelay $0x3  }
0x38: {  	s23 =	simm.s32 $0x0  }
0x39: {  	s22 =	simm.s32 $0xC0;
	v1 =	vadd.s32 s23, v0  }
0x3a: {  	s23 =	simm.s32 $0x18800;
	[tilespmem:s22+$0x0] =	vst v1  }
.LBB2_10:
0x3b: {  	p0 =	sne.s32 s23, $0x607800  }
.Ltmp4:
0x3c: {  	_ = 	snop;
	(pc) =	sbr.rel @p0 .LBB2_10-.Ltmp4, $3  }
0x3d: {  	_ =	sdelay $0x1  }
0x3e: {  	v1 =	vadd.s32 s23, v0;
	s23 =	sadd.s32 $0x18800, s23;
	s22 =	sadd.s32 $0x80, s22  }
0x3f: {  	[tilespmem:s22+$0x0] =	vst v1  }
0x40: {  	v0 =	vld [tilespmem:$0x50];
	_ =	sdelay $0x3  }
0x41: {  	s23 =	simm.s32 $0x0  }
0x42: {  	s22 =	simm.s32 $0xD0;
	v1 =	vadd.s32 s23, v0  }
0x43: {  	s23 =	simm.s32 $0x18800;
	[tilespmem:s22+$0x0] =	vst v1  }
.LBB2_12:
0x44: {  	p0 =	sne.s32 s23, $0x607800  }
.Ltmp5:
0x45: {  	_ = 	snop;
	(pc) =	sbr.rel @p0 .LBB2_12-.Ltmp5, $3  }
0x46: {  	_ =	sdelay $0x1  }
0x47: {  	v1 =	vadd.s32 s23, v0;
	s23 =	sadd.s32 $0x18800, s23;
	s22 =	sadd.s32 $0x80, s22  }
0x48: {  	[tilespmem:s22+$0x0] =	vst v1  }
0x49: {  	v0 =	vld [tilespmem:$0x60];
	_ =	sdelay $0x3  }
0x4a: {  	s23 =	simm.s32 $0x0  }
0x4b: {  	s22 =	simm.s32 $0xE0;
	v1 =	vadd.s32 s23, v0  }
0x4c: {  	s23 =	simm.s32 $0x18800;
	[tilespmem:s22+$0x0] =	vst v1  }
.LBB2_14:
0x4d: {  	p0 =	sne.s32 s23, $0x607800  }
.Ltmp6:
0x4e: {  	_ = 	snop;
	(pc) =	sbr.rel @p0 .LBB2_14-.Ltmp6, $3  }
0x4f: {  	_ =	sdelay $0x1  }
0x50: {  	v1 =	vadd.s32 s23, v0;
	s23 =	sadd.s32 $0x18800, s23;
	s22 =	sadd.s32 $0x80, s22  }
0x51: {  	[tilespmem:s22+$0x0] =	vst v1  }
0x52: {  	v0 =	vld [tilespmem:$0x70];
	_ =	sdelay $0x3  }
0x53: {  	s23 =	simm.s32 $0x0  }
0x54: {  	s22 =	simm.s32 $0xF0;
	v1 =	vadd.s32 s23, v0  }
0x55: {  	s23 =	simm.s32 $0x18800;
	[tilespmem:s22+$0x0] =	vst v1  }
.LBB2_16:
0x56: {  	p0 =	sne.s32 s23, $0x607800  }
.Ltmp7:
0x57: {  	_ = 	snop;
	(pc) =	sbr.rel @p0 .LBB2_16-.Ltmp7, $3  }
0x58: {  	_ =	sdelay $0x1  }
0x59: {  	v1 =	vadd.s32 s23, v0;
	s23 =	sadd.s32 $0x18800, s23;
	s22 =	sadd.s32 $0x80, s22  }
0x5a: {  	[tilespmem:s22+$0x0] =	vst v1  }
0x5b: {  	s22 =	simm.s32 $0x200;
	s23 =	simm.s32 $0x2080;
	s24 =	simm.s32 $0x80  }
.LBB2_18:
0x5c: {  	[tilespmem:s23], [sflag:$0x1] =	stream.indirect.gather [hbm4b:s3+s12], $0x1, s24, s12, $0xb8;
	[tilespmem:$0x8200] =	vst v63  }
0x5d: {  	s23 =	smov.u32 s22;
	p0 =	sne.s32 s22, $0x7E00  }
.Ltmp8:
0x5e: {  	s22 =	sadd.s32 $0x200, s22;
	(pc) =	sbr.rel @p0 .LBB2_18-.Ltmp8, $3  }
0x5f: {  	_ =	sdelay $0x1  }
0x60: {  	s24 =	sshra.s32 s23, $0x2  }
0x61: {  	s23 =	sadd.s32 $0x2080, s24;
	s24 =	sadd.s32 $0x80, s24  }
0x62: {  	[tilespmem:s23], [sflag:$0x1] =	stream.indirect.gather [hbm4b:s3+s12], $0x1, s24, s12, $0xb8;
	[tilespmem:$0x8200] =	vst v63  }
0x63: {  	_ = 	snop  }
0x64: {  	[tilespmem:s13], [sflag:$0x2] =	stream.linear.gather [hbm4b:s5+s2], $0x2000, $0x38;
	[tilespmem:$0x8200] =	vst v63  }
0x65: {  	_ = 	snop  }
0x66: {  	[tilespmem:s14], [sflag:$0x3] =	stream.linear.gather [hbm4b:s6+s2], $0x2000, $0x38;
	[tilespmem:$0x8200] =	vst v63  }
0x67: {  	_ = 	snop  }
0x68: {  	[tilespmem:s15], [sflag:$0x4] =	stream.linear.gather [hbm4b:s7+s2], $0x80, $0x38;
	[tilespmem:$0x8200] =	vst v63  }
0x69: {  	_ =	swait.ge [sflag:s11], $0x80  }
0x6a: {  	[sflag:s11] =	ssyncset.done $0x0  }
0x6b: {  	[sflag:s11] =	ssyncadd.s32 $0xFFFFFF80  }
0x6c: {  	[tilespmem:s16], [sflag:$0x4] =	stream.linear.gather [hbm4b:s8+s2], $0x80, $0x38;
	[tilespmem:$0x8200] =	vst v63  }
0x6d: {  	_ =	swait.ge [sflag:s11], $0x80  }
0x6e: {  	[sflag:s11] =	ssyncset.done $0x0  }
0x6f: {  	[sflag:s11] =	ssyncadd.s32 $0xFFFFFF80  }
0x70: {  	_ =	swait.ge [sflag:s17], $0x2000  }
0x71: {  	[sflag:s17] =	ssyncset.done $0x0  }
0x72: {  	[sflag:s17] =	ssyncadd.s32 $0xFFFFE000  }
0x73: {  	_ =	swait.ge [sflag:s18], $0x2000  }
0x74: {  	[sflag:s18] =	ssyncset.done $0x0  }
0x75: {  	s22 =	simm.s32 $0x40;
	[sflag:s18] =	ssyncadd.s32 $0xFFFFE000  }
.LBB2_20:
0x76: {  	p0 =	sne.s32 s22, $0x1  }
.Ltmp9:
0x77: {  	_ = 	snop;
	(pc) =	sbr.rel @p0 .LBB2_20-.Ltmp9, $4  }
0x78: {  	_ = 	snop  }
0x79: {  	_ =	swait.ge [sflag:s19], $0x80  }
0x7a: {  	[sflag:s19] =	ssyncset.done $0x0  }
0x7b: {  	s22 =	sadd.s32 $0xFFFFFFFF, s22;
	[sflag:s19] =	ssyncadd.s32 $0xFFFFFF80  }
0x7c: {  	s22 =	simm.s32 $0x0  }
0x7d: {  	v5 =	vld [tilespmem:s22+$0x2080]  }
0x7e: {  	v0 =	vld [tilespmem:s22+$0x4080];
	_ =	sdelay $0x1  }
0x7f: {  	v1 =	vld [tilespmem:s22+$0x6080];
	_ =	sdelay $0x2  }
0x80: {  	s23 =	simm.s32 $0x80;
	v2 =	vadd.f32 v0, v5  }
0x81: {  	v0 =	vld [tilespmem:s23+$0x2080]  }
0x82: {  	v4 =	vadd.f32 v1, v2;
	v2 =	vld [tilespmem:s23+$0x4080];
	_ =	sdelay $0x1  }
0x83: {  	v3 =	vld [tilespmem:s23+$0x6080]  }
0x84: {  	s22 =	simm.s32 $0x400;
	v5 =	vmul.f32 v5, v5;
	v1 =	vimm.f32 $0.0e+00;
	v4 =	vmul.f32 v4, v4  }
.LBB2_22:
0x85: {  	s23 =	sshra.s32 s22, $0x2;
	v6 =	vmov v0;
	p0 =	sne.s32 s22, $0x7E00  }
.Ltmp10:
0x86: {  	s22 =	sadd.s32 $0x200, s22;
	v0 =	vld [tilespmem:s23+$0x2080];
	v7 =	vadd.f32 v2, v6;
	v4 =	vsub.f32 v4, v5;
	(pc) =	sbr.rel @p0 .LBB2_22-.Ltmp10, $4  }
0x87: {  	v2 =	vld [tilespmem:s23+$0x4080]  }
0x88: {  	v5 =	vadd.f32 v3, v7;
	v1 =	vadd.f32 v4, v1  }
0x89: {  	v3 =	vld [tilespmem:s23+$0x6080]  }
0x8a: {  	v4 =	vmul.f32 v5, v5;
	v5 =	vmul.f32 v6, v6  }
0x8b: {  	_ = 	snop  }
0x8c: {  	v2 =	vadd.f32 v2, v0;
	_ =	sdelay $0x1  }
0x8d: {  	v6 =	vld [tilespmem:$0x8100];
	v2 =	vadd.f32 v3, v2  }
0x8e: {  	v3 =	vld [tilespmem:$0x8080]  }
0x8f: {  	v4 =	vsub.f32 v4, v5;
	v0 =	vmul.f32 v0, v0;
	v2 =	vmul.f32 v2, v2;
	_ =	sdelay $0x1  }
0x90: {  	v1 =	vadd.f32 v4, v1;
	v0 =	vsub.f32 v2, v0;
	_ =	sdelay $0x1  }
0x91: {  	v0 =	vadd.f32 v0, v1;
	v1 =	vadd.f32 v6, v3;
	_ =	sdelay $0x1  }
0x92: {  	v0 =	vsub.f32 v0, v1;
	_ =	sdelay $0x1  }
0x93: {  	v0 =	vmul.f32 $5.000000000e-01, v0;
	_ =	sdelay $0x1  }
0x94: {  	s22 =	simm.s32 $0x0;
	[tilespmem:$0x8180] =	vst v0  }
0x95: {  	v5 =	vld [tilespmem:s22+$0x2090]  }
0x96: {  	v0 =	vld [tilespmem:s22+$0x4090];
	_ =	sdelay $0x1  }
0x97: {  	v1 =	vld [tilespmem:s22+$0x6090];
	_ =	sdelay $0x2  }
0x98: {  	s23 =	simm.s32 $0x80;
	v2 =	vadd.f32 v0, v5  }
0x99: {  	v0 =	vld [tilespmem:s23+$0x2090]  }
0x9a: {  	v4 =	vadd.f32 v1, v2;
	v2 =	vld [tilespmem:s23+$0x4090];
	_ =	sdelay $0x1  }
0x9b: {  	v3 =	vld [tilespmem:s23+$0x6090]  }
0x9c: {  	s22 =	simm.s32 $0x400;
	v5 =	vmul.f32 v5, v5;
	v1 =	vimm.f32 $0.0e+00;
	v4 =	vmul.f32 v4, v4  }
.LBB2_24:
0x9d: {  	s23 =	sshra.s32 s22, $0x2;
	v6 =	vmov v0;
	p0 =	sne.s32 s22, $0x7E00  }
.Ltmp11:
0x9e: {  	s22 =	sadd.s32 $0x200, s22;
	v0 =	vld [tilespmem:s23+$0x2090];
	v7 =	vadd.f32 v2, v6;
	v4 =	vsub.f32 v4, v5;
	(pc) =	sbr.rel @p0 .LBB2_24-.Ltmp11, $4  }
0x9f: {  	v2 =	vld [tilespmem:s23+$0x4090]  }
0xa0: {  	v5 =	vadd.f32 v3, v7;
	v1 =	vadd.f32 v4, v1  }
0xa1: {  	v3 =	vld [tilespmem:s23+$0x6090]  }
0xa2: {  	v4 =	vmul.f32 v5, v5;
	v5 =	vmul.f32 v6, v6  }
0xa3: {  	_ = 	snop  }
0xa4: {  	v2 =	vadd.f32 v2, v0;
	_ =	sdelay $0x1  }
0xa5: {  	v6 =	vld [tilespmem:$0x8110];
	v2 =	vadd.f32 v3, v2  }
0xa6: {  	v3 =	vld [tilespmem:$0x8090]  }
0xa7: {  	v4 =	vsub.f32 v4, v5;
	v0 =	vmul.f32 v0, v0;
	v2 =	vmul.f32 v2, v2;
	_ =	sdelay $0x1  }
0xa8: {  	v1 =	vadd.f32 v4, v1;
	v0 =	vsub.f32 v2, v0;
	_ =	sdelay $0x1  }
0xa9: {  	v0 =	vadd.f32 v0, v1;
	v1 =	vadd.f32 v6, v3;
	_ =	sdelay $0x1  }
0xaa: {  	v0 =	vsub.f32 v0, v1;
	_ =	sdelay $0x1  }
0xab: {  	v0 =	vmul.f32 $5.000000000e-01, v0;
	_ =	sdelay $0x1  }
0xac: {  	s22 =	simm.s32 $0x0;
	[tilespmem:$0x8190] =	vst v0  }
0xad: {  	v5 =	vld [tilespmem:s22+$0x20A0]  }
0xae: {  	v0 =	vld [tilespmem:s22+$0x40A0];
	_ =	sdelay $0x1  }
0xaf: {  	v1 =	vld [tilespmem:s22+$0x60A0];
	_ =	sdelay $0x2  }
0xb0: {  	s23 =	simm.s32 $0x80;
	v2 =	vadd.f32 v0, v5  }
0xb1: {  	v0 =	vld [tilespmem:s23+$0x20A0]  }
0xb2: {  	v4 =	vadd.f32 v1, v2;
	v2 =	vld [tilespmem:s23+$0x40A0];
	_ =	sdelay $0x1  }
0xb3: {  	v3 =	vld [tilespmem:s23+$0x60A0]  }
0xb4: {  	s22 =	simm.s32 $0x400;
	v5 =	vmul.f32 v5, v5;
	v1 =	vimm.f32 $0.0e+00;
	v4 =	vmul.f32 v4, v4  }
.LBB2_26:
0xb5: {  	s23 =	sshra.s32 s22, $0x2;
	v6 =	vmov v0;
	p0 =	sne.s32 s22, $0x7E00  }
.Ltmp12:
0xb6: {  	s22 =	sadd.s32 $0x200, s22;
	v0 =	vld [tilespmem:s23+$0x20A0];
	v7 =	vadd.f32 v2, v6;
	v4 =	vsub.f32 v4, v5;
	(pc) =	sbr.rel @p0 .LBB2_26-.Ltmp12, $4  }
0xb7: {  	v2 =	vld [tilespmem:s23+$0x40A0]  }
0xb8: {  	v5 =	vadd.f32 v3, v7;
	v1 =	vadd.f32 v4, v1  }
0xb9: {  	v3 =	vld [tilespmem:s23+$0x60A0]  }
0xba: {  	v4 =	vmul.f32 v5, v5;
	v5 =	vmul.f32 v6, v6  }
0xbb: {  	_ = 	snop  }
0xbc: {  	v2 =	vadd.f32 v2, v0;
	_ =	sdelay $0x1  }
0xbd: {  	v6 =	vld [tilespmem:$0x8120];
	v2 =	vadd.f32 v3, v2  }
0xbe: {  	v3 =	vld [tilespmem:$0x80A0]  }
0xbf: {  	v4 =	vsub.f32 v4, v5;
	v0 =	vmul.f32 v0, v0;
	v2 =	vmul.f32 v2, v2;
	_ =	sdelay $0x1  }
0xc0: {  	v1 =	vadd.f32 v4, v1;
	v0 =	vsub.f32 v2, v0;
	_ =	sdelay $0x1  }
0xc1: {  	v0 =	vadd.f32 v0, v1;
	v1 =	vadd.f32 v6, v3;
	_ =	sdelay $0x1  }
0xc2: {  	v0 =	vsub.f32 v0, v1;
	_ =	sdelay $0x1  }
0xc3: {  	v0 =	vmul.f32 $5.000000000e-01, v0;
	_ =	sdelay $0x1  }
0xc4: {  	s22 =	simm.s32 $0x0;
	[tilespmem:$0x81A0] =	vst v0  }
0xc5: {  	v5 =	vld [tilespmem:s22+$0x20B0]  }
0xc6: {  	v0 =	vld [tilespmem:s22+$0x40B0];
	_ =	sdelay $0x1  }
0xc7: {  	v1 =	vld [tilespmem:s22+$0x60B0];
	_ =	sdelay $0x2  }
0xc8: {  	s23 =	simm.s32 $0x80;
	v2 =	vadd.f32 v0, v5  }
0xc9: {  	v0 =	vld [tilespmem:s23+$0x20B0]  }
0xca: {  	v4 =	vadd.f32 v1, v2;
	v2 =	vld [tilespmem:s23+$0x40B0];
	_ =	sdelay $0x1  }
0xcb: {  	v3 =	vld [tilespmem:s23+$0x60B0]  }
0xcc: {  	s22 =	simm.s32 $0x400;
	v5 =	vmul.f32 v5, v5;
	v1 =	vimm.f32 $0.0e+00;
	v4 =	vmul.f32 v4, v4  }
.LBB2_28:
0xcd: {  	s23 =	sshra.s32 s22, $0x2;
	v6 =	vmov v0;
	p0 =	sne.s32 s22, $0x7E00  }
.Ltmp13:
0xce: {  	s22 =	sadd.s32 $0x200, s22;
	v0 =	vld [tilespmem:s23+$0x20B0];
	v7 =	vadd.f32 v2, v6;
	v4 =	vsub.f32 v4, v5;
	(pc) =	sbr.rel @p0 .LBB2_28-.Ltmp13, $4  }
0xcf: {  	v2 =	vld [tilespmem:s23+$0x40B0]  }
0xd0: {  	v5 =	vadd.f32 v3, v7;
	v1 =	vadd.f32 v4, v1  }
0xd1: {  	v3 =	vld [tilespmem:s23+$0x60B0]  }
0xd2: {  	v4 =	vmul.f32 v5, v5;
	v5 =	vmul.f32 v6, v6  }
0xd3: {  	_ = 	snop  }
0xd4: {  	v2 =	vadd.f32 v2, v0;
	_ =	sdelay $0x1  }
0xd5: {  	v6 =	vld [tilespmem:$0x8130];
	v2 =	vadd.f32 v3, v2  }
0xd6: {  	v3 =	vld [tilespmem:$0x80B0]  }
0xd7: {  	v4 =	vsub.f32 v4, v5;
	v0 =	vmul.f32 v0, v0;
	v2 =	vmul.f32 v2, v2;
	_ =	sdelay $0x1  }
0xd8: {  	v1 =	vadd.f32 v4, v1;
	v0 =	vsub.f32 v2, v0;
	_ =	sdelay $0x1  }
0xd9: {  	v0 =	vadd.f32 v0, v1;
	v1 =	vadd.f32 v6, v3;
	_ =	sdelay $0x1  }
0xda: {  	v0 =	vsub.f32 v0, v1;
	_ =	sdelay $0x1  }
0xdb: {  	v0 =	vmul.f32 $5.000000000e-01, v0;
	_ =	sdelay $0x1  }
0xdc: {  	s22 =	simm.s32 $0x0;
	[tilespmem:$0x81B0] =	vst v0  }
0xdd: {  	v5 =	vld [tilespmem:s22+$0x20C0]  }
0xde: {  	v0 =	vld [tilespmem:s22+$0x40C0];
	_ =	sdelay $0x1  }
0xdf: {  	v1 =	vld [tilespmem:s22+$0x60C0];
	_ =	sdelay $0x2  }
0xe0: {  	s23 =	simm.s32 $0x80;
	v2 =	vadd.f32 v0, v5  }
0xe1: {  	v0 =	vld [tilespmem:s23+$0x20C0]  }
0xe2: {  	v4 =	vadd.f32 v1, v2;
	v2 =	vld [tilespmem:s23+$0x40C0];
	_ =	sdelay $0x1  }
0xe3: {  	v3 =	vld [tilespmem:s23+$0x60C0]  }
0xe4: {  	s22 =	simm.s32 $0x400;
	v5 =	vmul.f32 v5, v5;
	v1 =	vimm.f32 $0.0e+00;
	v4 =	vmul.f32 v4, v4  }
.LBB2_30:
0xe5: {  	s23 =	sshra.s32 s22, $0x2;
	v6 =	vmov v0;
	p0 =	sne.s32 s22, $0x7E00  }
.Ltmp14:
0xe6: {  	s22 =	sadd.s32 $0x200, s22;
	v0 =	vld [tilespmem:s23+$0x20C0];
	v7 =	vadd.f32 v2, v6;
	v4 =	vsub.f32 v4, v5;
	(pc) =	sbr.rel @p0 .LBB2_30-.Ltmp14, $4  }
0xe7: {  	v2 =	vld [tilespmem:s23+$0x40C0]  }
0xe8: {  	v5 =	vadd.f32 v3, v7;
	v1 =	vadd.f32 v4, v1  }
0xe9: {  	v3 =	vld [tilespmem:s23+$0x60C0]  }
0xea: {  	v4 =	vmul.f32 v5, v5;
	v5 =	vmul.f32 v6, v6  }
0xeb: {  	_ = 	snop  }
0xec: {  	v2 =	vadd.f32 v2, v0;
	_ =	sdelay $0x1  }
0xed: {  	v6 =	vld [tilespmem:$0x8140];
	v2 =	vadd.f32 v3, v2  }
0xee: {  	v3 =	vld [tilespmem:$0x80C0]  }
0xef: {  	v4 =	vsub.f32 v4, v5;
	v0 =	vmul.f32 v0, v0;
	v2 =	vmul.f32 v2, v2;
	_ =	sdelay $0x1  }
0xf0: {  	v1 =	vadd.f32 v4, v1;
	v0 =	vsub.f32 v2, v0;
	_ =	sdelay $0x1  }
0xf1: {  	v0 =	vadd.f32 v0, v1;
	v1 =	vadd.f32 v6, v3;
	_ =	sdelay $0x1  }
0xf2: {  	v0 =	vsub.f32 v0, v1;
	_ =	sdelay $0x1  }
0xf3: {  	v0 =	vmul.f32 $5.000000000e-01, v0;
	_ =	sdelay $0x1  }
0xf4: {  	s22 =	simm.s32 $0x0;
	[tilespmem:$0x81C0] =	vst v0  }
0xf5: {  	v5 =	vld [tilespmem:s22+$0x20D0]  }
0xf6: {  	v0 =	vld [tilespmem:s22+$0x40D0];
	_ =	sdelay $0x1  }
0xf7: {  	v1 =	vld [tilespmem:s22+$0x60D0];
	_ =	sdelay $0x2  }
0xf8: {  	s23 =	simm.s32 $0x80;
	v2 =	vadd.f32 v0, v5  }
0xf9: {  	v0 =	vld [tilespmem:s23+$0x20D0]  }
0xfa: {  	v4 =	vadd.f32 v1, v2;
	v2 =	vld [tilespmem:s23+$0x40D0];
	_ =	sdelay $0x1  }
0xfb: {  	v3 =	vld [tilespmem:s23+$0x60D0]  }
0xfc: {  	s22 =	simm.s32 $0x400;
	v5 =	vmul.f32 v5, v5;
	v1 =	vimm.f32 $0.0e+00;
	v4 =	vmul.f32 v4, v4  }
.LBB2_32:
0xfd: {  	s23 =	sshra.s32 s22, $0x2;
	v6 =	vmov v0;
	p0 =	sne.s32 s22, $0x7E00  }
.Ltmp15:
0xfe: {  	s22 =	sadd.s32 $0x200, s22;
	v0 =	vld [tilespmem:s23+$0x20D0];
	v7 =	vadd.f32 v2, v6;
	v4 =	vsub.f32 v4, v5;
	(pc) =	sbr.rel @p0 .LBB2_32-.Ltmp15, $4  }
0xff: {  	v2 =	vld [tilespmem:s23+$0x40D0]  }
0x100: {  	v5 =	vadd.f32 v3, v7;
	v1 =	vadd.f32 v4, v1  }
0x101: {  	v3 =	vld [tilespmem:s23+$0x60D0]  }
0x102: {  	v4 =	vmul.f32 v5, v5;
	v5 =	vmul.f32 v6, v6  }
0x103: {  	_ = 	snop  }
0x104: {  	v2 =	vadd.f32 v2, v0;
	_ =	sdelay $0x1  }
0x105: {  	v6 =	vld [tilespmem:$0x8150];
	v2 =	vadd.f32 v3, v2  }
0x106: {  	v3 =	vld [tilespmem:$0x80D0]  }
0x107: {  	v4 =	vsub.f32 v4, v5;
	v0 =	vmul.f32 v0, v0;
	v2 =	vmul.f32 v2, v2;
	_ =	sdelay $0x1  }
0x108: {  	v1 =	vadd.f32 v4, v1;
	v0 =	vsub.f32 v2, v0;
	_ =	sdelay $0x1  }
0x109: {  	v0 =	vadd.f32 v0, v1;
	v1 =	vadd.f32 v6, v3;
	_ =	sdelay $0x1  }
0x10a: {  	v0 =	vsub.f32 v0, v1;
	_ =	sdelay $0x1  }
0x10b: {  	v0 =	vmul.f32 $5.000000000e-01, v0;
	_ =	sdelay $0x1  }
0x10c: {  	s22 =	simm.s32 $0x0;
	[tilespmem:$0x81D0] =	vst v0  }
0x10d: {  	v5 =	vld [tilespmem:s22+$0x20E0]  }
0x10e: {  	v0 =	vld [tilespmem:s22+$0x40E0];
	_ =	sdelay $0x1  }
0x10f: {  	v1 =	vld [tilespmem:s22+$0x60E0];
	_ =	sdelay $0x2  }
0x110: {  	s23 =	simm.s32 $0x80;
	v2 =	vadd.f32 v0, v5  }
0x111: {  	v0 =	vld [tilespmem:s23+$0x20E0]  }
0x112: {  	v4 =	vadd.f32 v1, v2;
	v2 =	vld [tilespmem:s23+$0x40E0];
	_ =	sdelay $0x1  }
0x113: {  	v3 =	vld [tilespmem:s23+$0x60E0]  }
0x114: {  	s22 =	simm.s32 $0x400;
	v5 =	vmul.f32 v5, v5;
	v1 =	vimm.f32 $0.0e+00;
	v4 =	vmul.f32 v4, v4  }
.LBB2_34:
0x115: {  	s23 =	sshra.s32 s22, $0x2;
	v6 =	vmov v0;
	p0 =	sne.s32 s22, $0x7E00  }
.Ltmp16:
0x116: {  	s22 =	sadd.s32 $0x200, s22;
	v0 =	vld [tilespmem:s23+$0x20E0];
	v7 =	vadd.f32 v2, v6;
	v4 =	vsub.f32 v4, v5;
	(pc) =	sbr.rel @p0 .LBB2_34-.Ltmp16, $4  }
0x117: {  	v2 =	vld [tilespmem:s23+$0x40E0]  }
0x118: {  	v5 =	vadd.f32 v3, v7;
	v1 =	vadd.f32 v4, v1  }
0x119: {  	v3 =	vld [tilespmem:s23+$0x60E0]  }
0x11a: {  	v4 =	vmul.f32 v5, v5;
	v5 =	vmul.f32 v6, v6  }
0x11b: {  	_ = 	snop  }
0x11c: {  	v2 =	vadd.f32 v2, v0;
	_ =	sdelay $0x1  }
0x11d: {  	v6 =	vld [tilespmem:$0x8160];
	v2 =	vadd.f32 v3, v2  }
0x11e: {  	v3 =	vld [tilespmem:$0x80E0]  }
0x11f: {  	v4 =	vsub.f32 v4, v5;
	v0 =	vmul.f32 v0, v0;
	v2 =	vmul.f32 v2, v2;
	_ =	sdelay $0x1  }
0x120: {  	v1 =	vadd.f32 v4, v1;
	v0 =	vsub.f32 v2, v0;
	_ =	sdelay $0x1  }
0x121: {  	v0 =	vadd.f32 v0, v1;
	v1 =	vadd.f32 v6, v3;
	_ =	sdelay $0x1  }
0x122: {  	v0 =	vsub.f32 v0, v1;
	_ =	sdelay $0x1  }
0x123: {  	v0 =	vmul.f32 $5.000000000e-01, v0;
	_ =	sdelay $0x1  }
0x124: {  	s22 =	simm.s32 $0x0;
	[tilespmem:$0x81E0] =	vst v0  }
0x125: {  	v5 =	vld [tilespmem:s22+$0x20F0]  }
0x126: {  	v0 =	vld [tilespmem:s22+$0x40F0];
	_ =	sdelay $0x1  }
0x127: {  	v1 =	vld [tilespmem:s22+$0x60F0];
	_ =	sdelay $0x2  }
0x128: {  	s23 =	simm.s32 $0x80;
	v2 =	vadd.f32 v0, v5  }
0x129: {  	v0 =	vld [tilespmem:s23+$0x20F0]  }
0x12a: {  	v4 =	vadd.f32 v1, v2;
	v2 =	vld [tilespmem:s23+$0x40F0];
	_ =	sdelay $0x1  }
0x12b: {  	v3 =	vld [tilespmem:s23+$0x60F0]  }
0x12c: {  	s22 =	simm.s32 $0x400;
	v5 =	vmul.f32 v5, v5;
	v1 =	vimm.f32 $0.0e+00;
	v4 =	vmul.f32 v4, v4  }
.LBB2_36:
0x12d: {  	s23 =	sshra.s32 s22, $0x2;
	v6 =	vmov v0;
	p0 =	sne.s32 s22, $0x7E00  }
.Ltmp17:
0x12e: {  	s22 =	sadd.s32 $0x200, s22;
	v0 =	vld [tilespmem:s23+$0x20F0];
	v7 =	vadd.f32 v2, v6;
	v4 =	vsub.f32 v4, v5;
	(pc) =	sbr.rel @p0 .LBB2_36-.Ltmp17, $4  }
0x12f: {  	v2 =	vld [tilespmem:s23+$0x40F0]  }
0x130: {  	v5 =	vadd.f32 v3, v7;
	v1 =	vadd.f32 v4, v1  }
0x131: {  	v3 =	vld [tilespmem:s23+$0x60F0]  }
0x132: {  	v4 =	vmul.f32 v5, v5;
	v5 =	vmul.f32 v6, v6  }
0x133: {  	_ = 	snop  }
0x134: {  	v2 =	vadd.f32 v2, v0;
	_ =	sdelay $0x1  }
0x135: {  	v61 =	vld [tilespmem:$0x80F0];
	v2 =	vadd.f32 v3, v2  }
0x136: {  	v6 =	vld [tilespmem:$0x8170]  }
0x137: {  	v62 =	vmul.f32 v0, v0;
	v4 =	vsub.f32 v4, v5;
	v2 =	vmul.f32 v2, v2;
	_ =	sdelay $0x1  }
0x138: {  	v1 =	vadd.f32 v4, v1;
	v0 =	vsub.f32 v2, v62;
	_ =	sdelay $0x1  }
0x139: {  	v63 =	vadd.f32 v6, v61;
	v0 =	vadd.f32 v0, v1;
	_ =	sdelay $0x1  }
0x13a: {  	v0 =	vsub.f32 v0, v63;
	_ =	sdelay $0x1  }
0x13b: {  	s21 =	sadd.s32 $0x1, s21;
	v0 =	vmul.f32 $5.000000000e-01, v0  }
0x13c: {  	p0 =	sne.s32 s21, s10  }
.Ltmp18:
0x13d: {  	[tilespmem:$0x81F0] =	vst v0;
	(pc) =	sbr.rel @p0 .LBB2_1-.Ltmp18, $4  }
0x13e: {  	[hbm4b:s9+s2] =	stream.linear.scatter [tilespmem:s20], [sflag:$0x4], $0x80, $0x38;
	[tilespmem:$0x8200] =	vst v63  }
0x13f: {  	_ =	swait.ge [sflag:s11], $0x80  }
0x140: {  	[sflag:s11] =	ssyncset.done $0x0  }
0x141: {  	[sflag:s11] =	ssyncadd.s32 $0xFFFFFF80  }
0x142: {  	_ =	sfence.sel $0x180000  }
0x143: {  	[bflag:$0x0] =	sbarrier.arrive $0xFFFF  }
0x144: {  	p0 =	sne.s32 s1, $0x0;
	_ =	strace $0x9000004D  }
0x145: {  	s0 =	sadd.s32 @!p0 $0x100000, s0;
	[bflag:$0x2] =	sbarrier.arrive $0xFFFF  }
0x146: {  	[sflag:s0] =	ssyncadd.tile.s32 @!p0 $0x1;
	_ =	shalt  }
.Lfunc_end2:
_tile_overlayer_lowered:
.L_overlay_start_2:
0x147: {  	(tag) =	ssettag $0x2  }
0x148: {  	s0 =	rddreg [dreg:$0x0];
	s2 =	stileid.u32  }
0x149: {  	s1 =	rddreg [dreg:$0x1];
	p0 =	sne.s32 s2, $0x0  }
0x14a: {  	s3 =	rddreg [dreg:$0x2];
	[bflag:$0x3] =	sbarrier.arrive $0xFFFF;
	s2 =	simm.s32 @!p0 $0x1C04  }
0x14b: {  	[timem:s3], [sflag:s2] =	dma.local @!p0 [hbm:s0], s1  }
0x14c: {  	s0 =	simm.s32 @!p0 $0x4  }
0x14d: {  	_ =	swait.ge @!p0 [sflag:s0], s1  }
0x14e: {  	s1 =	ssub.s32 @!p0 $0x0, s1;
	[sflag:s0] =	ssyncset.done @!p0 $0x0  }
0x14f: {  	[sflag:s0] =	ssyncadd.s32 @!p0 s1  }
0x150: {  	[bflag:$0x3] =	sbarrier.arrive $0xFFFF  }
0x151: {  	_ =	shalt  }

// kernel: kernel.7.cloned.1.call-start
scs
__scs_entry_jumppad:
0x0: {  	(pc) =	sbr.rel $0x88, $3  }
0x1: {  	(tag) =	ssettag $0x0;
	lr =	simm.s32 $0x1  }
0x2: {  	[smem:$0x3F9C] =	sst lr;
	_ =	strace $0xD0000000  }
0x3: {  	_ = 	snop  }
0x4: {  	_ = 	snop  }
0x5: {  	_ = 	snop  }
0x6: {  	_ = 	snop  }
0x7: {  	_ = 	snop  }
__scs_overlays_trampoline_lowered:
0x8: {  	[smem:$0x3FAB] =	sst s0  }
0x9: {  	[smem:$0x3FAC] =	sst s1  }
0xa: {  	[smem:$0x3FAD] =	sst s2  }
0xb: {  	[smem:$0x3FAE] =	sst s3  }
0xc: {  	[smem:$0x3FAF] =	sst s4  }
0xd: {  	[smem:$0x3FB0] =	sst s5  }
0xe: {  	[smem:$0x3FB1] =	sst s6  }
0xf: {  	[smem:$0x3FB2] =	sst s7  }
0x10: {  	[smem:$0x3FB3] =	sst s8  }
0x11: {  	[smem:$0x3FB4] =	sst s9;
	s0 =	simm.s32 @!p0 $0x0  }
0x12: {  	s1 =	sld [smem:$0x3F9A];
	s0 =	simm.s32 @p0 $0x1  }
0x13: {  	[smem:$0x3FB5] =	sst s0;
	s0 =	simm.s32 @!p1 $0x0  }
0x14: {  	s2 =	sld [smem:$0x3F99];
	s0 =	simm.s32 @p1 $0x1  }
0x15: {  	[smem:$0x3FB6] =	sst s0;
	s0 =	simm.s32 @!p2 $0x0  }
0x16: {  	s3 =	sld [smem:$0x3FDB];
	s0 =	simm.s32 @p2 $0x1  }
0x17: {  	s4 =	simm.s32 $0x1BF5;
	[smem:$0x3FB8] =	sst s0  }
0x18: {  	s0 =	sld [smem:$0x3F9B];
	_ =	swait.ge [sflag:s4], $0x0  }
0x19: {  	s7 =	sld [smem:$0x3F9C]  }
0x1a: {  	s8 =	sadd.s32 $0xFFFFE003, lr  }
0x1b: {  	s9 =	sadd.s32 $0xFFFFFEF7, lr;
	s5 =	simm.s32 $0xFFFFFFFF;
	p2 =	slt.u32 s8, $0xFFFFF086  }
0x1c: {  	p1 =	slt.u32 s9, $0xF7A;
	s5 =	simm.s32 @!p2 $0x0  }
0x1d: {  	s5 =	simm.s32 @p1 $0x1;
	p0 =	seq.s32 s7, s2  }
0x1e: {  	s7 =	smul.u32 @!p0 $0xF7A, s2;
	p2 =	seq.s32 @!p0 s5, $0x0  }
0x1f: {  	s9 =	smul.u32 $0xF7A, s1;
	s8 =	simm.s32 @!p0 $0x1BF5;
	p2 =	por !p2, p0  }
0x20: {  	[sflag:s8] =	ssyncset.s32 @!p0 $0xFFFFF086;
	s6 =	sadd.s32 @!p0 s3, s7;
	s7 =	simm.s32 @!p0 $0x108  }
0x21: {  	s3 =	sadd.s32 s3, s9;
	s6 =	sadd.s32 @!p0 $0x88, s6;
	s7 =	simm.s32 @p2 $0x1082  }
0x22: {  	[simem:s7], [sflag:s8] =	dma.local @!p0 [hbm:s6], $0xF7A  }
0x23: {  	s9 =	sor.u32 $0xD0000000, s2;
	s6 =	simm.s32 $0x108;
	_ =	swait.ge @!p0 [sflag:s8], $0x0  }
0x24: {  	s3 =	sadd.s32 $0x88, s3;
	s6 =	simm.s32 @!p1 $0x1082;
	[sflag:s4] =	ssyncset.s32 $0xFFFFF086  }
0x25: {  	[simem:s6], [sflag:s4] =	dma.local [hbm:s3], $0xF7A  }
0x26: {  	[smem:$0x3F9C] =	sst s1;
	(tag) =	ssettag s2;
	_ =	strace s9  }
0x27: {  	s1 =	sld [smem:$0x3FAC]  }
0x28: {  	s2 =	sld [smem:$0x3FAD]  }
0x29: {  	s4 =	sld [smem:$0x3FAF]  }
0x2a: {  	p0 =	seq.s32 s5, $0x0;
	s5 =	sld [smem:$0x3FB0]  }
0x2b: {  	s6 =	sld [smem:$0x3FB1]  }
0x2c: {  	s7 =	sld [smem:$0x3FB2]  }
0x2d: {  	s3 =	simm.s32 $0x108;
	s8 =	sld [smem:$0x3FB3]  }
0x2e: {  	s3 =	simm.s32 @!p0 $0x1082;
	s9 =	sld [smem:$0x3FB4]  }
0x2f: {  	lr =	sadd.s32 s0, s3;
	s0 =	sld [smem:$0x3FAB]  }
0x30: {  	s3 =	sld [smem:$0x3FAE]  }
0x31: {  	[smem:$0x3FB7] =	sst s10  }
0x32: {  	s10 =	sld [smem:$0x3FB5];
	_ =	sdelay $0x3  }
0x33: {  	p0 =	seq.s32 s10, $0x1;
	s10 =	sld [smem:$0x3FB7];
	_ =	sdelay $0x3  }
0x34: {  	[smem:$0x3FB7] =	sst s10  }
0x35: {  	s10 =	sld [smem:$0x3FB6];
	_ =	sdelay $0x3  }
0x36: {  	p1 =	seq.s32 s10, $0x1;
	s10 =	sld [smem:$0x3FB7];
	_ =	sdelay $0x3  }
0x37: {  	[smem:$0x3FB7] =	sst s10  }
0x38: {  	s10 =	sld [smem:$0x3FB8]  }
0x39: {  	_ = 	snop;
	(pc) =	sbr.ind lr, $3  }
0x3a: {  	_ = 	snop  }
0x3b: {  	_ = 	snop  }
0x3c: {  	p2 =	seq.s32 s10, $0x1;
	s10 =	sld [smem:$0x3FB7]  }
0x3d: {  	_ =	shalt  }
0x3e: {  	_ =	shalt  }
0x3f: {  	_ =	shalt  }
0x40: {  	_ =	shalt  }
0x41: {  	_ =	shalt  }
0x42: {  	_ =	shalt  }
0x43: {  	_ =	shalt  }
0x44: {  	_ =	shalt  }
0x45: {  	_ =	shalt  }
0x46: {  	_ =	shalt  }
0x47: {  	_ =	shalt  }
0x48: {  	_ =	shalt  }
0x49: {  	_ =	shalt  }
0x4a: {  	_ =	shalt  }
0x4b: {  	_ =	shalt  }
0x4c: {  	_ =	shalt  }
0x4d: {  	_ =	shalt  }
0x4e: {  	_ =	shalt  }
0x4f: {  	_ =	shalt  }
0x50: {  	_ =	shalt  }
0x51: {  	_ =	shalt  }
0x52: {  	_ =	shalt  }
0x53: {  	_ =	shalt  }
0x54: {  	_ =	shalt  }
0x55: {  	_ =	shalt  }
0x56: {  	_ =	shalt  }
0x57: {  	_ =	shalt  }
0x58: {  	_ =	shalt  }
0x59: {  	_ =	shalt  }
0x5a: {  	_ =	shalt  }
0x5b: {  	_ =	shalt  }
0x5c: {  	_ =	shalt  }
0x5d: {  	_ =	shalt  }
0x5e: {  	_ =	shalt  }
0x5f: {  	_ =	shalt  }
0x60: {  	_ =	shalt  }
0x61: {  	_ =	shalt  }
0x62: {  	_ =	shalt  }
0x63: {  	_ =	shalt  }
0x64: {  	_ =	shalt  }
0x65: {  	_ =	shalt  }
0x66: {  	_ =	shalt  }
0x67: {  	_ =	shalt  }
0x68: {  	_ =	shalt  }
0x69: {  	_ =	shalt  }
0x6a: {  	_ =	shalt  }
0x6b: {  	_ =	shalt  }
0x6c: {  	_ =	shalt  }
0x6d: {  	_ =	shalt  }
0x6e: {  	_ =	shalt  }
0x6f: {  	_ =	shalt  }
0x70: {  	_ =	shalt  }
0x71: {  	_ =	shalt  }
0x72: {  	_ =	shalt  }
0x73: {  	_ =	shalt  }
0x74: {  	_ =	shalt  }
0x75: {  	_ =	shalt  }
0x76: {  	_ =	shalt  }
0x77: {  	_ =	shalt  }
0x78: {  	_ =	shalt  }
0x79: {  	_ =	shalt  }
0x7a: {  	_ =	shalt  }
0x7b: {  	_ =	shalt  }
0x7c: {  	_ =	shalt  }
0x7d: {  	_ =	shalt  }
0x7e: {  	_ =	shalt  }
0x7f: {  	_ =	shalt  }
0x80: {  	_ =	shalt  }
0x81: {  	_ =	shalt  }
0x82: {  	_ =	shalt  }
0x83: {  	_ =	shalt  }
0x84: {  	_ =	shalt  }
0x85: {  	_ =	shalt  }
0x86: {  	_ =	shalt  }
0x87: {  	_ =	shalt  }
.Lfunc_end0:
.L_simem_size_0:
called_computation_lowered:
.L_overlay_start_0:
0x88: {  	s2 =	sld [smem:$0x3FD9]  }
0x89: {  	s3 =	sld [smem:$0x3FFE];
	_ =	sdelay $0x1  }
0x8a: {  	s1 =	srdreg.scid  }
0x8b: {  	s0 =	sand.u32 $0x1, s1  }
0x8c: {  	s16 =	sshll.u32 s0, $0xA;
	s2 =	sadd.s32 s3, s2  }
0x8d: {  	s2 =	sadd.s32 s2, s16  }
0x8e: {  	[smem:$0x3FC3] =	sst s2  }
0x8f: {  	_ = 	snop  }
0x90: {  	(tm) =	ssettm $0x1  }
0x91: {  	s17 =	sld [smem:$0x3FFB];
	_ =	sdelay $0x3  }
0x92: {  	_ =	strace s17  }
0x93: {  	s2 =	sld [smem:$0x3FFC];
	_ =	sdelay $0x3  }
0x94: {  	_ =	strace s2  }
0x95: {  	s2 =	sld [smem:$0x3FFD];
	_ =	sdelay $0x3  }
0x96: {  	_ =	strace s2  }
0x97: {  	_ =	strace $0x8FFFFFFF  }
0x98: {  	s18 =	sld [smem:$0x3FDB];
	_ =	sdelay $0x1  }
0x99: {  	s19 =	simm.s32 $_scs_section_size  }
0x9a: {  	s4 =	simm.s32 $_size__tile_overlayer_lowered;
	s5 =	simm.s32 $_tile_overlayer_lowered  }
0x9b: {  	s22 =	simm.s32 $0x1BFF;
	s21 =	sshll.u32 s5, $0x1;
	s2 =	sadd.s32 s19, s18  }
0x9c: {  	s6 =	simm.s32 $0x0;
	s20 =	sshll.u32 s4, $0x1;
	s4 =	sadd.s32 s21, s2  }
0x9d: {  	[timem:s6], [sflag:s22] =	dma.local [hbm:s4], s20  }
0x9e: {  	_ =	swait.ge [sflag:s22], s20  }
0x9f: {  	s3 =	ssub.s32 $0x0, s20;
	[sflag:s22] =	ssyncset.done $0x0  }
0xa0: {  	[sflag:s22] =	ssyncadd.s32 s3;
	_ =	sdelay $0x1  }
0xa1: {  	s23 =	simm.s32 $0x1B8B  }
0xa2: {  	_ =	swait.ge [sflag:s23], $0x1  }
0xa3: {  	[sflag:s23] =	ssyncset.done $0x0  }
0xa4: {  	s25 =	simm.s32 $0x1B8E;
	s24 =	sld [smem:$0x3FFE];
	[sflag:s23] =	ssyncadd.s32 $0xFFFFFFFF  }
0xa5: {  	s26 =	simm.s32 $execute0_lowered;
	[smem:$0x3FD2] =	sst s25  }
0xa6: {  	s4 =	sshll.u32 s26, $0x1;
	_ =	strace $0x80000046;
	[dreg:$0x1] =	wrdreg $0xFFFFFFFF  }
0xa7: {  	s28 =	simm.s32 $_size_execute0_lowered;
	s2 =	sadd.s32 s2, s4;
	[dreg:$0x0] =	wrdreg $0x0  }
0xa8: {  	s4 =	sshll.u32 s28, $0x1;
	[dreg:$0x2] =	wrdreg s2  }
0xa9: {  	[dreg:$0x3] =	wrdreg s4  }
0xaa: {  	[dreg:$0x4] =	wrdreg $0xC0  }
0xab: {  	_ =	task [dreg:s6], $0x5FFFF  }
0xac: {  	[dreg:$0x1] =	wrdreg $0xFFFFFFFF  }
0xad: {  	[dreg:$0x0] =	wrdreg $0x60  }
0xae: {  	[dreg:$0x2] =	wrdreg s24  }
0xaf: {  	[dreg:$0x3] =	wrdreg $0x9  }
0xb0: {  	_ =	task.clear_ibuf [dreg:s6], $0x4FFFF;
	_ =	strace $0x90000046  }
0xb1: {  	s29 =	simm.s32 $0x9;
	_ =	strace $0x80000048  }
0xb2: {  	_ =	swait.ge [sflag:s29], $0x1  }
0xb3: {  	[sflag:s29] =	ssyncadd.s32 $0xFFFFFFFF  }
0xb4: {  	_ =	strace $0x90000048  }
0xb5: {  	_ =	sfence  }
0xb6: {  	s30 =	sld [smem:$0x0];
	_ =	sdelay $0x2  }
0xb7: {  	s31 =	sshll.u32 s1, $0xD;
	s1 =	sshrl.u32 s1, $0x2  }
0xb8: {  	s3 =	sand.u32 $0x4000, s31;
	s1 =	sadd.s32 s1, s30  }
0xb9: {  	s0 =	sor.u32 s3, s0;
	s1 =	sshll.u32 s1, $0x11  }
0xba: {  	s0 =	sor.u32 s1, s0  }
0xbb: {  	s0 =	sadd.s32 $0x8F2B, s0  }
0xbc: {  	[sflag:s0] =	ssyncadd.remote.s32 $0x1  }
0xbd: {  	_ =	sfence.sel $0xFFFF  }
0xbe: {  	[dreg:$0x0] =	wrdreg $0xFFFFFFFF;
	(pc) =	sbr.abs _section_cstart, $3  }
0xbf: {  	[dreg:$0x1] =	wrdreg $0xFFFFFFFF  }
0xc0: {  	_ =	task.clear_ibuf [dreg:s6], $0x2FFFF;
	_ =	strace $0x9FFFFFFF  }
0xc1: {  	(tm) =	ssettm $0x7FFFFFFF  }
tec
execute0_lowered:
.L_overlay_start_1:
0x0: {  	(tag) =	ssettag $0x1  }
0x1: {  	s1 =	srdreg.scid  }
0x2: {  	s0 =	stileid.u32;
	s5 =	rddreg [dreg:$0x0]  }
0x3: {  	s2 =	simm.s32 $0x0;
	s10 =	simm.s32 $0x1;
	s11 =	simm.s32 $0xA00  }
0x4: {  	s12 =	simm.s32 $0x12600;
	s4 =	sand.u32 $0x1, s1;
	s1 =	rddreg [dreg:$0x1]  }
0x5: {  	s13 =	simm.s32 $0x0;
	s31 =	sshll.u32 s0, $0x1;
	[smem:$0x7FF] =	sst s2  }
0x6: {  	s6 =	sor.u32 s4, s31;
	_ =	strace $0x80000047;
	s4 =	ssub.s32 $0x2, s4  }
0x7: {  	s3 =	smul.u32 $0x140, s6;
	s8 =	sshll.u32 s6, $0xA;
	s6 =	sshll.u32 s6, $0x4  }
0x8: {  	s9 =	sshrl.u32 s4, $0x1;
	s8 =	sadd.s32 s8, s5;
	s6 =	sadd.s32 s6, s5  }
0x9: {  	s9 =	ssub.s32 s4, s9;
	s7 =	sadd.s32 s3, s5;
	s3 =	sadd.s32 $0x1400, s5  }
0xa: {  	v0 =	vlaneseq.u32;
	s5 =	sadd.s32 $0x5C00, s8;
	s6 =	sadd.s32 $0xDC00, s6;
	s8 =	simm.s32 $0x2  }
0xb: {  	v1 =	vor.u32 $0x10, v0;
	s4 =	sadd.s32 $0x3400, s7;
	s7 =	smax.u32 s9, $0x1;
	s9 =	simm.s32 $0x2A00  }
.LBB2_1:
0xc: {  	[tilespmem:s2], [sflag:$0x2] =	stream.linear.gather [hbm4b:s4+s2], $0xA00, $0x38;
	[tilespmem:$0x12680] =	vst v63  }
0xd: {  	_ =	swait.ge [sflag:s8], $0xA00  }
0xe: {  	[sflag:s8] =	ssyncset.done $0x0  }
0xf: {  	[sflag:s8] =	ssyncadd.s32 $0xFFFFF600  }
0x10: {  	[tilespmem:s9], [sflag:$0x1] =	stream.linear.gather [hbm4b:s3+s2], $0xFC00, $0x38;
	[tilespmem:$0x12680] =	vst v63  }
0x11: {  	_ =	swait.ge [sflag:s10], $0xFC00  }
0x12: {  	[sflag:s10] =	ssyncset.done $0x0  }
0x13: {  	[sflag:s10] =	ssyncadd.s32 $0xFFFF0400  }
0x14: {  	v2 =	vld [tilespmem:$0x80]  }
0x15: {  	v4 =	vld [tilespmem:$0x0];
	_ =	sdelay $0x1  }
0x16: {  	v5 =	vld [tilespmem:$0x100]  }
0x17: {  	v6 =	vadd.s32 s2, v0  }
0x18: {  	v24 =	vand.u32 $0x38, v6;
	v7 =	vld [tilespmem:$0x180];
	v3 =	vshll.u32 v2, $0x6  }
0x19: {  	v25 =	vand.u32 $0x7, v6;
	v2 =	vshll.u32 v4, $0x6;
	v4 =	vor.u32 v3, v24  }
0x1a: {  	v9 =	vld [tilespmem:$0x200];
	v8 =	vor.u32 v2, v24;
	v10 =	vor.u32 v25, v4  }
0x1b: {  	v11 =	vld [tilespmem:$0x280];
	v4 =	vshll.u32 v5, $0x6;
	v12 =	vor.u32 v25, v8  }
0x1c: {  	v13 =	vld [tilespmem:$0x300];
	v5 =	vor.u32 v4, v24  }
0x1d: {  	v14 =	vld [tilespmem:$0x380];
	v8 =	vshll.u32 v7, $0x6;
	v7 =	vor.u32 v25, v5  }
0x1e: {  	v15 =	vld [tilespmem:$0x400];
	v16 =	vor.u32 v8, v24  }
0x1f: {  	v5 =	vshll.u32 v9, $0x6;
	v16 =	vor.u32 v25, v16;
	v17 =	vld.idx.msk [tilespmem:v10+s9+$0x0], $0xffff  }
0x20: {  	v18 =	vld.idx.msk [tilespmem:v12+s9+$0x0], $0xffff;
	v10 =	vor.u32 v5, v24  }
0x21: {  	v19 =	vld [tilespmem:$0x480];
	v9 =	vshll.u32 v11, $0x6;
	v20 =	vor.u32 v25, v10  }
0x22: {  	v10 =	vor.u32 v9, v24;
	v7 =	vld.idx.msk [tilespmem:v7+s9+$0x0], $0xffff  }
0x23: {  	v21 =	vld [tilespmem:$0x500];
	v12 =	vshll.u32 v13, $0x6;
	v22 =	vor.u32 v25, v10  }
0x24: {  	v11 =	vshll.u32 v15, $0x6;
	v13 =	vor.u32 v12, v24;
	v16 =	vld.idx.msk [tilespmem:v16+s9+$0x0], $0xffff  }
0x25: {  	v23 =	vld [tilespmem:$0x580];
	v10 =	vshll.u32 v14, $0x6;
	v15 =	vor.u32 v25, v13;
	v14 =	vadd.f32 v17, v18  }
0x26: {  	v26 =	vor.u32 v10, v24;
	v17 =	vmul.f32 v17, v17;
	v18 =	vmul.f32 v18, v18;
	v20 =	vld.idx.msk [tilespmem:v20+s9+$0x0], $0xffff  }
0x27: {  	v27 =	vld [tilespmem:$0x600];
	v13 =	vshll.u32 v19, $0x6;
	v19 =	vor.u32 v25, v26;
	v26 =	vadd.f32 v7, v14  }
0x28: {  	v17 =	vadd.f32 v17, v18;
	v18 =	vld.idx.msk [tilespmem:v22+s9+$0x0], $0xffff;
	v22 =	vor.u32 v11, v24;
	v7 =	vmul.f32 v7, v7  }
0x29: {  	v28 =	vld [tilespmem:$0x680];
	v14 =	vshll.u32 v21, $0x6;
	v21 =	vor.u32 v25, v22;
	v22 =	vadd.f32 v16, v26  }
0x2a: {  	v29 =	vor.u32 v13, v24;
	v16 =	vmul.f32 v16, v16;
	v26 =	vld.idx.msk [tilespmem:v15+s9+$0x0], $0xffff;
	v7 =	vadd.f32 v7, v17  }
0x2b: {  	v30 =	vld [tilespmem:$0x700];
	v15 =	vshll.u32 v23, $0x6;
	v23 =	vor.u32 v25, v29;
	v17 =	vadd.f32 v20, v22  }
0x2c: {  	v19 =	vld.idx.msk [tilespmem:v19+s9+$0x0], $0xffff;
	v20 =	vmul.f32 v20, v20;
	v22 =	vor.u32 v14, v24;
	v7 =	vadd.f32 v16, v7  }
0x2d: {  	v29 =	vld [tilespmem:$0x780];
	v16 =	vshll.u32 v27, $0x6;
	v22 =	vor.u32 v25, v22;
	v27 =	vadd.f32 v18, v17  }
0x2e: {  	v31 =	vor.u32 v15, v24;
	v18 =	vmul.f32 v18, v18;
	v21 =	vld.idx.msk [tilespmem:v21+s9+$0x0], $0xffff;
	v7 =	vadd.f32 v20, v7  }
0x2f: {  	v20 =	vld [tilespmem:$0x800];
	v17 =	vshll.u32 v28, $0x6;
	v28 =	vor.u32 v25, v31;
	v27 =	vadd.f32 v26, v27  }
0x30: {  	v31 =	vor.u32 v16, v24;
	v23 =	vld.idx.msk [tilespmem:v23+s9+$0x0], $0xffff;
	v26 =	vmul.f32 v26, v26;
	v7 =	vadd.f32 v18, v7  }
0x31: {  	v32 =	vld [tilespmem:$0x880];
	v18 =	vshll.u32 v30, $0x6;
	v30 =	vor.u32 v25, v31;
	v27 =	vadd.f32 v19, v27  }
0x32: {  	v33 =	vor.u32 v17, v24;
	v31 =	vmul.f32 v19, v19;
	v22 =	vld.idx.msk [tilespmem:v22+s9+$0x0], $0xffff;
	v7 =	vadd.f32 v26, v7  }
0x33: {  	v26 =	vld [tilespmem:$0x900];
	v19 =	vshll.u32 v29, $0x6;
	v29 =	vor.u32 v25, v33;
	v27 =	vadd.f32 v21, v27  }
0x34: {  	v58 =	vor.u32 v18, v24;
	v28 =	vld.idx.msk [tilespmem:v28+s9+$0x0], $0xffff;
	v21 =	vmul.f32 v21, v21;
	v7 =	vadd.f32 v31, v7  }
0x35: {  	v33 =	vor.u32 v25, v58;
	v20 =	vshll.u32 v20, $0x6;
	v31 =	vld [tilespmem:$0x980];
	v27 =	vadd.f32 v23, v27  }
0x36: {  	v34 =	vor.u32 v19, v24;
	v30 =	vld.idx.msk [tilespmem:v30+s9+$0x0], $0xffff;
	v23 =	vmul.f32 v23, v23;
	v7 =	vadd.f32 v21, v7  }
0x37: {  	v59 =	vor.u32 v25, v34;
	v35 =	vor.u32 v20, v24;
	v27 =	vadd.f32 v22, v27  }
0x38: {  	v21 =	vshll.u32 v32, $0x6;
	v60 =	vmul.f32 v22, v22;
	v29 =	vld.idx.msk [tilespmem:v29+s9+$0x0], $0xffff;
	v7 =	vadd.f32 v23, v7  }
0x39: {  	v22 =	vshll.u32 v26, $0x6;
	v26 =	vor.u32 v25, v35;
	v27 =	vadd.f32 v28, v27  }
0x3a: {  	v33 =	vld.idx.msk [tilespmem:v33+s9+$0x0], $0xffff;
	v61 =	vor.u32 v21, v24;
	v28 =	vmul.f32 v28, v28;
	v7 =	vadd.f32 v60, v7  }
0x3b: {  	v23 =	vshll.u32 v31, $0x6;
	v31 =	vor.u32 v25, v61;
	v27 =	vadd.f32 v30, v27  }
0x3c: {  	v32 =	vld.idx.msk [tilespmem:v59+s9+$0x0], $0xffff;
	v62 =	vor.u32 v22, v24;
	v30 =	vmul.f32 v30, v30;
	v7 =	vadd.f32 v28, v7  }
0x3d: {  	v34 =	vor.u32 v25, v62;
	v24 =	vor.u32 v23, v24;
	v27 =	vadd.f32 v29, v27  }
0x3e: {  	v63 =	vor.u32 v25, v24;
	v25 =	vmul.f32 v29, v29;
	v26 =	vld.idx.msk [tilespmem:v26+s9+$0x0], $0xffff;
	v7 =	vadd.f32 v30, v7  }
0x3f: {  	v27 =	vadd.f32 v33, v27  }
0x40: {  	v29 =	vmul.f32 v33, v33;
	v24 =	vld.idx.msk [tilespmem:v31+s9+$0x0], $0xffff;
	v30 =	vadd.f32 v25, v7  }
0x41: {  	v27 =	vadd.f32 v32, v27  }
0x42: {  	v28 =	vmul.f32 v32, v32;
	v25 =	vld.idx.msk [tilespmem:v34+s9+$0x0], $0xffff;
	v29 =	vadd.f32 v29, v30  }
0x43: {  	s14 =	simm.s32 $0x1;
	s15 =	simm.s32 $0x2;
	v7 =	vimm.f32 $0.0e+00;
	v30 =	vadd.f32 v26, v27;
	v27 =	vmul.f32 v26, v26;
	v26 =	vld.idx.msk [tilespmem:v63+s9+$0x0], $0xffff  }
.LBB2_2:
0x44: {  	p0 =	sne.s32 s15, $0x3F;
	v31 =	vadd.f32 v28, v29;
	v29 =	vshll.u32 v6, $0x7;
	v6 =	vadd.s32 s14, v0;
	s14 =	smov.u32 s15  }
0x45: {  	v28 =	vand.u32 $0x38, v6;
	v30 =	vadd.f32 v24, v30;
	v32 =	vand.u32 $0x1F80, v29  }
0x46: {  	v29 =	vand.u32 $0x7, v6;
	v33 =	vor.u32 v3, v28;
	v32 =	vor.u32 v0, v32  }
0x47: {  	v34 =	vor.u32 v2, v28;
	v33 =	vor.u32 v29, v33;
	v30 =	vadd.f32 v25, v30  }
0x48: {  	v24 =	vmul.f32 v24, v24;
	v27 =	vadd.f32 v27, v31;
	v34 =	vor.u32 v29, v34  }
0x49: {  	v31 =	vor.u32 v4, v28;
	v25 =	vmul.f32 v25, v25;
	v30 =	vadd.f32 v26, v30  }
0x4a: {  	v31 =	vor.u32 v29, v31;
	v24 =	vadd.f32 v24, v27;
	v26 =	vmul.f32 v26, v26  }
0x4b: {  	v27 =	vor.u32 v8, v28;
	[tilespmem:v32+s11+$0x0] =	vst.idx.msk $0xffff, v30  }
0x4c: {  	v27 =	vor.u32 v29, v27;
	v24 =	vadd.f32 v25, v24;
	v30 =	vld.idx.msk [tilespmem:v33+s9+$0x0], $0xffff  }
0x4d: {  	v32 =	vor.u32 v5, v28;
	v25 =	vld.idx.msk [tilespmem:v34+s9+$0x0], $0xffff  }
0x4e: {  	v32 =	vor.u32 v29, v32;
	v24 =	vadd.f32 v26, v24  }
0x4f: {  	v26 =	vld.idx.msk [tilespmem:v31+s9+$0x0], $0xffff;
	v31 =	vor.u32 v9, v28  }
0x50: {  	v7 =	vadd.f32 v24, v7;
	v31 =	vor.u32 v29, v31  }
0x51: {  	v24 =	vld.idx.msk [tilespmem:v27+s9+$0x0], $0xffff;
	v27 =	vor.u32 v12, v28  }
0x52: {  	v33 =	vmul.f32 v30, v30;
	v27 =	vor.u32 v29, v27  }
0x53: {  	v34 =	vmul.f32 v25, v25;
	v25 =	vadd.f32 v30, v25;
	v30 =	vld.idx.msk [tilespmem:v32+s9+$0x0], $0xffff;
	v32 =	vor.u32 v10, v28  }
0x54: {  	v32 =	vor.u32 v29, v32  }
0x55: {  	v33 =	vadd.f32 v33, v34;
	v25 =	vadd.f32 v26, v25;
	v34 =	vor.u32 v11, v28;
	v31 =	vld.idx.msk [tilespmem:v31+s9+$0x0], $0xffff  }
0x56: {  	v26 =	vmul.f32 v26, v26;
	v34 =	vor.u32 v29, v34  }
0x57: {  	v35 =	vor.u32 v13, v28;
	v25 =	vadd.f32 v24, v25;
	v24 =	vmul.f32 v24, v24;
	v27 =	vld.idx.msk [tilespmem:v27+s9+$0x0], $0xffff  }
0x58: {  	v26 =	vadd.f32 v26, v33;
	v33 =	vor.u32 v29, v35  }
0x59: {  	v35 =	vor.u32 v14, v28;
	v25 =	vadd.f32 v30, v25;
	v30 =	vmul.f32 v30, v30;
	v32 =	vld.idx.msk [tilespmem:v32+s9+$0x0], $0xffff  }
0x5a: {  	v24 =	vadd.f32 v24, v26;
	v26 =	vor.u32 v29, v35  }
0x5b: {  	v35 =	vor.u32 v15, v28;
	v25 =	vadd.f32 v31, v25;
	v31 =	vmul.f32 v31, v31;
	v34 =	vld.idx.msk [tilespmem:v34+s9+$0x0], $0xffff  }
0x5c: {  	v24 =	vadd.f32 v30, v24;
	v30 =	vor.u32 v29, v35  }
0x5d: {  	v35 =	vor.u32 v16, v28;
	v25 =	vadd.f32 v27, v25;
	v27 =	vmul.f32 v27, v27;
	v33 =	vld.idx.msk [tilespmem:v33+s9+$0x0], $0xffff  }
0x5e: {  	v24 =	vadd.f32 v31, v24;
	v31 =	vor.u32 v29, v35  }
0x5f: {  	v35 =	vor.u32 v17, v28;
	v25 =	vadd.f32 v32, v25;
	v32 =	vmul.f32 v32, v32;
	v26 =	vld.idx.msk [tilespmem:v26+s9+$0x0], $0xffff  }
0x60: {  	v24 =	vadd.f32 v27, v24;
	v27 =	vor.u32 v29, v35  }
0x61: {  	v35 =	vor.u32 v18, v28;
	v25 =	vadd.f32 v34, v25;
	v34 =	vmul.f32 v34, v34;
	v30 =	vld.idx.msk [tilespmem:v30+s9+$0x0], $0xffff  }
0x62: {  	v24 =	vadd.f32 v32, v24;
	v32 =	vor.u32 v29, v35  }
0x63: {  	v35 =	vor.u32 v19, v28;
	v25 =	vadd.f32 v33, v25;
	v33 =	vmul.f32 v33, v33;
	v31 =	vld.idx.msk [tilespmem:v31+s9+$0x0], $0xffff  }
0x64: {  	v24 =	vadd.f32 v34, v24;
	v34 =	vor.u32 v29, v35  }
0x65: {  	v35 =	vor.u32 v20, v28;
	v25 =	vadd.f32 v26, v25;
	v26 =	vmul.f32 v26, v26;
	v27 =	vld.idx.msk [tilespmem:v27+s9+$0x0], $0xffff  }
0x66: {  	v24 =	vadd.f32 v33, v24;
	v33 =	vor.u32 v29, v35  }
0x67: {  	v35 =	vor.u32 v21, v28;
	v25 =	vadd.f32 v30, v25;
	v30 =	vmul.f32 v30, v30;
	v32 =	vld.idx.msk [tilespmem:v32+s9+$0x0], $0xffff  }
0x68: {  	v24 =	vadd.f32 v26, v24;
	v26 =	vor.u32 v29, v35  }
0x69: {  	v35 =	vor.u32 v22, v28;
	v25 =	vadd.f32 v31, v25;
	v31 =	vmul.f32 v31, v31;
	v34 =	vld.idx.msk [tilespmem:v34+s9+$0x0], $0xffff  }
0x6a: {  	v24 =	vadd.f32 v30, v24;
	v30 =	vor.u32 v29, v35  }
0x6b: {  	v28 =	vor.u32 v23, v28;
	v25 =	vadd.f32 v27, v25;
	v27 =	vmul.f32 v27, v27;
	v33 =	vld.idx.msk [tilespmem:v33+s9+$0x0], $0xffff  }
0x6c: {  	v35 =	vor.u32 v29, v28;
	v31 =	vadd.f32 v31, v24  }
.Ltmp0:
0x6d: {  	v25 =	vadd.f32 v32, v25;
	v29 =	vmul.f32 v32, v32;
	v24 =	vld.idx.msk [tilespmem:v26+s9+$0x0], $0xffff;
	(pc) =	sbr.rel @p0 .LBB2_2-.Ltmp0, $4  }
0x6e: {  	v26 =	vadd.f32 v27, v31  }
0x6f: {  	v27 =	vadd.f32 v34, v25;
	v28 =	vmul.f32 v34, v34;
	v25 =	vld.idx.msk [tilespmem:v30+s9+$0x0], $0xffff  }
0x70: {  	v29 =	vadd.f32 v29, v26  }
0x71: {  	s15 =	sadd.s32 $0x1, s15;
	v30 =	vadd.f32 v33, v27;
	v27 =	vmul.f32 v33, v33;
	v26 =	vld.idx.msk [tilespmem:v35+s9+$0x0], $0xffff  }
0x72: {  	v31 =	vadd.s32 s14, v0;
	v6 =	vshll.u32 v6, $0x7  }
0x73: {  	v32 =	vand.u32 $0x38, v31;
	v30 =	vadd.f32 v24, v30;
	v6 =	vand.u32 $0x1F80, v6  }
0x74: {  	v33 =	vand.u32 $0x7, v31;
	v3 =	vor.u32 v3, v32;
	v6 =	vor.u32 v0, v6  }
0x75: {  	v2 =	vor.u32 v2, v32;
	v3 =	vor.u32 v33, v3;
	v30 =	vadd.f32 v25, v30  }
0x76: {  	v2 =	vor.u32 v33, v2  }
0x77: {  	v4 =	vor.u32 v4, v32;
	v30 =	vadd.f32 v26, v30  }
0x78: {  	v4 =	vor.u32 v33, v4  }
0x79: {  	v8 =	vor.u32 v8, v32;
	[tilespmem:v6+s11+$0x0] =	vst.idx.msk $0xffff, v30  }
0x7a: {  	v6 =	vor.u32 v33, v8;
	v3 =	vld.idx.msk [tilespmem:v3+s9+$0x0], $0xffff  }
0x7b: {  	v5 =	vor.u32 v5, v32;
	v2 =	vld.idx.msk [tilespmem:v2+s9+$0x0], $0xffff  }
0x7c: {  	v5 =	vor.u32 v33, v5  }
0x7d: {  	v8 =	vor.u32 v9, v32;
	v4 =	vld.idx.msk [tilespmem:v4+s9+$0x0], $0xffff  }
0x7e: {  	v8 =	vor.u32 v33, v8  }
0x7f: {  	v9 =	vor.u32 v12, v32;
	v6 =	vld.idx.msk [tilespmem:v6+s9+$0x0], $0xffff  }
0x80: {  	v9 =	vor.u32 v33, v9;
	v12 =	vadd.f32 v3, v2  }
0x81: {  	v10 =	vor.u32 v10, v32;
	v5 =	vld.idx.msk [tilespmem:v5+s9+$0x0], $0xffff  }
0x82: {  	v10 =	vor.u32 v33, v10;
	v12 =	vadd.f32 v4, v12  }
0x83: {  	v11 =	vor.u32 v11, v32;
	v8 =	vld.idx.msk [tilespmem:v8+s9+$0x0], $0xffff  }
0x84: {  	v11 =	vor.u32 v33, v11;
	v12 =	vadd.f32 v6, v12  }
0x85: {  	v13 =	vor.u32 v13, v32;
	v9 =	vld.idx.msk [tilespmem:v9+s9+$0x0], $0xffff  }
0x86: {  	v13 =	vor.u32 v33, v13;
	v12 =	vadd.f32 v5, v12  }
0x87: {  	v14 =	vor.u32 v14, v32;
	v10 =	vld.idx.msk [tilespmem:v10+s9+$0x0], $0xffff;
	v3 =	vmul.f32 v3, v3;
	v2 =	vmul.f32 v2, v2  }
0x88: {  	v14 =	vor.u32 v33, v14;
	v12 =	vadd.f32 v8, v12  }
0x89: {  	v2 =	vadd.f32 v3, v2;
	v3 =	vld.idx.msk [tilespmem:v11+s9+$0x0], $0xffff;
	v11 =	vor.u32 v15, v32  }
0x8a: {  	v4 =	vmul.f32 v4, v4;
	v11 =	vor.u32 v33, v11;
	v12 =	vadd.f32 v9, v12  }
0x8b: {  	v13 =	vld.idx.msk [tilespmem:v13+s9+$0x0], $0xffff;
	v15 =	vor.u32 v16, v32;
	v6 =	vmul.f32 v6, v6  }
0x8c: {  	v2 =	vadd.f32 v4, v2;
	v4 =	vor.u32 v33, v15;
	v12 =	vadd.f32 v10, v12  }
0x8d: {  	v14 =	vld.idx.msk [tilespmem:v14+s9+$0x0], $0xffff;
	v15 =	vor.u32 v17, v32;
	v5 =	vmul.f32 v5, v5  }
0x8e: {  	v2 =	vadd.f32 v6, v2;
	v6 =	vor.u32 v33, v15;
	v12 =	vadd.f32 v3, v12  }
0x8f: {  	v15 =	vor.u32 v18, v32;
	v8 =	vmul.f32 v8, v8;
	v11 =	vld.idx.msk [tilespmem:v11+s9+$0x0], $0xffff  }
0x90: {  	v2 =	vadd.f32 v5, v2;
	v5 =	vor.u32 v33, v15;
	v12 =	vadd.f32 v13, v12  }
0x91: {  	v15 =	vor.u32 v19, v32;
	v4 =	vld.idx.msk [tilespmem:v4+s9+$0x0], $0xffff;
	v9 =	vmul.f32 v9, v9  }
0x92: {  	v2 =	vadd.f32 v8, v2;
	v8 =	vor.u32 v33, v15;
	v12 =	vadd.f32 v14, v12  }
0x93: {  	v15 =	vor.u32 v20, v32;
	v6 =	vld.idx.msk [tilespmem:v6+s9+$0x0], $0xffff;
	v10 =	vmul.f32 v10, v10  }
0x94: {  	v2 =	vadd.f32 v9, v2;
	v9 =	vor.u32 v33, v15;
	v12 =	vadd.f32 v11, v12  }
0x95: {  	v15 =	vor.u32 v21, v32;
	v5 =	vld.idx.msk [tilespmem:v5+s9+$0x0], $0xffff;
	v3 =	vmul.f32 v3, v3  }
0x96: {  	v2 =	vadd.f32 v10, v2;
	v10 =	vor.u32 v33, v15;
	v12 =	vadd.f32 v4, v12  }
0x97: {  	v15 =	vor.u32 v22, v32;
	v8 =	vld.idx.msk [tilespmem:v8+s9+$0x0], $0xffff;
	v13 =	vmul.f32 v13, v13  }
0x98: {  	v2 =	vadd.f32 v3, v2;
	v3 =	vor.u32 v33, v15;
	v12 =	vadd.f32 v6, v12  }
0x99: {  	v15 =	vor.u32 v23, v32;
	v9 =	vld.idx.msk [tilespmem:v9+s9+$0x0], $0xffff;
	v14 =	vmul.f32 v14, v14  }
0x9a: {  	v2 =	vadd.f32 v13, v2;
	v13 =	vor.u32 v33, v15;
	v12 =	vadd.f32 v5, v12  }
0x9b: {  	v10 =	vld.idx.msk [tilespmem:v10+s9+$0x0], $0xffff  }
0x9c: {  	v11 =	vmul.f32 v11, v11;
	v2 =	vadd.f32 v14, v2;
	v12 =	vadd.f32 v8, v12  }
0x9d: {  	v3 =	vld.idx.msk [tilespmem:v3+s9+$0x0], $0xffff  }
0x9e: {  	v4 =	vmul.f32 v4, v4;
	v2 =	vadd.f32 v11, v2;
	v11 =	vadd.f32 v9, v12  }
0x9f: {  	v6 =	vmul.f32 v6, v6;
	v12 =	vld.idx.msk [tilespmem:v13+s9+$0x0], $0xffff;
	v13 =	vshll.u32 v31, $0x7  }
0xa0: {  	v2 =	vadd.f32 v4, v2;
	v4 =	vadd.f32 v10, v11;
	v11 =	vand.u32 $0x1F80, v13  }
0xa1: {  	v13 =	vadd.f32 v28, v29;
	v11 =	vor.u32 v0, v11  }
0xa2: {  	v5 =	vmul.f32 v5, v5;
	v2 =	vadd.f32 v6, v2;
	v4 =	vadd.f32 v3, v4  }
0xa3: {  	v6 =	vadd.f32 v27, v13;
	v13 =	vmul.f32 v24, v24  }
0xa4: {  	v8 =	vmul.f32 v8, v8;
	v2 =	vadd.f32 v5, v2;
	v4 =	vadd.f32 v12, v4  }
0xa5: {  	v5 =	vmul.f32 v25, v25;
	v6 =	vadd.f32 v13, v6  }
0xa6: {  	v9 =	vmul.f32 v9, v9;
	v2 =	vadd.f32 v8, v2;
	[tilespmem:v11+s11+$0x0] =	vst.idx.msk $0xffff, v4  }
0xa7: {  	v4 =	vmul.f32 v26, v26;
	v5 =	vadd.f32 v5, v6;
	v6 =	vld [tilespmem:$0x90]  }
0xa8: {  	v8 =	vmul.f32 v10, v10;
	v2 =	vadd.f32 v9, v2;
	v9 =	vld [tilespmem:$0x10]  }
0xa9: {  	v4 =	vadd.f32 v4, v5  }
0xaa: {  	s31 =	simm.s32 $0x0;
	v3 =	vmul.f32 v3, v3;
	v2 =	vadd.f32 v8, v2;
	v5 =	vld [tilespmem:$0x110]  }
0xab: {  	v10 =	vmul.f32 v12, v12;
	v7 =	vadd.f32 v4, v7;
	v4 =	vadd.s32 s31, v0  }
0xac: {  	v11 =	vadd.f32 v3, v2;
	v12 =	vld [tilespmem:$0x190];
	v8 =	vand.u32 $0x38, v4;
	v3 =	vshll.u32 v6, $0x6  }
0xad: {  	v24 =	vand.u32 $0x7, v4;
	v2 =	vshll.u32 v9, $0x6;
	v6 =	vor.u32 v3, v8  }
0xae: {  	v9 =	vadd.f32 v10, v11;
	v10 =	vld [tilespmem:$0x210];
	v11 =	vor.u32 v2, v8;
	v13 =	vor.u32 v24, v6  }
0xaf: {  	v14 =	vld [tilespmem:$0x290];
	v5 =	vshll.u32 v5, $0x6;
	v11 =	vor.u32 v24, v11  }
0xb0: {  	v15 =	vld [tilespmem:$0x310];
	v7 =	vadd.f32 v9, v7;
	v9 =	vor.u32 v5, v8  }
0xb1: {  	v16 =	vld [tilespmem:$0x390];
	v6 =	vshll.u32 v12, $0x6;
	v12 =	vor.u32 v24, v9  }
0xb2: {  	v17 =	vld [tilespmem:$0x410];
	v9 =	vor.u32 v6, v8;
	[tilespmem:$0x12600] =	vst v7  }
0xb3: {  	v18 =	vor.u32 v24, v9;
	v7 =	vshll.u32 v10, $0x6;
	v13 =	vld.idx.msk [tilespmem:v13+s9+$0x0], $0xffff  }
0xb4: {  	v10 =	vor.u32 v7, v8;
	v19 =	vld.idx.msk [tilespmem:v11+s9+$0x0], $0xffff  }
0xb5: {  	v20 =	vld [tilespmem:$0x490];
	v9 =	vshll.u32 v14, $0x6;
	v14 =	vor.u32 v24, v10  }
0xb6: {  	v10 =	vor.u32 v9, v8;
	v21 =	vld.idx.msk [tilespmem:v12+s9+$0x0], $0xffff  }
0xb7: {  	v22 =	vld [tilespmem:$0x510];
	v12 =	vshll.u32 v15, $0x6;
	v15 =	vor.u32 v24, v10  }
0xb8: {  	v10 =	vshll.u32 v16, $0x6;
	v16 =	vld.idx.msk [tilespmem:v18+s9+$0x0], $0xffff;
	v18 =	vor.u32 v12, v8  }
0xb9: {  	v23 =	vld [tilespmem:$0x590];
	v11 =	vshll.u32 v17, $0x6;
	v17 =	vor.u32 v24, v18;
	v18 =	vadd.f32 v13, v19  }
0xba: {  	v25 =	vmul.f32 v13, v13;
	v19 =	vmul.f32 v19, v19;
	v26 =	vld.idx.msk [tilespmem:v14+s9+$0x0], $0xffff;
	v14 =	vor.u32 v10, v8  }
0xbb: {  	v27 =	vld [tilespmem:$0x610];
	v13 =	vshll.u32 v20, $0x6;
	v20 =	vor.u32 v24, v14;
	v18 =	vadd.f32 v21, v18  }
0xbc: {  	v19 =	vadd.f32 v25, v19;
	v25 =	vld.idx.msk [tilespmem:v15+s9+$0x0], $0xffff;
	v15 =	vor.u32 v11, v8;
	v21 =	vmul.f32 v21, v21  }
0xbd: {  	v28 =	vld [tilespmem:$0x690];
	v14 =	vshll.u32 v22, $0x6;
	v22 =	vor.u32 v24, v15;
	v18 =	vadd.f32 v16, v18  }
0xbe: {  	v29 =	vld.idx.msk [tilespmem:v17+s9+$0x0], $0xffff;
	v17 =	vor.u32 v13, v8;
	v16 =	vmul.f32 v16, v16;
	v19 =	vadd.f32 v21, v19  }
0xbf: {  	v15 =	vshll.u32 v23, $0x6;
	v21 =	vld [tilespmem:$0x710];
	v23 =	vor.u32 v24, v17;
	v17 =	vadd.f32 v26, v18  }
0xc0: {  	v18 =	vmul.f32 v26, v26;
	v20 =	vld.idx.msk [tilespmem:v20+s9+$0x0], $0xffff;
	v26 =	vor.u32 v14, v8;
	v19 =	vadd.f32 v16, v19  }
0xc1: {  	v30 =	vld [tilespmem:$0x790];
	v16 =	vshll.u32 v27, $0x6;
	v26 =	vor.u32 v24, v26;
	v27 =	vadd.f32 v25, v17  }
0xc2: {  	v31 =	vor.u32 v15, v8;
	v25 =	vmul.f32 v25, v25;
	v22 =	vld.idx.msk [tilespmem:v22+s9+$0x0], $0xffff;
	v18 =	vadd.f32 v18, v19  }
0xc3: {  	v56 =	vld [tilespmem:$0x810];
	v17 =	vshll.u32 v28, $0x6;
	v28 =	vor.u32 v24, v31;
	v19 =	vadd.f32 v29, v27  }
0xc4: {  	v23 =	vld.idx.msk [tilespmem:v23+s9+$0x0], $0xffff;
	v27 =	vmul.f32 v29, v29;
	v29 =	vor.u32 v16, v8;
	v25 =	vadd.f32 v25, v18  }
0xc5: {  	v31 =	vld [tilespmem:$0x890];
	v18 =	vshll.u32 v21, $0x6;
	v21 =	vor.u32 v24, v29;
	v29 =	vadd.f32 v20, v19  }
0xc6: {  	v57 =	vor.u32 v17, v8;
	v20 =	vmul.f32 v20, v20;
	v26 =	vld.idx.msk [tilespmem:v26+s9+$0x0], $0xffff;
	v25 =	vadd.f32 v27, v25  }
0xc7: {  	v27 =	vld [tilespmem:$0x910];
	v19 =	vshll.u32 v30, $0x6;
	v30 =	vor.u32 v24, v57;
	v29 =	vadd.f32 v22, v29  }
0xc8: {  	v58 =	vor.u32 v18, v8;
	v28 =	vld.idx.msk [tilespmem:v28+s9+$0x0], $0xffff;
	v22 =	vmul.f32 v22, v22;
	v25 =	vadd.f32 v20, v25  }
0xc9: {  	v59 =	vor.u32 v24, v58;
	v35 =	vor.u32 v19, v8;
	v29 =	vadd.f32 v23, v29  }
0xca: {  	v20 =	vshll.u32 v56, $0x6;
	v23 =	vmul.f32 v23, v23;
	v60 =	vld.idx.msk [tilespmem:v21+s9+$0x0], $0xffff;
	v22 =	vadd.f32 v22, v25  }
0xcb: {  	v34 =	vld [tilespmem:$0x990];
	v21 =	vshll.u32 v31, $0x6;
	v25 =	vor.u32 v24, v35;
	v29 =	vadd.f32 v26, v29  }
0xcc: {  	v31 =	vor.u32 v20, v8;
	v30 =	vld.idx.msk [tilespmem:v30+s9+$0x0], $0xffff;
	v26 =	vmul.f32 v26, v26;
	v23 =	vadd.f32 v23, v22  }
0xcd: {  	v22 =	vshll.u32 v27, $0x6;
	v27 =	vor.u32 v24, v31;
	v29 =	vadd.f32 v28, v29  }
0xce: {  	v61 =	vor.u32 v21, v8;
	v31 =	vld.idx.msk [tilespmem:v59+s9+$0x0], $0xffff;
	v28 =	vmul.f32 v28, v28;
	v26 =	vadd.f32 v26, v23  }
0xcf: {  	v32 =	vor.u32 v24, v61;
	v62 =	vor.u32 v22, v8;
	v29 =	vadd.f32 v60, v29  }
0xd0: {  	v23 =	vshll.u32 v34, $0x6;
	v33 =	vmul.f32 v60, v60;
	v25 =	vld.idx.msk [tilespmem:v25+s9+$0x0], $0xffff;
	v26 =	vadd.f32 v28, v26  }
0xd1: {  	v34 =	vor.u32 v24, v62;
	v8 =	vor.u32 v23, v8;
	v28 =	vadd.f32 v30, v29  }
0xd2: {  	v63 =	vor.u32 v24, v8;
	v8 =	vmul.f32 v30, v30;
	v27 =	vld.idx.msk [tilespmem:v27+s9+$0x0], $0xffff;
	v26 =	vadd.f32 v33, v26  }
0xd3: {  	v28 =	vadd.f32 v31, v28  }
0xd4: {  	v24 =	vld.idx.msk [tilespmem:v32+s9+$0x0], $0xffff;
	v29 =	vmul.f32 v31, v31;
	v26 =	vadd.f32 v8, v26  }
0xd5: {  	v30 =	vadd.f32 v25, v28  }
0xd6: {  	v28 =	vmul.f32 v25, v25;
	v25 =	vld.idx.msk [tilespmem:v34+s9+$0x0], $0xffff;
	v29 =	vadd.f32 v29, v26  }
0xd7: {  	s14 =	simm.s32 $0x1;
	s15 =	simm.s32 $0x2;
	v8 =	vimm.f32 $0.0e+00;
	v26 =	vld.idx.msk [tilespmem:v63+s9+$0x0], $0xffff;
	v30 =	vadd.f32 v27, v30;
	v27 =	vmul.f32 v27, v27  }
.LBB2_4:
0xd8: {  	p0 =	sne.s32 s15, $0x3F;
	v31 =	vadd.f32 v28, v29;
	v29 =	vshll.u32 v4, $0x7;
	v4 =	vadd.s32 s14, v0;
	s14 =	smov.u32 s15  }
0xd9: {  	v28 =	vand.u32 $0x38, v4;
	v30 =	vadd.f32 v24, v30;
	v32 =	vand.u32 $0x1F80, v29  }
0xda: {  	v29 =	vand.u32 $0x7, v4;
	v33 =	vor.u32 v3, v28;
	v32 =	vor.u32 v1, v32  }
0xdb: {  	v34 =	vor.u32 v2, v28;
	v33 =	vor.u32 v29, v33;
	v30 =	vadd.f32 v25, v30  }
0xdc: {  	v24 =	vmul.f32 v24, v24;
	v27 =	vadd.f32 v27, v31;
	v34 =	vor.u32 v29, v34  }
0xdd: {  	v31 =	vor.u32 v5, v28;
	v25 =	vmul.f32 v25, v25;
	v30 =	vadd.f32 v26, v30  }
0xde: {  	v31 =	vor.u32 v29, v31;
	v24 =	vadd.f32 v24, v27;
	v26 =	vmul.f32 v26, v26  }
0xdf: {  	v27 =	vor.u32 v6, v28;
	[tilespmem:v32+s11+$0x0] =	vst.idx.msk $0xffff, v30  }
0xe0: {  	v27 =	vor.u32 v29, v27;
	v24 =	vadd.f32 v25, v24;
	v30 =	vld.idx.msk [tilespmem:v33+s9+$0x0], $0xffff  }
0xe1: {  	v32 =	vor.u32 v7, v28;
	v25 =	vld.idx.msk [tilespmem:v34+s9+$0x0], $0xffff  }
0xe2: {  	v32 =	vor.u32 v29, v32;
	v24 =	vadd.f32 v26, v24  }
0xe3: {  	v26 =	vld.idx.msk [tilespmem:v31+s9+$0x0], $0xffff;
	v31 =	vor.u32 v9, v28  }
0xe4: {  	v8 =	vadd.f32 v24, v8;
	v31 =	vor.u32 v29, v31  }
0xe5: {  	v24 =	vld.idx.msk [tilespmem:v27+s9+$0x0], $0xffff;
	v27 =	vor.u32 v12, v28  }
0xe6: {  	v33 =	vmul.f32 v30, v30;
	v27 =	vor.u32 v29, v27  }
0xe7: {  	v34 =	vmul.f32 v25, v25;
	v25 =	vadd.f32 v30, v25;
	v30 =	vld.idx.msk [tilespmem:v32+s9+$0x0], $0xffff;
	v32 =	vor.u32 v10, v28  }
0xe8: {  	v32 =	vor.u32 v29, v32  }
0xe9: {  	v33 =	vadd.f32 v33, v34;
	v25 =	vadd.f32 v26, v25;
	v34 =	vor.u32 v11, v28;
	v31 =	vld.idx.msk [tilespmem:v31+s9+$0x0], $0xffff  }
0xea: {  	v26 =	vmul.f32 v26, v26;
	v34 =	vor.u32 v29, v34  }
0xeb: {  	v35 =	vor.u32 v13, v28;
	v25 =	vadd.f32 v24, v25;
	v24 =	vmul.f32 v24, v24;
	v27 =	vld.idx.msk [tilespmem:v27+s9+$0x0], $0xffff  }
0xec: {  	v26 =	vadd.f32 v26, v33;
	v33 =	vor.u32 v29, v35  }
0xed: {  	v35 =	vor.u32 v14, v28;
	v25 =	vadd.f32 v30, v25;
	v30 =	vmul.f32 v30, v30;
	v32 =	vld.idx.msk [tilespmem:v32+s9+$0x0], $0xffff  }
0xee: {  	v24 =	vadd.f32 v24, v26;
	v26 =	vor.u32 v29, v35  }
0xef: {  	v35 =	vor.u32 v15, v28;
	v25 =	vadd.f32 v31, v25;
	v31 =	vmul.f32 v31, v31;
	v34 =	vld.idx.msk [tilespmem:v34+s9+$0x0], $0xffff  }
0xf0: {  	v24 =	vadd.f32 v30, v24;
	v30 =	vor.u32 v29, v35  }
0xf1: {  	v35 =	vor.u32 v16, v28;
	v25 =	vadd.f32 v27, v25;
	v27 =	vmul.f32 v27, v27;
	v33 =	vld.idx.msk [tilespmem:v33+s9+$0x0], $0xffff  }
0xf2: {  	v24 =	vadd.f32 v31, v24;
	v31 =	vor.u32 v29, v35  }
0xf3: {  	v35 =	vor.u32 v17, v28;
	v25 =	vadd.f32 v32, v25;
	v32 =	vmul.f32 v32, v32;
	v26 =	vld.idx.msk [tilespmem:v26+s9+$0x0], $0xffff  }
0xf4: {  	v24 =	vadd.f32 v27, v24;
	v27 =	vor.u32 v29, v35  }
0xf5: {  	v35 =	vor.u32 v18, v28;
	v25 =	vadd.f32 v34, v25;
	v34 =	vmul.f32 v34, v34;
	v30 =	vld.idx.msk [tilespmem:v30+s9+$0x0], $0xffff  }
0xf6: {  	v24 =	vadd.f32 v32, v24;
	v32 =	vor.u32 v29, v35  }
0xf7: {  	v35 =	vor.u32 v19, v28;
	v25 =	vadd.f32 v33, v25;
	v33 =	vmul.f32 v33, v33;
	v31 =	vld.idx.msk [tilespmem:v31+s9+$0x0], $0xffff  }
0xf8: {  	v24 =	vadd.f32 v34, v24;
	v34 =	vor.u32 v29, v35  }
0xf9: {  	v35 =	vor.u32 v20, v28;
	v25 =	vadd.f32 v26, v25;
	v26 =	vmul.f32 v26, v26;
	v27 =	vld.idx.msk [tilespmem:v27+s9+$0x0], $0xffff  }
0xfa: {  	v24 =	vadd.f32 v33, v24;
	v33 =	vor.u32 v29, v35  }
0xfb: {  	v35 =	vor.u32 v21, v28;
	v25 =	vadd.f32 v30, v25;
	v30 =	vmul.f32 v30, v30;
	v32 =	vld.idx.msk [tilespmem:v32+s9+$0x0], $0xffff  }
0xfc: {  	v24 =	vadd.f32 v26, v24;
	v26 =	vor.u32 v29, v35  }
0xfd: {  	v35 =	vor.u32 v22, v28;
	v25 =	vadd.f32 v31, v25;
	v31 =	vmul.f32 v31, v31;
	v34 =	vld.idx.msk [tilespmem:v34+s9+$0x0], $0xffff  }
0xfe: {  	v24 =	vadd.f32 v30, v24;
	v30 =	vor.u32 v29, v35  }
0xff: {  	v28 =	vor.u32 v23, v28;
	v25 =	vadd.f32 v27, v25;
	v27 =	vmul.f32 v27, v27;
	v33 =	vld.idx.msk [tilespmem:v33+s9+$0x0], $0xffff  }
0x100: {  	v35 =	vor.u32 v29, v28;
	v31 =	vadd.f32 v31, v24  }
.Ltmp1:
0x101: {  	v25 =	vadd.f32 v32, v25;
	v29 =	vmul.f32 v32, v32;
	v24 =	vld.idx.msk [tilespmem:v26+s9+$0x0], $0xffff;
	(pc) =	sbr.rel @p0 .LBB2_4-.Ltmp1, $4  }
0x102: {  	v26 =	vadd.f32 v27, v31  }
0x103: {  	v27 =	vadd.f32 v34, v25;
	v28 =	vmul.f32 v34, v34;
	v25 =	vld.idx.msk [tilespmem:v30+s9+$0x0], $0xffff  }
0x104: {  	v29 =	vadd.f32 v29, v26  }
0x105: {  	s15 =	sadd.s32 $0x1, s15;
	v30 =	vadd.f32 v33, v27;
	v27 =	vmul.f32 v33, v33;
	v26 =	vld.idx.msk [tilespmem:v35+s9+$0x0], $0xffff  }
0x106: {  	v31 =	vadd.s32 s14, v0;
	v4 =	vshll.u32 v4, $0x7  }
0x107: {  	v32 =	vand.u32 $0x38, v31;
	v30 =	vadd.f32 v24, v30;
	v4 =	vand.u32 $0x1F80, v4  }
0x108: {  	v33 =	vand.u32 $0x7, v31;
	v3 =	vor.u32 v3, v32;
	v4 =	vor.u32 v1, v4  }
0x109: {  	v2 =	vor.u32 v2, v32;
	v3 =	vor.u32 v33, v3;
	v30 =	vadd.f32 v25, v30  }
0x10a: {  	v2 =	vor.u32 v33, v2  }
0x10b: {  	v5 =	vor.u32 v5, v32;
	v30 =	vadd.f32 v26, v30  }
0x10c: {  	v5 =	vor.u32 v33, v5  }
0x10d: {  	v6 =	vor.u32 v6, v32;
	[tilespmem:v4+s11+$0x0] =	vst.idx.msk $0xffff, v30  }
0x10e: {  	v4 =	vor.u32 v33, v6;
	v3 =	vld.idx.msk [tilespmem:v3+s9+$0x0], $0xffff  }
0x10f: {  	v6 =	vor.u32 v7, v32;
	v2 =	vld.idx.msk [tilespmem:v2+s9+$0x0], $0xffff  }
0x110: {  	v6 =	vor.u32 v33, v6  }
0x111: {  	v7 =	vor.u32 v9, v32;
	v5 =	vld.idx.msk [tilespmem:v5+s9+$0x0], $0xffff  }
0x112: {  	v7 =	vor.u32 v33, v7  }
0x113: {  	v9 =	vor.u32 v12, v32;
	v4 =	vld.idx.msk [tilespmem:v4+s9+$0x0], $0xffff  }
0x114: {  	v9 =	vor.u32 v33, v9;
	v12 =	vadd.f32 v3, v2  }
0x115: {  	v10 =	vor.u32 v10, v32;
	v6 =	vld.idx.msk [tilespmem:v6+s9+$0x0], $0xffff  }
0x116: {  	v10 =	vor.u32 v33, v10;
	v12 =	vadd.f32 v5, v12  }
0x117: {  	v11 =	vor.u32 v11, v32;
	v7 =	vld.idx.msk [tilespmem:v7+s9+$0x0], $0xffff  }
0x118: {  	v11 =	vor.u32 v33, v11;
	v12 =	vadd.f32 v4, v12  }
0x119: {  	v13 =	vor.u32 v13, v32;
	v9 =	vld.idx.msk [tilespmem:v9+s9+$0x0], $0xffff  }
0x11a: {  	v13 =	vor.u32 v33, v13;
	v12 =	vadd.f32 v6, v12  }
0x11b: {  	v14 =	vor.u32 v14, v32;
	v10 =	vld.idx.msk [tilespmem:v10+s9+$0x0], $0xffff;
	v3 =	vmul.f32 v3, v3;
	v2 =	vmul.f32 v2, v2  }
0x11c: {  	v14 =	vor.u32 v33, v14;
	v12 =	vadd.f32 v7, v12  }
0x11d: {  	v2 =	vadd.f32 v3, v2;
	v3 =	vld.idx.msk [tilespmem:v11+s9+$0x0], $0xffff;
	v11 =	vor.u32 v15, v32  }
0x11e: {  	v5 =	vmul.f32 v5, v5;
	v11 =	vor.u32 v33, v11;
	v12 =	vadd.f32 v9, v12  }
0x11f: {  	v13 =	vld.idx.msk [tilespmem:v13+s9+$0x0], $0xffff;
	v15 =	vor.u32 v16, v32;
	v4 =	vmul.f32 v4, v4  }
0x120: {  	v2 =	vadd.f32 v5, v2;
	v5 =	vor.u32 v33, v15;
	v12 =	vadd.f32 v10, v12  }
0x121: {  	v14 =	vld.idx.msk [tilespmem:v14+s9+$0x0], $0xffff;
	v15 =	vor.u32 v17, v32;
	v6 =	vmul.f32 v6, v6  }
0x122: {  	v2 =	vadd.f32 v4, v2;
	v4 =	vor.u32 v33, v15;
	v12 =	vadd.f32 v3, v12  }
0x123: {  	v15 =	vor.u32 v18, v32;
	v7 =	vmul.f32 v7, v7;
	v11 =	vld.idx.msk [tilespmem:v11+s9+$0x0], $0xffff  }
0x124: {  	v2 =	vadd.f32 v6, v2;
	v6 =	vor.u32 v33, v15;
	v12 =	vadd.f32 v13, v12  }
0x125: {  	v15 =	vor.u32 v19, v32;
	v5 =	vld.idx.msk [tilespmem:v5+s9+$0x0], $0xffff;
	v9 =	vmul.f32 v9, v9  }
0x126: {  	v2 =	vadd.f32 v7, v2;
	v7 =	vor.u32 v33, v15;
	v12 =	vadd.f32 v14, v12  }
0x127: {  	v15 =	vor.u32 v20, v32;
	v4 =	vld.idx.msk [tilespmem:v4+s9+$0x0], $0xffff;
	v10 =	vmul.f32 v10, v10  }
0x128: {  	v2 =	vadd.f32 v9, v2;
	v9 =	vor.u32 v33, v15;
	v12 =	vadd.f32 v11, v12  }
0x129: {  	v15 =	vor.u32 v21, v32;
	v6 =	vld.idx.msk [tilespmem:v6+s9+$0x0], $0xffff;
	v3 =	vmul.f32 v3, v3  }
0x12a: {  	v2 =	vadd.f32 v10, v2;
	v10 =	vor.u32 v33, v15;
	v12 =	vadd.f32 v5, v12  }
0x12b: {  	v15 =	vor.u32 v22, v32;
	v7 =	vld.idx.msk [tilespmem:v7+s9+$0x0], $0xffff;
	v13 =	vmul.f32 v13, v13  }
0x12c: {  	v2 =	vadd.f32 v3, v2;
	v3 =	vor.u32 v33, v15;
	v12 =	vadd.f32 v4, v12  }
0x12d: {  	v15 =	vor.u32 v23, v32;
	v9 =	vld.idx.msk [tilespmem:v9+s9+$0x0], $0xffff;
	v14 =	vmul.f32 v14, v14  }
0x12e: {  	v2 =	vadd.f32 v13, v2;
	v13 =	vor.u32 v33, v15;
	v12 =	vadd.f32 v6, v12  }
0x12f: {  	v10 =	vld.idx.msk [tilespmem:v10+s9+$0x0], $0xffff  }
0x130: {  	v11 =	vmul.f32 v11, v11;
	v2 =	vadd.f32 v14, v2;
	v12 =	vadd.f32 v7, v12  }
0x131: {  	v3 =	vld.idx.msk [tilespmem:v3+s9+$0x0], $0xffff  }
0x132: {  	v5 =	vmul.f32 v5, v5;
	v2 =	vadd.f32 v11, v2;
	v11 =	vadd.f32 v9, v12  }
0x133: {  	v4 =	vmul.f32 v4, v4;
	v12 =	vld.idx.msk [tilespmem:v13+s9+$0x0], $0xffff;
	v13 =	vshll.u32 v31, $0x7  }
0x134: {  	v2 =	vadd.f32 v5, v2;
	v5 =	vadd.f32 v10, v11;
	v11 =	vand.u32 $0x1F80, v13  }
0x135: {  	v13 =	vadd.f32 v28, v29;
	v11 =	vor.u32 v1, v11  }
0x136: {  	v6 =	vmul.f32 v6, v6;
	v2 =	vadd.f32 v4, v2;
	v4 =	vadd.f32 v3, v5  }
0x137: {  	v5 =	vadd.f32 v27, v13;
	v13 =	vmul.f32 v24, v24  }
0x138: {  	v7 =	vmul.f32 v7, v7;
	v2 =	vadd.f32 v6, v2;
	v4 =	vadd.f32 v12, v4  }
0x139: {  	v6 =	vmul.f32 v25, v25;
	v5 =	vadd.f32 v13, v5  }
0x13a: {  	v9 =	vmul.f32 v9, v9;
	v2 =	vadd.f32 v7, v2;
	[tilespmem:v11+s11+$0x0] =	vst.idx.msk $0xffff, v4  }
0x13b: {  	v4 =	vmul.f32 v26, v26;
	v5 =	vadd.f32 v6, v5;
	v6 =	vld [tilespmem:$0xA0]  }
0x13c: {  	v7 =	vmul.f32 v10, v10;
	v2 =	vadd.f32 v9, v2;
	v9 =	vld [tilespmem:$0x20]  }
0x13d: {  	v4 =	vadd.f32 v4, v5  }
0x13e: {  	s31 =	simm.s32 $0x0;
	v3 =	vmul.f32 v3, v3;
	v2 =	vadd.f32 v7, v2;
	v5 =	vld [tilespmem:$0x120]  }
0x13f: {  	v10 =	vmul.f32 v12, v12;
	v12 =	vld [tilespmem:$0x1A0];
	v7 =	vadd.f32 v4, v8;
	v4 =	vadd.s32 s31, v0  }
0x140: {  	v11 =	vadd.f32 v3, v2;
	v8 =	vand.u32 $0x38, v4;
	v3 =	vshll.u32 v6, $0x6  }
0x141: {  	v14 =	vld [tilespmem:$0x2A0];
	v24 =	vand.u32 $0x7, v4;
	v2 =	vshll.u32 v9, $0x6;
	v6 =	vor.u32 v3, v8  }
0x142: {  	v9 =	vadd.f32 v10, v11;
	v10 =	vld [tilespmem:$0x220];
	v11 =	vor.u32 v2, v8;
	v13 =	vor.u32 v24, v6  }
0x143: {  	v15 =	vld [tilespmem:$0x320];
	v5 =	vshll.u32 v5, $0x6;
	v11 =	vor.u32 v24, v11  }
0x144: {  	v16 =	vld [tilespmem:$0x3A0];
	v7 =	vadd.f32 v9, v7;
	v9 =	vor.u32 v5, v8;
	v6 =	vshll.u32 v12, $0x6  }
0x145: {  	v17 =	vld [tilespmem:$0x420];
	v12 =	vor.u32 v24, v9;
	v9 =	vor.u32 v6, v8  }
0x146: {  	v20 =	vld [tilespmem:$0x4A0];
	[tilespmem:$0x12610] =	vst v7;
	v18 =	vor.u32 v24, v9  }
0x147: {  	v7 =	vshll.u32 v10, $0x6;
	v13 =	vld.idx.msk [tilespmem:v13+s9+$0x0], $0xffff  }
0x148: {  	v10 =	vor.u32 v7, v8;
	v19 =	vld.idx.msk [tilespmem:v11+s9+$0x0], $0xffff  }
0x149: {  	v22 =	vld [tilespmem:$0x520];
	v9 =	vshll.u32 v14, $0x6;
	v14 =	vor.u32 v24, v10  }
0x14a: {  	v10 =	vor.u32 v9, v8;
	v21 =	vld.idx.msk [tilespmem:v12+s9+$0x0], $0xffff;
	v12 =	vshll.u32 v15, $0x6  }
0x14b: {  	v15 =	vor.u32 v24, v10;
	v10 =	vshll.u32 v16, $0x6;
	v16 =	vld.idx.msk [tilespmem:v18+s9+$0x0], $0xffff;
	v18 =	vor.u32 v12, v8  }
0x14c: {  	v23 =	vld [tilespmem:$0x5A0];
	v11 =	vshll.u32 v17, $0x6;
	v17 =	vor.u32 v24, v18  }
0x14d: {  	v27 =	vld [tilespmem:$0x620];
	v18 =	vadd.f32 v13, v19;
	v25 =	vmul.f32 v13, v13  }
0x14e: {  	v19 =	vmul.f32 v19, v19;
	v26 =	vld.idx.msk [tilespmem:v14+s9+$0x0], $0xffff;
	v14 =	vor.u32 v10, v8;
	v13 =	vshll.u32 v20, $0x6  }
0x14f: {  	v28 =	vld [tilespmem:$0x6A0];
	v20 =	vor.u32 v24, v14;
	v14 =	vshll.u32 v22, $0x6;
	v18 =	vadd.f32 v21, v18  }
0x150: {  	v19 =	vadd.f32 v25, v19;
	v25 =	vld.idx.msk [tilespmem:v15+s9+$0x0], $0xffff;
	v15 =	vor.u32 v11, v8;
	v21 =	vmul.f32 v21, v21  }
0x151: {  	v22 =	vor.u32 v24, v15;
	v29 =	vld.idx.msk [tilespmem:v17+s9+$0x0], $0xffff;
	v17 =	vor.u32 v13, v8;
	v18 =	vadd.f32 v16, v18  }
0x152: {  	v15 =	vshll.u32 v23, $0x6;
	v16 =	vmul.f32 v16, v16;
	v19 =	vadd.f32 v21, v19  }
0x153: {  	v21 =	vld [tilespmem:$0x720];
	v23 =	vor.u32 v24, v17;
	v31 =	vor.u32 v15, v8;
	v17 =	vadd.f32 v26, v18  }
0x154: {  	v18 =	vmul.f32 v26, v26;
	v20 =	vld.idx.msk [tilespmem:v20+s9+$0x0], $0xffff;
	v26 =	vor.u32 v14, v8;
	v19 =	vadd.f32 v16, v19  }
0x155: {  	v30 =	vld [tilespmem:$0x7A0];
	v16 =	vshll.u32 v27, $0x6;
	v26 =	vor.u32 v24, v26;
	v27 =	vadd.f32 v25, v17  }
0x156: {  	v25 =	vmul.f32 v25, v25;
	v22 =	vld.idx.msk [tilespmem:v22+s9+$0x0], $0xffff;
	v18 =	vadd.f32 v18, v19;
	v17 =	vshll.u32 v28, $0x6  }
0x157: {  	v56 =	vld [tilespmem:$0x820];
	v28 =	vor.u32 v24, v31;
	v57 =	vor.u32 v17, v8;
	v19 =	vadd.f32 v29, v27  }
0x158: {  	v23 =	vld.idx.msk [tilespmem:v23+s9+$0x0], $0xffff;
	v27 =	vmul.f32 v29, v29;
	v29 =	vor.u32 v16, v8;
	v25 =	vadd.f32 v25, v18  }
0x159: {  	v31 =	vld [tilespmem:$0x8A0];
	v18 =	vshll.u32 v21, $0x6;
	v21 =	vor.u32 v24, v29;
	v29 =	vadd.f32 v20, v19  }
0x15a: {  	v58 =	vor.u32 v18, v8;
	v20 =	vmul.f32 v20, v20;
	v26 =	vld.idx.msk [tilespmem:v26+s9+$0x0], $0xffff;
	v25 =	vadd.f32 v27, v25  }
0x15b: {  	v27 =	vld [tilespmem:$0x920];
	v19 =	vshll.u32 v30, $0x6;
	v30 =	vor.u32 v24, v57;
	v29 =	vadd.f32 v22, v29  }
0x15c: {  	v59 =	vor.u32 v24, v58;
	v28 =	vld.idx.msk [tilespmem:v28+s9+$0x0], $0xffff;
	v22 =	vmul.f32 v22, v22;
	v25 =	vadd.f32 v20, v25  }
0x15d: {  	v34 =	vld [tilespmem:$0x9A0];
	v35 =	vor.u32 v19, v8;
	v20 =	vshll.u32 v56, $0x6;
	v29 =	vadd.f32 v23, v29  }
0x15e: {  	v23 =	vmul.f32 v23, v23;
	v60 =	vld.idx.msk [tilespmem:v21+s9+$0x0], $0xffff;
	v22 =	vadd.f32 v22, v25;
	v21 =	vshll.u32 v31, $0x6  }
0x15f: {  	v25 =	vor.u32 v24, v35;
	v31 =	vor.u32 v20, v8;
	v29 =	vadd.f32 v26, v29  }
0x160: {  	v30 =	vld.idx.msk [tilespmem:v30+s9+$0x0], $0xffff;
	v61 =	vor.u32 v21, v8;
	v26 =	vmul.f32 v26, v26;
	v23 =	vadd.f32 v23, v22  }
0x161: {  	v22 =	vshll.u32 v27, $0x6;
	v27 =	vor.u32 v24, v31;
	v29 =	vadd.f32 v28, v29  }
0x162: {  	v31 =	vld.idx.msk [tilespmem:v59+s9+$0x0], $0xffff;
	v32 =	vor.u32 v24, v61;
	v28 =	vmul.f32 v28, v28  }
0x163: {  	v26 =	vadd.f32 v26, v23;
	v23 =	vshll.u32 v34, $0x6;
	v29 =	vadd.f32 v60, v29  }
0x164: {  	v33 =	vmul.f32 v60, v60;
	v62 =	vld.idx.msk [tilespmem:v25+s9+$0x0], $0xffff;
	v25 =	vor.u32 v22, v8;
	v8 =	vor.u32 v23, v8  }
0x165: {  	v26 =	vadd.f32 v28, v26;
	v28 =	vor.u32 v24, v25;
	v25 =	vadd.f32 v30, v29  }
0x166: {  	v24 =	vor.u32 v24, v8;
	v27 =	vld.idx.msk [tilespmem:v27+s9+$0x0], $0xffff  }
0x167: {  	v8 =	vmul.f32 v30, v30;
	v26 =	vadd.f32 v33, v26;
	v29 =	vadd.f32 v31, v25  }
0x168: {  	v25 =	vld.idx.msk [tilespmem:v32+s9+$0x0], $0xffff  }
0x169: {  	v30 =	vmul.f32 v31, v31;
	v31 =	vadd.f32 v8, v26;
	v63 =	vadd.f32 v62, v29  }
0x16a: {  	v8 =	vimm.f32 $0.0e+00;
	v26 =	vld.idx.msk [tilespmem:v28+s9+$0x0], $0xffff;
	v29 =	vmul.f32 v62, v62  }
0x16b: {  	s14 =	simm.s32 $0x1;
	s15 =	simm.s32 $0x2;
	v30 =	vadd.f32 v30, v31;
	v28 =	vmul.f32 v27, v27;
	v32 =	vadd.f32 v27, v63;
	v27 =	vld.idx.msk [tilespmem:v24+s9+$0x0], $0xffff  }
.LBB2_6:
0x16c: {  	p0 =	sne.s32 s15, $0x3F;
	v33 =	vshll.u32 v4, $0x7;
	v4 =	vadd.s32 s14, v0;
	v24 =	vor.u32 $0x20, v0;
	s14 =	smov.u32 s15  }
0x16d: {  	v31 =	vand.u32 $0x38, v4;
	v34 =	vadd.f32 v25, v32;
	v33 =	vand.u32 $0x1F80, v33  }
0x16e: {  	v32 =	vand.u32 $0x7, v4;
	v35 =	vor.u32 v3, v31;
	v33 =	vor.u32 v24, v33  }
0x16f: {  	v36 =	vor.u32 v2, v31;
	v35 =	vor.u32 v32, v35;
	v34 =	vadd.f32 v26, v34  }
0x170: {  	v29 =	vadd.f32 v29, v30;
	v25 =	vmul.f32 v25, v25;
	v36 =	vor.u32 v32, v36  }
0x171: {  	v30 =	vor.u32 v5, v31;
	v26 =	vmul.f32 v26, v26;
	v34 =	vadd.f32 v27, v34  }
0x172: {  	v28 =	vadd.f32 v28, v29;
	v30 =	vor.u32 v32, v30;
	v27 =	vmul.f32 v27, v27  }
0x173: {  	v29 =	vor.u32 v6, v31;
	[tilespmem:v33+s11+$0x0] =	vst.idx.msk $0xffff, v34  }
0x174: {  	v29 =	vor.u32 v32, v29;
	v25 =	vadd.f32 v25, v28;
	v33 =	vld.idx.msk [tilespmem:v35+s9+$0x0], $0xffff  }
0x175: {  	v34 =	vor.u32 v7, v31;
	v28 =	vld.idx.msk [tilespmem:v36+s9+$0x0], $0xffff  }
0x176: {  	v25 =	vadd.f32 v26, v25;
	v34 =	vor.u32 v32, v34  }
0x177: {  	v26 =	vld.idx.msk [tilespmem:v30+s9+$0x0], $0xffff;
	v30 =	vor.u32 v9, v31  }
0x178: {  	v25 =	vadd.f32 v27, v25;
	v30 =	vor.u32 v32, v30  }
0x179: {  	v27 =	vld.idx.msk [tilespmem:v29+s9+$0x0], $0xffff;
	v29 =	vor.u32 v12, v31  }
0x17a: {  	v8 =	vadd.f32 v25, v8;
	v35 =	vmul.f32 v33, v33;
	v29 =	vor.u32 v32, v29  }
0x17b: {  	v25 =	vmul.f32 v28, v28;
	v28 =	vadd.f32 v33, v28;
	v33 =	vld.idx.msk [tilespmem:v34+s9+$0x0], $0xffff;
	v34 =	vor.u32 v10, v31  }
0x17c: {  	v34 =	vor.u32 v32, v34  }
0x17d: {  	v25 =	vadd.f32 v35, v25;
	v28 =	vadd.f32 v26, v28;
	v35 =	vor.u32 v11, v31;
	v30 =	vld.idx.msk [tilespmem:v30+s9+$0x0], $0xffff  }
0x17e: {  	v26 =	vmul.f32 v26, v26;
	v35 =	vor.u32 v32, v35  }
0x17f: {  	v36 =	vor.u32 v13, v31;
	v28 =	vadd.f32 v27, v28;
	v27 =	vmul.f32 v27, v27;
	v29 =	vld.idx.msk [tilespmem:v29+s9+$0x0], $0xffff  }
0x180: {  	v25 =	vadd.f32 v26, v25;
	v26 =	vor.u32 v32, v36  }
0x181: {  	v36 =	vor.u32 v14, v31;
	v28 =	vadd.f32 v33, v28;
	v33 =	vmul.f32 v33, v33;
	v34 =	vld.idx.msk [tilespmem:v34+s9+$0x0], $0xffff  }
0x182: {  	v25 =	vadd.f32 v27, v25;
	v27 =	vor.u32 v32, v36  }
0x183: {  	v36 =	vor.u32 v15, v31;
	v28 =	vadd.f32 v30, v28;
	v30 =	vmul.f32 v30, v30;
	v35 =	vld.idx.msk [tilespmem:v35+s9+$0x0], $0xffff  }
0x184: {  	v25 =	vadd.f32 v33, v25;
	v33 =	vor.u32 v32, v36  }
0x185: {  	v36 =	vor.u32 v16, v31;
	v28 =	vadd.f32 v29, v28;
	v29 =	vmul.f32 v29, v29;
	v26 =	vld.idx.msk [tilespmem:v26+s9+$0x0], $0xffff  }
0x186: {  	v25 =	vadd.f32 v30, v25;
	v30 =	vor.u32 v32, v36  }
0x187: {  	v36 =	vor.u32 v17, v31;
	v28 =	vadd.f32 v34, v28;
	v34 =	vmul.f32 v34, v34;
	v27 =	vld.idx.msk [tilespmem:v27+s9+$0x0], $0xffff  }
0x188: {  	v25 =	vadd.f32 v29, v25;
	v29 =	vor.u32 v32, v36  }
0x189: {  	v36 =	vor.u32 v18, v31;
	v28 =	vadd.f32 v35, v28;
	v35 =	vmul.f32 v35, v35;
	v33 =	vld.idx.msk [tilespmem:v33+s9+$0x0], $0xffff  }
0x18a: {  	v25 =	vadd.f32 v34, v25;
	v34 =	vor.u32 v32, v36  }
0x18b: {  	v36 =	vor.u32 v19, v31;
	v28 =	vadd.f32 v26, v28;
	v26 =	vmul.f32 v26, v26;
	v30 =	vld.idx.msk [tilespmem:v30+s9+$0x0], $0xffff  }
0x18c: {  	v25 =	vadd.f32 v35, v25;
	v35 =	vor.u32 v32, v36  }
0x18d: {  	v36 =	vor.u32 v20, v31;
	v28 =	vadd.f32 v27, v28;
	v27 =	vmul.f32 v27, v27;
	v29 =	vld.idx.msk [tilespmem:v29+s9+$0x0], $0xffff  }
0x18e: {  	v25 =	vadd.f32 v26, v25;
	v26 =	vor.u32 v32, v36  }
0x18f: {  	v36 =	vor.u32 v21, v31;
	v28 =	vadd.f32 v33, v28;
	v33 =	vmul.f32 v33, v33;
	v34 =	vld.idx.msk [tilespmem:v34+s9+$0x0], $0xffff  }
0x190: {  	v25 =	vadd.f32 v27, v25;
	v27 =	vor.u32 v32, v36  }
0x191: {  	v36 =	vor.u32 v22, v31;
	v28 =	vadd.f32 v30, v28;
	v30 =	vmul.f32 v30, v30;
	v35 =	vld.idx.msk [tilespmem:v35+s9+$0x0], $0xffff  }
0x192: {  	v25 =	vadd.f32 v33, v25;
	v33 =	vor.u32 v32, v36  }
0x193: {  	v28 =	vadd.f32 v29, v28;
	v29 =	vmul.f32 v29, v29;
	v36 =	vld.idx.msk [tilespmem:v26+s9+$0x0], $0xffff;
	v26 =	vor.u32 v23, v31  }
0x194: {  	v30 =	vadd.f32 v30, v25;
	v31 =	vor.u32 v32, v26  }
.Ltmp2:
0x195: {  	v26 =	vadd.f32 v34, v28;
	v28 =	vmul.f32 v34, v34;
	v25 =	vld.idx.msk [tilespmem:v27+s9+$0x0], $0xffff;
	(pc) =	sbr.rel @p0 .LBB2_6-.Ltmp2, $4  }
0x196: {  	v27 =	vadd.f32 v29, v30  }
0x197: {  	v32 =	vadd.f32 v35, v26;
	v29 =	vmul.f32 v35, v35;
	v26 =	vld.idx.msk [tilespmem:v33+s9+$0x0], $0xffff  }
0x198: {  	v30 =	vadd.f32 v28, v27  }
0x199: {  	s15 =	sadd.s32 $0x1, s15;
	v32 =	vadd.f32 v36, v32;
	v28 =	vmul.f32 v36, v36;
	v27 =	vld.idx.msk [tilespmem:v31+s9+$0x0], $0xffff  }
0x19a: {  	v31 =	vadd.s32 s14, v0;
	v4 =	vshll.u32 v4, $0x7  }
0x19b: {  	v33 =	vand.u32 $0x38, v31;
	v32 =	vadd.f32 v25, v32;
	v4 =	vand.u32 $0x1F80, v4  }
0x19c: {  	v34 =	vand.u32 $0x7, v31;
	v3 =	vor.u32 v3, v33;
	v4 =	vor.u32 v24, v4  }
0x19d: {  	v2 =	vor.u32 v2, v33;
	v3 =	vor.u32 v34, v3;
	v32 =	vadd.f32 v26, v32  }
0x19e: {  	v2 =	vor.u32 v34, v2  }
0x19f: {  	v5 =	vor.u32 v5, v33;
	v32 =	vadd.f32 v27, v32  }
0x1a0: {  	v5 =	vor.u32 v34, v5  }
0x1a1: {  	v6 =	vor.u32 v6, v33;
	[tilespmem:v4+s11+$0x0] =	vst.idx.msk $0xffff, v32  }
0x1a2: {  	v4 =	vor.u32 v34, v6;
	v3 =	vld.idx.msk [tilespmem:v3+s9+$0x0], $0xffff  }
0x1a3: {  	v6 =	vor.u32 v7, v33;
	v2 =	vld.idx.msk [tilespmem:v2+s9+$0x0], $0xffff  }
0x1a4: {  	v6 =	vor.u32 v34, v6  }
0x1a5: {  	v7 =	vor.u32 v9, v33;
	v5 =	vld.idx.msk [tilespmem:v5+s9+$0x0], $0xffff  }
0x1a6: {  	v7 =	vor.u32 v34, v7  }
0x1a7: {  	v9 =	vor.u32 v12, v33;
	v4 =	vld.idx.msk [tilespmem:v4+s9+$0x0], $0xffff  }
0x1a8: {  	v9 =	vor.u32 v34, v9;
	v12 =	vadd.f32 v3, v2  }
0x1a9: {  	v10 =	vor.u32 v10, v33;
	v6 =	vld.idx.msk [tilespmem:v6+s9+$0x0], $0xffff  }
0x1aa: {  	v10 =	vor.u32 v34, v10;
	v12 =	vadd.f32 v5, v12  }
0x1ab: {  	v11 =	vor.u32 v11, v33;
	v7 =	vld.idx.msk [tilespmem:v7+s9+$0x0], $0xffff  }
0x1ac: {  	v11 =	vor.u32 v34, v11;
	v12 =	vadd.f32 v4, v12  }
0x1ad: {  	v13 =	vor.u32 v13, v33;
	v9 =	vld.idx.msk [tilespmem:v9+s9+$0x0], $0xffff  }
0x1ae: {  	v13 =	vor.u32 v34, v13;
	v12 =	vadd.f32 v6, v12  }
0x1af: {  	v14 =	vor.u32 v14, v33;
	v10 =	vld.idx.msk [tilespmem:v10+s9+$0x0], $0xffff;
	v3 =	vmul.f32 v3, v3;
	v2 =	vmul.f32 v2, v2  }
0x1b0: {  	v14 =	vor.u32 v34, v14;
	v12 =	vadd.f32 v7, v12  }
0x1b1: {  	v2 =	vadd.f32 v3, v2;
	v3 =	vld.idx.msk [tilespmem:v11+s9+$0x0], $0xffff;
	v11 =	vor.u32 v15, v33  }
0x1b2: {  	v5 =	vmul.f32 v5, v5;
	v11 =	vor.u32 v34, v11;
	v12 =	vadd.f32 v9, v12  }
0x1b3: {  	v13 =	vld.idx.msk [tilespmem:v13+s9+$0x0], $0xffff;
	v15 =	vor.u32 v16, v33;
	v4 =	vmul.f32 v4, v4  }
0x1b4: {  	v2 =	vadd.f32 v5, v2;
	v5 =	vor.u32 v34, v15;
	v12 =	vadd.f32 v10, v12  }
0x1b5: {  	v14 =	vld.idx.msk [tilespmem:v14+s9+$0x0], $0xffff;
	v15 =	vor.u32 v17, v33;
	v6 =	vmul.f32 v6, v6  }
0x1b6: {  	v2 =	vadd.f32 v4, v2;
	v4 =	vor.u32 v34, v15;
	v12 =	vadd.f32 v3, v12  }
0x1b7: {  	v15 =	vor.u32 v18, v33;
	v7 =	vmul.f32 v7, v7;
	v11 =	vld.idx.msk [tilespmem:v11+s9+$0x0], $0xffff  }
0x1b8: {  	v2 =	vadd.f32 v6, v2;
	v6 =	vor.u32 v34, v15;
	v12 =	vadd.f32 v13, v12  }
0x1b9: {  	v15 =	vor.u32 v19, v33;
	v5 =	vld.idx.msk [tilespmem:v5+s9+$0x0], $0xffff;
	v9 =	vmul.f32 v9, v9  }
0x1ba: {  	v2 =	vadd.f32 v7, v2;
	v7 =	vor.u32 v34, v15;
	v12 =	vadd.f32 v14, v12  }
0x1bb: {  	v15 =	vor.u32 v20, v33;
	v4 =	vld.idx.msk [tilespmem:v4+s9+$0x0], $0xffff;
	v10 =	vmul.f32 v10, v10  }
0x1bc: {  	v2 =	vadd.f32 v9, v2;
	v9 =	vor.u32 v34, v15;
	v12 =	vadd.f32 v11, v12  }
0x1bd: {  	v15 =	vor.u32 v21, v33;
	v6 =	vld.idx.msk [tilespmem:v6+s9+$0x0], $0xffff;
	v3 =	vmul.f32 v3, v3  }
0x1be: {  	v2 =	vadd.f32 v10, v2;
	v10 =	vor.u32 v34, v15;
	v12 =	vadd.f32 v5, v12  }
0x1bf: {  	v15 =	vor.u32 v22, v33;
	v7 =	vld.idx.msk [tilespmem:v7+s9+$0x0], $0xffff;
	v13 =	vmul.f32 v13, v13  }
0x1c0: {  	v2 =	vadd.f32 v3, v2;
	v3 =	vor.u32 v34, v15;
	v12 =	vadd.f32 v4, v12  }
0x1c1: {  	v15 =	vor.u32 v23, v33;
	v9 =	vld.idx.msk [tilespmem:v9+s9+$0x0], $0xffff;
	v14 =	vmul.f32 v14, v14  }
0x1c2: {  	v2 =	vadd.f32 v13, v2;
	v13 =	vor.u32 v34, v15;
	v12 =	vadd.f32 v6, v12  }
0x1c3: {  	v10 =	vld.idx.msk [tilespmem:v10+s9+$0x0], $0xffff  }
0x1c4: {  	v11 =	vmul.f32 v11, v11;
	v2 =	vadd.f32 v14, v2;
	v12 =	vadd.f32 v7, v12  }
0x1c5: {  	v3 =	vld.idx.msk [tilespmem:v3+s9+$0x0], $0xffff  }
0x1c6: {  	v5 =	vmul.f32 v5, v5;
	v2 =	vadd.f32 v11, v2;
	v11 =	vadd.f32 v9, v12  }
0x1c7: {  	v4 =	vmul.f32 v4, v4;
	v12 =	vld.idx.msk [tilespmem:v13+s9+$0x0], $0xffff;
	v13 =	vshll.u32 v31, $0x7  }
0x1c8: {  	v2 =	vadd.f32 v5, v2;
	v5 =	vadd.f32 v10, v11;
	v11 =	vand.u32 $0x1F80, v13  }
0x1c9: {  	v13 =	vadd.f32 v29, v30;
	v11 =	vor.u32 v24, v11  }
0x1ca: {  	v6 =	vmul.f32 v6, v6;
	v2 =	vadd.f32 v4, v2;
	v4 =	vadd.f32 v3, v5  }
0x1cb: {  	v5 =	vmul.f32 v25, v25;
	v13 =	vadd.f32 v28, v13  }
0x1cc: {  	v7 =	vmul.f32 v7, v7;
	v2 =	vadd.f32 v6, v2;
	v4 =	vadd.f32 v12, v4  }
0x1cd: {  	v6 =	vmul.f32 v26, v26;
	v5 =	vadd.f32 v5, v13  }
0x1ce: {  	v9 =	vmul.f32 v9, v9;
	v2 =	vadd.f32 v7, v2;
	[tilespmem:v11+s11+$0x0] =	vst.idx.msk $0xffff, v4  }
0x1cf: {  	v4 =	vmul.f32 v27, v27;
	v5 =	vadd.f32 v6, v5;
	v6 =	vld [tilespmem:$0xB0]  }
0x1d0: {  	v7 =	vmul.f32 v10, v10;
	v2 =	vadd.f32 v9, v2;
	v9 =	vld [tilespmem:$0x30]  }
0x1d1: {  	v4 =	vadd.f32 v4, v5  }
0x1d2: {  	s31 =	simm.s32 $0x0;
	v3 =	vmul.f32 v3, v3;
	v2 =	vadd.f32 v7, v2;
	v5 =	vld [tilespmem:$0x130]  }
0x1d3: {  	v10 =	vmul.f32 v12, v12;
	v12 =	vld [tilespmem:$0x1B0];
	v7 =	vadd.f32 v4, v8;
	v4 =	vadd.s32 s31, v0  }
0x1d4: {  	v11 =	vadd.f32 v3, v2;
	v8 =	vand.u32 $0x38, v4;
	v3 =	vshll.u32 v6, $0x6  }
0x1d5: {  	v14 =	vld [tilespmem:$0x2B0];
	v24 =	vand.u32 $0x7, v4;
	v2 =	vshll.u32 v9, $0x6;
	v6 =	vor.u32 v3, v8  }
0x1d6: {  	v9 =	vadd.f32 v10, v11;
	v10 =	vld [tilespmem:$0x230];
	v11 =	vor.u32 v2, v8;
	v13 =	vor.u32 v24, v6  }
0x1d7: {  	v15 =	vld [tilespmem:$0x330];
	v5 =	vshll.u32 v5, $0x6;
	v11 =	vor.u32 v24, v11  }
0x1d8: {  	v16 =	vld [tilespmem:$0x3B0];
	v7 =	vadd.f32 v9, v7;
	v9 =	vor.u32 v5, v8;
	v6 =	vshll.u32 v12, $0x6  }
0x1d9: {  	v17 =	vld [tilespmem:$0x430];
	v12 =	vor.u32 v24, v9;
	v9 =	vor.u32 v6, v8  }
0x1da: {  	v20 =	vld [tilespmem:$0x4B0];
	[tilespmem:$0x12620] =	vst v7;
	v18 =	vor.u32 v24, v9  }
0x1db: {  	v7 =	vshll.u32 v10, $0x6;
	v13 =	vld.idx.msk [tilespmem:v13+s9+$0x0], $0xffff  }
0x1dc: {  	v10 =	vor.u32 v7, v8;
	v19 =	vld.idx.msk [tilespmem:v11+s9+$0x0], $0xffff  }
0x1dd: {  	v22 =	vld [tilespmem:$0x530];
	v9 =	vshll.u32 v14, $0x6;
	v14 =	vor.u32 v24, v10  }
0x1de: {  	v10 =	vor.u32 v9, v8;
	v21 =	vld.idx.msk [tilespmem:v12+s9+$0x0], $0xffff;
	v12 =	vshll.u32 v15, $0x6  }
0x1df: {  	v15 =	vor.u32 v24, v10;
	v10 =	vshll.u32 v16, $0x6;
	v16 =	vld.idx.msk [tilespmem:v18+s9+$0x0], $0xffff;
	v18 =	vor.u32 v12, v8  }
0x1e0: {  	v23 =	vld [tilespmem:$0x5B0];
	v11 =	vshll.u32 v17, $0x6;
	v17 =	vor.u32 v24, v18  }
0x1e1: {  	v27 =	vld [tilespmem:$0x630];
	v18 =	vadd.f32 v13, v19;
	v25 =	vmul.f32 v13, v13  }
0x1e2: {  	v19 =	vmul.f32 v19, v19;
	v26 =	vld.idx.msk [tilespmem:v14+s9+$0x0], $0xffff;
	v14 =	vor.u32 v10, v8;
	v13 =	vshll.u32 v20, $0x6  }
0x1e3: {  	v28 =	vld [tilespmem:$0x6B0];
	v20 =	vor.u32 v24, v14;
	v14 =	vshll.u32 v22, $0x6;
	v18 =	vadd.f32 v21, v18  }
0x1e4: {  	v19 =	vadd.f32 v25, v19;
	v25 =	vld.idx.msk [tilespmem:v15+s9+$0x0], $0xffff;
	v15 =	vor.u32 v11, v8;
	v21 =	vmul.f32 v21, v21  }
0x1e5: {  	v22 =	vor.u32 v24, v15;
	v29 =	vld.idx.msk [tilespmem:v17+s9+$0x0], $0xffff;
	v17 =	vor.u32 v13, v8;
	v18 =	vadd.f32 v16, v18  }
0x1e6: {  	v15 =	vshll.u32 v23, $0x6;
	v16 =	vmul.f32 v16, v16;
	v19 =	vadd.f32 v21, v19  }
0x1e7: {  	v21 =	vld [tilespmem:$0x730];
	v23 =	vor.u32 v24, v17;
	v31 =	vor.u32 v15, v8;
	v17 =	vadd.f32 v26, v18  }
0x1e8: {  	v18 =	vmul.f32 v26, v26;
	v20 =	vld.idx.msk [tilespmem:v20+s9+$0x0], $0xffff;
	v26 =	vor.u32 v14, v8;
	v19 =	vadd.f32 v16, v19  }
0x1e9: {  	v30 =	vld [tilespmem:$0x7B0];
	v16 =	vshll.u32 v27, $0x6;
	v26 =	vor.u32 v24, v26;
	v27 =	vadd.f32 v25, v17  }
0x1ea: {  	v25 =	vmul.f32 v25, v25;
	v22 =	vld.idx.msk [tilespmem:v22+s9+$0x0], $0xffff;
	v18 =	vadd.f32 v18, v19;
	v17 =	vshll.u32 v28, $0x6  }
0x1eb: {  	v32 =	vld [tilespmem:$0x830];
	v28 =	vor.u32 v24, v31;
	v56 =	vor.u32 v17, v8;
	v19 =	vadd.f32 v29, v27  }
0x1ec: {  	v23 =	vld.idx.msk [tilespmem:v23+s9+$0x0], $0xffff;
	v27 =	vmul.f32 v29, v29;
	v29 =	vor.u32 v16, v8;
	v25 =	vadd.f32 v25, v18  }
0x1ed: {  	v31 =	vld [tilespmem:$0x8B0];
	v18 =	vshll.u32 v21, $0x6;
	v21 =	vor.u32 v24, v29;
	v29 =	vadd.f32 v20, v19  }
0x1ee: {  	v57 =	vor.u32 v18, v8;
	v20 =	vmul.f32 v20, v20;
	v26 =	vld.idx.msk [tilespmem:v26+s9+$0x0], $0xffff;
	v25 =	vadd.f32 v27, v25  }
0x1ef: {  	v27 =	vld [tilespmem:$0x930];
	v19 =	vshll.u32 v30, $0x6;
	v30 =	vor.u32 v24, v56;
	v29 =	vadd.f32 v22, v29  }
0x1f0: {  	v59 =	vor.u32 v24, v57;
	v28 =	vld.idx.msk [tilespmem:v28+s9+$0x0], $0xffff;
	v22 =	vmul.f32 v22, v22;
	v25 =	vadd.f32 v20, v25  }
0x1f1: {  	v58 =	vld [tilespmem:$0x9B0];
	v35 =	vor.u32 v19, v8;
	v20 =	vshll.u32 v32, $0x6;
	v29 =	vadd.f32 v23, v29  }
0x1f2: {  	v23 =	vmul.f32 v23, v23;
	v60 =	vld.idx.msk [tilespmem:v21+s9+$0x0], $0xffff;
	v22 =	vadd.f32 v22, v25;
	v21 =	vshll.u32 v31, $0x6  }
0x1f3: {  	v25 =	vor.u32 v24, v35;
	v31 =	vor.u32 v20, v8;
	v29 =	vadd.f32 v26, v29  }
0x1f4: {  	v30 =	vld.idx.msk [tilespmem:v30+s9+$0x0], $0xffff;
	v61 =	vor.u32 v21, v8;
	v26 =	vmul.f32 v26, v26;
	v23 =	vadd.f32 v23, v22  }
0x1f5: {  	v22 =	vshll.u32 v27, $0x6;
	v27 =	vor.u32 v24, v31;
	v29 =	vadd.f32 v28, v29  }
0x1f6: {  	v31 =	vld.idx.msk [tilespmem:v59+s9+$0x0], $0xffff;
	v32 =	vor.u32 v24, v61;
	v28 =	vmul.f32 v28, v28  }
0x1f7: {  	v26 =	vadd.f32 v26, v23;
	v23 =	vshll.u32 v58, $0x6;
	v29 =	vadd.f32 v60, v29  }
0x1f8: {  	v33 =	vmul.f32 v60, v60;
	v62 =	vld.idx.msk [tilespmem:v25+s9+$0x0], $0xffff;
	v25 =	vor.u32 v22, v8;
	v8 =	vor.u32 v23, v8  }
0x1f9: {  	v26 =	vadd.f32 v28, v26;
	v28 =	vor.u32 v24, v25;
	v25 =	vadd.f32 v30, v29  }
0x1fa: {  	v24 =	vor.u32 v24, v8;
	v27 =	vld.idx.msk [tilespmem:v27+s9+$0x0], $0xffff  }
0x1fb: {  	v8 =	vmul.f32 v30, v30;
	v26 =	vadd.f32 v33, v26;
	v29 =	vadd.f32 v31, v25  }
0x1fc: {  	v25 =	vld.idx.msk [tilespmem:v32+s9+$0x0], $0xffff  }
0x1fd: {  	v30 =	vmul.f32 v31, v31;
	v31 =	vadd.f32 v8, v26;
	v63 =	vadd.f32 v62, v29  }
0x1fe: {  	v8 =	vimm.f32 $0.0e+00;
	v26 =	vld.idx.msk [tilespmem:v28+s9+$0x0], $0xffff;
	v29 =	vmul.f32 v62, v62  }
0x1ff: {  	s14 =	simm.s32 $0x1;
	s15 =	simm.s32 $0x2;
	v30 =	vadd.f32 v30, v31;
	v28 =	vmul.f32 v27, v27;
	v32 =	vadd.f32 v27, v63;
	v27 =	vld.idx.msk [tilespmem:v24+s9+$0x0], $0xffff  }
.LBB2_8:
0x200: {  	p0 =	sne.s32 s15, $0x3F;
	v33 =	vshll.u32 v4, $0x7;
	v4 =	vadd.s32 s14, v0;
	v24 =	vor.u32 $0x30, v0;
	s14 =	smov.u32 s15  }
0x201: {  	v31 =	vand.u32 $0x38, v4;
	v34 =	vadd.f32 v25, v32;
	v33 =	vand.u32 $0x1F80, v33  }
0x202: {  	v32 =	vand.u32 $0x7, v4;
	v35 =	vor.u32 v3, v31;
	v33 =	vor.u32 v24, v33  }
0x203: {  	v36 =	vor.u32 v2, v31;
	v35 =	vor.u32 v32, v35;
	v34 =	vadd.f32 v26, v34  }
0x204: {  	v29 =	vadd.f32 v29, v30;
	v25 =	vmul.f32 v25, v25;
	v36 =	vor.u32 v32, v36  }
0x205: {  	v30 =	vor.u32 v5, v31;
	v26 =	vmul.f32 v26, v26;
	v34 =	vadd.f32 v27, v34  }
0x206: {  	v28 =	vadd.f32 v28, v29;
	v30 =	vor.u32 v32, v30;
	v27 =	vmul.f32 v27, v27  }
0x207: {  	v29 =	vor.u32 v6, v31;
	[tilespmem:v33+s11+$0x0] =	vst.idx.msk $0xffff, v34  }
0x208: {  	v29 =	vor.u32 v32, v29;
	v25 =	vadd.f32 v25, v28;
	v33 =	vld.idx.msk [tilespmem:v35+s9+$0x0], $0xffff  }
0x209: {  	v34 =	vor.u32 v7, v31;
	v28 =	vld.idx.msk [tilespmem:v36+s9+$0x0], $0xffff  }
0x20a: {  	v25 =	vadd.f32 v26, v25;
	v34 =	vor.u32 v32, v34  }
0x20b: {  	v26 =	vld.idx.msk [tilespmem:v30+s9+$0x0], $0xffff;
	v30 =	vor.u32 v9, v31  }
0x20c: {  	v25 =	vadd.f32 v27, v25;
	v30 =	vor.u32 v32, v30  }
0x20d: {  	v27 =	vld.idx.msk [tilespmem:v29+s9+$0x0], $0xffff;
	v29 =	vor.u32 v12, v31  }
0x20e: {  	v8 =	vadd.f32 v25, v8;
	v35 =	vmul.f32 v33, v33;
	v29 =	vor.u32 v32, v29  }
0x20f: {  	v25 =	vmul.f32 v28, v28;
	v28 =	vadd.f32 v33, v28;
	v33 =	vld.idx.msk [tilespmem:v34+s9+$0x0], $0xffff;
	v34 =	vor.u32 v10, v31  }
0x210: {  	v34 =	vor.u32 v32, v34  }
0x211: {  	v25 =	vadd.f32 v35, v25;
	v28 =	vadd.f32 v26, v28;
	v35 =	vor.u32 v11, v31;
	v30 =	vld.idx.msk [tilespmem:v30+s9+$0x0], $0xffff  }
0x212: {  	v26 =	vmul.f32 v26, v26;
	v35 =	vor.u32 v32, v35  }
0x213: {  	v36 =	vor.u32 v13, v31;
	v28 =	vadd.f32 v27, v28;
	v27 =	vmul.f32 v27, v27;
	v29 =	vld.idx.msk [tilespmem:v29+s9+$0x0], $0xffff  }
0x214: {  	v25 =	vadd.f32 v26, v25;
	v26 =	vor.u32 v32, v36  }
0x215: {  	v36 =	vor.u32 v14, v31;
	v28 =	vadd.f32 v33, v28;
	v33 =	vmul.f32 v33, v33;
	v34 =	vld.idx.msk [tilespmem:v34+s9+$0x0], $0xffff  }
0x216: {  	v25 =	vadd.f32 v27, v25;
	v27 =	vor.u32 v32, v36  }
0x217: {  	v36 =	vor.u32 v15, v31;
	v28 =	vadd.f32 v30, v28;
	v30 =	vmul.f32 v30, v30;
	v35 =	vld.idx.msk [tilespmem:v35+s9+$0x0], $0xffff  }
0x218: {  	v25 =	vadd.f32 v33, v25;
	v33 =	vor.u32 v32, v36  }
0x219: {  	v36 =	vor.u32 v16, v31;
	v28 =	vadd.f32 v29, v28;
	v29 =	vmul.f32 v29, v29;
	v26 =	vld.idx.msk [tilespmem:v26+s9+$0x0], $0xffff  }
0x21a: {  	v25 =	vadd.f32 v30, v25;
	v30 =	vor.u32 v32, v36  }
0x21b: {  	v36 =	vor.u32 v17, v31;
	v28 =	vadd.f32 v34, v28;
	v34 =	vmul.f32 v34, v34;
	v27 =	vld.idx.msk [tilespmem:v27+s9+$0x0], $0xffff  }
0x21c: {  	v25 =	vadd.f32 v29, v25;
	v29 =	vor.u32 v32, v36  }
0x21d: {  	v36 =	vor.u32 v18, v31;
	v28 =	vadd.f32 v35, v28;
	v35 =	vmul.f32 v35, v35;
	v33 =	vld.idx.msk [tilespmem:v33+s9+$0x0], $0xffff  }
0x21e: {  	v25 =	vadd.f32 v34, v25;
	v34 =	vor.u32 v32, v36  }
0x21f: {  	v36 =	vor.u32 v19, v31;
	v28 =	vadd.f32 v26, v28;
	v26 =	vmul.f32 v26, v26;
	v30 =	vld.idx.msk [tilespmem:v30+s9+$0x0], $0xffff  }
0x220: {  	v25 =	vadd.f32 v35, v25;
	v35 =	vor.u32 v32, v36  }
0x221: {  	v36 =	vor.u32 v20, v31;
	v28 =	vadd.f32 v27, v28;
	v27 =	vmul.f32 v27, v27;
	v29 =	vld.idx.msk [tilespmem:v29+s9+$0x0], $0xffff  }
0x222: {  	v25 =	vadd.f32 v26, v25;
	v26 =	vor.u32 v32, v36  }
0x223: {  	v36 =	vor.u32 v21, v31;
	v28 =	vadd.f32 v33, v28;
	v33 =	vmul.f32 v33, v33;
	v34 =	vld.idx.msk [tilespmem:v34+s9+$0x0], $0xffff  }
0x224: {  	v25 =	vadd.f32 v27, v25;
	v27 =	vor.u32 v32, v36  }
0x225: {  	v36 =	vor.u32 v22, v31;
	v28 =	vadd.f32 v30, v28;
	v30 =	vmul.f32 v30, v30;
	v35 =	vld.idx.msk [tilespmem:v35+s9+$0x0], $0xffff  }
0x226: {  	v25 =	vadd.f32 v33, v25;
	v33 =	vor.u32 v32, v36  }
0x227: {  	v28 =	vadd.f32 v29, v28;
	v29 =	vmul.f32 v29, v29;
	v36 =	vld.idx.msk [tilespmem:v26+s9+$0x0], $0xffff;
	v26 =	vor.u32 v23, v31  }
0x228: {  	v30 =	vadd.f32 v30, v25;
	v31 =	vor.u32 v32, v26  }
.Ltmp3:
0x229: {  	v26 =	vadd.f32 v34, v28;
	v28 =	vmul.f32 v34, v34;
	v25 =	vld.idx.msk [tilespmem:v27+s9+$0x0], $0xffff;
	(pc) =	sbr.rel @p0 .LBB2_8-.Ltmp3, $4  }
0x22a: {  	v27 =	vadd.f32 v29, v30  }
0x22b: {  	v32 =	vadd.f32 v35, v26;
	v29 =	vmul.f32 v35, v35;
	v26 =	vld.idx.msk [tilespmem:v33+s9+$0x0], $0xffff  }
0x22c: {  	v30 =	vadd.f32 v28, v27  }
0x22d: {  	s15 =	sadd.s32 $0x1, s15;
	v32 =	vadd.f32 v36, v32;
	v28 =	vmul.f32 v36, v36;
	v27 =	vld.idx.msk [tilespmem:v31+s9+$0x0], $0xffff  }
0x22e: {  	v31 =	vadd.s32 s14, v0;
	v4 =	vshll.u32 v4, $0x7  }
0x22f: {  	v33 =	vand.u32 $0x38, v31;
	v32 =	vadd.f32 v25, v32;
	v4 =	vand.u32 $0x1F80, v4  }
0x230: {  	v34 =	vand.u32 $0x7, v31;
	v3 =	vor.u32 v3, v33;
	v4 =	vor.u32 v24, v4  }
0x231: {  	v2 =	vor.u32 v2, v33;
	v3 =	vor.u32 v34, v3;
	v32 =	vadd.f32 v26, v32  }
0x232: {  	v2 =	vor.u32 v34, v2  }
0x233: {  	v5 =	vor.u32 v5, v33;
	v32 =	vadd.f32 v27, v32  }
0x234: {  	v5 =	vor.u32 v34, v5  }
0x235: {  	v6 =	vor.u32 v6, v33;
	[tilespmem:v4+s11+$0x0] =	vst.idx.msk $0xffff, v32  }
0x236: {  	v4 =	vor.u32 v34, v6;
	v3 =	vld.idx.msk [tilespmem:v3+s9+$0x0], $0xffff  }
0x237: {  	v6 =	vor.u32 v7, v33;
	v2 =	vld.idx.msk [tilespmem:v2+s9+$0x0], $0xffff  }
0x238: {  	v6 =	vor.u32 v34, v6  }
0x239: {  	v7 =	vor.u32 v9, v33;
	v5 =	vld.idx.msk [tilespmem:v5+s9+$0x0], $0xffff  }
0x23a: {  	v7 =	vor.u32 v34, v7  }
0x23b: {  	v9 =	vor.u32 v12, v33;
	v4 =	vld.idx.msk [tilespmem:v4+s9+$0x0], $0xffff  }
0x23c: {  	v9 =	vor.u32 v34, v9;
	v12 =	vadd.f32 v3, v2  }
0x23d: {  	v10 =	vor.u32 v10, v33;
	v6 =	vld.idx.msk [tilespmem:v6+s9+$0x0], $0xffff  }
0x23e: {  	v10 =	vor.u32 v34, v10;
	v12 =	vadd.f32 v5, v12  }
0x23f: {  	v11 =	vor.u32 v11, v33;
	v7 =	vld.idx.msk [tilespmem:v7+s9+$0x0], $0xffff  }
0x240: {  	v11 =	vor.u32 v34, v11;
	v12 =	vadd.f32 v4, v12  }
0x241: {  	v13 =	vor.u32 v13, v33;
	v9 =	vld.idx.msk [tilespmem:v9+s9+$0x0], $0xffff  }
0x242: {  	v13 =	vor.u32 v34, v13;
	v12 =	vadd.f32 v6, v12  }
0x243: {  	v14 =	vor.u32 v14, v33;
	v10 =	vld.idx.msk [tilespmem:v10+s9+$0x0], $0xffff;
	v3 =	vmul.f32 v3, v3;
	v2 =	vmul.f32 v2, v2  }
0x244: {  	v14 =	vor.u32 v34, v14;
	v12 =	vadd.f32 v7, v12  }
0x245: {  	v2 =	vadd.f32 v3, v2;
	v3 =	vld.idx.msk [tilespmem:v11+s9+$0x0], $0xffff;
	v11 =	vor.u32 v15, v33  }
0x246: {  	v5 =	vmul.f32 v5, v5;
	v11 =	vor.u32 v34, v11;
	v12 =	vadd.f32 v9, v12  }
0x247: {  	v13 =	vld.idx.msk [tilespmem:v13+s9+$0x0], $0xffff;
	v15 =	vor.u32 v16, v33;
	v4 =	vmul.f32 v4, v4  }
0x248: {  	v2 =	vadd.f32 v5, v2;
	v5 =	vor.u32 v34, v15;
	v12 =	vadd.f32 v10, v12  }
0x249: {  	v14 =	vld.idx.msk [tilespmem:v14+s9+$0x0], $0xffff;
	v15 =	vor.u32 v17, v33;
	v6 =	vmul.f32 v6, v6  }
0x24a: {  	v2 =	vadd.f32 v4, v2;
	v4 =	vor.u32 v34, v15;
	v12 =	vadd.f32 v3, v12  }
0x24b: {  	v15 =	vor.u32 v18, v33;
	v7 =	vmul.f32 v7, v7;
	v11 =	vld.idx.msk [tilespmem:v11+s9+$0x0], $0xffff  }
0x24c: {  	v2 =	vadd.f32 v6, v2;
	v6 =	vor.u32 v34, v15;
	v12 =	vadd.f32 v13, v12  }
0x24d: {  	v15 =	vor.u32 v19, v33;
	v5 =	vld.idx.msk [tilespmem:v5+s9+$0x0], $0xffff;
	v9 =	vmul.f32 v9, v9  }
0x24e: {  	v2 =	vadd.f32 v7, v2;
	v7 =	vor.u32 v34, v15;
	v12 =	vadd.f32 v14, v12  }
0x24f: {  	v15 =	vor.u32 v20, v33;
	v4 =	vld.idx.msk [tilespmem:v4+s9+$0x0], $0xffff;
	v10 =	vmul.f32 v10, v10  }
0x250: {  	v2 =	vadd.f32 v9, v2;
	v9 =	vor.u32 v34, v15;
	v12 =	vadd.f32 v11, v12  }
0x251: {  	v15 =	vor.u32 v21, v33;
	v6 =	vld.idx.msk [tilespmem:v6+s9+$0x0], $0xffff;
	v3 =	vmul.f32 v3, v3  }
0x252: {  	v2 =	vadd.f32 v10, v2;
	v10 =	vor.u32 v34, v15;
	v12 =	vadd.f32 v5, v12  }
0x253: {  	v15 =	vor.u32 v22, v33;
	v7 =	vld.idx.msk [tilespmem:v7+s9+$0x0], $0xffff;
	v13 =	vmul.f32 v13, v13  }
0x254: {  	v2 =	vadd.f32 v3, v2;
	v3 =	vor.u32 v34, v15;
	v12 =	vadd.f32 v4, v12  }
0x255: {  	v15 =	vor.u32 v23, v33;
	v9 =	vld.idx.msk [tilespmem:v9+s9+$0x0], $0xffff;
	v14 =	vmul.f32 v14, v14  }
0x256: {  	v2 =	vadd.f32 v13, v2;
	v13 =	vor.u32 v34, v15;
	v12 =	vadd.f32 v6, v12  }
0x257: {  	v10 =	vld.idx.msk [tilespmem:v10+s9+$0x0], $0xffff  }
0x258: {  	v11 =	vmul.f32 v11, v11;
	v2 =	vadd.f32 v14, v2;
	v12 =	vadd.f32 v7, v12  }
0x259: {  	v3 =	vld.idx.msk [tilespmem:v3+s9+$0x0], $0xffff  }
0x25a: {  	v5 =	vmul.f32 v5, v5;
	v2 =	vadd.f32 v11, v2;
	v11 =	vadd.f32 v9, v12  }
0x25b: {  	v4 =	vmul.f32 v4, v4;
	v12 =	vld.idx.msk [tilespmem:v13+s9+$0x0], $0xffff;
	v13 =	vshll.u32 v31, $0x7  }
0x25c: {  	v2 =	vadd.f32 v5, v2;
	v5 =	vadd.f32 v10, v11;
	v11 =	vand.u32 $0x1F80, v13  }
0x25d: {  	v13 =	vadd.f32 v29, v30;
	v11 =	vor.u32 v24, v11  }
0x25e: {  	v6 =	vmul.f32 v6, v6;
	v2 =	vadd.f32 v4, v2;
	v4 =	vadd.f32 v3, v5  }
0x25f: {  	v5 =	vmul.f32 v25, v25;
	v13 =	vadd.f32 v28, v13  }
0x260: {  	v7 =	vmul.f32 v7, v7;
	v2 =	vadd.f32 v6, v2;
	v4 =	vadd.f32 v12, v4  }
0x261: {  	v6 =	vmul.f32 v26, v26;
	v5 =	vadd.f32 v5, v13  }
0x262: {  	v9 =	vmul.f32 v9, v9;
	v2 =	vadd.f32 v7, v2;
	[tilespmem:v11+s11+$0x0] =	vst.idx.msk $0xffff, v4  }
0x263: {  	v4 =	vmul.f32 v27, v27;
	v5 =	vadd.f32 v6, v5;
	v6 =	vld [tilespmem:$0xC0]  }
0x264: {  	v7 =	vmul.f32 v10, v10;
	v2 =	vadd.f32 v9, v2;
	v9 =	vld [tilespmem:$0x40]  }
0x265: {  	v4 =	vadd.f32 v4, v5  }
0x266: {  	s31 =	simm.s32 $0x0;
	v3 =	vmul.f32 v3, v3;
	v2 =	vadd.f32 v7, v2;
	v5 =	vld [tilespmem:$0x140]  }
0x267: {  	v10 =	vmul.f32 v12, v12;
	v12 =	vld [tilespmem:$0x1C0];
	v7 =	vadd.f32 v4, v8;
	v4 =	vadd.s32 s31, v0  }
0x268: {  	v11 =	vadd.f32 v3, v2;
	v8 =	vand.u32 $0x38, v4;
	v3 =	vshll.u32 v6, $0x6  }
0x269: {  	v14 =	vld [tilespmem:$0x2C0];
	v24 =	vand.u32 $0x7, v4;
	v2 =	vshll.u32 v9, $0x6;
	v6 =	vor.u32 v3, v8  }
0x26a: {  	v9 =	vadd.f32 v10, v11;
	v10 =	vld [tilespmem:$0x240];
	v11 =	vor.u32 v2, v8;
	v13 =	vor.u32 v24, v6  }
0x26b: {  	v15 =	vld [tilespmem:$0x340];
	v5 =	vshll.u32 v5, $0x6;
	v11 =	vor.u32 v24, v11  }
0x26c: {  	v16 =	vld [tilespmem:$0x3C0];
	v7 =	vadd.f32 v9, v7;
	v9 =	vor.u32 v5, v8;
	v6 =	vshll.u32 v12, $0x6  }
0x26d: {  	v17 =	vld [tilespmem:$0x440];
	v12 =	vor.u32 v24, v9;
	v9 =	vor.u32 v6, v8  }
0x26e: {  	v20 =	vld [tilespmem:$0x4C0];
	[tilespmem:$0x12630] =	vst v7;
	v18 =	vor.u32 v24, v9  }
0x26f: {  	v7 =	vshll.u32 v10, $0x6;
	v13 =	vld.idx.msk [tilespmem:v13+s9+$0x0], $0xffff  }
0x270: {  	v10 =	vor.u32 v7, v8;
	v19 =	vld.idx.msk [tilespmem:v11+s9+$0x0], $0xffff  }
0x271: {  	v22 =	vld [tilespmem:$0x540];
	v9 =	vshll.u32 v14, $0x6;
	v14 =	vor.u32 v24, v10  }
0x272: {  	v10 =	vor.u32 v9, v8;
	v21 =	vld.idx.msk [tilespmem:v12+s9+$0x0], $0xffff;
	v12 =	vshll.u32 v15, $0x6  }
0x273: {  	v15 =	vor.u32 v24, v10;
	v10 =	vshll.u32 v16, $0x6;
	v16 =	vld.idx.msk [tilespmem:v18+s9+$0x0], $0xffff;
	v18 =	vor.u32 v12, v8  }
0x274: {  	v23 =	vld [tilespmem:$0x5C0];
	v11 =	vshll.u32 v17, $0x6;
	v17 =	vor.u32 v24, v18  }
0x275: {  	v27 =	vld [tilespmem:$0x640];
	v18 =	vadd.f32 v13, v19;
	v25 =	vmul.f32 v13, v13  }
0x276: {  	v19 =	vmul.f32 v19, v19;
	v26 =	vld.idx.msk [tilespmem:v14+s9+$0x0], $0xffff;
	v14 =	vor.u32 v10, v8;
	v13 =	vshll.u32 v20, $0x6  }
0x277: {  	v28 =	vld [tilespmem:$0x6C0];
	v20 =	vor.u32 v24, v14;
	v14 =	vshll.u32 v22, $0x6;
	v18 =	vadd.f32 v21, v18  }
0x278: {  	v19 =	vadd.f32 v25, v19;
	v25 =	vld.idx.msk [tilespmem:v15+s9+$0x0], $0xffff;
	v15 =	vor.u32 v11, v8;
	v21 =	vmul.f32 v21, v21  }
0x279: {  	v22 =	vor.u32 v24, v15;
	v29 =	vld.idx.msk [tilespmem:v17+s9+$0x0], $0xffff;
	v17 =	vor.u32 v13, v8;
	v18 =	vadd.f32 v16, v18  }
0x27a: {  	v15 =	vshll.u32 v23, $0x6;
	v16 =	vmul.f32 v16, v16;
	v19 =	vadd.f32 v21, v19  }
0x27b: {  	v21 =	vld [tilespmem:$0x740];
	v23 =	vor.u32 v24, v17;
	v31 =	vor.u32 v15, v8;
	v17 =	vadd.f32 v26, v18  }
0x27c: {  	v18 =	vmul.f32 v26, v26;
	v20 =	vld.idx.msk [tilespmem:v20+s9+$0x0], $0xffff;
	v26 =	vor.u32 v14, v8;
	v19 =	vadd.f32 v16, v19  }
0x27d: {  	v30 =	vld [tilespmem:$0x7C0];
	v16 =	vshll.u32 v27, $0x6;
	v26 =	vor.u32 v24, v26;
	v27 =	vadd.f32 v25, v17  }
0x27e: {  	v25 =	vmul.f32 v25, v25;
	v22 =	vld.idx.msk [tilespmem:v22+s9+$0x0], $0xffff;
	v18 =	vadd.f32 v18, v19;
	v17 =	vshll.u32 v28, $0x6  }
0x27f: {  	v32 =	vld [tilespmem:$0x840];
	v28 =	vor.u32 v24, v31;
	v56 =	vor.u32 v17, v8;
	v19 =	vadd.f32 v29, v27  }
0x280: {  	v23 =	vld.idx.msk [tilespmem:v23+s9+$0x0], $0xffff;
	v27 =	vmul.f32 v29, v29;
	v29 =	vor.u32 v16, v8;
	v25 =	vadd.f32 v25, v18  }
0x281: {  	v31 =	vld [tilespmem:$0x8C0];
	v18 =	vshll.u32 v21, $0x6;
	v21 =	vor.u32 v24, v29;
	v29 =	vadd.f32 v20, v19  }
0x282: {  	v57 =	vor.u32 v18, v8;
	v20 =	vmul.f32 v20, v20;
	v26 =	vld.idx.msk [tilespmem:v26+s9+$0x0], $0xffff;
	v25 =	vadd.f32 v27, v25  }
0x283: {  	v27 =	vld [tilespmem:$0x940];
	v19 =	vshll.u32 v30, $0x6;
	v30 =	vor.u32 v24, v56;
	v29 =	vadd.f32 v22, v29  }
0x284: {  	v59 =	vor.u32 v24, v57;
	v28 =	vld.idx.msk [tilespmem:v28+s9+$0x0], $0xffff;
	v22 =	vmul.f32 v22, v22;
	v25 =	vadd.f32 v20, v25  }
0x285: {  	v58 =	vld [tilespmem:$0x9C0];
	v35 =	vor.u32 v19, v8;
	v20 =	vshll.u32 v32, $0x6;
	v29 =	vadd.f32 v23, v29  }
0x286: {  	v23 =	vmul.f32 v23, v23;
	v60 =	vld.idx.msk [tilespmem:v21+s9+$0x0], $0xffff;
	v22 =	vadd.f32 v22, v25;
	v21 =	vshll.u32 v31, $0x6  }
0x287: {  	v25 =	vor.u32 v24, v35;
	v31 =	vor.u32 v20, v8;
	v29 =	vadd.f32 v26, v29  }
0x288: {  	v30 =	vld.idx.msk [tilespmem:v30+s9+$0x0], $0xffff;
	v61 =	vor.u32 v21, v8;
	v26 =	vmul.f32 v26, v26;
	v23 =	vadd.f32 v23, v22  }
0x289: {  	v22 =	vshll.u32 v27, $0x6;
	v27 =	vor.u32 v24, v31;
	v29 =	vadd.f32 v28, v29  }
0x28a: {  	v31 =	vld.idx.msk [tilespmem:v59+s9+$0x0], $0xffff;
	v32 =	vor.u32 v24, v61;
	v28 =	vmul.f32 v28, v28  }
0x28b: {  	v26 =	vadd.f32 v26, v23;
	v23 =	vshll.u32 v58, $0x6;
	v29 =	vadd.f32 v60, v29  }
0x28c: {  	v33 =	vmul.f32 v60, v60;
	v62 =	vld.idx.msk [tilespmem:v25+s9+$0x0], $0xffff;
	v25 =	vor.u32 v22, v8;
	v8 =	vor.u32 v23, v8  }
0x28d: {  	v26 =	vadd.f32 v28, v26;
	v28 =	vor.u32 v24, v25;
	v25 =	vadd.f32 v30, v29  }
0x28e: {  	v24 =	vor.u32 v24, v8;
	v27 =	vld.idx.msk [tilespmem:v27+s9+$0x0], $0xffff  }
0x28f: {  	v8 =	vmul.f32 v30, v30;
	v26 =	vadd.f32 v33, v26;
	v29 =	vadd.f32 v31, v25  }
0x290: {  	v25 =	vld.idx.msk [tilespmem:v32+s9+$0x0], $0xffff  }
0x291: {  	v30 =	vmul.f32 v31, v31;
	v31 =	vadd.f32 v8, v26;
	v63 =	vadd.f32 v62, v29  }
0x292: {  	v8 =	vimm.f32 $0.0e+00;
	v26 =	vld.idx.msk [tilespmem:v28+s9+$0x0], $0xffff;
	v29 =	vmul.f32 v62, v62  }
0x293: {  	s14 =	simm.s32 $0x1;
	s15 =	simm.s32 $0x2;
	v30 =	vadd.f32 v30, v31;
	v28 =	vmul.f32 v27, v27;
	v32 =	vadd.f32 v27, v63;
	v27 =	vld.idx.msk [tilespmem:v24+s9+$0x0], $0xffff  }
.LBB2_10:
0x294: {  	p0 =	sne.s32 s15, $0x3F;
	v33 =	vshll.u32 v4, $0x7;
	v4 =	vadd.s32 s14, v0;
	v24 =	vor.u32 $0x40, v0;
	s14 =	smov.u32 s15  }
0x295: {  	v31 =	vand.u32 $0x38, v4;
	v34 =	vadd.f32 v25, v32;
	v33 =	vand.u32 $0x1F80, v33  }
0x296: {  	v32 =	vand.u32 $0x7, v4;
	v35 =	vor.u32 v3, v31;
	v33 =	vor.u32 v24, v33  }
0x297: {  	v36 =	vor.u32 v2, v31;
	v35 =	vor.u32 v32, v35;
	v34 =	vadd.f32 v26, v34  }
0x298: {  	v29 =	vadd.f32 v29, v30;
	v25 =	vmul.f32 v25, v25;
	v36 =	vor.u32 v32, v36  }
0x299: {  	v30 =	vor.u32 v5, v31;
	v26 =	vmul.f32 v26, v26;
	v34 =	vadd.f32 v27, v34  }
0x29a: {  	v28 =	vadd.f32 v28, v29;
	v30 =	vor.u32 v32, v30;
	v27 =	vmul.f32 v27, v27  }
0x29b: {  	v29 =	vor.u32 v6, v31;
	[tilespmem:v33+s11+$0x0] =	vst.idx.msk $0xffff, v34  }
0x29c: {  	v29 =	vor.u32 v32, v29;
	v25 =	vadd.f32 v25, v28;
	v33 =	vld.idx.msk [tilespmem:v35+s9+$0x0], $0xffff  }
0x29d: {  	v34 =	vor.u32 v7, v31;
	v28 =	vld.idx.msk [tilespmem:v36+s9+$0x0], $0xffff  }
0x29e: {  	v25 =	vadd.f32 v26, v25;
	v34 =	vor.u32 v32, v34  }
0x29f: {  	v26 =	vld.idx.msk [tilespmem:v30+s9+$0x0], $0xffff;
	v30 =	vor.u32 v9, v31  }
0x2a0: {  	v25 =	vadd.f32 v27, v25;
	v30 =	vor.u32 v32, v30  }
0x2a1: {  	v27 =	vld.idx.msk [tilespmem:v29+s9+$0x0], $0xffff;
	v29 =	vor.u32 v12, v31  }
0x2a2: {  	v8 =	vadd.f32 v25, v8;
	v35 =	vmul.f32 v33, v33;
	v29 =	vor.u32 v32, v29  }
0x2a3: {  	v25 =	vmul.f32 v28, v28;
	v28 =	vadd.f32 v33, v28;
	v33 =	vld.idx.msk [tilespmem:v34+s9+$0x0], $0xffff;
	v34 =	vor.u32 v10, v31  }
0x2a4: {  	v34 =	vor.u32 v32, v34  }
0x2a5: {  	v25 =	vadd.f32 v35, v25;
	v28 =	vadd.f32 v26, v28;
	v35 =	vor.u32 v11, v31;
	v30 =	vld.idx.msk [tilespmem:v30+s9+$0x0], $0xffff  }
0x2a6: {  	v26 =	vmul.f32 v26, v26;
	v35 =	vor.u32 v32, v35  }
0x2a7: {  	v36 =	vor.u32 v13, v31;
	v28 =	vadd.f32 v27, v28;
	v27 =	vmul.f32 v27, v27;
	v29 =	vld.idx.msk [tilespmem:v29+s9+$0x0], $0xffff  }
0x2a8: {  	v25 =	vadd.f32 v26, v25;
	v26 =	vor.u32 v32, v36  }
0x2a9: {  	v36 =	vor.u32 v14, v31;
	v28 =	vadd.f32 v33, v28;
	v33 =	vmul.f32 v33, v33;
	v34 =	vld.idx.msk [tilespmem:v34+s9+$0x0], $0xffff  }
0x2aa: {  	v25 =	vadd.f32 v27, v25;
	v27 =	vor.u32 v32, v36  }
0x2ab: {  	v36 =	vor.u32 v15, v31;
	v28 =	vadd.f32 v30, v28;
	v30 =	vmul.f32 v30, v30;
	v35 =	vld.idx.msk [tilespmem:v35+s9+$0x0], $0xffff  }
0x2ac: {  	v25 =	vadd.f32 v33, v25;
	v33 =	vor.u32 v32, v36  }
0x2ad: {  	v36 =	vor.u32 v16, v31;
	v28 =	vadd.f32 v29, v28;
	v29 =	vmul.f32 v29, v29;
	v26 =	vld.idx.msk [tilespmem:v26+s9+$0x0], $0xffff  }
0x2ae: {  	v25 =	vadd.f32 v30, v25;
	v30 =	vor.u32 v32, v36  }
0x2af: {  	v36 =	vor.u32 v17, v31;
	v28 =	vadd.f32 v34, v28;
	v34 =	vmul.f32 v34, v34;
	v27 =	vld.idx.msk [tilespmem:v27+s9+$0x0], $0xffff  }
0x2b0: {  	v25 =	vadd.f32 v29, v25;
	v29 =	vor.u32 v32, v36  }
0x2b1: {  	v36 =	vor.u32 v18, v31;
	v28 =	vadd.f32 v35, v28;
	v35 =	vmul.f32 v35, v35;
	v33 =	vld.idx.msk [tilespmem:v33+s9+$0x0], $0xffff  }
0x2b2: {  	v25 =	vadd.f32 v34, v25;
	v34 =	vor.u32 v32, v36  }
0x2b3: {  	v36 =	vor.u32 v19, v31;
	v28 =	vadd.f32 v26, v28;
	v26 =	vmul.f32 v26, v26;
	v30 =	vld.idx.msk [tilespmem:v30+s9+$0x0], $0xffff  }
0x2b4: {  	v25 =	vadd.f32 v35, v25;
	v35 =	vor.u32 v32, v36  }
0x2b5: {  	v36 =	vor.u32 v20, v31;
	v28 =	vadd.f32 v27, v28;
	v27 =	vmul.f32 v27, v27;
	v29 =	vld.idx.msk [tilespmem:v29+s9+$0x0], $0xffff  }
0x2b6: {  	v25 =	vadd.f32 v26, v25;
	v26 =	vor.u32 v32, v36  }
0x2b7: {  	v36 =	vor.u32 v21, v31;
	v28 =	vadd.f32 v33, v28;
	v33 =	vmul.f32 v33, v33;
	v34 =	vld.idx.msk [tilespmem:v34+s9+$0x0], $0xffff  }
0x2b8: {  	v25 =	vadd.f32 v27, v25;
	v27 =	vor.u32 v32, v36  }
0x2b9: {  	v36 =	vor.u32 v22, v31;
	v28 =	vadd.f32 v30, v28;
	v30 =	vmul.f32 v30, v30;
	v35 =	vld.idx.msk [tilespmem:v35+s9+$0x0], $0xffff  }
0x2ba: {  	v25 =	vadd.f32 v33, v25;
	v33 =	vor.u32 v32, v36  }
0x2bb: {  	v28 =	vadd.f32 v29, v28;
	v29 =	vmul.f32 v29, v29;
	v36 =	vld.idx.msk [tilespmem:v26+s9+$0x0], $0xffff;
	v26 =	vor.u32 v23, v31  }
0x2bc: {  	v30 =	vadd.f32 v30, v25;
	v31 =	vor.u32 v32, v26  }
.Ltmp4:
0x2bd: {  	v26 =	vadd.f32 v34, v28;
	v28 =	vmul.f32 v34, v34;
	v25 =	vld.idx.msk [tilespmem:v27+s9+$0x0], $0xffff;
	(pc) =	sbr.rel @p0 .LBB2_10-.Ltmp4, $4  }
0x2be: {  	v27 =	vadd.f32 v29, v30  }
0x2bf: {  	v32 =	vadd.f32 v35, v26;
	v29 =	vmul.f32 v35, v35;
	v26 =	vld.idx.msk [tilespmem:v33+s9+$0x0], $0xffff  }
0x2c0: {  	v30 =	vadd.f32 v28, v27  }
0x2c1: {  	s15 =	sadd.s32 $0x1, s15;
	v32 =	vadd.f32 v36, v32;
	v28 =	vmul.f32 v36, v36;
	v27 =	vld.idx.msk [tilespmem:v31+s9+$0x0], $0xffff  }
0x2c2: {  	v31 =	vadd.s32 s14, v0;
	v4 =	vshll.u32 v4, $0x7  }
0x2c3: {  	v33 =	vand.u32 $0x38, v31;
	v32 =	vadd.f32 v25, v32;
	v4 =	vand.u32 $0x1F80, v4  }
0x2c4: {  	v34 =	vand.u32 $0x7, v31;
	v3 =	vor.u32 v3, v33;
	v4 =	vor.u32 v24, v4  }
0x2c5: {  	v2 =	vor.u32 v2, v33;
	v3 =	vor.u32 v34, v3;
	v32 =	vadd.f32 v26, v32  }
0x2c6: {  	v2 =	vor.u32 v34, v2  }
0x2c7: {  	v5 =	vor.u32 v5, v33;
	v32 =	vadd.f32 v27, v32  }
0x2c8: {  	v5 =	vor.u32 v34, v5  }
0x2c9: {  	v6 =	vor.u32 v6, v33;
	[tilespmem:v4+s11+$0x0] =	vst.idx.msk $0xffff, v32  }
0x2ca: {  	v4 =	vor.u32 v34, v6;
	v3 =	vld.idx.msk [tilespmem:v3+s9+$0x0], $0xffff  }
0x2cb: {  	v6 =	vor.u32 v7, v33;
	v2 =	vld.idx.msk [tilespmem:v2+s9+$0x0], $0xffff  }
0x2cc: {  	v6 =	vor.u32 v34, v6  }
0x2cd: {  	v7 =	vor.u32 v9, v33;
	v5 =	vld.idx.msk [tilespmem:v5+s9+$0x0], $0xffff  }
0x2ce: {  	v7 =	vor.u32 v34, v7  }
0x2cf: {  	v9 =	vor.u32 v12, v33;
	v4 =	vld.idx.msk [tilespmem:v4+s9+$0x0], $0xffff  }
0x2d0: {  	v9 =	vor.u32 v34, v9;
	v12 =	vadd.f32 v3, v2  }
0x2d1: {  	v10 =	vor.u32 v10, v33;
	v6 =	vld.idx.msk [tilespmem:v6+s9+$0x0], $0xffff  }
0x2d2: {  	v10 =	vor.u32 v34, v10;
	v12 =	vadd.f32 v5, v12  }
0x2d3: {  	v11 =	vor.u32 v11, v33;
	v7 =	vld.idx.msk [tilespmem:v7+s9+$0x0], $0xffff  }
0x2d4: {  	v11 =	vor.u32 v34, v11;
	v12 =	vadd.f32 v4, v12  }
0x2d5: {  	v13 =	vor.u32 v13, v33;
	v9 =	vld.idx.msk [tilespmem:v9+s9+$0x0], $0xffff  }
0x2d6: {  	v13 =	vor.u32 v34, v13;
	v12 =	vadd.f32 v6, v12  }
0x2d7: {  	v14 =	vor.u32 v14, v33;
	v10 =	vld.idx.msk [tilespmem:v10+s9+$0x0], $0xffff;
	v3 =	vmul.f32 v3, v3;
	v2 =	vmul.f32 v2, v2  }
0x2d8: {  	v14 =	vor.u32 v34, v14;
	v12 =	vadd.f32 v7, v12  }
0x2d9: {  	v2 =	vadd.f32 v3, v2;
	v3 =	vld.idx.msk [tilespmem:v11+s9+$0x0], $0xffff;
	v11 =	vor.u32 v15, v33  }
0x2da: {  	v5 =	vmul.f32 v5, v5;
	v11 =	vor.u32 v34, v11;
	v12 =	vadd.f32 v9, v12  }
0x2db: {  	v13 =	vld.idx.msk [tilespmem:v13+s9+$0x0], $0xffff;
	v15 =	vor.u32 v16, v33;
	v4 =	vmul.f32 v4, v4  }
0x2dc: {  	v2 =	vadd.f32 v5, v2;
	v5 =	vor.u32 v34, v15;
	v12 =	vadd.f32 v10, v12  }
0x2dd: {  	v14 =	vld.idx.msk [tilespmem:v14+s9+$0x0], $0xffff;
	v15 =	vor.u32 v17, v33;
	v6 =	vmul.f32 v6, v6  }
0x2de: {  	v2 =	vadd.f32 v4, v2;
	v4 =	vor.u32 v34, v15;
	v12 =	vadd.f32 v3, v12  }
0x2df: {  	v15 =	vor.u32 v18, v33;
	v7 =	vmul.f32 v7, v7;
	v11 =	vld.idx.msk [tilespmem:v11+s9+$0x0], $0xffff  }
0x2e0: {  	v2 =	vadd.f32 v6, v2;
	v6 =	vor.u32 v34, v15;
	v12 =	vadd.f32 v13, v12  }
0x2e1: {  	v15 =	vor.u32 v19, v33;
	v5 =	vld.idx.msk [tilespmem:v5+s9+$0x0], $0xffff;
	v9 =	vmul.f32 v9, v9  }
0x2e2: {  	v2 =	vadd.f32 v7, v2;
	v7 =	vor.u32 v34, v15;
	v12 =	vadd.f32 v14, v12  }
0x2e3: {  	v15 =	vor.u32 v20, v33;
	v4 =	vld.idx.msk [tilespmem:v4+s9+$0x0], $0xffff;
	v10 =	vmul.f32 v10, v10  }
0x2e4: {  	v2 =	vadd.f32 v9, v2;
	v9 =	vor.u32 v34, v15;
	v12 =	vadd.f32 v11, v12  }
0x2e5: {  	v15 =	vor.u32 v21, v33;
	v6 =	vld.idx.msk [tilespmem:v6+s9+$0x0], $0xffff;
	v3 =	vmul.f32 v3, v3  }
0x2e6: {  	v2 =	vadd.f32 v10, v2;
	v10 =	vor.u32 v34, v15;
	v12 =	vadd.f32 v5, v12  }
0x2e7: {  	v15 =	vor.u32 v22, v33;
	v7 =	vld.idx.msk [tilespmem:v7+s9+$0x0], $0xffff;
	v13 =	vmul.f32 v13, v13  }
0x2e8: {  	v2 =	vadd.f32 v3, v2;
	v3 =	vor.u32 v34, v15;
	v12 =	vadd.f32 v4, v12  }
0x2e9: {  	v15 =	vor.u32 v23, v33;
	v9 =	vld.idx.msk [tilespmem:v9+s9+$0x0], $0xffff;
	v14 =	vmul.f32 v14, v14  }
0x2ea: {  	v2 =	vadd.f32 v13, v2;
	v13 =	vor.u32 v34, v15;
	v12 =	vadd.f32 v6, v12  }
0x2eb: {  	v10 =	vld.idx.msk [tilespmem:v10+s9+$0x0], $0xffff  }
0x2ec: {  	v11 =	vmul.f32 v11, v11;
	v2 =	vadd.f32 v14, v2;
	v12 =	vadd.f32 v7, v12  }
0x2ed: {  	v3 =	vld.idx.msk [tilespmem:v3+s9+$0x0], $0xffff  }
0x2ee: {  	v5 =	vmul.f32 v5, v5;
	v2 =	vadd.f32 v11, v2;
	v11 =	vadd.f32 v9, v12  }
0x2ef: {  	v4 =	vmul.f32 v4, v4;
	v12 =	vld.idx.msk [tilespmem:v13+s9+$0x0], $0xffff;
	v13 =	vshll.u32 v31, $0x7  }
0x2f0: {  	v2 =	vadd.f32 v5, v2;
	v5 =	vadd.f32 v10, v11;
	v11 =	vand.u32 $0x1F80, v13  }
0x2f1: {  	v13 =	vadd.f32 v29, v30;
	v11 =	vor.u32 v24, v11  }
0x2f2: {  	v6 =	vmul.f32 v6, v6;
	v2 =	vadd.f32 v4, v2;
	v4 =	vadd.f32 v3, v5  }
0x2f3: {  	v5 =	vmul.f32 v25, v25;
	v13 =	vadd.f32 v28, v13  }
0x2f4: {  	v7 =	vmul.f32 v7, v7;
	v2 =	vadd.f32 v6, v2;
	v4 =	vadd.f32 v12, v4  }
0x2f5: {  	v6 =	vmul.f32 v26, v26;
	v5 =	vadd.f32 v5, v13  }
0x2f6: {  	v9 =	vmul.f32 v9, v9;
	v2 =	vadd.f32 v7, v2;
	[tilespmem:v11+s11+$0x0] =	vst.idx.msk $0xffff, v4  }
0x2f7: {  	v4 =	vmul.f32 v27, v27;
	v5 =	vadd.f32 v6, v5;
	v6 =	vld [tilespmem:$0xD0]  }
0x2f8: {  	v7 =	vmul.f32 v10, v10;
	v2 =	vadd.f32 v9, v2;
	v9 =	vld [tilespmem:$0x50]  }
0x2f9: {  	v4 =	vadd.f32 v4, v5  }
0x2fa: {  	s31 =	simm.s32 $0x0;
	v3 =	vmul.f32 v3, v3;
	v2 =	vadd.f32 v7, v2;
	v5 =	vld [tilespmem:$0x150]  }
0x2fb: {  	v10 =	vmul.f32 v12, v12;
	v12 =	vld [tilespmem:$0x1D0];
	v7 =	vadd.f32 v4, v8;
	v4 =	vadd.s32 s31, v0  }
0x2fc: {  	v11 =	vadd.f32 v3, v2;
	v8 =	vand.u32 $0x38, v4;
	v3 =	vshll.u32 v6, $0x6  }
0x2fd: {  	v14 =	vld [tilespmem:$0x2D0];
	v24 =	vand.u32 $0x7, v4;
	v2 =	vshll.u32 v9, $0x6;
	v6 =	vor.u32 v3, v8  }
0x2fe: {  	v9 =	vadd.f32 v10, v11;
	v10 =	vld [tilespmem:$0x250];
	v11 =	vor.u32 v2, v8;
	v13 =	vor.u32 v24, v6  }
0x2ff: {  	v15 =	vld [tilespmem:$0x350];
	v5 =	vshll.u32 v5, $0x6;
	v11 =	vor.u32 v24, v11  }
0x300: {  	v16 =	vld [tilespmem:$0x3D0];
	v7 =	vadd.f32 v9, v7;
	v9 =	vor.u32 v5, v8;
	v6 =	vshll.u32 v12, $0x6  }
0x301: {  	v17 =	vld [tilespmem:$0x450];
	v12 =	vor.u32 v24, v9;
	v9 =	vor.u32 v6, v8  }
0x302: {  	v20 =	vld [tilespmem:$0x4D0];
	[tilespmem:$0x12640] =	vst v7;
	v18 =	vor.u32 v24, v9  }
0x303: {  	v7 =	vshll.u32 v10, $0x6;
	v13 =	vld.idx.msk [tilespmem:v13+s9+$0x0], $0xffff  }
0x304: {  	v10 =	vor.u32 v7, v8;
	v19 =	vld.idx.msk [tilespmem:v11+s9+$0x0], $0xffff  }
0x305: {  	v22 =	vld [tilespmem:$0x550];
	v9 =	vshll.u32 v14, $0x6;
	v14 =	vor.u32 v24, v10  }
0x306: {  	v10 =	vor.u32 v9, v8;
	v21 =	vld.idx.msk [tilespmem:v12+s9+$0x0], $0xffff;
	v12 =	vshll.u32 v15, $0x6  }
0x307: {  	v15 =	vor.u32 v24, v10;
	v10 =	vshll.u32 v16, $0x6;
	v16 =	vld.idx.msk [tilespmem:v18+s9+$0x0], $0xffff;
	v18 =	vor.u32 v12, v8  }
0x308: {  	v23 =	vld [tilespmem:$0x5D0];
	v11 =	vshll.u32 v17, $0x6;
	v17 =	vor.u32 v24, v18  }
0x309: {  	v27 =	vld [tilespmem:$0x650];
	v18 =	vadd.f32 v13, v19;
	v25 =	vmul.f32 v13, v13  }
0x30a: {  	v19 =	vmul.f32 v19, v19;
	v26 =	vld.idx.msk [tilespmem:v14+s9+$0x0], $0xffff;
	v14 =	vor.u32 v10, v8;
	v13 =	vshll.u32 v20, $0x6  }
0x30b: {  	v28 =	vld [tilespmem:$0x6D0];
	v20 =	vor.u32 v24, v14;
	v14 =	vshll.u32 v22, $0x6;
	v18 =	vadd.f32 v21, v18  }
0x30c: {  	v19 =	vadd.f32 v25, v19;
	v25 =	vld.idx.msk [tilespmem:v15+s9+$0x0], $0xffff;
	v15 =	vor.u32 v11, v8;
	v21 =	vmul.f32 v21, v21  }
0x30d: {  	v22 =	vor.u32 v24, v15;
	v29 =	vld.idx.msk [tilespmem:v17+s9+$0x0], $0xffff;
	v17 =	vor.u32 v13, v8;
	v18 =	vadd.f32 v16, v18  }
0x30e: {  	v15 =	vshll.u32 v23, $0x6;
	v16 =	vmul.f32 v16, v16;
	v19 =	vadd.f32 v21, v19  }
0x30f: {  	v21 =	vld [tilespmem:$0x750];
	v23 =	vor.u32 v24, v17;
	v31 =	vor.u32 v15, v8;
	v17 =	vadd.f32 v26, v18  }
0x310: {  	v18 =	vmul.f32 v26, v26;
	v20 =	vld.idx.msk [tilespmem:v20+s9+$0x0], $0xffff;
	v26 =	vor.u32 v14, v8;
	v19 =	vadd.f32 v16, v19  }
0x311: {  	v30 =	vld [tilespmem:$0x7D0];
	v16 =	vshll.u32 v27, $0x6;
	v26 =	vor.u32 v24, v26;
	v27 =	vadd.f32 v25, v17  }
0x312: {  	v25 =	vmul.f32 v25, v25;
	v22 =	vld.idx.msk [tilespmem:v22+s9+$0x0], $0xffff;
	v18 =	vadd.f32 v18, v19;
	v17 =	vshll.u32 v28, $0x6  }
0x313: {  	v32 =	vld [tilespmem:$0x850];
	v28 =	vor.u32 v24, v31;
	v56 =	vor.u32 v17, v8;
	v19 =	vadd.f32 v29, v27  }
0x314: {  	v23 =	vld.idx.msk [tilespmem:v23+s9+$0x0], $0xffff;
	v27 =	vmul.f32 v29, v29;
	v29 =	vor.u32 v16, v8;
	v25 =	vadd.f32 v25, v18  }
0x315: {  	v31 =	vld [tilespmem:$0x8D0];
	v18 =	vshll.u32 v21, $0x6;
	v21 =	vor.u32 v24, v29;
	v29 =	vadd.f32 v20, v19  }
0x316: {  	v57 =	vor.u32 v18, v8;
	v20 =	vmul.f32 v20, v20;
	v26 =	vld.idx.msk [tilespmem:v26+s9+$0x0], $0xffff;
	v25 =	vadd.f32 v27, v25  }
0x317: {  	v27 =	vld [tilespmem:$0x950];
	v19 =	vshll.u32 v30, $0x6;
	v30 =	vor.u32 v24, v56;
	v29 =	vadd.f32 v22, v29  }
0x318: {  	v59 =	vor.u32 v24, v57;
	v28 =	vld.idx.msk [tilespmem:v28+s9+$0x0], $0xffff;
	v22 =	vmul.f32 v22, v22;
	v25 =	vadd.f32 v20, v25  }
0x319: {  	v58 =	vld [tilespmem:$0x9D0];
	v35 =	vor.u32 v19, v8;
	v20 =	vshll.u32 v32, $0x6;
	v29 =	vadd.f32 v23, v29  }
0x31a: {  	v23 =	vmul.f32 v23, v23;
	v60 =	vld.idx.msk [tilespmem:v21+s9+$0x0], $0xffff;
	v22 =	vadd.f32 v22, v25;
	v21 =	vshll.u32 v31, $0x6  }
0x31b: {  	v25 =	vor.u32 v24, v35;
	v31 =	vor.u32 v20, v8;
	v29 =	vadd.f32 v26, v29  }
0x31c: {  	v30 =	vld.idx.msk [tilespmem:v30+s9+$0x0], $0xffff;
	v61 =	vor.u32 v21, v8;
	v26 =	vmul.f32 v26, v26;
	v23 =	vadd.f32 v23, v22  }
0x31d: {  	v22 =	vshll.u32 v27, $0x6;
	v27 =	vor.u32 v24, v31;
	v29 =	vadd.f32 v28, v29  }
0x31e: {  	v31 =	vld.idx.msk [tilespmem:v59+s9+$0x0], $0xffff;
	v32 =	vor.u32 v24, v61;
	v28 =	vmul.f32 v28, v28  }
0x31f: {  	v26 =	vadd.f32 v26, v23;
	v23 =	vshll.u32 v58, $0x6;
	v29 =	vadd.f32 v60, v29  }
0x320: {  	v33 =	vmul.f32 v60, v60;
	v62 =	vld.idx.msk [tilespmem:v25+s9+$0x0], $0xffff;
	v25 =	vor.u32 v22, v8;
	v8 =	vor.u32 v23, v8  }
0x321: {  	v26 =	vadd.f32 v28, v26;
	v28 =	vor.u32 v24, v25;
	v25 =	vadd.f32 v30, v29  }
0x322: {  	v24 =	vor.u32 v24, v8;
	v27 =	vld.idx.msk [tilespmem:v27+s9+$0x0], $0xffff  }
0x323: {  	v8 =	vmul.f32 v30, v30;
	v26 =	vadd.f32 v33, v26;
	v29 =	vadd.f32 v31, v25  }
0x324: {  	v25 =	vld.idx.msk [tilespmem:v32+s9+$0x0], $0xffff  }
0x325: {  	v30 =	vmul.f32 v31, v31;
	v31 =	vadd.f32 v8, v26;
	v63 =	vadd.f32 v62, v29  }
0x326: {  	v8 =	vimm.f32 $0.0e+00;
	v26 =	vld.idx.msk [tilespmem:v28+s9+$0x0], $0xffff;
	v29 =	vmul.f32 v62, v62  }
0x327: {  	s14 =	simm.s32 $0x1;
	s15 =	simm.s32 $0x2;
	v30 =	vadd.f32 v30, v31;
	v28 =	vmul.f32 v27, v27;
	v32 =	vadd.f32 v27, v63;
	v27 =	vld.idx.msk [tilespmem:v24+s9+$0x0], $0xffff  }
.LBB2_12:
0x328: {  	p0 =	sne.s32 s15, $0x3F;
	v33 =	vshll.u32 v4, $0x7;
	v4 =	vadd.s32 s14, v0;
	v24 =	vor.u32 $0x50, v0;
	s14 =	smov.u32 s15  }
0x329: {  	v31 =	vand.u32 $0x38, v4;
	v34 =	vadd.f32 v25, v32;
	v33 =	vand.u32 $0x1F80, v33  }
0x32a: {  	v32 =	vand.u32 $0x7, v4;
	v35 =	vor.u32 v3, v31;
	v33 =	vor.u32 v24, v33  }
0x32b: {  	v36 =	vor.u32 v2, v31;
	v35 =	vor.u32 v32, v35;
	v34 =	vadd.f32 v26, v34  }
0x32c: {  	v29 =	vadd.f32 v29, v30;
	v25 =	vmul.f32 v25, v25;
	v36 =	vor.u32 v32, v36  }
0x32d: {  	v30 =	vor.u32 v5, v31;
	v26 =	vmul.f32 v26, v26;
	v34 =	vadd.f32 v27, v34  }
0x32e: {  	v28 =	vadd.f32 v28, v29;
	v30 =	vor.u32 v32, v30;
	v27 =	vmul.f32 v27, v27  }
0x32f: {  	v29 =	vor.u32 v6, v31;
	[tilespmem:v33+s11+$0x0] =	vst.idx.msk $0xffff, v34  }
0x330: {  	v29 =	vor.u32 v32, v29;
	v25 =	vadd.f32 v25, v28;
	v33 =	vld.idx.msk [tilespmem:v35+s9+$0x0], $0xffff  }
0x331: {  	v34 =	vor.u32 v7, v31;
	v28 =	vld.idx.msk [tilespmem:v36+s9+$0x0], $0xffff  }
0x332: {  	v25 =	vadd.f32 v26, v25;
	v34 =	vor.u32 v32, v34  }
0x333: {  	v26 =	vld.idx.msk [tilespmem:v30+s9+$0x0], $0xffff;
	v30 =	vor.u32 v9, v31  }
0x334: {  	v25 =	vadd.f32 v27, v25;
	v30 =	vor.u32 v32, v30  }
0x335: {  	v27 =	vld.idx.msk [tilespmem:v29+s9+$0x0], $0xffff;
	v29 =	vor.u32 v12, v31  }
0x336: {  	v8 =	vadd.f32 v25, v8;
	v35 =	vmul.f32 v33, v33;
	v29 =	vor.u32 v32, v29  }
0x337: {  	v25 =	vmul.f32 v28, v28;
	v28 =	vadd.f32 v33, v28;
	v33 =	vld.idx.msk [tilespmem:v34+s9+$0x0], $0xffff;
	v34 =	vor.u32 v10, v31  }
0x338: {  	v34 =	vor.u32 v32, v34  }
0x339: {  	v25 =	vadd.f32 v35, v25;
	v28 =	vadd.f32 v26, v28;
	v35 =	vor.u32 v11, v31;
	v30 =	vld.idx.msk [tilespmem:v30+s9+$0x0], $0xffff  }
0x33a: {  	v26 =	vmul.f32 v26, v26;
	v35 =	vor.u32 v32, v35  }
0x33b: {  	v36 =	vor.u32 v13, v31;
	v28 =	vadd.f32 v27, v28;
	v27 =	vmul.f32 v27, v27;
	v29 =	vld.idx.msk [tilespmem:v29+s9+$0x0], $0xffff  }
0x33c: {  	v25 =	vadd.f32 v26, v25;
	v26 =	vor.u32 v32, v36  }
0x33d: {  	v36 =	vor.u32 v14, v31;
	v28 =	vadd.f32 v33, v28;
	v33 =	vmul.f32 v33, v33;
	v34 =	vld.idx.msk [tilespmem:v34+s9+$0x0], $0xffff  }
0x33e: {  	v25 =	vadd.f32 v27, v25;
	v27 =	vor.u32 v32, v36  }
0x33f: {  	v36 =	vor.u32 v15, v31;
	v28 =	vadd.f32 v30, v28;
	v30 =	vmul.f32 v30, v30;
	v35 =	vld.idx.msk [tilespmem:v35+s9+$0x0], $0xffff  }
0x340: {  	v25 =	vadd.f32 v33, v25;
	v33 =	vor.u32 v32, v36  }
0x341: {  	v36 =	vor.u32 v16, v31;
	v28 =	vadd.f32 v29, v28;
	v29 =	vmul.f32 v29, v29;
	v26 =	vld.idx.msk [tilespmem:v26+s9+$0x0], $0xffff  }
0x342: {  	v25 =	vadd.f32 v30, v25;
	v30 =	vor.u32 v32, v36  }
0x343: {  	v36 =	vor.u32 v17, v31;
	v28 =	vadd.f32 v34, v28;
	v34 =	vmul.f32 v34, v34;
	v27 =	vld.idx.msk [tilespmem:v27+s9+$0x0], $0xffff  }
0x344: {  	v25 =	vadd.f32 v29, v25;
	v29 =	vor.u32 v32, v36  }
0x345: {  	v36 =	vor.u32 v18, v31;
	v28 =	vadd.f32 v35, v28;
	v35 =	vmul.f32 v35, v35;
	v33 =	vld.idx.msk [tilespmem:v33+s9+$0x0], $0xffff  }
0x346: {  	v25 =	vadd.f32 v34, v25;
	v34 =	vor.u32 v32, v36  }
0x347: {  	v36 =	vor.u32 v19, v31;
	v28 =	vadd.f32 v26, v28;
	v26 =	vmul.f32 v26, v26;
	v30 =	vld.idx.msk [tilespmem:v30+s9+$0x0], $0xffff  }
0x348: {  	v25 =	vadd.f32 v35, v25;
	v35 =	vor.u32 v32, v36  }
0x349: {  	v36 =	vor.u32 v20, v31;
	v28 =	vadd.f32 v27, v28;
	v27 =	vmul.f32 v27, v27;
	v29 =	vld.idx.msk [tilespmem:v29+s9+$0x0], $0xffff  }
0x34a: {  	v25 =	vadd.f32 v26, v25;
	v26 =	vor.u32 v32, v36  }
0x34b: {  	v36 =	vor.u32 v21, v31;
	v28 =	vadd.f32 v33, v28;
	v33 =	vmul.f32 v33, v33;
	v34 =	vld.idx.msk [tilespmem:v34+s9+$0x0], $0xffff  }
0x34c: {  	v25 =	vadd.f32 v27, v25;
	v27 =	vor.u32 v32, v36  }
0x34d: {  	v36 =	vor.u32 v22, v31;
	v28 =	vadd.f32 v30, v28;
	v30 =	vmul.f32 v30, v30;
	v35 =	vld.idx.msk [tilespmem:v35+s9+$0x0], $0xffff  }
0x34e: {  	v25 =	vadd.f32 v33, v25;
	v33 =	vor.u32 v32, v36  }
0x34f: {  	v28 =	vadd.f32 v29, v28;
	v29 =	vmul.f32 v29, v29;
	v36 =	vld.idx.msk [tilespmem:v26+s9+$0x0], $0xffff;
	v26 =	vor.u32 v23, v31  }
0x350: {  	v30 =	vadd.f32 v30, v25;
	v31 =	vor.u32 v32, v26  }
.Ltmp5:
0x351: {  	v26 =	vadd.f32 v34, v28;
	v28 =	vmul.f32 v34, v34;
	v25 =	vld.idx.msk [tilespmem:v27+s9+$0x0], $0xffff;
	(pc) =	sbr.rel @p0 .LBB2_12-.Ltmp5, $4  }
0x352: {  	v27 =	vadd.f32 v29, v30  }
0x353: {  	v32 =	vadd.f32 v35, v26;
	v29 =	vmul.f32 v35, v35;
	v26 =	vld.idx.msk [tilespmem:v33+s9+$0x0], $0xffff  }
0x354: {  	v30 =	vadd.f32 v28, v27  }
0x355: {  	s15 =	sadd.s32 $0x1, s15;
	v32 =	vadd.f32 v36, v32;
	v28 =	vmul.f32 v36, v36;
	v27 =	vld.idx.msk [tilespmem:v31+s9+$0x0], $0xffff  }
0x356: {  	v31 =	vadd.s32 s14, v0;
	v4 =	vshll.u32 v4, $0x7  }
0x357: {  	v33 =	vand.u32 $0x38, v31;
	v32 =	vadd.f32 v25, v32;
	v4 =	vand.u32 $0x1F80, v4  }
0x358: {  	v34 =	vand.u32 $0x7, v31;
	v3 =	vor.u32 v3, v33;
	v4 =	vor.u32 v24, v4  }
0x359: {  	v2 =	vor.u32 v2, v33;
	v3 =	vor.u32 v34, v3;
	v32 =	vadd.f32 v26, v32  }
0x35a: {  	v2 =	vor.u32 v34, v2  }
0x35b: {  	v5 =	vor.u32 v5, v33;
	v32 =	vadd.f32 v27, v32  }
0x35c: {  	v5 =	vor.u32 v34, v5  }
0x35d: {  	v6 =	vor.u32 v6, v33;
	[tilespmem:v4+s11+$0x0] =	vst.idx.msk $0xffff, v32  }
0x35e: {  	v4 =	vor.u32 v34, v6;
	v3 =	vld.idx.msk [tilespmem:v3+s9+$0x0], $0xffff  }
0x35f: {  	v6 =	vor.u32 v7, v33;
	v2 =	vld.idx.msk [tilespmem:v2+s9+$0x0], $0xffff  }
0x360: {  	v6 =	vor.u32 v34, v6  }
0x361: {  	v7 =	vor.u32 v9, v33;
	v5 =	vld.idx.msk [tilespmem:v5+s9+$0x0], $0xffff  }
0x362: {  	v7 =	vor.u32 v34, v7  }
0x363: {  	v9 =	vor.u32 v12, v33;
	v4 =	vld.idx.msk [tilespmem:v4+s9+$0x0], $0xffff  }
0x364: {  	v9 =	vor.u32 v34, v9;
	v12 =	vadd.f32 v3, v2  }
0x365: {  	v10 =	vor.u32 v10, v33;
	v6 =	vld.idx.msk [tilespmem:v6+s9+$0x0], $0xffff  }
0x366: {  	v10 =	vor.u32 v34, v10;
	v12 =	vadd.f32 v5, v12  }
0x367: {  	v11 =	vor.u32 v11, v33;
	v7 =	vld.idx.msk [tilespmem:v7+s9+$0x0], $0xffff  }
0x368: {  	v11 =	vor.u32 v34, v11;
	v12 =	vadd.f32 v4, v12  }
0x369: {  	v13 =	vor.u32 v13, v33;
	v9 =	vld.idx.msk [tilespmem:v9+s9+$0x0], $0xffff  }
0x36a: {  	v13 =	vor.u32 v34, v13;
	v12 =	vadd.f32 v6, v12  }
0x36b: {  	v14 =	vor.u32 v14, v33;
	v10 =	vld.idx.msk [tilespmem:v10+s9+$0x0], $0xffff;
	v3 =	vmul.f32 v3, v3;
	v2 =	vmul.f32 v2, v2  }
0x36c: {  	v14 =	vor.u32 v34, v14;
	v12 =	vadd.f32 v7, v12  }
0x36d: {  	v2 =	vadd.f32 v3, v2;
	v3 =	vld.idx.msk [tilespmem:v11+s9+$0x0], $0xffff;
	v11 =	vor.u32 v15, v33  }
0x36e: {  	v5 =	vmul.f32 v5, v5;
	v11 =	vor.u32 v34, v11;
	v12 =	vadd.f32 v9, v12  }
0x36f: {  	v13 =	vld.idx.msk [tilespmem:v13+s9+$0x0], $0xffff;
	v15 =	vor.u32 v16, v33;
	v4 =	vmul.f32 v4, v4  }
0x370: {  	v2 =	vadd.f32 v5, v2;
	v5 =	vor.u32 v34, v15;
	v12 =	vadd.f32 v10, v12  }
0x371: {  	v14 =	vld.idx.msk [tilespmem:v14+s9+$0x0], $0xffff;
	v15 =	vor.u32 v17, v33;
	v6 =	vmul.f32 v6, v6  }
0x372: {  	v2 =	vadd.f32 v4, v2;
	v4 =	vor.u32 v34, v15;
	v12 =	vadd.f32 v3, v12  }
0x373: {  	v15 =	vor.u32 v18, v33;
	v7 =	vmul.f32 v7, v7;
	v11 =	vld.idx.msk [tilespmem:v11+s9+$0x0], $0xffff  }
0x374: {  	v2 =	vadd.f32 v6, v2;
	v6 =	vor.u32 v34, v15;
	v12 =	vadd.f32 v13, v12  }
0x375: {  	v15 =	vor.u32 v19, v33;
	v5 =	vld.idx.msk [tilespmem:v5+s9+$0x0], $0xffff;
	v9 =	vmul.f32 v9, v9  }
0x376: {  	v2 =	vadd.f32 v7, v2;
	v7 =	vor.u32 v34, v15;
	v12 =	vadd.f32 v14, v12  }
0x377: {  	v15 =	vor.u32 v20, v33;
	v4 =	vld.idx.msk [tilespmem:v4+s9+$0x0], $0xffff;
	v10 =	vmul.f32 v10, v10  }
0x378: {  	v2 =	vadd.f32 v9, v2;
	v9 =	vor.u32 v34, v15;
	v12 =	vadd.f32 v11, v12  }
0x379: {  	v15 =	vor.u32 v21, v33;
	v6 =	vld.idx.msk [tilespmem:v6+s9+$0x0], $0xffff;
	v3 =	vmul.f32 v3, v3  }
0x37a: {  	v2 =	vadd.f32 v10, v2;
	v10 =	vor.u32 v34, v15;
	v12 =	vadd.f32 v5, v12  }
0x37b: {  	v15 =	vor.u32 v22, v33;
	v7 =	vld.idx.msk [tilespmem:v7+s9+$0x0], $0xffff;
	v13 =	vmul.f32 v13, v13  }
0x37c: {  	v2 =	vadd.f32 v3, v2;
	v3 =	vor.u32 v34, v15;
	v12 =	vadd.f32 v4, v12  }
0x37d: {  	v15 =	vor.u32 v23, v33;
	v9 =	vld.idx.msk [tilespmem:v9+s9+$0x0], $0xffff;
	v14 =	vmul.f32 v14, v14  }
0x37e: {  	v2 =	vadd.f32 v13, v2;
	v13 =	vor.u32 v34, v15;
	v12 =	vadd.f32 v6, v12  }
0x37f: {  	v10 =	vld.idx.msk [tilespmem:v10+s9+$0x0], $0xffff  }
0x380: {  	v11 =	vmul.f32 v11, v11;
	v2 =	vadd.f32 v14, v2;
	v12 =	vadd.f32 v7, v12  }
0x381: {  	v3 =	vld.idx.msk [tilespmem:v3+s9+$0x0], $0xffff  }
0x382: {  	v5 =	vmul.f32 v5, v5;
	v2 =	vadd.f32 v11, v2;
	v11 =	vadd.f32 v9, v12  }
0x383: {  	v4 =	vmul.f32 v4, v4;
	v12 =	vld.idx.msk [tilespmem:v13+s9+$0x0], $0xffff;
	v13 =	vshll.u32 v31, $0x7  }
0x384: {  	v2 =	vadd.f32 v5, v2;
	v5 =	vadd.f32 v10, v11;
	v11 =	vand.u32 $0x1F80, v13  }
0x385: {  	v13 =	vadd.f32 v29, v30;
	v11 =	vor.u32 v24, v11  }
0x386: {  	v6 =	vmul.f32 v6, v6;
	v2 =	vadd.f32 v4, v2;
	v4 =	vadd.f32 v3, v5  }
0x387: {  	v5 =	vmul.f32 v25, v25;
	v13 =	vadd.f32 v28, v13  }
0x388: {  	v7 =	vmul.f32 v7, v7;
	v2 =	vadd.f32 v6, v2;
	v4 =	vadd.f32 v12, v4  }
0x389: {  	v6 =	vmul.f32 v26, v26;
	v5 =	vadd.f32 v5, v13  }
0x38a: {  	v9 =	vmul.f32 v9, v9;
	v2 =	vadd.f32 v7, v2;
	[tilespmem:v11+s11+$0x0] =	vst.idx.msk $0xffff, v4  }
0x38b: {  	v4 =	vmul.f32 v27, v27;
	v5 =	vadd.f32 v6, v5;
	v6 =	vld [tilespmem:$0xE0]  }
0x38c: {  	v7 =	vmul.f32 v10, v10;
	v2 =	vadd.f32 v9, v2;
	v9 =	vld [tilespmem:$0x60]  }
0x38d: {  	v4 =	vadd.f32 v4, v5  }
0x38e: {  	s31 =	simm.s32 $0x0;
	v3 =	vmul.f32 v3, v3;
	v2 =	vadd.f32 v7, v2;
	v5 =	vld [tilespmem:$0x160]  }
0x38f: {  	v10 =	vmul.f32 v12, v12;
	v12 =	vld [tilespmem:$0x1E0];
	v7 =	vadd.f32 v4, v8;
	v4 =	vadd.s32 s31, v0  }
0x390: {  	v11 =	vadd.f32 v3, v2;
	v8 =	vand.u32 $0x38, v4;
	v3 =	vshll.u32 v6, $0x6  }
0x391: {  	v14 =	vld [tilespmem:$0x2E0];
	v24 =	vand.u32 $0x7, v4;
	v2 =	vshll.u32 v9, $0x6;
	v6 =	vor.u32 v3, v8  }
0x392: {  	v9 =	vadd.f32 v10, v11;
	v10 =	vld [tilespmem:$0x260];
	v11 =	vor.u32 v2, v8;
	v13 =	vor.u32 v24, v6  }
0x393: {  	v15 =	vld [tilespmem:$0x360];
	v5 =	vshll.u32 v5, $0x6;
	v11 =	vor.u32 v24, v11  }
0x394: {  	v16 =	vld [tilespmem:$0x3E0];
	v7 =	vadd.f32 v9, v7;
	v9 =	vor.u32 v5, v8;
	v6 =	vshll.u32 v12, $0x6  }
0x395: {  	v17 =	vld [tilespmem:$0x460];
	v12 =	vor.u32 v24, v9;
	v9 =	vor.u32 v6, v8  }
0x396: {  	v20 =	vld [tilespmem:$0x4E0];
	[tilespmem:$0x12650] =	vst v7;
	v18 =	vor.u32 v24, v9  }
0x397: {  	v7 =	vshll.u32 v10, $0x6;
	v13 =	vld.idx.msk [tilespmem:v13+s9+$0x0], $0xffff  }
0x398: {  	v10 =	vor.u32 v7, v8;
	v19 =	vld.idx.msk [tilespmem:v11+s9+$0x0], $0xffff  }
0x399: {  	v22 =	vld [tilespmem:$0x560];
	v9 =	vshll.u32 v14, $0x6;
	v14 =	vor.u32 v24, v10  }
0x39a: {  	v10 =	vor.u32 v9, v8;
	v21 =	vld.idx.msk [tilespmem:v12+s9+$0x0], $0xffff;
	v12 =	vshll.u32 v15, $0x6  }
0x39b: {  	v15 =	vor.u32 v24, v10;
	v10 =	vshll.u32 v16, $0x6;
	v16 =	vld.idx.msk [tilespmem:v18+s9+$0x0], $0xffff;
	v18 =	vor.u32 v12, v8  }
0x39c: {  	v23 =	vld [tilespmem:$0x5E0];
	v11 =	vshll.u32 v17, $0x6;
	v17 =	vor.u32 v24, v18  }
0x39d: {  	v27 =	vld [tilespmem:$0x660];
	v18 =	vadd.f32 v13, v19;
	v25 =	vmul.f32 v13, v13  }
0x39e: {  	v19 =	vmul.f32 v19, v19;
	v26 =	vld.idx.msk [tilespmem:v14+s9+$0x0], $0xffff;
	v14 =	vor.u32 v10, v8;
	v13 =	vshll.u32 v20, $0x6  }
0x39f: {  	v28 =	vld [tilespmem:$0x6E0];
	v20 =	vor.u32 v24, v14;
	v14 =	vshll.u32 v22, $0x6;
	v18 =	vadd.f32 v21, v18  }
0x3a0: {  	v19 =	vadd.f32 v25, v19;
	v25 =	vld.idx.msk [tilespmem:v15+s9+$0x0], $0xffff;
	v15 =	vor.u32 v11, v8;
	v21 =	vmul.f32 v21, v21  }
0x3a1: {  	v22 =	vor.u32 v24, v15;
	v29 =	vld.idx.msk [tilespmem:v17+s9+$0x0], $0xffff;
	v17 =	vor.u32 v13, v8;
	v18 =	vadd.f32 v16, v18  }
0x3a2: {  	v15 =	vshll.u32 v23, $0x6;
	v16 =	vmul.f32 v16, v16;
	v19 =	vadd.f32 v21, v19  }
0x3a3: {  	v21 =	vld [tilespmem:$0x760];
	v23 =	vor.u32 v24, v17;
	v31 =	vor.u32 v15, v8;
	v17 =	vadd.f32 v26, v18  }
0x3a4: {  	v18 =	vmul.f32 v26, v26;
	v20 =	vld.idx.msk [tilespmem:v20+s9+$0x0], $0xffff;
	v26 =	vor.u32 v14, v8;
	v19 =	vadd.f32 v16, v19  }
0x3a5: {  	v30 =	vld [tilespmem:$0x7E0];
	v16 =	vshll.u32 v27, $0x6;
	v26 =	vor.u32 v24, v26;
	v27 =	vadd.f32 v25, v17  }
0x3a6: {  	v25 =	vmul.f32 v25, v25;
	v22 =	vld.idx.msk [tilespmem:v22+s9+$0x0], $0xffff;
	v18 =	vadd.f32 v18, v19;
	v17 =	vshll.u32 v28, $0x6  }
0x3a7: {  	v32 =	vld [tilespmem:$0x860];
	v28 =	vor.u32 v24, v31;
	v56 =	vor.u32 v17, v8;
	v19 =	vadd.f32 v29, v27  }
0x3a8: {  	v23 =	vld.idx.msk [tilespmem:v23+s9+$0x0], $0xffff;
	v27 =	vmul.f32 v29, v29;
	v29 =	vor.u32 v16, v8;
	v25 =	vadd.f32 v25, v18  }
0x3a9: {  	v31 =	vld [tilespmem:$0x8E0];
	v18 =	vshll.u32 v21, $0x6;
	v21 =	vor.u32 v24, v29;
	v29 =	vadd.f32 v20, v19  }
0x3aa: {  	v57 =	vor.u32 v18, v8;
	v20 =	vmul.f32 v20, v20;
	v26 =	vld.idx.msk [tilespmem:v26+s9+$0x0], $0xffff;
	v25 =	vadd.f32 v27, v25  }
0x3ab: {  	v27 =	vld [tilespmem:$0x960];
	v19 =	vshll.u32 v30, $0x6;
	v30 =	vor.u32 v24, v56;
	v29 =	vadd.f32 v22, v29  }
0x3ac: {  	v59 =	vor.u32 v24, v57;
	v28 =	vld.idx.msk [tilespmem:v28+s9+$0x0], $0xffff;
	v22 =	vmul.f32 v22, v22;
	v25 =	vadd.f32 v20, v25  }
0x3ad: {  	v58 =	vld [tilespmem:$0x9E0];
	v35 =	vor.u32 v19, v8;
	v20 =	vshll.u32 v32, $0x6;
	v29 =	vadd.f32 v23, v29  }
0x3ae: {  	v23 =	vmul.f32 v23, v23;
	v60 =	vld.idx.msk [tilespmem:v21+s9+$0x0], $0xffff;
	v22 =	vadd.f32 v22, v25;
	v21 =	vshll.u32 v31, $0x6  }
0x3af: {  	v25 =	vor.u32 v24, v35;
	v31 =	vor.u32 v20, v8;
	v29 =	vadd.f32 v26, v29  }
0x3b0: {  	v30 =	vld.idx.msk [tilespmem:v30+s9+$0x0], $0xffff;
	v61 =	vor.u32 v21, v8;
	v26 =	vmul.f32 v26, v26;
	v23 =	vadd.f32 v23, v22  }
0x3b1: {  	v22 =	vshll.u32 v27, $0x6;
	v27 =	vor.u32 v24, v31;
	v29 =	vadd.f32 v28, v29  }
0x3b2: {  	v31 =	vld.idx.msk [tilespmem:v59+s9+$0x0], $0xffff;
	v32 =	vor.u32 v24, v61;
	v28 =	vmul.f32 v28, v28  }
0x3b3: {  	v26 =	vadd.f32 v26, v23;
	v23 =	vshll.u32 v58, $0x6;
	v29 =	vadd.f32 v60, v29  }
0x3b4: {  	v33 =	vmul.f32 v60, v60;
	v62 =	vld.idx.msk [tilespmem:v25+s9+$0x0], $0xffff;
	v25 =	vor.u32 v22, v8;
	v8 =	vor.u32 v23, v8  }
0x3b5: {  	v26 =	vadd.f32 v28, v26;
	v28 =	vor.u32 v24, v25;
	v25 =	vadd.f32 v30, v29  }
0x3b6: {  	v24 =	vor.u32 v24, v8;
	v27 =	vld.idx.msk [tilespmem:v27+s9+$0x0], $0xffff  }
0x3b7: {  	v8 =	vmul.f32 v30, v30;
	v26 =	vadd.f32 v33, v26;
	v29 =	vadd.f32 v31, v25  }
0x3b8: {  	v25 =	vld.idx.msk [tilespmem:v32+s9+$0x0], $0xffff  }
0x3b9: {  	v30 =	vmul.f32 v31, v31;
	v31 =	vadd.f32 v8, v26;
	v63 =	vadd.f32 v62, v29  }
0x3ba: {  	v8 =	vimm.f32 $0.0e+00;
	v26 =	vld.idx.msk [tilespmem:v28+s9+$0x0], $0xffff;
	v29 =	vmul.f32 v62, v62  }
0x3bb: {  	s14 =	simm.s32 $0x1;
	s15 =	simm.s32 $0x2;
	v30 =	vadd.f32 v30, v31;
	v28 =	vmul.f32 v27, v27;
	v32 =	vadd.f32 v27, v63;
	v27 =	vld.idx.msk [tilespmem:v24+s9+$0x0], $0xffff  }
.LBB2_14:
0x3bc: {  	p0 =	sne.s32 s15, $0x3F;
	v33 =	vshll.u32 v4, $0x7;
	v4 =	vadd.s32 s14, v0;
	v24 =	vor.u32 $0x60, v0;
	s14 =	smov.u32 s15  }
0x3bd: {  	v31 =	vand.u32 $0x38, v4;
	v34 =	vadd.f32 v25, v32;
	v33 =	vand.u32 $0x1F80, v33  }
0x3be: {  	v32 =	vand.u32 $0x7, v4;
	v35 =	vor.u32 v3, v31;
	v33 =	vor.u32 v24, v33  }
0x3bf: {  	v36 =	vor.u32 v2, v31;
	v35 =	vor.u32 v32, v35;
	v34 =	vadd.f32 v26, v34  }
0x3c0: {  	v29 =	vadd.f32 v29, v30;
	v25 =	vmul.f32 v25, v25;
	v36 =	vor.u32 v32, v36  }
0x3c1: {  	v30 =	vor.u32 v5, v31;
	v26 =	vmul.f32 v26, v26;
	v34 =	vadd.f32 v27, v34  }
0x3c2: {  	v28 =	vadd.f32 v28, v29;
	v30 =	vor.u32 v32, v30;
	v27 =	vmul.f32 v27, v27  }
0x3c3: {  	v29 =	vor.u32 v6, v31;
	[tilespmem:v33+s11+$0x0] =	vst.idx.msk $0xffff, v34  }
0x3c4: {  	v29 =	vor.u32 v32, v29;
	v25 =	vadd.f32 v25, v28;
	v33 =	vld.idx.msk [tilespmem:v35+s9+$0x0], $0xffff  }
0x3c5: {  	v34 =	vor.u32 v7, v31;
	v28 =	vld.idx.msk [tilespmem:v36+s9+$0x0], $0xffff  }
0x3c6: {  	v25 =	vadd.f32 v26, v25;
	v34 =	vor.u32 v32, v34  }
0x3c7: {  	v26 =	vld.idx.msk [tilespmem:v30+s9+$0x0], $0xffff;
	v30 =	vor.u32 v9, v31  }
0x3c8: {  	v25 =	vadd.f32 v27, v25;
	v30 =	vor.u32 v32, v30  }
0x3c9: {  	v27 =	vld.idx.msk [tilespmem:v29+s9+$0x0], $0xffff;
	v29 =	vor.u32 v12, v31  }
0x3ca: {  	v8 =	vadd.f32 v25, v8;
	v35 =	vmul.f32 v33, v33;
	v29 =	vor.u32 v32, v29  }
0x3cb: {  	v25 =	vmul.f32 v28, v28;
	v28 =	vadd.f32 v33, v28;
	v33 =	vld.idx.msk [tilespmem:v34+s9+$0x0], $0xffff;
	v34 =	vor.u32 v10, v31  }
0x3cc: {  	v34 =	vor.u32 v32, v34  }
0x3cd: {  	v25 =	vadd.f32 v35, v25;
	v28 =	vadd.f32 v26, v28;
	v35 =	vor.u32 v11, v31;
	v30 =	vld.idx.msk [tilespmem:v30+s9+$0x0], $0xffff  }
0x3ce: {  	v26 =	vmul.f32 v26, v26;
	v35 =	vor.u32 v32, v35  }
0x3cf: {  	v36 =	vor.u32 v13, v31;
	v28 =	vadd.f32 v27, v28;
	v27 =	vmul.f32 v27, v27;
	v29 =	vld.idx.msk [tilespmem:v29+s9+$0x0], $0xffff  }
0x3d0: {  	v25 =	vadd.f32 v26, v25;
	v26 =	vor.u32 v32, v36  }
0x3d1: {  	v36 =	vor.u32 v14, v31;
	v28 =	vadd.f32 v33, v28;
	v33 =	vmul.f32 v33, v33;
	v34 =	vld.idx.msk [tilespmem:v34+s9+$0x0], $0xffff  }
0x3d2: {  	v25 =	vadd.f32 v27, v25;
	v27 =	vor.u32 v32, v36  }
0x3d3: {  	v36 =	vor.u32 v15, v31;
	v28 =	vadd.f32 v30, v28;
	v30 =	vmul.f32 v30, v30;
	v35 =	vld.idx.msk [tilespmem:v35+s9+$0x0], $0xffff  }
0x3d4: {  	v25 =	vadd.f32 v33, v25;
	v33 =	vor.u32 v32, v36  }
0x3d5: {  	v36 =	vor.u32 v16, v31;
	v28 =	vadd.f32 v29, v28;
	v29 =	vmul.f32 v29, v29;
	v26 =	vld.idx.msk [tilespmem:v26+s9+$0x0], $0xffff  }
0x3d6: {  	v25 =	vadd.f32 v30, v25;
	v30 =	vor.u32 v32, v36  }
0x3d7: {  	v36 =	vor.u32 v17, v31;
	v28 =	vadd.f32 v34, v28;
	v34 =	vmul.f32 v34, v34;
	v27 =	vld.idx.msk [tilespmem:v27+s9+$0x0], $0xffff  }
0x3d8: {  	v25 =	vadd.f32 v29, v25;
	v29 =	vor.u32 v32, v36  }
0x3d9: {  	v36 =	vor.u32 v18, v31;
	v28 =	vadd.f32 v35, v28;
	v35 =	vmul.f32 v35, v35;
	v33 =	vld.idx.msk [tilespmem:v33+s9+$0x0], $0xffff  }
0x3da: {  	v25 =	vadd.f32 v34, v25;
	v34 =	vor.u32 v32, v36  }
0x3db: {  	v36 =	vor.u32 v19, v31;
	v28 =	vadd.f32 v26, v28;
	v26 =	vmul.f32 v26, v26;
	v30 =	vld.idx.msk [tilespmem:v30+s9+$0x0], $0xffff  }
0x3dc: {  	v25 =	vadd.f32 v35, v25;
	v35 =	vor.u32 v32, v36  }
0x3dd: {  	v36 =	vor.u32 v20, v31;
	v28 =	vadd.f32 v27, v28;
	v27 =	vmul.f32 v27, v27;
	v29 =	vld.idx.msk [tilespmem:v29+s9+$0x0], $0xffff  }
0x3de: {  	v25 =	vadd.f32 v26, v25;
	v26 =	vor.u32 v32, v36  }
0x3df: {  	v36 =	vor.u32 v21, v31;
	v28 =	vadd.f32 v33, v28;
	v33 =	vmul.f32 v33, v33;
	v34 =	vld.idx.msk [tilespmem:v34+s9+$0x0], $0xffff  }
0x3e0: {  	v25 =	vadd.f32 v27, v25;
	v27 =	vor.u32 v32, v36  }
0x3e1: {  	v36 =	vor.u32 v22, v31;
	v28 =	vadd.f32 v30, v28;
	v30 =	vmul.f32 v30, v30;
	v35 =	vld.idx.msk [tilespmem:v35+s9+$0x0], $0xffff  }
0x3e2: {  	v25 =	vadd.f32 v33, v25;
	v33 =	vor.u32 v32, v36  }
0x3e3: {  	v28 =	vadd.f32 v29, v28;
	v29 =	vmul.f32 v29, v29;
	v36 =	vld.idx.msk [tilespmem:v26+s9+$0x0], $0xffff;
	v26 =	vor.u32 v23, v31  }
0x3e4: {  	v30 =	vadd.f32 v30, v25;
	v31 =	vor.u32 v32, v26  }
.Ltmp6:
0x3e5: {  	v26 =	vadd.f32 v34, v28;
	v28 =	vmul.f32 v34, v34;
	v25 =	vld.idx.msk [tilespmem:v27+s9+$0x0], $0xffff;
	(pc) =	sbr.rel @p0 .LBB2_14-.Ltmp6, $4  }
0x3e6: {  	v27 =	vadd.f32 v29, v30  }
0x3e7: {  	v32 =	vadd.f32 v35, v26;
	v29 =	vmul.f32 v35, v35;
	v26 =	vld.idx.msk [tilespmem:v33+s9+$0x0], $0xffff  }
0x3e8: {  	v30 =	vadd.f32 v28, v27  }
0x3e9: {  	s15 =	sadd.s32 $0x1, s15;
	v32 =	vadd.f32 v36, v32;
	v28 =	vmul.f32 v36, v36;
	v27 =	vld.idx.msk [tilespmem:v31+s9+$0x0], $0xffff  }
0x3ea: {  	v31 =	vadd.s32 s14, v0;
	v4 =	vshll.u32 v4, $0x7  }
0x3eb: {  	v33 =	vand.u32 $0x38, v31;
	v32 =	vadd.f32 v25, v32;
	v4 =	vand.u32 $0x1F80, v4  }
0x3ec: {  	v34 =	vand.u32 $0x7, v31;
	v3 =	vor.u32 v3, v33;
	v4 =	vor.u32 v24, v4  }
0x3ed: {  	v2 =	vor.u32 v2, v33;
	v3 =	vor.u32 v34, v3;
	v32 =	vadd.f32 v26, v32  }
0x3ee: {  	v2 =	vor.u32 v34, v2  }
0x3ef: {  	v5 =	vor.u32 v5, v33;
	v32 =	vadd.f32 v27, v32  }
0x3f0: {  	v5 =	vor.u32 v34, v5  }
0x3f1: {  	v6 =	vor.u32 v6, v33;
	[tilespmem:v4+s11+$0x0] =	vst.idx.msk $0xffff, v32  }
0x3f2: {  	v4 =	vor.u32 v34, v6;
	v3 =	vld.idx.msk [tilespmem:v3+s9+$0x0], $0xffff  }
0x3f3: {  	v6 =	vor.u32 v7, v33;
	v2 =	vld.idx.msk [tilespmem:v2+s9+$0x0], $0xffff  }
0x3f4: {  	v6 =	vor.u32 v34, v6  }
0x3f5: {  	v7 =	vor.u32 v9, v33;
	v5 =	vld.idx.msk [tilespmem:v5+s9+$0x0], $0xffff  }
0x3f6: {  	v7 =	vor.u32 v34, v7  }
0x3f7: {  	v9 =	vor.u32 v12, v33;
	v4 =	vld.idx.msk [tilespmem:v4+s9+$0x0], $0xffff  }
0x3f8: {  	v9 =	vor.u32 v34, v9;
	v12 =	vadd.f32 v3, v2  }
0x3f9: {  	v10 =	vor.u32 v10, v33;
	v6 =	vld.idx.msk [tilespmem:v6+s9+$0x0], $0xffff  }
0x3fa: {  	v10 =	vor.u32 v34, v10;
	v12 =	vadd.f32 v5, v12  }
0x3fb: {  	v11 =	vor.u32 v11, v33;
	v7 =	vld.idx.msk [tilespmem:v7+s9+$0x0], $0xffff  }
0x3fc: {  	v11 =	vor.u32 v34, v11;
	v12 =	vadd.f32 v4, v12  }
0x3fd: {  	v13 =	vor.u32 v13, v33;
	v9 =	vld.idx.msk [tilespmem:v9+s9+$0x0], $0xffff  }
0x3fe: {  	v13 =	vor.u32 v34, v13;
	v12 =	vadd.f32 v6, v12  }
0x3ff: {  	v14 =	vor.u32 v14, v33;
	v10 =	vld.idx.msk [tilespmem:v10+s9+$0x0], $0xffff;
	v3 =	vmul.f32 v3, v3;
	v2 =	vmul.f32 v2, v2  }
0x400: {  	v14 =	vor.u32 v34, v14;
	v12 =	vadd.f32 v7, v12  }
0x401: {  	v2 =	vadd.f32 v3, v2;
	v3 =	vld.idx.msk [tilespmem:v11+s9+$0x0], $0xffff;
	v11 =	vor.u32 v15, v33;
	v5 =	vmul.f32 v5, v5  }
0x402: {  	v11 =	vor.u32 v34, v11;
	v12 =	vadd.f32 v9, v12  }
0x403: {  	v13 =	vld.idx.msk [tilespmem:v13+s9+$0x0], $0xffff;
	v15 =	vor.u32 v16, v33;
	v4 =	vmul.f32 v4, v4;
	v2 =	vadd.f32 v5, v2  }
0x404: {  	v5 =	vor.u32 v34, v15;
	v12 =	vadd.f32 v10, v12  }
0x405: {  	v14 =	vld.idx.msk [tilespmem:v14+s9+$0x0], $0xffff;
	v15 =	vor.u32 v17, v33;
	v6 =	vmul.f32 v6, v6;
	v2 =	vadd.f32 v4, v2  }
0x406: {  	v4 =	vor.u32 v34, v15;
	v12 =	vadd.f32 v3, v12  }
0x407: {  	v15 =	vor.u32 v18, v33;
	v7 =	vmul.f32 v7, v7;
	v11 =	vld.idx.msk [tilespmem:v11+s9+$0x0], $0xffff;
	v2 =	vadd.f32 v6, v2  }
0x408: {  	v6 =	vor.u32 v34, v15;
	v12 =	vadd.f32 v13, v12  }
0x409: {  	v15 =	vor.u32 v19, v33;
	v5 =	vld.idx.msk [tilespmem:v5+s9+$0x0], $0xffff;
	v9 =	vmul.f32 v9, v9;
	v2 =	vadd.f32 v7, v2  }
0x40a: {  	v7 =	vor.u32 v34, v15;
	v12 =	vadd.f32 v14, v12  }
0x40b: {  	v15 =	vor.u32 v20, v33;
	v4 =	vld.idx.msk [tilespmem:v4+s9+$0x0], $0xffff;
	v10 =	vmul.f32 v10, v10;
	v2 =	vadd.f32 v9, v2  }
0x40c: {  	v9 =	vor.u32 v34, v15;
	v12 =	vadd.f32 v11, v12  }
0x40d: {  	v15 =	vor.u32 v21, v33;
	v6 =	vld.idx.msk [tilespmem:v6+s9+$0x0], $0xffff;
	v3 =	vmul.f32 v3, v3;
	v2 =	vadd.f32 v10, v2  }
0x40e: {  	v10 =	vor.u32 v34, v15;
	v12 =	vadd.f32 v5, v12  }
0x40f: {  	v15 =	vor.u32 v22, v33;
	v7 =	vld.idx.msk [tilespmem:v7+s9+$0x0], $0xffff;
	v13 =	vmul.f32 v13, v13;
	v2 =	vadd.f32 v3, v2  }
0x410: {  	v3 =	vor.u32 v34, v15;
	v12 =	vadd.f32 v4, v12  }
0x411: {  	v15 =	vor.u32 v23, v33;
	v9 =	vld.idx.msk [tilespmem:v9+s9+$0x0], $0xffff;
	v14 =	vmul.f32 v14, v14;
	v2 =	vadd.f32 v13, v2  }
0x412: {  	v13 =	vor.u32 v34, v15;
	v12 =	vadd.f32 v6, v12  }
0x413: {  	v10 =	vld.idx.msk [tilespmem:v10+s9+$0x0], $0xffff;
	v11 =	vmul.f32 v11, v11;
	v2 =	vadd.f32 v14, v2  }
0x414: {  	v12 =	vadd.f32 v7, v12  }
0x415: {  	v3 =	vld.idx.msk [tilespmem:v3+s9+$0x0], $0xffff;
	v5 =	vmul.f32 v5, v5;
	v2 =	vadd.f32 v11, v2  }
0x416: {  	v11 =	vadd.f32 v9, v12  }
0x417: {  	v4 =	vmul.f32 v4, v4;
	v2 =	vadd.f32 v5, v2;
	v12 =	vld.idx.msk [tilespmem:v13+s9+$0x0], $0xffff;
	v13 =	vshll.u32 v31, $0x7  }
0x418: {  	v6 =	vmul.f32 v6, v6;
	v5 =	vadd.f32 v10, v11;
	v11 =	vand.u32 $0x1F80, v13  }
0x419: {  	v2 =	vadd.f32 v4, v2;
	v13 =	vadd.f32 v29, v30;
	v11 =	vor.u32 v24, v11  }
0x41a: {  	v7 =	vmul.f32 v7, v7;
	v4 =	vadd.f32 v3, v5  }
0x41b: {  	v2 =	vadd.f32 v6, v2;
	v5 =	vmul.f32 v25, v25;
	v13 =	vadd.f32 v28, v13  }
0x41c: {  	v6 =	vmul.f32 v26, v26;
	v4 =	vadd.f32 v12, v4  }
0x41d: {  	v9 =	vmul.f32 v9, v9;
	v2 =	vadd.f32 v7, v2;
	v5 =	vadd.f32 v5, v13  }
0x41e: {  	v7 =	vmul.f32 v10, v10;
	[tilespmem:v11+s11+$0x0] =	vst.idx.msk $0xffff, v4  }
0x41f: {  	v2 =	vadd.f32 v9, v2;
	v4 =	vmul.f32 v27, v27;
	v5 =	vadd.f32 v6, v5;
	v6 =	vld [tilespmem:$0xF0]  }
0x420: {  	v9 =	vld [tilespmem:$0x70]  }
0x421: {  	v3 =	vmul.f32 v3, v3;
	v2 =	vadd.f32 v7, v2;
	v4 =	vadd.f32 v4, v5  }
0x422: {  	s31 =	simm.s32 $0x0;
	v5 =	vld [tilespmem:$0x170]  }
0x423: {  	v10 =	vadd.f32 v3, v2;
	v11 =	vld [tilespmem:$0x1F0];
	v7 =	vadd.f32 v4, v8;
	v4 =	vadd.s32 s31, v0  }
0x424: {  	v8 =	vmul.f32 v12, v12;
	v13 =	vand.u32 $0x38, v4;
	v3 =	vshll.u32 v6, $0x6  }
0x425: {  	v14 =	vld [tilespmem:$0x2F0];
	v24 =	vand.u32 $0x7, v4;
	v2 =	vshll.u32 v9, $0x6;
	v6 =	vor.u32 v3, v13  }
0x426: {  	v8 =	vadd.f32 v8, v10;
	v9 =	vld [tilespmem:$0x270];
	v10 =	vor.u32 v2, v13;
	v12 =	vor.u32 v24, v6  }
0x427: {  	v16 =	vld [tilespmem:$0x3F0];
	v5 =	vshll.u32 v5, $0x6;
	v10 =	vor.u32 v24, v10  }
0x428: {  	v17 =	vld [tilespmem:$0x470];
	v7 =	vadd.f32 v8, v7;
	v15 =	vor.u32 v5, v13;
	v6 =	vshll.u32 v11, $0x6  }
0x429: {  	v8 =	vld [tilespmem:$0x370];
	v15 =	vor.u32 v24, v15;
	v11 =	vor.u32 v6, v13  }
0x42a: {  	v19 =	vld [tilespmem:$0x4F0];
	[tilespmem:$0x12660] =	vst v7;
	v18 =	vor.u32 v24, v11  }
0x42b: {  	v7 =	vshll.u32 v9, $0x6;
	v12 =	vld.idx.msk [tilespmem:v12+s9+$0x0], $0xffff  }
0x42c: {  	v9 =	vor.u32 v7, v13;
	v10 =	vld.idx.msk [tilespmem:v10+s9+$0x0], $0xffff  }
0x42d: {  	v21 =	vld [tilespmem:$0x570];
	v11 =	vshll.u32 v14, $0x6;
	v20 =	vor.u32 v24, v9  }
0x42e: {  	v9 =	vor.u32 v11, v13;
	v14 =	vshll.u32 v8, $0x6;
	v15 =	vld.idx.msk [tilespmem:v15+s9+$0x0], $0xffff  }
0x42f: {  	v22 =	vor.u32 v24, v9;
	v9 =	vshll.u32 v16, $0x6;
	v16 =	vld.idx.msk [tilespmem:v18+s9+$0x0], $0xffff;
	v18 =	vor.u32 v14, v13  }
0x430: {  	v23 =	vld [tilespmem:$0x5F0];
	v8 =	vshll.u32 v17, $0x6;
	v17 =	vor.u32 v24, v18  }
0x431: {  	v27 =	vld [tilespmem:$0x670];
	v26 =	vor.u32 v9, v13;
	v18 =	vadd.f32 v12, v10  }
0x432: {  	v12 =	vmul.f32 v12, v12;
	v25 =	vmul.f32 v10, v10;
	v20 =	vld.idx.msk [tilespmem:v20+s9+$0x0], $0xffff;
	v10 =	vshll.u32 v19, $0x6  }
0x433: {  	v28 =	vld [tilespmem:$0x6F0];
	v19 =	vor.u32 v24, v26;
	v26 =	vor.u32 v8, v13;
	v18 =	vadd.f32 v15, v18  }
0x434: {  	v22 =	vld.idx.msk [tilespmem:v22+s9+$0x0], $0xffff;
	v25 =	vadd.f32 v12, v25;
	v15 =	vmul.f32 v15, v15;
	v12 =	vshll.u32 v21, $0x6  }
0x435: {  	v21 =	vor.u32 v24, v26;
	v26 =	vld.idx.msk [tilespmem:v17+s9+$0x0], $0xffff;
	v17 =	vor.u32 v10, v13;
	v18 =	vadd.f32 v16, v18  }
0x436: {  	v16 =	vmul.f32 v16, v16;
	v25 =	vadd.f32 v15, v25;
	v15 =	vshll.u32 v23, $0x6  }
0x437: {  	v29 =	vld [tilespmem:$0x770];
	v23 =	vor.u32 v24, v17;
	v31 =	vor.u32 v15, v13;
	v17 =	vadd.f32 v20, v18  }
0x438: {  	v19 =	vld.idx.msk [tilespmem:v19+s9+$0x0], $0xffff;
	v18 =	vmul.f32 v20, v20;
	v20 =	vor.u32 v12, v13;
	v25 =	vadd.f32 v16, v25  }
0x439: {  	v30 =	vld [tilespmem:$0x7F0];
	v16 =	vshll.u32 v27, $0x6;
	v20 =	vor.u32 v24, v20;
	v27 =	vadd.f32 v22, v17  }
0x43a: {  	v21 =	vld.idx.msk [tilespmem:v21+s9+$0x0], $0xffff;
	v22 =	vmul.f32 v22, v22;
	v18 =	vadd.f32 v18, v25;
	v17 =	vshll.u32 v28, $0x6  }
0x43b: {  	v25 =	vld [tilespmem:$0x870];
	v28 =	vor.u32 v24, v31;
	v31 =	vor.u32 v16, v13;
	v27 =	vadd.f32 v26, v27  }
0x43c: {  	v23 =	vld.idx.msk [tilespmem:v23+s9+$0x0], $0xffff;
	v26 =	vmul.f32 v26, v26;
	v22 =	vadd.f32 v22, v18;
	v18 =	vshll.u32 v29, $0x6  }
0x43d: {  	v32 =	vld [tilespmem:$0x8F0];
	v29 =	vor.u32 v24, v31;
	v31 =	vmul.f32 v19, v19;
	v27 =	vadd.f32 v19, v27  }
0x43e: {  	v56 =	vor.u32 v18, v13;
	v55 =	vld.idx.msk [tilespmem:v20+s9+$0x0], $0xffff;
	v20 =	vor.u32 v17, v13;
	v22 =	vadd.f32 v26, v22  }
0x43f: {  	v26 =	vld [tilespmem:$0x970];
	v19 =	vshll.u32 v30, $0x6;
	v30 =	vor.u32 v24, v20;
	v27 =	vadd.f32 v21, v27  }
0x440: {  	v28 =	vld.idx.msk [tilespmem:v28+s9+$0x0], $0xffff;
	v20 =	vshll.u32 v25, $0x6;
	v21 =	vmul.f32 v21, v21;
	v22 =	vadd.f32 v31, v22  }
0x441: {  	v25 =	vor.u32 v24, v56;
	v57 =	vor.u32 v19, v13;
	v31 =	vld [tilespmem:$0x9F0];
	v27 =	vadd.f32 v23, v27  }
0x442: {  	v58 =	vor.u32 v24, v57;
	v29 =	vld.idx.msk [tilespmem:v29+s9+$0x0], $0xffff;
	v23 =	vmul.f32 v23, v23;
	v22 =	vadd.f32 v21, v22  }
0x443: {  	v59 =	vor.u32 v20, v13;
	v21 =	vshll.u32 v32, $0x6;
	v27 =	vadd.f32 v55, v27  }
0x444: {  	v33 =	vmul.f32 v55, v55;
	v60 =	vor.u32 v21, v13;
	v30 =	vld.idx.msk [tilespmem:v30+s9+$0x0], $0xffff;
	v23 =	vadd.f32 v23, v22  }
0x445: {  	v22 =	vshll.u32 v26, $0x6;
	v26 =	vor.u32 v24, v59;
	v27 =	vadd.f32 v28, v27  }
0x446: {  	v25 =	vld.idx.msk [tilespmem:v25+s9+$0x0], $0xffff;
	v61 =	vor.u32 v22, v13;
	v28 =	vmul.f32 v28, v28;
	v33 =	vadd.f32 v33, v23  }
0x447: {  	v23 =	vshll.u32 v31, $0x6;
	v31 =	vor.u32 v24, v60;
	v27 =	vadd.f32 v29, v27  }
0x448: {  	v32 =	vld.idx.msk [tilespmem:v58+s9+$0x0], $0xffff;
	v62 =	vor.u32 v24, v61;
	v13 =	vor.u32 v23, v13  }
0x449: {  	v29 =	vmul.f32 v29, v29;
	v28 =	vadd.f32 v28, v33;
	v27 =	vadd.f32 v30, v27  }
0x44a: {  	v24 =	vor.u32 v24, v13;
	v63 =	vld.idx.msk [tilespmem:v26+s9+$0x0], $0xffff  }
0x44b: {  	v13 =	vmul.f32 v30, v30;
	v26 =	vadd.f32 v29, v28;
	v27 =	vadd.f32 v25, v27  }
0x44c: {  	v28 =	vmul.f32 v25, v25;
	v25 =	vld.idx.msk [tilespmem:v31+s9+$0x0], $0xffff  }
0x44d: {  	v29 =	vadd.f32 v13, v26;
	v27 =	vadd.f32 v32, v27  }
0x44e: {  	v30 =	vmul.f32 v32, v32;
	v13 =	vimm.f32 $0.0e+00;
	v26 =	vld.idx.msk [tilespmem:v62+s9+$0x0], $0xffff  }
0x44f: {  	s14 =	simm.s32 $0x1;
	s15 =	simm.s32 $0x2;
	v32 =	vadd.f32 v28, v29;
	v28 =	vmul.f32 v63, v63;
	v31 =	vadd.f32 v63, v27;
	v27 =	vld.idx.msk [tilespmem:v24+s9+$0x0], $0xffff  }
.LBB2_16:
0x450: {  	p0 =	sne.s32 s15, $0x3F;
	v33 =	vshll.u32 v4, $0x7;
	v4 =	vadd.s32 s14, v0;
	v24 =	vor.u32 $0x70, v0;
	s14 =	smov.u32 s15  }
0x451: {  	v29 =	vand.u32 $0x38, v4;
	v34 =	vadd.f32 v25, v31;
	v33 =	vand.u32 $0x1F80, v33  }
0x452: {  	v31 =	vand.u32 $0x7, v4;
	v35 =	vor.u32 v3, v29;
	v33 =	vor.u32 v24, v33  }
0x453: {  	v36 =	vor.u32 v2, v29;
	v35 =	vor.u32 v31, v35;
	v34 =	vadd.f32 v26, v34  }
0x454: {  	v30 =	vadd.f32 v30, v32;
	v25 =	vmul.f32 v25, v25;
	v36 =	vor.u32 v31, v36  }
0x455: {  	v32 =	vor.u32 v5, v29;
	v26 =	vmul.f32 v26, v26;
	v34 =	vadd.f32 v27, v34  }
0x456: {  	v28 =	vadd.f32 v28, v30;
	v32 =	vor.u32 v31, v32;
	v27 =	vmul.f32 v27, v27  }
0x457: {  	v30 =	vor.u32 v6, v29;
	[tilespmem:v33+s11+$0x0] =	vst.idx.msk $0xffff, v34  }
0x458: {  	v30 =	vor.u32 v31, v30;
	v25 =	vadd.f32 v25, v28;
	v33 =	vld.idx.msk [tilespmem:v35+s9+$0x0], $0xffff  }
0x459: {  	v34 =	vor.u32 v7, v29;
	v28 =	vld.idx.msk [tilespmem:v36+s9+$0x0], $0xffff  }
0x45a: {  	v25 =	vadd.f32 v26, v25;
	v34 =	vor.u32 v31, v34  }
0x45b: {  	v26 =	vld.idx.msk [tilespmem:v32+s9+$0x0], $0xffff;
	v32 =	vor.u32 v11, v29  }
0x45c: {  	v25 =	vadd.f32 v27, v25;
	v32 =	vor.u32 v31, v32  }
0x45d: {  	v27 =	vld.idx.msk [tilespmem:v30+s9+$0x0], $0xffff;
	v30 =	vor.u32 v14, v29  }
0x45e: {  	v13 =	vadd.f32 v25, v13;
	v35 =	vmul.f32 v33, v33;
	v30 =	vor.u32 v31, v30  }
0x45f: {  	v25 =	vmul.f32 v28, v28;
	v28 =	vadd.f32 v33, v28;
	v33 =	vld.idx.msk [tilespmem:v34+s9+$0x0], $0xffff;
	v34 =	vor.u32 v9, v29  }
0x460: {  	v34 =	vor.u32 v31, v34  }
0x461: {  	v25 =	vadd.f32 v35, v25;
	v28 =	vadd.f32 v26, v28;
	v35 =	vor.u32 v8, v29;
	v32 =	vld.idx.msk [tilespmem:v32+s9+$0x0], $0xffff  }
0x462: {  	v26 =	vmul.f32 v26, v26;
	v35 =	vor.u32 v31, v35  }
0x463: {  	v36 =	vor.u32 v10, v29;
	v28 =	vadd.f32 v27, v28;
	v27 =	vmul.f32 v27, v27;
	v30 =	vld.idx.msk [tilespmem:v30+s9+$0x0], $0xffff  }
0x464: {  	v25 =	vadd.f32 v26, v25;
	v26 =	vor.u32 v31, v36  }
0x465: {  	v36 =	vor.u32 v12, v29;
	v28 =	vadd.f32 v33, v28;
	v33 =	vmul.f32 v33, v33;
	v34 =	vld.idx.msk [tilespmem:v34+s9+$0x0], $0xffff  }
0x466: {  	v25 =	vadd.f32 v27, v25;
	v27 =	vor.u32 v31, v36  }
0x467: {  	v36 =	vor.u32 v15, v29;
	v28 =	vadd.f32 v32, v28;
	v32 =	vmul.f32 v32, v32;
	v35 =	vld.idx.msk [tilespmem:v35+s9+$0x0], $0xffff  }
0x468: {  	v25 =	vadd.f32 v33, v25;
	v33 =	vor.u32 v31, v36  }
0x469: {  	v36 =	vor.u32 v16, v29;
	v28 =	vadd.f32 v30, v28;
	v30 =	vmul.f32 v30, v30;
	v26 =	vld.idx.msk [tilespmem:v26+s9+$0x0], $0xffff  }
0x46a: {  	v25 =	vadd.f32 v32, v25;
	v32 =	vor.u32 v31, v36  }
0x46b: {  	v36 =	vor.u32 v17, v29;
	v28 =	vadd.f32 v34, v28;
	v34 =	vmul.f32 v34, v34;
	v27 =	vld.idx.msk [tilespmem:v27+s9+$0x0], $0xffff  }
0x46c: {  	v25 =	vadd.f32 v30, v25;
	v30 =	vor.u32 v31, v36  }
0x46d: {  	v36 =	vor.u32 v18, v29;
	v28 =	vadd.f32 v35, v28;
	v35 =	vmul.f32 v35, v35;
	v33 =	vld.idx.msk [tilespmem:v33+s9+$0x0], $0xffff  }
0x46e: {  	v25 =	vadd.f32 v34, v25;
	v34 =	vor.u32 v31, v36  }
0x46f: {  	v36 =	vor.u32 v19, v29;
	v28 =	vadd.f32 v26, v28;
	v26 =	vmul.f32 v26, v26;
	v32 =	vld.idx.msk [tilespmem:v32+s9+$0x0], $0xffff  }
0x470: {  	v25 =	vadd.f32 v35, v25;
	v35 =	vor.u32 v31, v36  }
0x471: {  	v36 =	vor.u32 v20, v29;
	v28 =	vadd.f32 v27, v28;
	v27 =	vmul.f32 v27, v27;
	v30 =	vld.idx.msk [tilespmem:v30+s9+$0x0], $0xffff  }
0x472: {  	v25 =	vadd.f32 v26, v25;
	v26 =	vor.u32 v31, v36  }
0x473: {  	v36 =	vor.u32 v21, v29;
	v28 =	vadd.f32 v33, v28;
	v33 =	vmul.f32 v33, v33;
	v34 =	vld.idx.msk [tilespmem:v34+s9+$0x0], $0xffff  }
0x474: {  	v25 =	vadd.f32 v27, v25;
	v27 =	vor.u32 v31, v36  }
0x475: {  	v36 =	vor.u32 v22, v29;
	v28 =	vadd.f32 v32, v28;
	v32 =	vmul.f32 v32, v32;
	v35 =	vld.idx.msk [tilespmem:v35+s9+$0x0], $0xffff  }
0x476: {  	v25 =	vadd.f32 v33, v25;
	v33 =	vor.u32 v31, v36  }
0x477: {  	v28 =	vadd.f32 v30, v28;
	v30 =	vmul.f32 v30, v30;
	v36 =	vld.idx.msk [tilespmem:v26+s9+$0x0], $0xffff;
	v26 =	vor.u32 v23, v29  }
0x478: {  	v29 =	vadd.f32 v32, v25;
	v37 =	vor.u32 v31, v26  }
.Ltmp7:
0x479: {  	v26 =	vadd.f32 v34, v28;
	v28 =	vmul.f32 v34, v34;
	v25 =	vld.idx.msk [tilespmem:v27+s9+$0x0], $0xffff;
	(pc) =	sbr.rel @p0 .LBB2_16-.Ltmp7, $4  }
0x47a: {  	v27 =	vadd.f32 v30, v29  }
0x47b: {  	v29 =	vadd.f32 v35, v26;
	v30 =	vmul.f32 v35, v35;
	v26 =	vld.idx.msk [tilespmem:v33+s9+$0x0], $0xffff  }
0x47c: {  	v32 =	vadd.f32 v28, v27  }
0x47d: {  	s15 =	sadd.s32 $0x1, s15;
	v31 =	vadd.f32 v36, v29;
	v28 =	vmul.f32 v36, v36;
	v27 =	vld.idx.msk [tilespmem:v37+s9+$0x0], $0xffff  }
0x47e: {  	v29 =	vadd.s32 s14, v0;
	v4 =	vshll.u32 v4, $0x7  }
0x47f: {  	v33 =	vand.u32 $0x38, v29;
	v31 =	vadd.f32 v25, v31;
	v4 =	vand.u32 $0x1F80, v4  }
0x480: {  	v34 =	vand.u32 $0x7, v29;
	v3 =	vor.u32 v3, v33;
	v4 =	vor.u32 v24, v4  }
0x481: {  	v2 =	vor.u32 v2, v33;
	v3 =	vor.u32 v34, v3;
	v31 =	vadd.f32 v26, v31  }
0x482: {  	v2 =	vor.u32 v34, v2  }
0x483: {  	v5 =	vor.u32 v5, v33;
	v31 =	vadd.f32 v27, v31  }
0x484: {  	v5 =	vor.u32 v34, v5  }
0x485: {  	v6 =	vor.u32 v6, v33;
	[tilespmem:v4+s11+$0x0] =	vst.idx.msk $0xffff, v31  }
0x486: {  	v44 =	vor.u32 v34, v6;
	v3 =	vld.idx.msk [tilespmem:v3+s9+$0x0], $0xffff  }
0x487: {  	v45 =	vor.u32 v7, v33;
	v2 =	vld.idx.msk [tilespmem:v2+s9+$0x0], $0xffff  }
0x488: {  	v6 =	vor.u32 v34, v45  }
0x489: {  	v46 =	vor.u32 v11, v33;
	v5 =	vld.idx.msk [tilespmem:v5+s9+$0x0], $0xffff  }
0x48a: {  	v7 =	vor.u32 v34, v46  }
0x48b: {  	v47 =	vor.u32 v14, v33;
	v4 =	vld.idx.msk [tilespmem:v44+s9+$0x0], $0xffff  }
0x48c: {  	v11 =	vor.u32 v34, v47;
	v48 =	vmul.f32 v3, v3;
	v49 =	vmul.f32 v2, v2  }
0x48d: {  	v9 =	vor.u32 v9, v33;
	v6 =	vld.idx.msk [tilespmem:v6+s9+$0x0], $0xffff  }
0x48e: {  	v9 =	vor.u32 v34, v9;
	v50 =	vmul.f32 v5, v5;
	v14 =	vadd.f32 v48, v49  }
0x48f: {  	v51 =	vor.u32 v8, v33;
	v2 =	vadd.f32 v3, v2;
	v3 =	vld.idx.msk [tilespmem:v7+s9+$0x0], $0xffff  }
0x490: {  	v7 =	vor.u32 v34, v51;
	v52 =	vmul.f32 v4, v4;
	v14 =	vadd.f32 v50, v14  }
0x491: {  	v10 =	vor.u32 v10, v33;
	v53 =	vld.idx.msk [tilespmem:v11+s9+$0x0], $0xffff;
	v2 =	vadd.f32 v5, v2  }
0x492: {  	v10 =	vor.u32 v34, v10;
	v54 =	vmul.f32 v6, v6;
	v8 =	vadd.f32 v52, v14  }
0x493: {  	v56 =	vor.u32 v12, v33;
	v55 =	vld.idx.msk [tilespmem:v9+s9+$0x0], $0xffff;
	v2 =	vadd.f32 v4, v2  }
0x494: {  	v9 =	vor.u32 v34, v56;
	v57 =	vmul.f32 v3, v3;
	v8 =	vadd.f32 v54, v8  }
0x495: {  	v59 =	vor.u32 v15, v33;
	v58 =	vld.idx.msk [tilespmem:v7+s9+$0x0], $0xffff;
	v2 =	vadd.f32 v6, v2  }
0x496: {  	v60 =	vmul.f32 v53, v53;
	v7 =	vor.u32 v34, v59;
	v8 =	vadd.f32 v57, v8  }
0x497: {  	v61 =	vor.u32 v16, v33;
	v2 =	vadd.f32 v3, v2;
	v3 =	vld.idx.msk [tilespmem:v10+s9+$0x0], $0xffff  }
0x498: {  	v62 =	vmul.f32 v55, v55;
	v10 =	vor.u32 v34, v61;
	v8 =	vadd.f32 v60, v8  }
0x499: {  	v15 =	vor.u32 v17, v33;
	v63 =	vld.idx.msk [tilespmem:v9+s9+$0x0], $0xffff;
	v2 =	vadd.f32 v53, v2  }
0x49a: {  	v9 =	vor.u32 v34, v15;
	v16 =	vmul.f32 v58, v58;
	v8 =	vadd.f32 v62, v8  }
0x49b: {  	v31 =	vor.u32 v18, v33;
	v17 =	vld.idx.msk [tilespmem:v7+s9+$0x0], $0xffff;
	v2 =	vadd.f32 v55, v2  }
0x49c: {  	v7 =	vor.u32 v34, v31;
	v35 =	vmul.f32 v3, v3;
	v8 =	vadd.f32 v16, v8  }
0x49d: {  	v37 =	vor.u32 v19, v33;
	v36 =	vld.idx.msk [tilespmem:v10+s9+$0x0], $0xffff;
	v2 =	vadd.f32 v58, v2  }
0x49e: {  	v38 =	vmul.f32 v63, v63;
	v10 =	vor.u32 v34, v37;
	v8 =	vadd.f32 v35, v8  }
0x49f: {  	v39 =	vor.u32 v20, v33;
	v2 =	vadd.f32 v3, v2;
	v3 =	vld.idx.msk [tilespmem:v9+s9+$0x0], $0xffff  }
0x4a0: {  	v40 =	vmul.f32 v17, v17;
	v9 =	vor.u32 v34, v39;
	v8 =	vadd.f32 v38, v8  }
0x4a1: {  	v42 =	vor.u32 v21, v33;
	v41 =	vld.idx.msk [tilespmem:v7+s9+$0x0], $0xffff;
	v2 =	vadd.f32 v63, v2  }
0x4a2: {  	v7 =	vor.u32 v34, v42;
	v43 =	vmul.f32 v36, v36;
	v8 =	vadd.f32 v40, v8  }
0x4a3: {  	v45 =	vor.u32 v22, v33;
	v48 =	vor.u32 v23, v33;
	v44 =	vld.idx.msk [tilespmem:v10+s9+$0x0], $0xffff;
	v2 =	vadd.f32 v17, v2  }
0x4a4: {  	v10 =	vor.u32 v34, v45;
	v46 =	vmul.f32 v3, v3;
	v8 =	vadd.f32 v43, v8  }
0x4a5: {  	v47 =	vld.idx.msk [tilespmem:v9+s9+$0x0], $0xffff;
	v9 =	vor.u32 v34, v48;
	v2 =	vadd.f32 v36, v2  }
0x4a6: {  	v49 =	vmul.f32 v41, v41;
	v8 =	vadd.f32 v46, v8  }
0x4a7: {  	v50 =	vadd.f32 v30, v32;
	v2 =	vadd.f32 v3, v2;
	v3 =	vld.idx.msk [tilespmem:v7+s9+$0x0], $0xffff  }
0x4a8: {  	v51 =	vmul.f32 v44, v44;
	v8 =	vadd.f32 v49, v8  }
0x4a9: {  	v52 =	vmul.f32 v25, v25;
	v12 =	vadd.f32 v28, v50;
	v53 =	vld.idx.msk [tilespmem:v10+s9+$0x0], $0xffff;
	v2 =	vadd.f32 v41, v2  }
0x4aa: {  	v54 =	vmul.f32 v47, v47;
	v56 =	vld.idx.msk [tilespmem:v9+s9+$0x0], $0xffff;
	v7 =	vadd.f32 v51, v8  }
0x4ab: {  	v11 =	vadd.f32 v52, v12;
	v2 =	vadd.f32 v44, v2  }
0x4ac: {  	v55 =	vmul.f32 v26, v26;
	v57 =	vmul.f32 v3, v3;
	v7 =	vadd.f32 v54, v7  }
0x4ad: {  	v59 =	vshll.u32 v29, $0x7;
	v58 =	vmul.f32 v27, v27;
	v2 =	vadd.f32 v47, v2  }
0x4ae: {  	v60 =	vmul.f32 v53, v53;
	v8 =	vadd.f32 v55, v11;
	v7 =	vadd.f32 v57, v7  }
0x4af: {  	v61 =	vmul.f32 v56, v56;
	v2 =	vadd.f32 v3, v2;
	v3 =	vand.u32 $0x1F80, v59  }
0x4b0: {  	v8 =	vadd.f32 v58, v8;
	v3 =	vor.u32 v24, v3;
	v7 =	vadd.f32 v60, v7  }
0x4b1: {  	v2 =	vadd.f32 v53, v2  }
0x4b2: {  	v62 =	vadd.f32 v8, v13;
	v6 =	vadd.f32 v61, v7  }
0x4b3: {  	v2 =	vadd.f32 v56, v2  }
0x4b4: {  	v63 =	vadd.f32 v6, v62  }
0x4b5: {  	[tilespmem:v3+s11+$0x0] =	vst.idx.msk $0xffff, v2  }
0x4b6: {  	[tilespmem:$0x12670] =	vst v63  }
0x4b7: {  	[hbm4b:s5+s2] =	stream.linear.scatter [tilespmem:s11], [sflag:$0x2], $0x2000, $0x38;
	[tilespmem:$0x12680] =	vst v63  }
0x4b8: {  	s13 =	sadd.s32 $0x1, s13;
	_ =	swait.ge [sflag:s8], $0x2000  }
0x4b9: {  	p0 =	sne.s32 s13, s7;
	[sflag:s8] =	ssyncset.done $0x0  }
.Ltmp8:
0x4ba: {  	[sflag:s8] =	ssyncadd.s32 $0xFFFFE000;
	(pc) =	sbr.rel @p0 .LBB2_1-.Ltmp8, $4  }
0x4bb: {  	[hbm4b:s6+s2] =	stream.linear.scatter [tilespmem:s12], [sflag:$0x2], $0x80, $0x38;
	[tilespmem:$0x12680] =	vst v63  }
0x4bc: {  	_ =	swait.ge [sflag:s8], $0x80  }
0x4bd: {  	[sflag:s8] =	ssyncset.done $0x0  }
0x4be: {  	[sflag:s8] =	ssyncadd.s32 $0xFFFFFF80  }
0x4bf: {  	_ =	sfence.sel $0x180000  }
0x4c0: {  	[bflag:$0x0] =	sbarrier.arrive $0xFFFF  }
0x4c1: {  	p0 =	sne.s32 s0, $0x0;
	_ =	strace $0x90000047  }
0x4c2: {  	s0 =	sadd.s32 @!p0 $0x100000, s1;
	[bflag:$0x2] =	sbarrier.arrive $0xFFFF  }
0x4c3: {  	[sflag:s0] =	ssyncadd.tile.s32 @!p0 $0x1;
	_ =	shalt  }
.Lfunc_end2:
_tile_overlayer_lowered:
.L_overlay_start_2:
0x4c4: {  	(tag) =	ssettag $0x2  }
0x4c5: {  	s0 =	rddreg [dreg:$0x0];
	s2 =	stileid.u32  }
0x4c6: {  	s1 =	rddreg [dreg:$0x1];
	p0 =	sne.s32 s2, $0x0  }
0x4c7: {  	s3 =	rddreg [dreg:$0x2];
	[bflag:$0x3] =	sbarrier.arrive $0xFFFF;
	s2 =	simm.s32 @!p0 $0x1C02  }
0x4c8: {  	[timem:s3], [sflag:s2] =	dma.local @!p0 [hbm:s0], s1  }
0x4c9: {  	s0 =	simm.s32 @!p0 $0x2  }
0x4ca: {  	_ =	swait.ge @!p0 [sflag:s0], s1  }
0x4cb: {  	s1 =	ssub.s32 @!p0 $0x0, s1;
	[sflag:s0] =	ssyncset.done @!p0 $0x0  }
0x4cc: {  	[sflag:s0] =	ssyncadd.s32 @!p0 s1  }
0x4cd: {  	[bflag:$0x3] =	sbarrier.arrive $0xFFFF  }
0x4ce: {  	_ =	shalt  }

</sc_bundles>
